<compile_context>
chip_gen: v7x
topology: tpu7x:2x2x1
jax: 0.10.2.dev20260603
libtpu: 0.0.44.dev20260713+nightly
codegen_flags: <defaults>
</compile_context>

<pallas_src>
import math

import jax
import jax.numpy as jnp
from jax import lax
from jax.experimental import pallas as pl
from jax.experimental.pallas import tpu as pltpu
from jax.experimental.pallas import tpu_sc as plsc

T = 2048
D = 768
NH = 12
HD = 64
HALF = HD // 2
DFF = 3072
NE = 8
CAP = 512
TB = 256
NTB = T // TB
DUMP = NE * CAP
XG_ROWS = DUMP + CAP
GW = 128
NEG = -1e30
SC_CORES = 2
SC_SUBCORES = 16
N_TILES = SC_CORES * SC_SUBCORES
TOK_PER_TILE = T // N_TILES


def _ln(x, g, b):
    m = jnp.mean(x, axis=-1, keepdims=True)
    v = jnp.mean((x - m) ** 2, axis=-1, keepdims=True)
    return (x - m) / jnp.sqrt(v + 1e-5) * g + b


def _k1_body(x_ref, g_ref, b_ref, w_ref, c2_ref, s2_ref, q_ref, k_ref, v_ref):
    h = _ln(x_ref[...], g_ref[...], b_ref[...])
    hw = jnp.dot(h, w_ref[...], preferred_element_type=jnp.float32)
    c2 = c2_ref[...]
    s2 = s2_ref[...]
    q = hw[:, 0:D]
    k = hw[:, D:2 * D]
    v = hw[:, 2 * D:3 * D]
    qs = hw[:, 3 * D:4 * D]
    ks = hw[:, 4 * D:5 * D]
    q_ref[...] = (q * c2 + qs * s2).astype(jnp.bfloat16)
    k_ref[...] = (k * c2 + ks * s2).astype(jnp.bfloat16)
    v_ref[...] = v.astype(jnp.bfloat16)


def _k1(x2d, ln1_g, ln1_b, w_big, c2, s2):
    return pl.pallas_call(
        _k1_body,
        grid=(NTB,),
        in_specs=[
            pl.BlockSpec((TB, D), lambda i: (i, 0)),
            pl.BlockSpec((1, D), lambda i: (0, 0)),
            pl.BlockSpec((1, D), lambda i: (0, 0)),
            pl.BlockSpec((D, 5 * D), lambda i: (0, 0)),
            pl.BlockSpec((TB, D), lambda i: (i, 0)),
            pl.BlockSpec((TB, D), lambda i: (i, 0)),
        ],
        out_specs=[
            pl.BlockSpec((TB, D), lambda i: (i, 0)),
            pl.BlockSpec((TB, D), lambda i: (i, 0)),
            pl.BlockSpec((TB, D), lambda i: (i, 0)),
        ],
        out_shape=[jax.ShapeDtypeStruct((T, D), jnp.bfloat16)] * 3,
    )(x2d, ln1_g, ln1_b, w_big, c2, s2)


TBQ = 512
TBK = 512
NQB = T // TBQ


NKB = T // TBK


def _k2_body(q_ref, k_ref, v_ref, o_ref, s_scr):
    qb = pl.program_id(1)
    scale = 1.0 / math.sqrt(HD)
    q = q_ref[0]

    def scores(j):
        kb = k_ref[0, pl.ds(j * TBK, TBK), :]
        return lax.dot_general(q, kb, (((1,), (1,)), ((), ())),
                               preferred_element_type=jnp.float32) * scale

    sd = scores(qb)
    ri = lax.broadcasted_iota(jnp.int32, (TBQ, TBK), 0)
    cj = lax.broadcasted_iota(jnp.int32, (TBQ, TBK), 1)
    sd = jnp.where(ri >= cj, sd, NEG)
    m = jnp.max(sd, axis=1, keepdims=True)
    pd = jnp.exp(sd - m)
    s_scr[qb] = pd
    l0 = jnp.sum(pd, axis=1, keepdims=True)

    def p1(j, l):
        p = jnp.exp(scores(j) - m)
        s_scr[j] = p
        return l + jnp.sum(p, axis=1, keepdims=True)

    l = lax.fori_loop(0, qb, p1, l0)
    rl = 1.0 / l

    def p2(j, acc):
        vb = v_ref[0, pl.ds(j * TBK, TBK), :]
        return acc + jnp.dot(s_scr[j] * rl, vb,
                             preferred_element_type=jnp.float32)

    acc = lax.fori_loop(0, qb + 1, p2, jnp.zeros((TBQ, HD), jnp.float32))
    o_ref[0] = acc


def _k2(q3, k3, v3):
    return pl.pallas_call(
        _k2_body,
        grid=(NH, NQB),
        in_specs=[
            pl.BlockSpec((1, TBQ, HD), lambda h, qb: (h, qb, 0)),
            pl.BlockSpec((1, T, HD), lambda h, qb: (h, 0, 0)),
            pl.BlockSpec((1, T, HD), lambda h, qb: (h, 0, 0)),
        ],
        out_specs=pl.BlockSpec((1, TBQ, HD), lambda h, qb: (h, qb, 0)),
        out_shape=jax.ShapeDtypeStruct((NH, T, HD), jnp.float32),
        scratch_shapes=[pltpu.VMEM((NKB, TBQ, TBK), jnp.float32)],
    )(q3, k3, v3)


def _k3_body(attn_ref, x_ref, wp_ref, g2_ref, b2_ref, wr_ref, br_ref,
             noise_ref, ltri_ref, x2_ref, h2_ref, tok_ref, cnt_out_ref,
             cnt_ref):
    tb = pl.program_id(0)

    @pl.when(tb == 0)
    def _():
        cnt_ref[...] = jnp.zeros_like(cnt_ref)

    x2 = x_ref[...] + jnp.dot(attn_ref[...], wp_ref[...],
                              preferred_element_type=jnp.float32)
    x2_ref[...] = x2
    h2 = _ln(x2, g2_ref[...], b2_ref[...])
    r = jnp.dot(h2, wr_ref[...], preferred_element_type=jnp.float32) + br_ref[...]
    logits = r[:, :NE]
    pre = r[:, NE:]
    nstd = jnp.maximum(pre, 0.0) + jnp.log1p(jnp.exp(-jnp.abs(pre)))
    noisy = logits + noise_ref[...] * nstd

    lane = lax.broadcasted_iota(jnp.int32, (TB, NE), 1)
    m1 = jnp.max(noisy, axis=1, keepdims=True)
    e1 = jnp.min(jnp.where(noisy == m1, lane, NE), axis=1, keepdims=True)
    noisy2 = jnp.where(lane == e1, NEG, noisy)
    m2 = jnp.max(noisy2, axis=1, keepdims=True)
    e2 = jnp.min(jnp.where(noisy2 == m2, lane, NE), axis=1, keepdims=True)
    ed = jnp.exp(m2 - m1)
    den = 1.0 + ed
    g1 = 1.0 / den
    g2 = ed / den

    me = ((lane == e1) | (lane == e2)).astype(jnp.float32)
    prev = cnt_ref[0:1, 0:NE]
    rank = jnp.dot(ltri_ref[...], me, preferred_element_type=jnp.float32,
                   precision=lax.Precision.HIGHEST) + prev
    cnt_new = prev + jnp.sum(me, axis=0, keepdims=True)
    cnt_ref[0:1, 0:NE] = cnt_new
    cnt_out_ref[...] = cnt_new

    rank1 = jnp.sum(jnp.where(lane == e1, rank, 0.0), axis=1, keepdims=True)
    rank2 = jnp.sum(jnp.where(lane == e2, rank, 0.0), axis=1, keepdims=True)
    kept1 = rank1 < CAP
    kept2 = rank2 < CAP
    fdump = jnp.float32(DUMP)
    idx1 = jnp.where(kept1, e1.astype(jnp.float32) * CAP + rank1, fdump)
    idx2 = jnp.where(kept2, e2.astype(jnp.float32) * CAP + rank2, fdump)
    g1o = jnp.where(kept1, g1, 0.0)
    g2o = jnp.where(kept2, g2, 0.0)
    zero = jnp.zeros((TB, 1), jnp.float32)
    tok_ref[...] = jnp.concatenate(
        [idx1, idx2, g1o, g2o, zero, zero, zero, zero], axis=1)
    tail = jnp.concatenate(
        [g1o, g2o, e1.astype(jnp.float32)]
        + [jnp.zeros((TB, GW - 3), jnp.float32)], axis=1)
    h2_ref[...] = jnp.concatenate([h2, tail], axis=1)


def _k3(attn2d, x2d, w_proj, ln2_g, ln2_b, wr, br, noise, ltri):
    return pl.pallas_call(
        _k3_body,
        grid=(NTB,),
        in_specs=[
            pl.BlockSpec((TB, D), lambda i: (i, 0)),
            pl.BlockSpec((TB, D), lambda i: (i, 0)),
            pl.BlockSpec((D, D), lambda i: (0, 0)),
            pl.BlockSpec((1, D), lambda i: (0, 0)),
            pl.BlockSpec((1, D), lambda i: (0, 0)),
            pl.BlockSpec((D, 2 * NE), lambda i: (0, 0)),
            pl.BlockSpec((1, 2 * NE), lambda i: (0, 0)),
            pl.BlockSpec((TB, NE), lambda i: (i, 0)),
            pl.BlockSpec((TB, TB), lambda i: (0, 0)),
        ],
        out_specs=[
            pl.BlockSpec((TB, D), lambda i: (i, 0)),
            pl.BlockSpec((TB, D + GW), lambda i: (i, 0)),
            pl.BlockSpec((TB, NE), lambda i: (i, 0)),
            pl.BlockSpec((1, NE), lambda i: (0, 0)),
        ],
        out_shape=[
            jax.ShapeDtypeStruct((T, D), jnp.float32),
            jax.ShapeDtypeStruct((T, D + GW), jnp.float32),
            jax.ShapeDtypeStruct((T, NE), jnp.float32),
            jax.ShapeDtypeStruct((1, NE), jnp.float32),
        ],
        scratch_shapes=[pltpu.VMEM((8, 128), jnp.float32)],
    )(attn2d, x2d, w_proj, ln2_g, ln2_b, wr, br, noise, ltri)


def _s1_body(idx_hbm, h2_hbm, xg_hbm,
             i1_v, i2_v, h2_v, sem1, sem2, sem3):
    wid = lax.axis_index("s") * SC_CORES + lax.axis_index("c")
    base = wid * TOK_PER_TILE
    tsl = pl.ds(base, TOK_PER_TILE)
    cin = [pltpu.async_copy(idx_hbm.at[0, tsl], i1_v, sem1),
           pltpu.async_copy(idx_hbm.at[1, tsl], i2_v, sem1),
           pltpu.async_copy(h2_hbm.at[tsl], h2_v, sem2)]
    for cp in cin:
        cp.wait()
    cps = []
    for g in range(TOK_PER_TILE // 16):
        sl = pl.ds(g * 16, 16)
        src = h2_v.at[sl]
        cps.append(pltpu.async_copy(src, xg_hbm.at[i1_v[sl]], sem3))
        cps.append(pltpu.async_copy(src, xg_hbm.at[i2_v[sl]], sem3))
    for cp in cps:
        cp.wait()


def _sc_mesh():
    return plsc.VectorSubcoreMesh(core_axis_name="c", subcore_axis_name="s",
                                  num_cores=SC_CORES,
                                  num_subcores=SC_SUBCORES)


def _s1():
    return pl.kernel(
        _s1_body,
        out_type=jax.ShapeDtypeStruct((XG_ROWS, D + GW), jnp.float32),
        mesh=_sc_mesh(),
        scratch_types=[
            pltpu.VMEM((TOK_PER_TILE,), jnp.int32),
            pltpu.VMEM((TOK_PER_TILE,), jnp.int32),
            pltpu.VMEM((TOK_PER_TILE, D + GW), jnp.float32),
            pltpu.SemaphoreType.DMA,
            pltpu.SemaphoreType.DMA,
            pltpu.SemaphoreType.DMA,
        ],
    )


def _k4_body(cnt_ref, xg_ref, w1_ref, b1_ref, w2_ref, b2_ref, out_ref):
    e = pl.program_id(0)
    sb = pl.program_id(1)

    @pl.when(e < NE)
    def _():
        cnt = cnt_ref[0, jnp.minimum(e, NE - 1)]
        slot = (lax.broadcasted_iota(jnp.int32, (TB, 1), 0)
                + TB * sb).astype(jnp.float32)
        live = slot < cnt
        xi = jnp.where(live, xg_ref[:, 0:D], 0.0).astype(jnp.bfloat16)
        gsel = jnp.where(xg_ref[:, D + 2:D + 3] == e.astype(jnp.float32),
                         xg_ref[:, D:D + 1], xg_ref[:, D + 1:D + 2])
        gs = jnp.where(live, gsel, 0.0)
        h = (jnp.dot(xi, w1_ref[0], preferred_element_type=jnp.float32)
             + b1_ref[0])
        h = jnp.maximum(h, 0.0).astype(jnp.bfloat16)
        out_ref[...] = (jnp.dot(h, w2_ref[0],
                                preferred_element_type=jnp.float32)
                        + b2_ref[0]) * gs

    @pl.when(e == NE)
    def _():
        out_ref[...] = jnp.zeros_like(out_ref)


def _k4(counts, xg, w1b, b1, w2b, b2):
    nsb = CAP // TB
    return pl.pallas_call(
        _k4_body,
        grid=(NE + 1, nsb),
        in_specs=[
            pl.BlockSpec(memory_space=pltpu.SMEM),
            pl.BlockSpec((TB, D + GW), lambda e, sb: (e * nsb + sb, 0)),
            pl.BlockSpec((1, D, DFF), lambda e, sb: (jnp.minimum(e, NE - 1), 0, 0)),
            pl.BlockSpec((1, 1, DFF), lambda e, sb: (jnp.minimum(e, NE - 1), 0, 0)),
            pl.BlockSpec((1, DFF, D), lambda e, sb: (jnp.minimum(e, NE - 1), 0, 0)),
            pl.BlockSpec((1, 1, D), lambda e, sb: (jnp.minimum(e, NE - 1), 0, 0)),
        ],
        out_specs=pl.BlockSpec((TB, D), lambda e, sb: (e * nsb + sb, 0)),
        out_shape=jax.ShapeDtypeStruct((XG_ROWS, D), jnp.float32),
    )(counts, xg, w1b, b1, w2b, b2)


def _s2_body(idx_hbm, outs_hbm, os_hbm, i1_v, i2_v,
             o1a_v, o2a_v, o1b_v, o2b_v, semi, sema, semb, semo):
    wid = lax.axis_index("s") * SC_CORES + lax.axis_index("c")
    base = wid * TOK_PER_TILE
    tsl = pl.ds(base, TOK_PER_TILE)
    cin = [pltpu.async_copy(idx_hbm.at[0, tsl], i1_v, semi),
           pltpu.async_copy(idx_hbm.at[1, tsl], i2_v, semi)]
    for cp in cin:
        cp.wait()

    ngr = TOK_PER_TILE // 16
    bufs = [(o1a_v, o2a_v, sema), (o1b_v, o2b_v, semb)]

    def issue(g):
        o1, o2, sem = bufs[g % 2]
        sl = pl.ds(g * 16, 16)
        return (pltpu.async_copy(outs_hbm.at[i1_v[sl]], o1, sem),
                pltpu.async_copy(outs_hbm.at[i2_v[sl]], o2, sem))

    pend = issue(0)
    outcps = {}
    for g in range(ngr):
        o1, o2, _ = bufs[g % 2]
        for cp in pend:
            cp.wait()
        if g + 1 < ngr:
            if g - 1 in outcps:
                outcps.pop(g - 1).wait()
            pend = issue(g + 1)

        def tok(t, _, o1=o1, o2=o2):
            for cc in range(D // 16):
                sl = pl.ds(cc * 16, 16)
                o1[t, sl] = o1[t, sl] + o2[t, sl]
            return 0

        lax.fori_loop(0, 16, tok, 0)
        outcps[g] = pltpu.async_copy(
            o1, os_hbm.at[pl.ds(base + g * 16, 16)], semo)
    for cp in outcps.values():
        cp.wait()


def _s2():
    return pl.kernel(
        _s2_body,
        out_type=jax.ShapeDtypeStruct((T, D), jnp.float32),
        mesh=_sc_mesh(),
        scratch_types=[
            pltpu.VMEM((TOK_PER_TILE,), jnp.int32),
            pltpu.VMEM((TOK_PER_TILE,), jnp.int32),
            pltpu.VMEM((16, D), jnp.float32),
            pltpu.VMEM((16, D), jnp.float32),
            pltpu.VMEM((16, D), jnp.float32),
            pltpu.VMEM((16, D), jnp.float32),
            pltpu.SemaphoreType.DMA,
            pltpu.SemaphoreType.DMA,
            pltpu.SemaphoreType.DMA,
            pltpu.SemaphoreType.DMA,
        ],
    )


def _k5_body(x2_ref, os_ref, y_ref):
    y_ref[...] = x2_ref[...] + os_ref[...]


def _k5(x2, osum):
    return pl.pallas_call(
        _k5_body,
        grid=(NTB,),
        in_specs=[
            pl.BlockSpec((TB, D), lambda i: (i, 0)),
            pl.BlockSpec((TB, D), lambda i: (i, 0)),
        ],
        out_specs=pl.BlockSpec((TB, D), lambda i: (i, 0)),
        out_shape=jax.ShapeDtypeStruct((T, D), jnp.float32),
    )(x2, osum)


def kernel(x, ln1_g, ln1_b, ln2_g, ln2_b, W_qkv, W_proj, W_rlog, b_rlog,
           W_rnoise, b_rnoise, W1, b1, W2, b2):
    x2d = x.reshape(T, D)

    pos = jnp.arange(T, dtype=jnp.float32)[:, None]
    inv = jnp.exp(jnp.arange(0, HD, 2, dtype=jnp.float32)
                  * (-math.log(10000.0) / HD))
    sin = jnp.sin(pos * inv)
    cos = jnp.cos(pos * inv)
    c2 = jnp.tile(jnp.concatenate([cos, cos], axis=1), (1, NH))
    s2 = jnp.tile(jnp.concatenate([-sin, sin], axis=1), (1, NH))

    wq = W_qkv[:, 0:D]
    wk = W_qkv[:, D:2 * D]
    wv = W_qkv[:, 2 * D:3 * D]

    def swap(w):
        return w.reshape(D, NH, 2, HALF)[:, :, ::-1, :].reshape(D, D)

    w_big = jnp.concatenate([wq, wk, wv, swap(wq), swap(wk)], axis=1)

    qr, kr, vv = _k1(x2d, ln1_g.reshape(1, D), ln1_b.reshape(1, D),
                     w_big, c2, s2)

    def heads(a):
        return a.reshape(T, NH, HD).transpose(1, 0, 2)

    attn3 = _k2(heads(qr), heads(kr), heads(vv))
    attn2d = attn3.reshape(T, D)

    noise = jax.random.normal(jax.random.key(42), (T, NE), jnp.float32)
    ltri = jnp.tril(jnp.ones((TB, TB), jnp.float32), -1)
    wr = jnp.concatenate([W_rlog, W_rnoise], axis=1)
    br = jnp.concatenate([b_rlog, b_rnoise]).reshape(1, 2 * NE)

    x2, h2, tokinfo, counts = _k3(attn2d, x2d, W_proj,
                                  ln2_g.reshape(1, D), ln2_b.reshape(1, D),
                                  wr, br, noise, ltri)

    idx_t = jnp.transpose(tokinfo[:, 0:2]).astype(jnp.int32)

    xg = _s1()(idx_t, h2)
    outs = _k4(counts, xg, W1.astype(jnp.bfloat16),
               b1.reshape(NE, 1, DFF), W2.astype(jnp.bfloat16),
               b2.reshape(NE, 1, D))
    osum = _s2()(idx_t, outs)
    y = _k5(x2, osum)
    return y.reshape(1, T, D)

# --- scband reference (transcript-rebuilt; emitter-appended) ---
"""Pipeline reference for scband-block-20426864459937 (READ-ONLY COPY).

The authoritative reference and input builder live on the scoring server;
editing this copy changes nothing except your own understanding.
"""

import math
import jax
import jax.numpy as jnp
import numpy as np

B = 1
T = 2048
D_MODEL = 768
N_HEAD = 12
HEAD_DIM = D_MODEL // N_HEAD
D_FF = 4 * D_MODEL
N_EXP = 8
TOP_K = 2
CAP = int(B * T * TOP_K / N_EXP * 1.0)


def build_sin_cos(seq_len, dim, base=10000.0):
    pos = jnp.arange(seq_len, dtype=jnp.float32)[:, None]
    inv = jnp.exp(jnp.arange(0, dim * 2, 2, dtype=jnp.float32) * (-math.log(base) / (dim * 2)))
    return jnp.sin(pos * inv), jnp.cos(pos * inv)


def _layer_norm(x, g, b):
    m = jnp.mean(x, axis=-1, keepdims=True)
    v = jnp.mean((x - m) ** 2, axis=-1, keepdims=True)
    return (x - m) / jnp.sqrt(v + 1e-5) * g + b


def _forward(x, ln1_g, ln1_b, ln2_g, ln2_b, W_qkv, W_proj, W_rlog, b_rlog, W_rnoise, b_rnoise, W1, b1, W2, b2):
    Bd, Td, Dd = x.shape
    # ---- attention branch ----
    h = _layer_norm(x, ln1_g, ln1_b)
    qkv = (h @ W_qkv).reshape(Bd, Td, 3, N_HEAD, HEAD_DIM)
    q, k, v = qkv[:, :, 0], qkv[:, :, 1], qkv[:, :, 2]
    sin, cos = build_sin_cos(Td, HEAD_DIM // 2)  # seq_offset = 0
    half = HEAD_DIM // 2
    s = sin[None, :, None, :]
    c = cos[None, :, None, :]
    q1, q2 = q[..., :half], q[..., half:]
    k1, k2 = k[..., :half], k[..., half:]
    q = jnp.concatenate([q1 * c - q2 * s, q2 * c + q1 * s], axis=-1)
    k = jnp.concatenate([k1 * c - k2 * s, k2 * c + k1 * s], axis=-1)
    scale = 1.0 / math.sqrt(HEAD_DIM)
    scores = jnp.einsum('bthd,bshd->bhts', q, k) * scale
    causal = jnp.tril(jnp.ones((Td, Td), dtype=bool))
    scores = jnp.where(causal[None, None], scores, -1e30)
    p = jax.nn.softmax(scores, axis=-1)
    attn = jnp.einsum('bhts,bshd->bthd', p, v)
    # replicate the original permute(0,2,1,3).reshape(B,T,D) layout exactly
    attn = jnp.transpose(attn, (0, 2, 1, 3)).reshape(Bd, Td, Dd)
    x = x + attn @ W_proj
    # ---- sparse MoE branch ----
    h2 = _layer_norm(x, ln2_g, ln2_b)
    flat_x = h2.reshape(Bd * Td, Dd)
    logits = flat_x @ W_rlog + b_rlog
    noise_std = jax.nn.softplus(flat_x @ W_rnoise + b_rnoise)
    noise = jax.random.normal(jax.random.key(42), logits.shape, jnp.float32) * noise_std
    noisy = logits + noise
    vals, ix = jax.lax.top_k(noisy, TOP_K)
    rowids = jnp.arange(Bd * Td)[:, None]
    sparse = jnp.full_like(noisy, -1e30).at[rowids, ix].set(vals)
    route_p = jax.nn.softmax(sparse, axis=-1)
    Npad = Bd * Td
    x_pad = jnp.concatenate([flat_x, jnp.zeros((1, Dd), flat_x.dtype)], axis=0)
    p_pad = jnp.concatenate([route_p, jnp.zeros((1, N_EXP), route_p.dtype)], axis=0)
    updates = jnp.zeros((Npad + 1, Dd), flat_x.dtype)
    for i in range(N_EXP):
        mask = jnp.any(ix == i, axis=-1)
        # first CAP selected token indices (ascending), padded with Npad (zero row)
        sel = jnp.nonzero(mask, size=CAP, fill_value=Npad)[0]
        xi = x_pad[sel]
        out = jax.nn.relu(xi @ W1[i] + b1[i]) @ W2[i] + b2[i]
        gate = p_pad[sel, i][:, None]
        updates = updates.at[sel].add(out * gate)
    y = updates[:Npad].reshape(Bd, Td, Dd)
    return x + y


def setup_inputs(seed: int = 0):
    key = jax.random.key(seed)
    ks = jax.random.split(key, 8)
    s = 0.02
    return {
        "x": jax.random.normal(ks[0], (B, T, D_MODEL), jnp.float32),
        "ln1_g": jnp.ones((D_MODEL,), jnp.float32),
        "ln1_b": jnp.zeros((D_MODEL,), jnp.float32),
        "ln2_g": jnp.ones((D_MODEL,), jnp.float32),
        "ln2_b": jnp.zeros((D_MODEL,), jnp.float32),
        "W_qkv": s * jax.random.normal(ks[1], (D_MODEL, 3 * D_MODEL), jnp.float32),
        "W_proj": s * jax.random.normal(ks[2], (D_MODEL, D_MODEL), jnp.float32),
        "W_rlog": s * jax.random.normal(ks[3], (D_MODEL, N_EXP), jnp.float32),
        "b_rlog": jnp.zeros((N_EXP,), jnp.float32),
        "W_rnoise": s * jax.random.normal(ks[4], (D_MODEL, N_EXP), jnp.float32),
        "b_rnoise": jnp.zeros((N_EXP,), jnp.float32),
        "W1": s * jax.random.normal(ks[5], (N_EXP, D_MODEL, D_FF), jnp.float32),
        "b1": jnp.zeros((N_EXP, D_FF), jnp.float32),
        "W2": s * jax.random.normal(ks[6], (N_EXP, D_FF, D_MODEL), jnp.float32),
        "b2": jnp.zeros((N_EXP, D_MODEL), jnp.float32),
    }


def reference(x, ln1_g, ln1_b, ln2_g, ln2_b, W_qkv, W_proj, W_rlog, b_rlog, W_rnoise, b_rnoise, W1, b1, W2, b2):
    return _forward(x, ln1_g, ln1_b, ln2_g, ln2_b, W_qkv, W_proj, W_rlog, b_rlog, W_rnoise, b_rnoise, W1, b1, W2, b2)

if __name__ == "__main__":
    import jax
    _d = setup_inputs()
    print(jax.jit(kernel)(*tuple(_d.values())))

</pallas_src>

<mosaic_0001>
#map = affine_map<(d0, d1) -> (0, 0)>
module attributes {stable_mosaic.version = 14 : i64} {
  func.func @_s2_body(%arg0: i32, %arg1: i32, %arg2: memref<2x2048xi32, #tpu.memory_space<hbm>>, %arg3: memref<4608x768xf32, #tpu.memory_space<hbm>>, %arg4: memref<2048x768xf32, #tpu.memory_space<hbm>>, %arg5: memref<64xi32, #tpu.memory_space<vmem>>, %arg6: memref<64xi32, #tpu.memory_space<vmem>>, %arg7: memref<16x768xf32, #tpu.memory_space<vmem>>, %arg8: memref<16x768xf32, #tpu.memory_space<vmem>>, %arg9: memref<16x768xf32, #tpu.memory_space<vmem>>, %arg10: memref<16x768xf32, #tpu.memory_space<vmem>>, %arg11: memref<!tpu.dma_semaphore, #tpu.memory_space<semaphore_mem>>, %arg12: memref<!tpu.dma_semaphore, #tpu.memory_space<semaphore_mem>>, %arg13: memref<!tpu.dma_semaphore, #tpu.memory_space<semaphore_mem>>, %arg14: memref<!tpu.dma_semaphore, #tpu.memory_space<semaphore_mem>>) attributes {dimension_semantics = [#tpu.dimension_semantics<core_parallel>, #tpu.dimension_semantics<subcore_parallel>], iteration_bounds = array<i64: 2, 16>, scalar_prefetch = 0 : i64, scratch_operands = 10 : i64, tpu.core_type = #tpu.core_type<sc_vector_subcore>, window_params = [{transform_indices = #map}, {transform_indices = #map}, {transform_indices = #map}]} {
    %mul3A = arith.constant 2 : i32
    %mul3A_0 = arith.muli %arg1, %mul3A : i32
    %add3A = arith.addi %mul3A_0, %arg0 : i32
    %mul3A_1 = arith.constant 64 : i32
    %mul3A_2 = arith.muli %add3A, %mul3A_1 : i32
    %dma_start3A = arith.constant 0 : i32
    %dma_start3A_3 = tpu.memref_slice %arg2[%dma_start3A, %mul3A_2] : memref<2x2048xi32, #tpu.memory_space<hbm>> -> memref<1x64xi32, #tpu.memory_space<hbm>>
    %dma_start3A_4 = tpu.memref_squeeze %dma_start3A_3 : memref<1x64xi32, #tpu.memory_space<hbm>> -> memref<64xi32, #tpu.memory_space<hbm>>
    %dma_start3A_5 = tpu.memref_slice %arg2[%dma_start3A, %mul3A_2] : memref<2x2048xi32, #tpu.memory_space<hbm>> -> memref<1x64xi32, #tpu.memory_space<hbm>>
    %dma_start3A_6 = tpu.memref_squeeze %dma_start3A_5 : memref<1x64xi32, #tpu.memory_space<hbm>> -> memref<64xi32, #tpu.memory_space<hbm>>
    tpu.enqueue_dma source(%dma_start3A_6 : memref<64xi32, #tpu.memory_space<hbm>>) target(%arg5 : memref<64xi32, #tpu.memory_space<vmem>>) target_semaphore(%arg11 : memref<!tpu.dma_semaphore, #tpu.memory_space<semaphore_mem>>)
    %dma_start3A_7 = arith.constant 1 : i32
    %dma_start3A_8 = tpu.memref_slice %arg2[%dma_start3A_7, %mul3A_2] : memref<2x2048xi32, #tpu.memory_space<hbm>> -> memref<1x64xi32, #tpu.memory_space<hbm>>
    %dma_start3A_9 = tpu.memref_squeeze %dma_start3A_8 : memref<1x64xi32, #tpu.memory_space<hbm>> -> memref<64xi32, #tpu.memory_space<hbm>>
    %dma_start3A_10 = tpu.memref_slice %arg2[%dma_start3A_7, %mul3A_2] : memref<2x2048xi32, #tpu.memory_space<hbm>> -> memref<1x64xi32, #tpu.memory_space<hbm>>
    %dma_start3A_11 = tpu.memref_squeeze %dma_start3A_10 : memref<1x64xi32, #tpu.memory_space<hbm>> -> memref<64xi32, #tpu.memory_space<hbm>>
    tpu.enqueue_dma source(%dma_start3A_11 : memref<64xi32, #tpu.memory_space<hbm>>) target(%arg6 : memref<64xi32, #tpu.memory_space<vmem>>) target_semaphore(%arg11 : memref<!tpu.dma_semaphore, #tpu.memory_space<semaphore_mem>>)
    %dma_wait3A = arith.constant 0 : i32
    %dma_wait3A_12 = tpu.memref_slice %arg2[%dma_wait3A, %mul3A_2] : memref<2x2048xi32, #tpu.memory_space<hbm>> -> memref<1x64xi32, #tpu.memory_space<hbm>>
    %dma_wait3A_13 = tpu.memref_squeeze %dma_wait3A_12 : memref<1x64xi32, #tpu.memory_space<hbm>> -> memref<64xi32, #tpu.memory_space<hbm>>
    %dma_wait3A_14 = tpu.memref_slice %arg2[%dma_wait3A, %mul3A_2] : memref<2x2048xi32, #tpu.memory_space<hbm>> -> memref<1x64xi32, #tpu.memory_space<hbm>>
    %dma_wait3A_15 = tpu.memref_squeeze %dma_wait3A_14 : memref<1x64xi32, #tpu.memory_space<hbm>> -> memref<64xi32, #tpu.memory_space<hbm>>
    tpu.wait_dma2 semaphore(%arg11 : memref<!tpu.dma_semaphore, #tpu.memory_space<semaphore_mem>>) src(%dma_wait3A_15 : memref<64xi32, #tpu.memory_space<hbm>>) dst(%arg5 : memref<64xi32, #tpu.memory_space<vmem>>)
    %dma_wait3A_16 = arith.constant 1 : i32
    %dma_wait3A_17 = tpu.memref_slice %arg2[%dma_wait3A_16, %mul3A_2] : memref<2x2048xi32, #tpu.memory_space<hbm>> -> memref<1x64xi32, #tpu.memory_space<hbm>>
    %dma_wait3A_18 = tpu.memref_squeeze %dma_wait3A_17 : memref<1x64xi32, #tpu.memory_space<hbm>> -> memref<64xi32, #tpu.memory_space<hbm>>
    %dma_wait3A_19 = tpu.memref_slice %arg2[%dma_wait3A_16, %mul3A_2] : memref<2x2048xi32, #tpu.memory_space<hbm>> -> memref<1x64xi32, #tpu.memory_space<hbm>>
    %dma_wait3A_20 = tpu.memref_squeeze %dma_wait3A_19 : memref<1x64xi32, #tpu.memory_space<hbm>> -> memref<64xi32, #tpu.memory_space<hbm>>
    tpu.wait_dma2 semaphore(%arg11 : memref<!tpu.dma_semaphore, #tpu.memory_space<semaphore_mem>>) src(%dma_wait3A_20 : memref<64xi32, #tpu.memory_space<hbm>>) dst(%arg6 : memref<64xi32, #tpu.memory_space<vmem>>)
    %get3A = arith.constant 0 : index
    %get3A_21 = tpu.vector_load %arg5[%get3A] {strides = array<i32>} : memref<64xi32, #tpu.memory_space<vmem>>, vector<16xi32>,
    %get3A_22 = vector.shape_cast %get3A_21 : vector<16xi32> to vector<16xi32>
    %dma_start3A_23 = arith.constant 0 : i32
    %dma_start3A_24 = arith.constant 0 : i32
    %dma_start3A_25 = tpu.memref_slice %arg3[%dma_start3A_23, %dma_start3A_24] : memref<4608x768xf32, #tpu.memory_space<hbm>> -> memref<4608x768xf32, #tpu.memory_space<hbm>>
    tpu.enqueue_indirect_dma source(%dma_start3A_25 : memref<4608x768xf32, #tpu.memory_space<hbm>>) target(%arg7 : memref<16x768xf32, #tpu.memory_space<vmem>>) offsets(%get3A_22 : vector<16xi32>) semaphore(%arg12 : memref<!tpu.dma_semaphore, #tpu.memory_space<semaphore_mem>>)
    %get3A_26 = arith.constant 0 : index
    %get3A_27 = tpu.vector_load %arg6[%get3A_26] {strides = array<i32>} : memref<64xi32, #tpu.memory_space<vmem>>, vector<16xi32>,
    %get3A_28 = vector.shape_cast %get3A_27 : vector<16xi32> to vector<16xi32>
    %dma_start3A_29 = arith.constant 0 : i32
    %dma_start3A_30 = arith.constant 0 : i32
    %dma_start3A_31 = tpu.memref_slice %arg3[%dma_start3A_29, %dma_start3A_30] : memref<4608x768xf32, #tpu.memory_space<hbm>> -> memref<4608x768xf32, #tpu.memory_space<hbm>>
    tpu.enqueue_indirect_dma source(%dma_start3A_31 : memref<4608x768xf32, #tpu.memory_space<hbm>>) target(%arg8 : memref<16x768xf32, #tpu.memory_space<vmem>>) offsets(%get3A_28 : vector<16xi32>) semaphore(%arg12 : memref<!tpu.dma_semaphore, #tpu.memory_space<semaphore_mem>>)
    %dma_wait3A_32 = arith.constant 0 : i32
    %dma_wait3A_33 = arith.constant 0 : i32
    %dma_wait3A_34 = tpu.memref_slice %arg3[%dma_wait3A_32, %dma_wait3A_33] : memref<4608x768xf32, #tpu.memory_space<hbm>> -> memref<4608x768xf32, #tpu.memory_space<hbm>>
    tpu.wait_indirect_dma semaphore(%arg12 : memref<!tpu.dma_semaphore, #tpu.memory_space<semaphore_mem>>) src(%dma_wait3A_34 : memref<4608x768xf32, #tpu.memory_space<hbm>>) dst(%arg7 : memref<16x768xf32, #tpu.memory_space<vmem>>)
    %dma_wait3A_35 = arith.constant 0 : i32
    %dma_wait3A_36 = arith.constant 0 : i32
    %dma_wait3A_37 = tpu.memref_slice %arg3[%dma_wait3A_35, %dma_wait3A_36] : memref<4608x768xf32, #tpu.memory_space<hbm>> -> memref<4608x768xf32, #tpu.memory_space<hbm>>
    tpu.wait_indirect_dma semaphore(%arg12 : memref<!tpu.dma_semaphore, #tpu.memory_space<semaphore_mem>>) src(%dma_wait3A_37 : memref<4608x768xf32, #tpu.memory_space<hbm>>) dst(%arg8 : memref<16x768xf32, #tpu.memory_space<vmem>>)
    %get3A_38 = arith.constant 16 : index
    %get3A_39 = tpu.vector_load %arg5[%get3A_38] {strides = array<i32>} : memref<64xi32, #tpu.memory_space<vmem>>, vector<16xi32>,
    %get3A_40 = vector.shape_cast %get3A_39 : vector<16xi32> to vector<16xi32>
    %dma_start3A_41 = arith.constant 0 : i32
    %dma_start3A_42 = arith.constant 0 : i32
    %dma_start3A_43 = tpu.memref_slice %arg3[%dma_start3A_41, %dma_start3A_42] : memref<4608x768xf32, #tpu.memory_space<hbm>> -> memref<4608x768xf32, #tpu.memory_space<hbm>>
    tpu.enqueue_indirect_dma source(%dma_start3A_43 : memref<4608x768xf32, #tpu.memory_space<hbm>>) target(%arg9 : memref<16x768xf32, #tpu.memory_space<vmem>>) offsets(%get3A_40 : vector<16xi32>) semaphore(%arg13 : memref<!tpu.dma_semaphore, #tpu.memory_space<semaphore_mem>>)
    %get3A_44 = arith.constant 16 : index
    %get3A_45 = tpu.vector_load %arg6[%get3A_44] {strides = array<i32>} : memref<64xi32, #tpu.memory_space<vmem>>, vector<16xi32>,
    %get3A_46 = vector.shape_cast %get3A_45 : vector<16xi32> to vector<16xi32>
    %dma_start3A_47 = arith.constant 0 : i32
    %dma_start3A_48 = arith.constant 0 : i32
    %dma_start3A_49 = tpu.memref_slice %arg3[%dma_start3A_47, %dma_start3A_48] : memref<4608x768xf32, #tpu.memory_space<hbm>> -> memref<4608x768xf32, #tpu.memory_space<hbm>>
    tpu.enqueue_indirect_dma source(%dma_start3A_49 : memref<4608x768xf32, #tpu.memory_space<hbm>>) target(%arg10 : memref<16x768xf32, #tpu.memory_space<vmem>>) offsets(%get3A_46 : vector<16xi32>) semaphore(%arg13 : memref<!tpu.dma_semaphore, #tpu.memory_space<semaphore_mem>>)
    %scan3A = arith.constant 0 : i32
    %scan3A_50 = arith.constant 0 : i32
    %scan3A_51 = arith.constant 16 : i32
    %scan3A_52 = arith.addi %scan3A_50, %scan3A_51 : i32
    %scan3A_53 = arith.constant 1 : i32
    %scan3A_54 = scf.for %scan3A_159 = %scan3A_50 to %scan3A_52 step %scan3A_53 iter_args(%scan3A_160 = %scan3A) -> (i32)  : i32 {
      %get3A_161 = arith.index_cast %scan3A_159 : i32 to index
      %get3A_162 = arith.constant 0 : index
      %get3A_163 = tpu.vector_load %arg7[%get3A_161, %get3A_162] {strides = array<i32>} : memref<16x768xf32, #tpu.memory_space<vmem>>, vector<1x16xf32>,
      %get3A_164 = vector.shape_cast %get3A_163 : vector<1x16xf32> to vector<16xf32>
      %get3A_165 = arith.index_cast %scan3A_159 : i32 to index
      %get3A_166 = arith.constant 0 : index
      %get3A_167 = tpu.vector_load %arg8[%get3A_165, %get3A_166] {strides = array<i32>} : memref<16x768xf32, #tpu.memory_space<vmem>>, vector<1x16xf32>,
      %get3A_168 = vector.shape_cast %get3A_167 : vector<1x16xf32> to vector<16xf32>
      %add3A_169 = arith.addf %get3A_164, %get3A_168 : vector<16xf32>
      %swap3A = arith.index_cast %scan3A_159 : i32 to index
      %swap3A_170 = arith.constant 0 : index
      %swap3A_171 = tpu.vector_load %arg7[%swap3A, %swap3A_170] {strides = array<i32>} : memref<16x768xf32, #tpu.memory_space<vmem>>, vector<1x16xf32>,
      %swap3A_172 = vector.shape_cast %swap3A_171 : vector<1x16xf32> to vector<16xf32>
      %swap3A_173 = vector.shape_cast %add3A_169 : vector<16xf32> to vector<1x16xf32>
      tpu.vector_store %arg7[%swap3A, %swap3A_170], %swap3A_173 {strides = array<i32>} : memref<16x768xf32, #tpu.memory_space<vmem>>, vector<1x16xf32>,
      %get3A_174 = arith.index_cast %scan3A_159 : i32 to index
      %get3A_175 = arith.constant 16 : index
      %get3A_176 = tpu.vector_load %arg7[%get3A_174, %get3A_175] {strides = array<i32>} : memref<16x768xf32, #tpu.memory_space<vmem>>, vector<1x16xf32>,
      %get3A_177 = vector.shape_cast %get3A_176 : vector<1x16xf32> to vector<16xf32>
      %get3A_178 = arith.index_cast %scan3A_159 : i32 to index
      %get3A_179 = arith.constant 16 : index
      %get3A_180 = tpu.vector_load %arg8[%get3A_178, %get3A_179] {strides = array<i32>} : memref<16x768xf32, #tpu.memory_space<vmem>>, vector<1x16xf32>,
      %get3A_181 = vector.shape_cast %get3A_180 : vector<1x16xf32> to vector<16xf32>
      %add3A_182 = arith.addf %get3A_177, %get3A_181 : vector<16xf32>
      %swap3A_183 = arith.index_cast %scan3A_159 : i32 to index
      %swap3A_184 = arith.constant 16 : index
      %swap3A_185 = tpu.vector_load %arg7[%swap3A_183, %swap3A_184] {strides = array<i32>} : memref<16x768xf32, #tpu.memory_space<vmem>>, vector<1x16xf32>,
      %swap3A_186 = vector.shape_cast %swap3A_185 : vector<1x16xf32> to vector<16xf32>
      %swap3A_187 = vector.shape_cast %add3A_182 : vector<16xf32> to vector<1x16xf32>
      tpu.vector_store %arg7[%swap3A_183, %swap3A_184], %swap3A_187 {strides = array<i32>} : memref<16x768xf32, #tpu.memory_space<vmem>>, vector<1x16xf32>,
      %get3A_188 = arith.index_cast %scan3A_159 : i32 to index
      %get3A_189 = arith.constant 32 : index
      %get3A_190 = tpu.vector_load %arg7[%get3A_188, %get3A_189] {strides = array<i32>} : memref<16x768xf32, #tpu.memory_space<vmem>>, vector<1x16xf32>,
      %get3A_191 = vector.shape_cast %get3A_190 : vector<1x16xf32> to vector<16xf32>
      %get3A_192 = arith.index_cast %scan3A_159 : i32 to index
      %get3A_193 = arith.constant 32 : index
      %get3A_194 = tpu.vector_load %arg8[%get3A_192, %get3A_193] {strides = array<i32>} : memref<16x768xf32, #tpu.memory_space<vmem>>, vector<1x16xf32>,
      %get3A_195 = vector.shape_cast %get3A_194 : vector<1x16xf32> to vector<16xf32>
      %add3A_196 = arith.addf %get3A_191, %get3A_195 : vector<16xf32>
      %swap3A_197 = arith.index_cast %scan3A_159 : i32 to index
      %swap3A_198 = arith.constant 32 : index
      %swap3A_199 = tpu.vector_load %arg7[%swap3A_197, %swap3A_198] {strides = array<i32>} : memref<16x768xf32, #tpu.memory_space<vmem>>, vector<1x16xf32>,
      %swap3A_200 = vector.shape_cast %swap3A_199 : vector<1x16xf32> to vector<16xf32>
      %swap3A_201 = vector.shape_cast %add3A_196 : vector<16xf32> to vector<1x16xf32>
      tpu.vector_store %arg7[%swap3A_197, %swap3A_198], %swap3A_201 {strides = array<i32>} : memref<16x768xf32, #tpu.memory_space<vmem>>, vector<1x16xf32>,
      %get3A_202 = arith.index_cast %scan3A_159 : i32 to index
      %get3A_203 = arith.constant 48 : index
      %get3A_204 = tpu.vector_load %arg7[%get3A_202, %get3A_203] {strides = array<i32>} : memref<16x768xf32, #tpu.memory_space<vmem>>, vector<1x16xf32>,
      %get3A_205 = vector.shape_cast %get3A_204 : vector<1x16xf32> to vector<16xf32>
      %get3A_206 = arith.index_cast %scan3A_159 : i32 to index
      %get3A_207 = arith.constant 48 : index
      %get3A_208 = tpu.vector_load %arg8[%get3A_206, %get3A_207] {strides = array<i32>} : memref<16x768xf32, #tpu.memory_space<vmem>>, vector<1x16xf32>,
      %get3A_209 = vector.shape_cast %get3A_208 : vector<1x16xf32> to vector<16xf32>
      %add3A_210 = arith.addf %get3A_205, %get3A_209 : vector<16xf32>
      %swap3A_211 = arith.index_cast %scan3A_159 : i32 to index
      %swap3A_212 = arith.constant 48 : index
      %swap3A_213 = tpu.vector_load %arg7[%swap3A_211, %swap3A_212] {strides = array<i32>} : memref<16x768xf32, #tpu.memory_space<vmem>>, vector<1x16xf32>,
      %swap3A_214 = vector.shape_cast %swap3A_213 : vector<1x16xf32> to vector<16xf32>
      %swap3A_215 = vector.shape_cast %add3A_210 : vector<16xf32> to vector<1x16xf32>
      tpu.vector_store %arg7[%swap3A_211, %swap3A_212], %swap3A_215 {strides = array<i32>} : memref<16x768xf32, #tpu.memory_space<vmem>>, vector<1x16xf32>,
      %get3A_216 = arith.index_cast %scan3A_159 : i32 to index
      %get3A_217 = arith.constant 64 : index
      %get3A_218 = tpu.vector_load %arg7[%get3A_216, %get3A_217] {strides = array<i32>} : memref<16x768xf32, #tpu.memory_space<vmem>>, vector<1x16xf32>,
      %get3A_219 = vector.shape_cast %get3A_218 : vector<1x16xf32> to vector<16xf32>
      %get3A_220 = arith.index_cast %scan3A_159 : i32 to index
      %get3A_221 = arith.constant 64 : index
      %get3A_222 = tpu.vector_load %arg8[%get3A_220, %get3A_221] {strides = array<i32>} : memref<16x768xf32, #tpu.memory_space<vmem>>, vector<1x16xf32>,
      %get3A_223 = vector.shape_cast %get3A_222 : vector<1x16xf32> to vector<16xf32>
      %add3A_224 = arith.addf %get3A_219, %get3A_223 : vector<16xf32>
      %swap3A_225 = arith.index_cast %scan3A_159 : i32 to index
      %swap3A_226 = arith.constant 64 : index
      %swap3A_227 = tpu.vector_load %arg7[%swap3A_225, %swap3A_226] {strides = array<i32>} : memref<16x768xf32, #tpu.memory_space<vmem>>, vector<1x16xf32>,
      %swap3A_228 = vector.shape_cast %swap3A_227 : vector<1x16xf32> to vector<16xf32>
      %swap3A_229 = vector.shape_cast %add3A_224 : vector<16xf32> to vector<1x16xf32>
      tpu.vector_store %arg7[%swap3A_225, %swap3A_226], %swap3A_229 {strides = array<i32>} : memref<16x768xf32, #tpu.memory_space<vmem>>, vector<1x16xf32>,
      %get3A_230 = arith.index_cast %scan3A_159 : i32 to index
      %get3A_231 = arith.constant 80 : index
      %get3A_232 = tpu.vector_load %arg7[%get3A_230, %get3A_231] {strides = array<i32>} : memref<16x768xf32, #tpu.memory_space<vmem>>, vector<1x16xf32>,
      %get3A_233 = vector.shape_cast %get3A_232 : vector<1x16xf32> to vector<16xf32>
      %get3A_234 = arith.index_cast %scan3A_159 : i32 to index
      %get3A_235 = arith.constant 80 : index
      %get3A_236 = tpu.vector_load %arg8[%get3A_234, %get3A_235] {strides = array<i32>} : memref<16x768xf32, #tpu.memory_space<vmem>>, vector<1x16xf32>,
      %get3A_237 = vector.shape_cast %get3A_236 : vector<1x16xf32> to vector<16xf32>
      %add3A_238 = arith.addf %get3A_233, %get3A_237 : vector<16xf32>
      %swap3A_239 = arith.index_cast %scan3A_159 : i32 to index
      %swap3A_240 = arith.constant 80 : index
      %swap3A_241 = tpu.vector_load %arg7[%swap3A_239, %swap3A_240] {strides = array<i32>} : memref<16x768xf32, #tpu.memory_space<vmem>>, vector<1x16xf32>,
      %swap3A_242 = vector.shape_cast %swap3A_241 : vector<1x16xf32> to vector<16xf32>
      %swap3A_243 = vector.shape_cast %add3A_238 : vector<16xf32> to vector<1x16xf32>
      tpu.vector_store %arg7[%swap3A_239, %swap3A_240], %swap3A_243 {strides = array<i32>} : memref<16x768xf32, #tpu.memory_space<vmem>>, vector<1x16xf32>,
      %get3A_244 = arith.index_cast %scan3A_159 : i32 to index
      %get3A_245 = arith.constant 96 : index
      %get3A_246 = tpu.vector_load %arg7[%get3A_244, %get3A_245] {strides = array<i32>} : memref<16x768xf32, #tpu.memory_space<vmem>>, vector<1x16xf32>,
      %get3A_247 = vector.shape_cast %get3A_246 : vector<1x16xf32> to vector<16xf32>
      %get3A_248 = arith.index_cast %scan3A_159 : i32 to index
      %get3A_249 = arith.constant 96 : index
      %get3A_250 = tpu.vector_load %arg8[%get3A_248, %get3A_249] {strides = array<i32>} : memref<16x768xf32, #tpu.memory_space<vmem>>, vector<1x16xf32>,
      %get3A_251 = vector.shape_cast %get3A_250 : vector<1x16xf32> to vector<16xf32>
      %add3A_252 = arith.addf %get3A_247, %get3A_251 : vector<16xf32>
      %swap3A_253 = arith.index_cast %scan3A_159 : i32 to index
      %swap3A_254 = arith.constant 96 : index
      %swap3A_255 = tpu.vector_load %arg7[%swap3A_253, %swap3A_254] {strides = array<i32>} : memref<16x768xf32, #tpu.memory_space<vmem>>, vector<1x16xf32>,
      %swap3A_256 = vector.shape_cast %swap3A_255 : vector<1x16xf32> to vector<16xf32>
      %swap3A_257 = vector.shape_cast %add3A_252 : vector<16xf32> to vector<1x16xf32>
      tpu.vector_store %arg7[%swap3A_253, %swap3A_254], %swap3A_257 {strides = array<i32>} : memref<16x768xf32, #tpu.memory_space<vmem>>, vector<1x16xf32>,
      %get3A_258 = arith.index_cast %scan3A_159 : i32 to index
      %get3A_259 = arith.constant 112 : index
      %get3A_260 = tpu.vector_load %arg7[%get3A_258, %get3A_259] {strides = array<i32>} : memref<16x768xf32, #tpu.memory_space<vmem>>, vector<1x16xf32>,
      %get3A_261 = vector.shape_cast %get3A_260 : vector<1x16xf32> to vector<16xf32>
      %get3A_262 = arith.index_cast %scan3A_159 : i32 to index
      %get3A_263 = arith.constant 112 : index
      %get3A_264 = tpu.vector_load %arg8[%get3A_262, %get3A_263] {strides = array<i32>} : memref<16x768xf32, #tpu.memory_space<vmem>>, vector<1x16xf32>,
      %get3A_265 = vector.shape_cast %get3A_264 : vector<1x16xf32> to vector<16xf32>
      %add3A_266 = arith.addf %get3A_261, %get3A_265 : vector<16xf32>
      %swap3A_267 = arith.index_cast %scan3A_159 : i32 to index
      %swap3A_268 = arith.constant 112 : index
      %swap3A_269 = tpu.vector_load %arg7[%swap3A_267, %swap3A_268] {strides = array<i32>} : memref<16x768xf32, #tpu.memory_space<vmem>>, vector<1x16xf32>,
      %swap3A_270 = vector.shape_cast %swap3A_269 : vector<1x16xf32> to vector<16xf32>
      %swap3A_271 = vector.shape_cast %add3A_266 : vector<16xf32> to vector<1x16xf32>
      tpu.vector_store %arg7[%swap3A_267, %swap3A_268], %swap3A_271 {strides = array<i32>} : memref<16x768xf32, #tpu.memory_space<vmem>>, vector<1x16xf32>,
      %get3A_272 = arith.index_cast %scan3A_159 : i32 to index
      %get3A_273 = arith.constant 128 : index
      %get3A_274 = tpu.vector_load %arg7[%get3A_272, %get3A_273] {strides = array<i32>} : memref<16x768xf32, #tpu.memory_space<vmem>>, vector<1x16xf32>,
      %get3A_275 = vector.shape_cast %get3A_274 : vector<1x16xf32> to vector<16xf32>
      %get3A_276 = arith.index_cast %scan3A_159 : i32 to index
      %get3A_277 = arith.constant 128 : index
      %get3A_278 = tpu.vector_load %arg8[%get3A_276, %get3A_277] {strides = array<i32>} : memref<16x768xf32, #tpu.memory_space<vmem>>, vector<1x16xf32>,
      %get3A_279 = vector.shape_cast %get3A_278 : vector<1x16xf32> to vector<16xf32>
      %add3A_280 = arith.addf %get3A_275, %get3A_279 : vector<16xf32>
      %swap3A_281 = arith.index_cast %scan3A_159 : i32 to index
      %swap3A_282 = arith.constant 128 : index
      %swap3A_283 = tpu.vector_load %arg7[%swap3A_281, %swap3A_282] {strides = array<i32>} : memref<16x768xf32, #tpu.memory_space<vmem>>, vector<1x16xf32>,
      %swap3A_284 = vector.shape_cast %swap3A_283 : vector<1x16xf32> to vector<16xf32>
      %swap3A_285 = vector.shape_cast %add3A_280 : vector<16xf32> to vector<1x16xf32>
      tpu.vector_store %arg7[%swap3A_281, %swap3A_282], %swap3A_285 {strides = array<i32>} : memref<16x768xf32, #tpu.memory_space<vmem>>, vector<1x16xf32>,
      %get3A_286 = arith.index_cast %scan3A_159 : i32 to index
      %get3A_287 = arith.constant 144 : index
      %get3A_288 = tpu.vector_load %arg7[%get3A_286, %get3A_287] {strides = array<i32>} : memref<16x768xf32, #tpu.memory_space<vmem>>, vector<1x16xf32>,
      %get3A_289 = vector.shape_cast %get3A_288 : vector<1x16xf32> to vector<16xf32>
      %get3A_290 = arith.index_cast %scan3A_159 : i32 to index
      %get3A_291 = arith.constant 144 : index
      %get3A_292 = tpu.vector_load %arg8[%get3A_290, %get3A_291] {strides = array<i32>} : memref<16x768xf32, #tpu.memory_space<vmem>>, vector<1x16xf32>,
      %get3A_293 = vector.shape_cast %get3A_292 : vector<1x16xf32> to vector<16xf32>
      %add3A_294 = arith.addf %get3A_289, %get3A_293 : vector<16xf32>
      %swap3A_295 = arith.index_cast %scan3A_159 : i32 to index
      %swap3A_296 = arith.constant 144 : index
      %swap3A_297 = tpu.vector_load %arg7[%swap3A_295, %swap3A_296] {strides = array<i32>} : memref<16x768xf32, #tpu.memory_space<vmem>>, vector<1x16xf32>,
      %swap3A_298 = vector.shape_cast %swap3A_297 : vector<1x16xf32> to vector<16xf32>
      %swap3A_299 = vector.shape_cast %add3A_294 : vector<16xf32> to vector<1x16xf32>
      tpu.vector_store %arg7[%swap3A_295, %swap3A_296], %swap3A_299 {strides = array<i32>} : memref<16x768xf32, #tpu.memory_space<vmem>>, vector<1x16xf32>,
      %get3A_300 = arith.index_cast %scan3A_159 : i32 to index
      %get3A_301 = arith.constant 160 : index
      %get3A_302 = tpu.vector_load %arg7[%get3A_300, %get3A_301] {strides = array<i32>} : memref<16x768xf32, #tpu.memory_space<vmem>>, vector<1x16xf32>,
      %get3A_303 = vector.shape_cast %get3A_302 : vector<1x16xf32> to vector<16xf32>
      %get3A_304 = arith.index_cast %scan3A_159 : i32 to index
      %get3A_305 = arith.constant 160 : index
      %get3A_306 = tpu.vector_load %arg8[%get3A_304, %get3A_305] {strides = array<i32>} : memref<16x768xf32, #tpu.memory_space<vmem>>, vector<1x16xf32>,
      %get3A_307 = vector.shape_cast %get3A_306 : vector<1x16xf32> to vector<16xf32>
      %add3A_308 = arith.addf %get3A_303, %get3A_307 : vector<16xf32>
      %swap3A_309 = arith.index_cast %scan3A_159 : i32 to index
      %swap3A_310 = arith.constant 160 : index
      %swap3A_311 = tpu.vector_load %arg7[%swap3A_309, %swap3A_310] {strides = array<i32>} : memref<16x768xf32, #tpu.memory_space<vmem>>, vector<1x16xf32>,
      %swap3A_312 = vector.shape_cast %swap3A_311 : vector<1x16xf32> to vector<16xf32>
      %swap3A_313 = vector.shape_cast %add3A_308 : vector<16xf32> to vector<1x16xf32>
      tpu.vector_store %arg7[%swap3A_309, %swap3A_310], %swap3A_313 {strides = array<i32>} : memref<16x768xf32, #tpu.memory_space<vmem>>, vector<1x16xf32>,
      %get3A_314 = arith.index_cast %scan3A_159 : i32 to index
      %get3A_315 = arith.constant 176 : index
      %get3A_316 = tpu.vector_load %arg7[%get3A_314, %get3A_315] {strides = array<i32>} : memref<16x768xf32, #tpu.memory_space<vmem>>, vector<1x16xf32>,
      %get3A_317 = vector.shape_cast %get3A_316 : vector<1x16xf32> to vector<16xf32>
      %get3A_318 = arith.index_cast %scan3A_159 : i32 to index
      %get3A_319 = arith.constant 176 : index
      %get3A_320 = tpu.vector_load %arg8[%get3A_318, %get3A_319] {strides = array<i32>} : memref<16x768xf32, #tpu.memory_space<vmem>>, vector<1x16xf32>,
      %get3A_321 = vector.shape_cast %get3A_320 : vector<1x16xf32> to vector<16xf32>
      %add3A_322 = arith.addf %get3A_317, %get3A_321 : vector<16xf32>
      %swap3A_323 = arith.index_cast %scan3A_159 : i32 to index
      %swap3A_324 = arith.constant 176 : index
      %swap3A_325 = tpu.vector_load %arg7[%swap3A_323, %swap3A_324] {strides = array<i32>} : memref<16x768xf32, #tpu.memory_space<vmem>>, vector<1x16xf32>,
      %swap3A_326 = vector.shape_cast %swap3A_325 : vector<1x16xf32> to vector<16xf32>
      %swap3A_327 = vector.shape_cast %add3A_322 : vector<16xf32> to vector<1x16xf32>
      tpu.vector_store %arg7[%swap3A_323, %swap3A_324], %swap3A_327 {strides = array<i32>} : memref<16x768xf32, #tpu.memory_space<vmem>>, vector<1x16xf32>,
      %get3A_328 = arith.index_cast %scan3A_159 : i32 to index
      %get3A_329 = arith.constant 192 : index
      %get3A_330 = tpu.vector_load %arg7[%get3A_328, %get3A_329] {strides = array<i32>} : memref<16x768xf32, #tpu.memory_space<vmem>>, vector<1x16xf32>,
      %get3A_331 = vector.shape_cast %get3A_330 : vector<1x16xf32> to vector<16xf32>
      %get3A_332 = arith.index_cast %scan3A_159 : i32 to index
      %get3A_333 = arith.constant 192 : index
      %get3A_334 = tpu.vector_load %arg8[%get3A_332, %get3A_333] {strides = array<i32>} : memref<16x768xf32, #tpu.memory_space<vmem>>, vector<1x16xf32>,
      %get3A_335 = vector.shape_cast %get3A_334 : vector<1x16xf32> to vector<16xf32>
      %add3A_336 = arith.addf %get3A_331, %get3A_335 : vector<16xf32>
      %swap3A_337 = arith.index_cast %scan3A_159 : i32 to index
      %swap3A_338 = arith.constant 192 : index
      %swap3A_339 = tpu.vector_load %arg7[%swap3A_337, %swap3A_338] {strides = array<i32>} : memref<16x768xf32, #tpu.memory_space<vmem>>, vector<1x16xf32>,
      %swap3A_340 = vector.shape_cast %swap3A_339 : vector<1x16xf32> to vector<16xf32>
      %swap3A_341 = vector.shape_cast %add3A_336 : vector<16xf32> to vector<1x16xf32>
      tpu.vector_store %arg7[%swap3A_337, %swap3A_338], %swap3A_341 {strides = array<i32>} : memref<16x768xf32, #tpu.memory_space<vmem>>, vector<1x16xf32>,
      %get3A_342 = arith.index_cast %scan3A_159 : i32 to index
      %get3A_343 = arith.constant 208 : index
      %get3A_344 = tpu.vector_load %arg7[%get3A_342, %get3A_343] {strides = array<i32>} : memref<16x768xf32, #tpu.memory_space<vmem>>, vector<1x16xf32>,
      %get3A_345 = vector.shape_cast %get3A_344 : vector<1x16xf32> to vector<16xf32>
      %get3A_346 = arith.index_cast %scan3A_159 : i32 to index
      %get3A_347 = arith.constant 208 : index
      %get3A_348 = tpu.vector_load %arg8[%get3A_346, %get3A_347] {strides = array<i32>} : memref<16x768xf32, #tpu.memory_space<vmem>>, vector<1x16xf32>,
      %get3A_349 = vector.shape_cast %get3A_348 : vector<1x16xf32> to vector<16xf32>
      %add3A_350 = arith.addf %get3A_345, %get3A_349 : vector<16xf32>
      %swap3A_351 = arith.index_cast %scan3A_159 : i32 to index
      %swap3A_352 = arith.constant 208 : index
      %swap3A_353 = tpu.vector_load %arg7[%swap3A_351, %swap3A_352] {strides = array<i32>} : memref<16x768xf32, #tpu.memory_space<vmem>>, vector<1x16xf32>,
      %swap3A_354 = vector.shape_cast %swap3A_353 : vector<1x16xf32> to vector<16xf32>
      %swap3A_355 = vector.shape_cast %add3A_350 : vector<16xf32> to vector<1x16xf32>
      tpu.vector_store %arg7[%swap3A_351, %swap3A_352], %swap3A_355 {strides = array<i32>} : memref<16x768xf32, #tpu.memory_space<vmem>>, vector<1x16xf32>,
      %get3A_356 = arith.index_cast %scan3A_159 : i32 to index
      %get3A_357 = arith.constant 224 : index
      %get3A_358 = tpu.vector_load %arg7[%get3A_356, %get3A_357] {strides = array<i32>} : memref<16x768xf32, #tpu.memory_space<vmem>>, vector<1x16xf32>,
      %get3A_359 = vector.shape_cast %get3A_358 : vector<1x16xf32> to vector<16xf32>
      %get3A_360 = arith.index_cast %scan3A_159 : i32 to index
      %get3A_361 = arith.constant 224 : index
      %get3A_362 = tpu.vector_load %arg8[%get3A_360, %get3A_361] {strides = array<i32>} : memref<16x768xf32, #tpu.memory_space<vmem>>, vector<1x16xf32>,
      %get3A_363 = vector.shape_cast %get3A_362 : vector<1x16xf32> to vector<16xf32>
      %add3A_364 = arith.addf %get3A_359, %get3A_363 : vector<16xf32>
      %swap3A_365 = arith.index_cast %scan3A_159 : i32 to index
      %swap3A_366 = arith.constant 224 : index
      %swap3A_367 = tpu.vector_load %arg7[%swap3A_365, %swap3A_366] {strides = array<i32>} : memref<16x768xf32, #tpu.memory_space<vmem>>, vector<1x16xf32>,
      %swap3A_368 = vector.shape_cast %swap3A_367 : vector<1x16xf32> to vector<16xf32>
      %swap3A_369 = vector.shape_cast %add3A_364 : vector<16xf32> to vector<1x16xf32>
      tpu.vector_store %arg7[%swap3A_365, %swap3A_366], %swap3A_369 {strides = array<i32>} : memref<16x768xf32, #tpu.memory_space<vmem>>, vector<1x16xf32>,
      %get3A_370 = arith.index_cast %scan3A_159 : i32 to index
      %get3A_371 = arith.constant 240 : index
      %get3A_372 = tpu.vector_load %arg7[%get3A_370, %get3A_371] {strides = array<i32>} : memref<16x768xf32, #tpu.memory_space<vmem>>, vector<1x16xf32>,
      %get3A_373 = vector.shape_cast %get3A_372 : vector<1x16xf32> to vector<16xf32>
      %get3A_374 = arith.index_cast %scan3A_159 : i32 to index
      %get3A_375 = arith.constant 240 : index
      %get3A_376 = tpu.vector_load %arg8[%get3A_374, %get3A_375] {strides = array<i32>} : memref<16x768xf32, #tpu.memory_space<vmem>>, vector<1x16xf32>,
      %get3A_377 = vector.shape_cast %get3A_376 : vector<1x16xf32> to vector<16xf32>
      %add3A_378 = arith.addf %get3A_373, %get3A_377 : vector<16xf32>
      %swap3A_379 = arith.index_cast %scan3A_159 : i32 to index
      %swap3A_380 = arith.constant 240 : index
      %swap3A_381 = tpu.vector_load %arg7[%swap3A_379, %swap3A_380] {strides = array<i32>} : memref<16x768xf32, #tpu.memory_space<vmem>>, vector<1x16xf32>,
      %swap3A_382 = vector.shape_cast %swap3A_381 : vector<1x16xf32> to vector<16xf32>
      %swap3A_383 = vector.shape_cast %add3A_378 : vector<16xf32> to vector<1x16xf32>
      tpu.vector_store %arg7[%swap3A_379, %swap3A_380], %swap3A_383 {strides = array<i32>} : memref<16x768xf32, #tpu.memory_space<vmem>>, vector<1x16xf32>,
      %get3A_384 = arith.index_cast %scan3A_159 : i32 to index
      %get3A_385 = arith.constant 256 : index
      %get3A_386 = tpu.vector_load %arg7[%get3A_384, %get3A_385] {strides = array<i32>} : memref<16x768xf32, #tpu.memory_space<vmem>>, vector<1x16xf32>,
      %get3A_387 = vector.shape_cast %get3A_386 : vector<1x16xf32> to vector<16xf32>
      %get3A_388 = arith.index_cast %scan3A_159 : i32 to index
      %get3A_389 = arith.constant 256 : index
      %get3A_390 = tpu.vector_load %arg8[%get3A_388, %get3A_389] {strides = array<i32>} : memref<16x768xf32, #tpu.memory_space<vmem>>, vector<1x16xf32>,
      %get3A_391 = vector.shape_cast %get3A_390 : vector<1x16xf32> to vector<16xf32>
      %add3A_392 = arith.addf %get3A_387, %get3A_391 : vector<16xf32>
      %swap3A_393 = arith.index_cast %scan3A_159 : i32 to index
      %swap3A_394 = arith.constant 256 : index
      %swap3A_395 = tpu.vector_load %arg7[%swap3A_393, %swap3A_394] {strides = array<i32>} : memref<16x768xf32, #tpu.memory_space<vmem>>, vector<1x16xf32>,
      %swap3A_396 = vector.shape_cast %swap3A_395 : vector<1x16xf32> to vector<16xf32>
      %swap3A_397 = vector.shape_cast %add3A_392 : vector<16xf32> to vector<1x16xf32>
      tpu.vector_store %arg7[%swap3A_393, %swap3A_394], %swap3A_397 {strides = array<i32>} : memref<16x768xf32, #tpu.memory_space<vmem>>, vector<1x16xf32>,
      %get3A_398 = arith.index_cast %scan3A_159 : i32 to index
      %get3A_399 = arith.constant 272 : index
      %get3A_400 = tpu.vector_load %arg7[%get3A_398, %get3A_399] {strides = array<i32>} : memref<16x768xf32, #tpu.memory_space<vmem>>, vector<1x16xf32>,
      %get3A_401 = vector.shape_cast %get3A_400 : vector<1x16xf32> to vector<16xf32>
      %get3A_402 = arith.index_cast %scan3A_159 : i32 to index
      %get3A_403 = arith.constant 272 : index
      %get3A_404 = tpu.vector_load %arg8[%get3A_402, %get3A_403] {strides = array<i32>} : memref<16x768xf32, #tpu.memory_space<vmem>>, vector<1x16xf32>,
      %get3A_405 = vector.shape_cast %get3A_404 : vector<1x16xf32> to vector<16xf32>
      %add3A_406 = arith.addf %get3A_401, %get3A_405 : vector<16xf32>
      %swap3A_407 = arith.index_cast %scan3A_159 : i32 to index
      %swap3A_408 = arith.constant 272 : index
      %swap3A_409 = tpu.vector_load %arg7[%swap3A_407, %swap3A_408] {strides = array<i32>} : memref<16x768xf32, #tpu.memory_space<vmem>>, vector<1x16xf32>,
      %swap3A_410 = vector.shape_cast %swap3A_409 : vector<1x16xf32> to vector<16xf32>
      %swap3A_411 = vector.shape_cast %add3A_406 : vector<16xf32> to vector<1x16xf32>
      tpu.vector_store %arg7[%swap3A_407, %swap3A_408], %swap3A_411 {strides = array<i32>} : memref<16x768xf32, #tpu.memory_space<vmem>>, vector<1x16xf32>,
      %get3A_412 = arith.index_cast %scan3A_159 : i32 to index
      %get3A_413 = arith.constant 288 : index
      %get3A_414 = tpu.vector_load %arg7[%get3A_412, %get3A_413] {strides = array<i32>} : memref<16x768xf32, #tpu.memory_space<vmem>>, vector<1x16xf32>,
      %get3A_415 = vector.shape_cast %get3A_414 : vector<1x16xf32> to vector<16xf32>
      %get3A_416 = arith.index_cast %scan3A_159 : i32 to index
      %get3A_417 = arith.constant 288 : index
      %get3A_418 = tpu.vector_load %arg8[%get3A_416, %get3A_417] {strides = array<i32>} : memref<16x768xf32, #tpu.memory_space<vmem>>, vector<1x16xf32>,
      %get3A_419 = vector.shape_cast %get3A_418 : vector<1x16xf32> to vector<16xf32>
      %add3A_420 = arith.addf %get3A_415, %get3A_419 : vector<16xf32>
      %swap3A_421 = arith.index_cast %scan3A_159 : i32 to index
      %swap3A_422 = arith.constant 288 : index
      %swap3A_423 = tpu.vector_load %arg7[%swap3A_421, %swap3A_422] {strides = array<i32>} : memref<16x768xf32, #tpu.memory_space<vmem>>, vector<1x16xf32>,
      %swap3A_424 = vector.shape_cast %swap3A_423 : vector<1x16xf32> to vector<16xf32>
      %swap3A_425 = vector.shape_cast %add3A_420 : vector<16xf32> to vector<1x16xf32>
      tpu.vector_store %arg7[%swap3A_421, %swap3A_422], %swap3A_425 {strides = array<i32>} : memref<16x768xf32, #tpu.memory_space<vmem>>, vector<1x16xf32>,
      %get3A_426 = arith.index_cast %scan3A_159 : i32 to index
      %get3A_427 = arith.constant 304 : index
      %get3A_428 = tpu.vector_load %arg7[%get3A_426, %get3A_427] {strides = array<i32>} : memref<16x768xf32, #tpu.memory_space<vmem>>, vector<1x16xf32>,
      %get3A_429 = vector.shape_cast %get3A_428 : vector<1x16xf32> to vector<16xf32>
      %get3A_430 = arith.index_cast %scan3A_159 : i32 to index
      %get3A_431 = arith.constant 304 : index
      %get3A_432 = tpu.vector_load %arg8[%get3A_430, %get3A_431] {strides = array<i32>} : memref<16x768xf32, #tpu.memory_space<vmem>>, vector<1x16xf32>,
      %get3A_433 = vector.shape_cast %get3A_432 : vector<1x16xf32> to vector<16xf32>
      %add3A_434 = arith.addf %get3A_429, %get3A_433 : vector<16xf32>
      %swap3A_435 = arith.index_cast %scan3A_159 : i32 to index
      %swap3A_436 = arith.constant 304 : index
      %swap3A_437 = tpu.vector_load %arg7[%swap3A_435, %swap3A_436] {strides = array<i32>} : memref<16x768xf32, #tpu.memory_space<vmem>>, vector<1x16xf32>,
      %swap3A_438 = vector.shape_cast %swap3A_437 : vector<1x16xf32> to vector<16xf32>
      %swap3A_439 = vector.shape_cast %add3A_434 : vector<16xf32> to vector<1x16xf32>
      tpu.vector_store %arg7[%swap3A_435, %swap3A_436], %swap3A_439 {strides = array<i32>} : memref<16x768xf32, #tpu.memory_space<vmem>>, vector<1x16xf32>,
      %get3A_440 = arith.index_cast %scan3A_159 : i32 to index
      %get3A_441 = arith.constant 320 : index
      %get3A_442 = tpu.vector_load %arg7[%get3A_440, %get3A_441] {strides = array<i32>} : memref<16x768xf32, #tpu.memory_space<vmem>>, vector<1x16xf32>,
      %get3A_443 = vector.shape_cast %get3A_442 : vector<1x16xf32> to vector<16xf32>
      %get3A_444 = arith.index_cast %scan3A_159 : i32 to index
      %get3A_445 = arith.constant 320 : index
      %get3A_446 = tpu.vector_load %arg8[%get3A_444, %get3A_445] {strides = array<i32>} : memref<16x768xf32, #tpu.memory_space<vmem>>, vector<1x16xf32>,
      %get3A_447 = vector.shape_cast %get3A_446 : vector<1x16xf32> to vector<16xf32>
      %add3A_448 = arith.addf %get3A_443, %get3A_447 : vector<16xf32>
      %swap3A_449 = arith.index_cast %scan3A_159 : i32 to index
      %swap3A_450 = arith.constant 320 : index
      %swap3A_451 = tpu.vector_load %arg7[%swap3A_449, %swap3A_450] {strides = array<i32>} : memref<16x768xf32, #tpu.memory_space<vmem>>, vector<1x16xf32>,
      %swap3A_452 = vector.shape_cast %swap3A_451 : vector<1x16xf32> to vector<16xf32>
      %swap3A_453 = vector.shape_cast %add3A_448 : vector<16xf32> to vector<1x16xf32>
      tpu.vector_store %arg7[%swap3A_449, %swap3A_450], %swap3A_453 {strides = array<i32>} : memref<16x768xf32, #tpu.memory_space<vmem>>, vector<1x16xf32>,
      %get3A_454 = arith.index_cast %scan3A_159 : i32 to index
      %get3A_455 = arith.constant 336 : index
      %get3A_456 = tpu.vector_load %arg7[%get3A_454, %get3A_455] {strides = array<i32>} : memref<16x768xf32, #tpu.memory_space<vmem>>, vector<1x16xf32>,
      %get3A_457 = vector.shape_cast %get3A_456 : vector<1x16xf32> to vector<16xf32>
      %get3A_458 = arith.index_cast %scan3A_159 : i32 to index
      %get3A_459 = arith.constant 336 : index
      %get3A_460 = tpu.vector_load %arg8[%get3A_458, %get3A_459] {strides = array<i32>} : memref<16x768xf32, #tpu.memory_space<vmem>>, vector<1x16xf32>,
      %get3A_461 = vector.shape_cast %get3A_460 : vector<1x16xf32> to vector<16xf32>
      %add3A_462 = arith.addf %get3A_457, %get3A_461 : vector<16xf32>
      %swap3A_463 = arith.index_cast %scan3A_159 : i32 to index
      %swap3A_464 = arith.constant 336 : index
      %swap3A_465 = tpu.vector_load %arg7[%swap3A_463, %swap3A_464] {strides = array<i32>} : memref<16x768xf32, #tpu.memory_space<vmem>>, vector<1x16xf32>,
      %swap3A_466 = vector.shape_cast %swap3A_465 : vector<1x16xf32> to vector<16xf32>
      %swap3A_467 = vector.shape_cast %add3A_462 : vector<16xf32> to vector<1x16xf32>
      tpu.vector_store %arg7[%swap3A_463, %swap3A_464], %swap3A_467 {strides = array<i32>} : memref<16x768xf32, #tpu.memory_space<vmem>>, vector<1x16xf32>,
      %get3A_468 = arith.index_cast %scan3A_159 : i32 to index
      %get3A_469 = arith.constant 352 : index
      %get3A_470 = tpu.vector_load %arg7[%get3A_468, %get3A_469] {strides = array<i32>} : memref<16x768xf32, #tpu.memory_space<vmem>>, vector<1x16xf32>,
      %get3A_471 = vector.shape_cast %get3A_470 : vector<1x16xf32> to vector<16xf32>
      %get3A_472 = arith.index_cast %scan3A_159 : i32 to index
      %get3A_473 = arith.constant 352 : index
      %get3A_474 = tpu.vector_load %arg8[%get3A_472, %get3A_473] {strides = array<i32>} : memref<16x768xf32, #tpu.memory_space<vmem>>, vector<1x16xf32>,
      %get3A_475 = vector.shape_cast %get3A_474 : vector<1x16xf32> to vector<16xf32>
      %add3A_476 = arith.addf %get3A_471, %get3A_475 : vector<16xf32>
      %swap3A_477 = arith.index_cast %scan3A_159 : i32 to index
      %swap3A_478 = arith.constant 352 : index
      %swap3A_479 = tpu.vector_load %arg7[%swap3A_477, %swap3A_478] {strides = array<i32>} : memref<16x768xf32, #tpu.memory_space<vmem>>, vector<1x16xf32>,
      %swap3A_480 = vector.shape_cast %swap3A_479 : vector<1x16xf32> to vector<16xf32>
      %swap3A_481 = vector.shape_cast %add3A_476 : vector<16xf32> to vector<1x16xf32>
      tpu.vector_store %arg7[%swap3A_477, %swap3A_478], %swap3A_481 {strides = array<i32>} : memref<16x768xf32, #tpu.memory_space<vmem>>, vector<1x16xf32>,
      %get3A_482 = arith.index_cast %scan3A_159 : i32 to index
      %get3A_483 = arith.constant 368 : index
      %get3A_484 = tpu.vector_load %arg7[%get3A_482, %get3A_483] {strides = array<i32>} : memref<16x768xf32, #tpu.memory_space<vmem>>, vector<1x16xf32>,
      %get3A_485 = vector.shape_cast %get3A_484 : vector<1x16xf32> to vector<16xf32>
      %get3A_486 = arith.index_cast %scan3A_159 : i32 to index
      %get3A_487 = arith.constant 368 : index
      %get3A_488 = tpu.vector_load %arg8[%get3A_486, %get3A_487] {strides = array<i32>} : memref<16x768xf32, #tpu.memory_space<vmem>>, vector<1x16xf32>,
      %get3A_489 = vector.shape_cast %get3A_488 : vector<1x16xf32> to vector<16xf32>
      %add3A_490 = arith.addf %get3A_485, %get3A_489 : vector<16xf32>
      %swap3A_491 = arith.index_cast %scan3A_159 : i32 to index
      %swap3A_492 = arith.constant 368 : index
      %swap3A_493 = tpu.vector_load %arg7[%swap3A_491, %swap3A_492] {strides = array<i32>} : memref<16x768xf32, #tpu.memory_space<vmem>>, vector<1x16xf32>,
      %swap3A_494 = vector.shape_cast %swap3A_493 : vector<1x16xf32> to vector<16xf32>
      %swap3A_495 = vector.shape_cast %add3A_490 : vector<16xf32> to vector<1x16xf32>
      tpu.vector_store %arg7[%swap3A_491, %swap3A_492], %swap3A_495 {strides = array<i32>} : memref<16x768xf32, #tpu.memory_space<vmem>>, vector<1x16xf32>,
      %get3A_496 = arith.index_cast %scan3A_159 : i32 to index
      %get3A_497 = arith.constant 384 : index
      %get3A_498 = tpu.vector_load %arg7[%get3A_496, %get3A_497] {strides = array<i32>} : memref<16x768xf32, #tpu.memory_space<vmem>>, vector<1x16xf32>,
      %get3A_499 = vector.shape_cast %get3A_498 : vector<1x16xf32> to vector<16xf32>
      %get3A_500 = arith.index_cast %scan3A_159 : i32 to index
      %get3A_501 = arith.constant 384 : index
      %get3A_502 = tpu.vector_load %arg8[%get3A_500, %get3A_501] {strides = array<i32>} : memref<16x768xf32, #tpu.memory_space<vmem>>, vector<1x16xf32>,
      %get3A_503 = vector.shape_cast %get3A_502 : vector<1x16xf32> to vector<16xf32>
      %add3A_504 = arith.addf %get3A_499, %get3A_503 : vector<16xf32>
      %swap3A_505 = arith.index_cast %scan3A_159 : i32 to index
      %swap3A_506 = arith.constant 384 : index
      %swap3A_507 = tpu.vector_load %arg7[%swap3A_505, %swap3A_506] {strides = array<i32>} : memref<16x768xf32, #tpu.memory_space<vmem>>, vector<1x16xf32>,
      %swap3A_508 = vector.shape_cast %swap3A_507 : vector<1x16xf32> to vector<16xf32>
      %swap3A_509 = vector.shape_cast %add3A_504 : vector<16xf32> to vector<1x16xf32>
      tpu.vector_store %arg7[%swap3A_505, %swap3A_506], %swap3A_509 {strides = array<i32>} : memref<16x768xf32, #tpu.memory_space<vmem>>, vector<1x16xf32>,
      %get3A_510 = arith.index_cast %scan3A_159 : i32 to index
      %get3A_511 = arith.constant 400 : index
      %get3A_512 = tpu.vector_load %arg7[%get3A_510, %get3A_511] {strides = array<i32>} : memref<16x768xf32, #tpu.memory_space<vmem>>, vector<1x16xf32>,
      %get3A_513 = vector.shape_cast %get3A_512 : vector<1x16xf32> to vector<16xf32>
      %get3A_514 = arith.index_cast %scan3A_159 : i32 to index
      %get3A_515 = arith.constant 400 : index
      %get3A_516 = tpu.vector_load %arg8[%get3A_514, %get3A_515] {strides = array<i32>} : memref<16x768xf32, #tpu.memory_space<vmem>>, vector<1x16xf32>,
      %get3A_517 = vector.shape_cast %get3A_516 : vector<1x16xf32> to vector<16xf32>
      %add3A_518 = arith.addf %get3A_513, %get3A_517 : vector<16xf32>
      %swap3A_519 = arith.index_cast %scan3A_159 : i32 to index
      %swap3A_520 = arith.constant 400 : index
      %swap3A_521 = tpu.vector_load %arg7[%swap3A_519, %swap3A_520] {strides = array<i32>} : memref<16x768xf32, #tpu.memory_space<vmem>>, vector<1x16xf32>,
      %swap3A_522 = vector.shape_cast %swap3A_521 : vector<1x16xf32> to vector<16xf32>
      %swap3A_523 = vector.shape_cast %add3A_518 : vector<16xf32> to vector<1x16xf32>
      tpu.vector_store %arg7[%swap3A_519, %swap3A_520], %swap3A_523 {strides = array<i32>} : memref<16x768xf32, #tpu.memory_space<vmem>>, vector<1x16xf32>,
      %get3A_524 = arith.index_cast %scan3A_159 : i32 to index
      %get3A_525 = arith.constant 416 : index
      %get3A_526 = tpu.vector_load %arg7[%get3A_524, %get3A_525] {strides = array<i32>} : memref<16x768xf32, #tpu.memory_space<vmem>>, vector<1x16xf32>,
      %get3A_527 = vector.shape_cast %get3A_526 : vector<1x16xf32> to vector<16xf32>
      %get3A_528 = arith.index_cast %scan3A_159 : i32 to index
      %get3A_529 = arith.constant 416 : index
      %get3A_530 = tpu.vector_load %arg8[%get3A_528, %get3A_529] {strides = array<i32>} : memref<16x768xf32, #tpu.memory_space<vmem>>, vector<1x16xf32>,
      %get3A_531 = vector.shape_cast %get3A_530 : vector<1x16xf32> to vector<16xf32>
      %add3A_532 = arith.addf %get3A_527, %get3A_531 : vector<16xf32>
      %swap3A_533 = arith.index_cast %scan3A_159 : i32 to index
      %swap3A_534 = arith.constant 416 : index
      %swap3A_535 = tpu.vector_load %arg7[%swap3A_533, %swap3A_534] {strides = array<i32>} : memref<16x768xf32, #tpu.memory_space<vmem>>, vector<1x16xf32>,
      %swap3A_536 = vector.shape_cast %swap3A_535 : vector<1x16xf32> to vector<16xf32>
      %swap3A_537 = vector.shape_cast %add3A_532 : vector<16xf32> to vector<1x16xf32>
      tpu.vector_store %arg7[%swap3A_533, %swap3A_534], %swap3A_537 {strides = array<i32>} : memref<16x768xf32, #tpu.memory_space<vmem>>, vector<1x16xf32>,
      %get3A_538 = arith.index_cast %scan3A_159 : i32 to index
      %get3A_539 = arith.constant 432 : index
      %get3A_540 = tpu.vector_load %arg7[%get3A_538, %get3A_539] {strides = array<i32>} : memref<16x768xf32, #tpu.memory_space<vmem>>, vector<1x16xf32>,
      %get3A_541 = vector.shape_cast %get3A_540 : vector<1x16xf32> to vector<16xf32>
      %get3A_542 = arith.index_cast %scan3A_159 : i32 to index
      %get3A_543 = arith.constant 432 : index
      %get3A_544 = tpu.vector_load %arg8[%get3A_542, %get3A_543] {strides = array<i32>} : memref<16x768xf32, #tpu.memory_space<vmem>>, vector<1x16xf32>,
      %get3A_545 = vector.shape_cast %get3A_544 : vector<1x16xf32> to vector<16xf32>
      %add3A_546 = arith.addf %get3A_541, %get3A_545 : vector<16xf32>
      %swap3A_547 = arith.index_cast %scan3A_159 : i32 to index
      %swap3A_548 = arith.constant 432 : index
      %swap3A_549 = tpu.vector_load %arg7[%swap3A_547, %swap3A_548] {strides = array<i32>} : memref<16x768xf32, #tpu.memory_space<vmem>>, vector<1x16xf32>,
      %swap3A_550 = vector.shape_cast %swap3A_549 : vector<1x16xf32> to vector<16xf32>
      %swap3A_551 = vector.shape_cast %add3A_546 : vector<16xf32> to vector<1x16xf32>
      tpu.vector_store %arg7[%swap3A_547, %swap3A_548], %swap3A_551 {strides = array<i32>} : memref<16x768xf32, #tpu.memory_space<vmem>>, vector<1x16xf32>,
      %get3A_552 = arith.index_cast %scan3A_159 : i32 to index
      %get3A_553 = arith.constant 448 : index
      %get3A_554 = tpu.vector_load %arg7[%get3A_552, %get3A_553] {strides = array<i32>} : memref<16x768xf32, #tpu.memory_space<vmem>>, vector<1x16xf32>,
      %get3A_555 = vector.shape_cast %get3A_554 : vector<1x16xf32> to vector<16xf32>
      %get3A_556 = arith.index_cast %scan3A_159 : i32 to index
      %get3A_557 = arith.constant 448 : index
      %get3A_558 = tpu.vector_load %arg8[%get3A_556, %get3A_557] {strides = array<i32>} : memref<16x768xf32, #tpu.memory_space<vmem>>, vector<1x16xf32>,
      %get3A_559 = vector.shape_cast %get3A_558 : vector<1x16xf32> to vector<16xf32>
      %add3A_560 = arith.addf %get3A_555, %get3A_559 : vector<16xf32>
      %swap3A_561 = arith.index_cast %scan3A_159 : i32 to index
      %swap3A_562 = arith.constant 448 : index
      %swap3A_563 = tpu.vector_load %arg7[%swap3A_561, %swap3A_562] {strides = array<i32>} : memref<16x768xf32, #tpu.memory_space<vmem>>, vector<1x16xf32>,
      %swap3A_564 = vector.shape_cast %swap3A_563 : vector<1x16xf32> to vector<16xf32>
      %swap3A_565 = vector.shape_cast %add3A_560 : vector<16xf32> to vector<1x16xf32>
      tpu.vector_store %arg7[%swap3A_561, %swap3A_562], %swap3A_565 {strides = array<i32>} : memref<16x768xf32, #tpu.memory_space<vmem>>, vector<1x16xf32>,
      %get3A_566 = arith.index_cast %scan3A_159 : i32 to index
      %get3A_567 = arith.constant 464 : index
      %get3A_568 = tpu.vector_load %arg7[%get3A_566, %get3A_567] {strides = array<i32>} : memref<16x768xf32, #tpu.memory_space<vmem>>, vector<1x16xf32>,
      %get3A_569 = vector.shape_cast %get3A_568 : vector<1x16xf32> to vector<16xf32>
      %get3A_570 = arith.index_cast %scan3A_159 : i32 to index
      %get3A_571 = arith.constant 464 : index
      %get3A_572 = tpu.vector_load %arg8[%get3A_570, %get3A_571] {strides = array<i32>} : memref<16x768xf32, #tpu.memory_space<vmem>>, vector<1x16xf32>,
      %get3A_573 = vector.shape_cast %get3A_572 : vector<1x16xf32> to vector<16xf32>
      %add3A_574 = arith.addf %get3A_569, %get3A_573 : vector<16xf32>
      %swap3A_575 = arith.index_cast %scan3A_159 : i32 to index
      %swap3A_576 = arith.constant 464 : index
      %swap3A_577 = tpu.vector_load %arg7[%swap3A_575, %swap3A_576] {strides = array<i32>} : memref<16x768xf32, #tpu.memory_space<vmem>>, vector<1x16xf32>,
      %swap3A_578 = vector.shape_cast %swap3A_577 : vector<1x16xf32> to vector<16xf32>
      %swap3A_579 = vector.shape_cast %add3A_574 : vector<16xf32> to vector<1x16xf32>
      tpu.vector_store %arg7[%swap3A_575, %swap3A_576], %swap3A_579 {strides = array<i32>} : memref<16x768xf32, #tpu.memory_space<vmem>>, vector<1x16xf32>,
      %get3A_580 = arith.index_cast %scan3A_159 : i32 to index
      %get3A_581 = arith.constant 480 : index
      %get3A_582 = tpu.vector_load %arg7[%get3A_580, %get3A_581] {strides = array<i32>} : memref<16x768xf32, #tpu.memory_space<vmem>>, vector<1x16xf32>,
      %get3A_583 = vector.shape_cast %get3A_582 : vector<1x16xf32> to vector<16xf32>
      %get3A_584 = arith.index_cast %scan3A_159 : i32 to index
      %get3A_585 = arith.constant 480 : index
      %get3A_586 = tpu.vector_load %arg8[%get3A_584, %get3A_585] {strides = array<i32>} : memref<16x768xf32, #tpu.memory_space<vmem>>, vector<1x16xf32>,
      %get3A_587 = vector.shape_cast %get3A_586 : vector<1x16xf32> to vector<16xf32>
      %add3A_588 = arith.addf %get3A_583, %get3A_587 : vector<16xf32>
      %swap3A_589 = arith.index_cast %scan3A_159 : i32 to index
      %swap3A_590 = arith.constant 480 : index
      %swap3A_591 = tpu.vector_load %arg7[%swap3A_589, %swap3A_590] {strides = array<i32>} : memref<16x768xf32, #tpu.memory_space<vmem>>, vector<1x16xf32>,
      %swap3A_592 = vector.shape_cast %swap3A_591 : vector<1x16xf32> to vector<16xf32>
      %swap3A_593 = vector.shape_cast %add3A_588 : vector<16xf32> to vector<1x16xf32>
      tpu.vector_store %arg7[%swap3A_589, %swap3A_590], %swap3A_593 {strides = array<i32>} : memref<16x768xf32, #tpu.memory_space<vmem>>, vector<1x16xf32>,
      %get3A_594 = arith.index_cast %scan3A_159 : i32 to index
      %get3A_595 = arith.constant 496 : index
      %get3A_596 = tpu.vector_load %arg7[%get3A_594, %get3A_595] {strides = array<i32>} : memref<16x768xf32, #tpu.memory_space<vmem>>, vector<1x16xf32>,
      %get3A_597 = vector.shape_cast %get3A_596 : vector<1x16xf32> to vector<16xf32>
      %get3A_598 = arith.index_cast %scan3A_159 : i32 to index
      %get3A_599 = arith.constant 496 : index
      %get3A_600 = tpu.vector_load %arg8[%get3A_598, %get3A_599] {strides = array<i32>} : memref<16x768xf32, #tpu.memory_space<vmem>>, vector<1x16xf32>,
      %get3A_601 = vector.shape_cast %get3A_600 : vector<1x16xf32> to vector<16xf32>
      %add3A_602 = arith.addf %get3A_597, %get3A_601 : vector<16xf32>
      %swap3A_603 = arith.index_cast %scan3A_159 : i32 to index
      %swap3A_604 = arith.constant 496 : index
      %swap3A_605 = tpu.vector_load %arg7[%swap3A_603, %swap3A_604] {strides = array<i32>} : memref<16x768xf32, #tpu.memory_space<vmem>>, vector<1x16xf32>,
      %swap3A_606 = vector.shape_cast %swap3A_605 : vector<1x16xf32> to vector<16xf32>
      %swap3A_607 = vector.shape_cast %add3A_602 : vector<16xf32> to vector<1x16xf32>
      tpu.vector_store %arg7[%swap3A_603, %swap3A_604], %swap3A_607 {strides = array<i32>} : memref<16x768xf32, #tpu.memory_space<vmem>>, vector<1x16xf32>,
      %get3A_608 = arith.index_cast %scan3A_159 : i32 to index
      %get3A_609 = arith.constant 512 : index
      %get3A_610 = tpu.vector_load %arg7[%get3A_608, %get3A_609] {strides = array<i32>} : memref<16x768xf32, #tpu.memory_space<vmem>>, vector<1x16xf32>,
      %get3A_611 = vector.shape_cast %get3A_610 : vector<1x16xf32> to vector<16xf32>
      %get3A_612 = arith.index_cast %scan3A_159 : i32 to index
      %get3A_613 = arith.constant 512 : index
      %get3A_614 = tpu.vector_load %arg8[%get3A_612, %get3A_613] {strides = array<i32>} : memref<16x768xf32, #tpu.memory_space<vmem>>, vector<1x16xf32>,
      %get3A_615 = vector.shape_cast %get3A_614 : vector<1x16xf32> to vector<16xf32>
      %add3A_616 = arith.addf %get3A_611, %get3A_615 : vector<16xf32>
      %swap3A_617 = arith.index_cast %scan3A_159 : i32 to index
      %swap3A_618 = arith.constant 512 : index
      %swap3A_619 = tpu.vector_load %arg7[%swap3A_617, %swap3A_618] {strides = array<i32>} : memref<16x768xf32, #tpu.memory_space<vmem>>, vector<1x16xf32>,
      %swap3A_620 = vector.shape_cast %swap3A_619 : vector<1x16xf32> to vector<16xf32>
      %swap3A_621 = vector.shape_cast %add3A_616 : vector<16xf32> to vector<1x16xf32>
      tpu.vector_store %arg7[%swap3A_617, %swap3A_618], %swap3A_621 {strides = array<i32>} : memref<16x768xf32, #tpu.memory_space<vmem>>, vector<1x16xf32>,
      %get3A_622 = arith.index_cast %scan3A_159 : i32 to index
      %get3A_623 = arith.constant 528 : index
      %get3A_624 = tpu.vector_load %arg7[%get3A_622, %get3A_623] {strides = array<i32>} : memref<16x768xf32, #tpu.memory_space<vmem>>, vector<1x16xf32>,
      %get3A_625 = vector.shape_cast %get3A_624 : vector<1x16xf32> to vector<16xf32>
      %get3A_626 = arith.index_cast %scan3A_159 : i32 to index
      %get3A_627 = arith.constant 528 : index
      %get3A_628 = tpu.vector_load %arg8[%get3A_626, %get3A_627] {strides = array<i32>} : memref<16x768xf32, #tpu.memory_space<vmem>>, vector<1x16xf32>,
      %get3A_629 = vector.shape_cast %get3A_628 : vector<1x16xf32> to vector<16xf32>
      %add3A_630 = arith.addf %get3A_625, %get3A_629 : vector<16xf32>
      %swap3A_631 = arith.index_cast %scan3A_159 : i32 to index
      %swap3A_632 = arith.constant 528 : index
      %swap3A_633 = tpu.vector_load %arg7[%swap3A_631, %swap3A_632] {strides = array<i32>} : memref<16x768xf32, #tpu.memory_space<vmem>>, vector<1x16xf32>,
      %swap3A_634 = vector.shape_cast %swap3A_633 : vector<1x16xf32> to vector<16xf32>
      %swap3A_635 = vector.shape_cast %add3A_630 : vector<16xf32> to vector<1x16xf32>
      tpu.vector_store %arg7[%swap3A_631, %swap3A_632], %swap3A_635 {strides = array<i32>} : memref<16x768xf32, #tpu.memory_space<vmem>>, vector<1x16xf32>,
      %get3A_636 = arith.index_cast %scan3A_159 : i32 to index
      %get3A_637 = arith.constant 544 : index
      %get3A_638 = tpu.vector_load %arg7[%get3A_636, %get3A_637] {strides = array<i32>} : memref<16x768xf32, #tpu.memory_space<vmem>>, vector<1x16xf32>,
      %get3A_639 = vector.shape_cast %get3A_638 : vector<1x16xf32> to vector<16xf32>
      %get3A_640 = arith.index_cast %scan3A_159 : i32 to index
      %get3A_641 = arith.constant 544 : index
      %get3A_642 = tpu.vector_load %arg8[%get3A_640, %get3A_641] {strides = array<i32>} : memref<16x768xf32, #tpu.memory_space<vmem>>, vector<1x16xf32>,
      %get3A_643 = vector.shape_cast %get3A_642 : vector<1x16xf32> to vector<16xf32>
      %add3A_644 = arith.addf %get3A_639, %get3A_643 : vector<16xf32>
      %swap3A_645 = arith.index_cast %scan3A_159 : i32 to index
      %swap3A_646 = arith.constant 544 : index
      %swap3A_647 = tpu.vector_load %arg7[%swap3A_645, %swap3A_646] {strides = array<i32>} : memref<16x768xf32, #tpu.memory_space<vmem>>, vector<1x16xf32>,
      %swap3A_648 = vector.shape_cast %swap3A_647 : vector<1x16xf32> to vector<16xf32>
      %swap3A_649 = vector.shape_cast %add3A_644 : vector<16xf32> to vector<1x16xf32>
      tpu.vector_store %arg7[%swap3A_645, %swap3A_646], %swap3A_649 {strides = array<i32>} : memref<16x768xf32, #tpu.memory_space<vmem>>, vector<1x16xf32>,
      %get3A_650 = arith.index_cast %scan3A_159 : i32 to index
      %get3A_651 = arith.constant 560 : index
      %get3A_652 = tpu.vector_load %arg7[%get3A_650, %get3A_651] {strides = array<i32>} : memref<16x768xf32, #tpu.memory_space<vmem>>, vector<1x16xf32>,
      %get3A_653 = vector.shape_cast %get3A_652 : vector<1x16xf32> to vector<16xf32>
      %get3A_654 = arith.index_cast %scan3A_159 : i32 to index
      %get3A_655 = arith.constant 560 : index
      %get3A_656 = tpu.vector_load %arg8[%get3A_654, %get3A_655] {strides = array<i32>} : memref<16x768xf32, #tpu.memory_space<vmem>>, vector<1x16xf32>,
      %get3A_657 = vector.shape_cast %get3A_656 : vector<1x16xf32> to vector<16xf32>
      %add3A_658 = arith.addf %get3A_653, %get3A_657 : vector<16xf32>
      %swap3A_659 = arith.index_cast %scan3A_159 : i32 to index
      %swap3A_660 = arith.constant 560 : index
      %swap3A_661 = tpu.vector_load %arg7[%swap3A_659, %swap3A_660] {strides = array<i32>} : memref<16x768xf32, #tpu.memory_space<vmem>>, vector<1x16xf32>,
      %swap3A_662 = vector.shape_cast %swap3A_661 : vector<1x16xf32> to vector<16xf32>
      %swap3A_663 = vector.shape_cast %add3A_658 : vector<16xf32> to vector<1x16xf32>
      tpu.vector_store %arg7[%swap3A_659, %swap3A_660], %swap3A_663 {strides = array<i32>} : memref<16x768xf32, #tpu.memory_space<vmem>>, vector<1x16xf32>,
      %get3A_664 = arith.index_cast %scan3A_159 : i32 to index
      %get3A_665 = arith.constant 576 : index
      %get3A_666 = tpu.vector_load %arg7[%get3A_664, %get3A_665] {strides = array<i32>} : memref<16x768xf32, #tpu.memory_space<vmem>>, vector<1x16xf32>,
      %get3A_667 = vector.shape_cast %get3A_666 : vector<1x16xf32> to vector<16xf32>
      %get3A_668 = arith.index_cast %scan3A_159 : i32 to index
      %get3A_669 = arith.constant 576 : index
      %get3A_670 = tpu.vector_load %arg8[%get3A_668, %get3A_669] {strides = array<i32>} : memref<16x768xf32, #tpu.memory_space<vmem>>, vector<1x16xf32>,
      %get3A_671 = vector.shape_cast %get3A_670 : vector<1x16xf32> to vector<16xf32>
      %add3A_672 = arith.addf %get3A_667, %get3A_671 : vector<16xf32>
      %swap3A_673 = arith.index_cast %scan3A_159 : i32 to index
      %swap3A_674 = arith.constant 576 : index
      %swap3A_675 = tpu.vector_load %arg7[%swap3A_673, %swap3A_674] {strides = array<i32>} : memref<16x768xf32, #tpu.memory_space<vmem>>, vector<1x16xf32>,
      %swap3A_676 = vector.shape_cast %swap3A_675 : vector<1x16xf32> to vector<16xf32>
      %swap3A_677 = vector.shape_cast %add3A_672 : vector<16xf32> to vector<1x16xf32>
      tpu.vector_store %arg7[%swap3A_673, %swap3A_674], %swap3A_677 {strides = array<i32>} : memref<16x768xf32, #tpu.memory_space<vmem>>, vector<1x16xf32>,
      %get3A_678 = arith.index_cast %scan3A_159 : i32 to index
      %get3A_679 = arith.constant 592 : index
      %get3A_680 = tpu.vector_load %arg7[%get3A_678, %get3A_679] {strides = array<i32>} : memref<16x768xf32, #tpu.memory_space<vmem>>, vector<1x16xf32>,
      %get3A_681 = vector.shape_cast %get3A_680 : vector<1x16xf32> to vector<16xf32>
      %get3A_682 = arith.index_cast %scan3A_159 : i32 to index
      %get3A_683 = arith.constant 592 : index
      %get3A_684 = tpu.vector_load %arg8[%get3A_682, %get3A_683] {strides = array<i32>} : memref<16x768xf32, #tpu.memory_space<vmem>>, vector<1x16xf32>,
      %get3A_685 = vector.shape_cast %get3A_684 : vector<1x16xf32> to vector<16xf32>
      %add3A_686 = arith.addf %get3A_681, %get3A_685 : vector<16xf32>
      %swap3A_687 = arith.index_cast %scan3A_159 : i32 to index
      %swap3A_688 = arith.constant 592 : index
      %swap3A_689 = tpu.vector_load %arg7[%swap3A_687, %swap3A_688] {strides = array<i32>} : memref<16x768xf32, #tpu.memory_space<vmem>>, vector<1x16xf32>,
      %swap3A_690 = vector.shape_cast %swap3A_689 : vector<1x16xf32> to vector<16xf32>
      %swap3A_691 = vector.shape_cast %add3A_686 : vector<16xf32> to vector<1x16xf32>
      tpu.vector_store %arg7[%swap3A_687, %swap3A_688], %swap3A_691 {strides = array<i32>} : memref<16x768xf32, #tpu.memory_space<vmem>>, vector<1x16xf32>,
      %get3A_692 = arith.index_cast %scan3A_159 : i32 to index
      %get3A_693 = arith.constant 608 : index
      %get3A_694 = tpu.vector_load %arg7[%get3A_692, %get3A_693] {strides = array<i32>} : memref<16x768xf32, #tpu.memory_space<vmem>>, vector<1x16xf32>,
      %get3A_695 = vector.shape_cast %get3A_694 : vector<1x16xf32> to vector<16xf32>
      %get3A_696 = arith.index_cast %scan3A_159 : i32 to index
      %get3A_697 = arith.constant 608 : index
      %get3A_698 = tpu.vector_load %arg8[%get3A_696, %get3A_697] {strides = array<i32>} : memref<16x768xf32, #tpu.memory_space<vmem>>, vector<1x16xf32>,
      %get3A_699 = vector.shape_cast %get3A_698 : vector<1x16xf32> to vector<16xf32>
      %add3A_700 = arith.addf %get3A_695, %get3A_699 : vector<16xf32>
      %swap3A_701 = arith.index_cast %scan3A_159 : i32 to index
      %swap3A_702 = arith.constant 608 : index
      %swap3A_703 = tpu.vector_load %arg7[%swap3A_701, %swap3A_702] {strides = array<i32>} : memref<16x768xf32, #tpu.memory_space<vmem>>, vector<1x16xf32>,
      %swap3A_704 = vector.shape_cast %swap3A_703 : vector<1x16xf32> to vector<16xf32>
      %swap3A_705 = vector.shape_cast %add3A_700 : vector<16xf32> to vector<1x16xf32>
      tpu.vector_store %arg7[%swap3A_701, %swap3A_702], %swap3A_705 {strides = array<i32>} : memref<16x768xf32, #tpu.memory_space<vmem>>, vector<1x16xf32>,
      %get3A_706 = arith.index_cast %scan3A_159 : i32 to index
      %get3A_707 = arith.constant 624 : index
      %get3A_708 = tpu.vector_load %arg7[%get3A_706, %get3A_707] {strides = array<i32>} : memref<16x768xf32, #tpu.memory_space<vmem>>, vector<1x16xf32>,
      %get3A_709 = vector.shape_cast %get3A_708 : vector<1x16xf32> to vector<16xf32>
      %get3A_710 = arith.index_cast %scan3A_159 : i32 to index
      %get3A_711 = arith.constant 624 : index
      %get3A_712 = tpu.vector_load %arg8[%get3A_710, %get3A_711] {strides = array<i32>} : memref<16x768xf32, #tpu.memory_space<vmem>>, vector<1x16xf32>,
      %get3A_713 = vector.shape_cast %get3A_712 : vector<1x16xf32> to vector<16xf32>
      %add3A_714 = arith.addf %get3A_709, %get3A_713 : vector<16xf32>
      %swap3A_715 = arith.index_cast %scan3A_159 : i32 to index
      %swap3A_716 = arith.constant 624 : index
      %swap3A_717 = tpu.vector_load %arg7[%swap3A_715, %swap3A_716] {strides = array<i32>} : memref<16x768xf32, #tpu.memory_space<vmem>>, vector<1x16xf32>,
      %swap3A_718 = vector.shape_cast %swap3A_717 : vector<1x16xf32> to vector<16xf32>
      %swap3A_719 = vector.shape_cast %add3A_714 : vector<16xf32> to vector<1x16xf32>
      tpu.vector_store %arg7[%swap3A_715, %swap3A_716], %swap3A_719 {strides = array<i32>} : memref<16x768xf32, #tpu.memory_space<vmem>>, vector<1x16xf32>,
      %get3A_720 = arith.index_cast %scan3A_159 : i32 to index
      %get3A_721 = arith.constant 640 : index
      %get3A_722 = tpu.vector_load %arg7[%get3A_720, %get3A_721] {strides = array<i32>} : memref<16x768xf32, #tpu.memory_space<vmem>>, vector<1x16xf32>,
      %get3A_723 = vector.shape_cast %get3A_722 : vector<1x16xf32> to vector<16xf32>
      %get3A_724 = arith.index_cast %scan3A_159 : i32 to index
      %get3A_725 = arith.constant 640 : index
      %get3A_726 = tpu.vector_load %arg8[%get3A_724, %get3A_725] {strides = array<i32>} : memref<16x768xf32, #tpu.memory_space<vmem>>, vector<1x16xf32>,
      %get3A_727 = vector.shape_cast %get3A_726 : vector<1x16xf32> to vector<16xf32>
      %add3A_728 = arith.addf %get3A_723, %get3A_727 : vector<16xf32>
      %swap3A_729 = arith.index_cast %scan3A_159 : i32 to index
      %swap3A_730 = arith.constant 640 : index
      %swap3A_731 = tpu.vector_load %arg7[%swap3A_729, %swap3A_730] {strides = array<i32>} : memref<16x768xf32, #tpu.memory_space<vmem>>, vector<1x16xf32>,
      %swap3A_732 = vector.shape_cast %swap3A_731 : vector<1x16xf32> to vector<16xf32>
      %swap3A_733 = vector.shape_cast %add3A_728 : vector<16xf32> to vector<1x16xf32>
      tpu.vector_store %arg7[%swap3A_729, %swap3A_730], %swap3A_733 {strides = array<i32>} : memref<16x768xf32, #tpu.memory_space<vmem>>, vector<1x16xf32>,
      %get3A_734 = arith.index_cast %scan3A_159 : i32 to index
      %get3A_735 = arith.constant 656 : index
      %get3A_736 = tpu.vector_load %arg7[%get3A_734, %get3A_735] {strides = array<i32>} : memref<16x768xf32, #tpu.memory_space<vmem>>, vector<1x16xf32>,
      %get3A_737 = vector.shape_cast %get3A_736 : vector<1x16xf32> to vector<16xf32>
      %get3A_738 = arith.index_cast %scan3A_159 : i32 to index
      %get3A_739 = arith.constant 656 : index
      %get3A_740 = tpu.vector_load %arg8[%get3A_738, %get3A_739] {strides = array<i32>} : memref<16x768xf32, #tpu.memory_space<vmem>>, vector<1x16xf32>,
      %get3A_741 = vector.shape_cast %get3A_740 : vector<1x16xf32> to vector<16xf32>
      %add3A_742 = arith.addf %get3A_737, %get3A_741 : vector<16xf32>
      %swap3A_743 = arith.index_cast %scan3A_159 : i32 to index
      %swap3A_744 = arith.constant 656 : index
      %swap3A_745 = tpu.vector_load %arg7[%swap3A_743, %swap3A_744] {strides = array<i32>} : memref<16x768xf32, #tpu.memory_space<vmem>>, vector<1x16xf32>,
      %swap3A_746 = vector.shape_cast %swap3A_745 : vector<1x16xf32> to vector<16xf32>
      %swap3A_747 = vector.shape_cast %add3A_742 : vector<16xf32> to vector<1x16xf32>
      tpu.vector_store %arg7[%swap3A_743, %swap3A_744], %swap3A_747 {strides = array<i32>} : memref<16x768xf32, #tpu.memory_space<vmem>>, vector<1x16xf32>,
      %get3A_748 = arith.index_cast %scan3A_159 : i32 to index
      %get3A_749 = arith.constant 672 : index
      %get3A_750 = tpu.vector_load %arg7[%get3A_748, %get3A_749] {strides = array<i32>} : memref<16x768xf32, #tpu.memory_space<vmem>>, vector<1x16xf32>,
      %get3A_751 = vector.shape_cast %get3A_750 : vector<1x16xf32> to vector<16xf32>
      %get3A_752 = arith.index_cast %scan3A_159 : i32 to index
      %get3A_753 = arith.constant 672 : index
      %get3A_754 = tpu.vector_load %arg8[%get3A_752, %get3A_753] {strides = array<i32>} : memref<16x768xf32, #tpu.memory_space<vmem>>, vector<1x16xf32>,
      %get3A_755 = vector.shape_cast %get3A_754 : vector<1x16xf32> to vector<16xf32>
      %add3A_756 = arith.addf %get3A_751, %get3A_755 : vector<16xf32>
      %swap3A_757 = arith.index_cast %scan3A_159 : i32 to index
      %swap3A_758 = arith.constant 672 : index
      %swap3A_759 = tpu.vector_load %arg7[%swap3A_757, %swap3A_758] {strides = array<i32>} : memref<16x768xf32, #tpu.memory_space<vmem>>, vector<1x16xf32>,
      %swap3A_760 = vector.shape_cast %swap3A_759 : vector<1x16xf32> to vector<16xf32>
      %swap3A_761 = vector.shape_cast %add3A_756 : vector<16xf32> to vector<1x16xf32>
      tpu.vector_store %arg7[%swap3A_757, %swap3A_758], %swap3A_761 {strides = array<i32>} : memref<16x768xf32, #tpu.memory_space<vmem>>, vector<1x16xf32>,
      %get3A_762 = arith.index_cast %scan3A_159 : i32 to index
      %get3A_763 = arith.constant 688 : index
      %get3A_764 = tpu.vector_load %arg7[%get3A_762, %get3A_763] {strides = array<i32>} : memref<16x768xf32, #tpu.memory_space<vmem>>, vector<1x16xf32>,
      %get3A_765 = vector.shape_cast %get3A_764 : vector<1x16xf32> to vector<16xf32>
      %get3A_766 = arith.index_cast %scan3A_159 : i32 to index
      %get3A_767 = arith.constant 688 : index
      %get3A_768 = tpu.vector_load %arg8[%get3A_766, %get3A_767] {strides = array<i32>} : memref<16x768xf32, #tpu.memory_space<vmem>>, vector<1x16xf32>,
      %get3A_769 = vector.shape_cast %get3A_768 : vector<1x16xf32> to vector<16xf32>
      %add3A_770 = arith.addf %get3A_765, %get3A_769 : vector<16xf32>
      %swap3A_771 = arith.index_cast %scan3A_159 : i32 to index
      %swap3A_772 = arith.constant 688 : index
      %swap3A_773 = tpu.vector_load %arg7[%swap3A_771, %swap3A_772] {strides = array<i32>} : memref<16x768xf32, #tpu.memory_space<vmem>>, vector<1x16xf32>,
      %swap3A_774 = vector.shape_cast %swap3A_773 : vector<1x16xf32> to vector<16xf32>
      %swap3A_775 = vector.shape_cast %add3A_770 : vector<16xf32> to vector<1x16xf32>
      tpu.vector_store %arg7[%swap3A_771, %swap3A_772], %swap3A_775 {strides = array<i32>} : memref<16x768xf32, #tpu.memory_space<vmem>>, vector<1x16xf32>,
      %get3A_776 = arith.index_cast %scan3A_159 : i32 to index
      %get3A_777 = arith.constant 704 : index
      %get3A_778 = tpu.vector_load %arg7[%get3A_776, %get3A_777] {strides = array<i32>} : memref<16x768xf32, #tpu.memory_space<vmem>>, vector<1x16xf32>,
      %get3A_779 = vector.shape_cast %get3A_778 : vector<1x16xf32> to vector<16xf32>
      %get3A_780 = arith.index_cast %scan3A_159 : i32 to index
      %get3A_781 = arith.constant 704 : index
      %get3A_782 = tpu.vector_load %arg8[%get3A_780, %get3A_781] {strides = array<i32>} : memref<16x768xf32, #tpu.memory_space<vmem>>, vector<1x16xf32>,
      %get3A_783 = vector.shape_cast %get3A_782 : vector<1x16xf32> to vector<16xf32>
      %add3A_784 = arith.addf %get3A_779, %get3A_783 : vector<16xf32>
      %swap3A_785 = arith.index_cast %scan3A_159 : i32 to index
      %swap3A_786 = arith.constant 704 : index
      %swap3A_787 = tpu.vector_load %arg7[%swap3A_785, %swap3A_786] {strides = array<i32>} : memref<16x768xf32, #tpu.memory_space<vmem>>, vector<1x16xf32>,
      %swap3A_788 = vector.shape_cast %swap3A_787 : vector<1x16xf32> to vector<16xf32>
      %swap3A_789 = vector.shape_cast %add3A_784 : vector<16xf32> to vector<1x16xf32>
      tpu.vector_store %arg7[%swap3A_785, %swap3A_786], %swap3A_789 {strides = array<i32>} : memref<16x768xf32, #tpu.memory_space<vmem>>, vector<1x16xf32>,
      %get3A_790 = arith.index_cast %scan3A_159 : i32 to index
      %get3A_791 = arith.constant 720 : index
      %get3A_792 = tpu.vector_load %arg7[%get3A_790, %get3A_791] {strides = array<i32>} : memref<16x768xf32, #tpu.memory_space<vmem>>, vector<1x16xf32>,
      %get3A_793 = vector.shape_cast %get3A_792 : vector<1x16xf32> to vector<16xf32>
      %get3A_794 = arith.index_cast %scan3A_159 : i32 to index
      %get3A_795 = arith.constant 720 : index
      %get3A_796 = tpu.vector_load %arg8[%get3A_794, %get3A_795] {strides = array<i32>} : memref<16x768xf32, #tpu.memory_space<vmem>>, vector<1x16xf32>,
      %get3A_797 = vector.shape_cast %get3A_796 : vector<1x16xf32> to vector<16xf32>
      %add3A_798 = arith.addf %get3A_793, %get3A_797 : vector<16xf32>
      %swap3A_799 = arith.index_cast %scan3A_159 : i32 to index
      %swap3A_800 = arith.constant 720 : index
      %swap3A_801 = tpu.vector_load %arg7[%swap3A_799, %swap3A_800] {strides = array<i32>} : memref<16x768xf32, #tpu.memory_space<vmem>>, vector<1x16xf32>,
      %swap3A_802 = vector.shape_cast %swap3A_801 : vector<1x16xf32> to vector<16xf32>
      %swap3A_803 = vector.shape_cast %add3A_798 : vector<16xf32> to vector<1x16xf32>
      tpu.vector_store %arg7[%swap3A_799, %swap3A_800], %swap3A_803 {strides = array<i32>} : memref<16x768xf32, #tpu.memory_space<vmem>>, vector<1x16xf32>,
      %get3A_804 = arith.index_cast %scan3A_159 : i32 to index
      %get3A_805 = arith.constant 736 : index
      %get3A_806 = tpu.vector_load %arg7[%get3A_804, %get3A_805] {strides = array<i32>} : memref<16x768xf32, #tpu.memory_space<vmem>>, vector<1x16xf32>,
      %get3A_807 = vector.shape_cast %get3A_806 : vector<1x16xf32> to vector<16xf32>
      %get3A_808 = arith.index_cast %scan3A_159 : i32 to index
      %get3A_809 = arith.constant 736 : index
      %get3A_810 = tpu.vector_load %arg8[%get3A_808, %get3A_809] {strides = array<i32>} : memref<16x768xf32, #tpu.memory_space<vmem>>, vector<1x16xf32>,
      %get3A_811 = vector.shape_cast %get3A_810 : vector<1x16xf32> to vector<16xf32>
      %add3A_812 = arith.addf %get3A_807, %get3A_811 : vector<16xf32>
      %swap3A_813 = arith.index_cast %scan3A_159 : i32 to index
      %swap3A_814 = arith.constant 736 : index
      %swap3A_815 = tpu.vector_load %arg7[%swap3A_813, %swap3A_814] {strides = array<i32>} : memref<16x768xf32, #tpu.memory_space<vmem>>, vector<1x16xf32>,
      %swap3A_816 = vector.shape_cast %swap3A_815 : vector<1x16xf32> to vector<16xf32>
      %swap3A_817 = vector.shape_cast %add3A_812 : vector<16xf32> to vector<1x16xf32>
      tpu.vector_store %arg7[%swap3A_813, %swap3A_814], %swap3A_817 {strides = array<i32>} : memref<16x768xf32, #tpu.memory_space<vmem>>, vector<1x16xf32>,
      %get3A_818 = arith.index_cast %scan3A_159 : i32 to index
      %get3A_819 = arith.constant 752 : index
      %get3A_820 = tpu.vector_load %arg7[%get3A_818, %get3A_819] {strides = array<i32>} : memref<16x768xf32, #tpu.memory_space<vmem>>, vector<1x16xf32>,
      %get3A_821 = vector.shape_cast %get3A_820 : vector<1x16xf32> to vector<16xf32>
      %get3A_822 = arith.index_cast %scan3A_159 : i32 to index
      %get3A_823 = arith.constant 752 : index
      %get3A_824 = tpu.vector_load %arg8[%get3A_822, %get3A_823] {strides = array<i32>} : memref<16x768xf32, #tpu.memory_space<vmem>>, vector<1x16xf32>,
      %get3A_825 = vector.shape_cast %get3A_824 : vector<1x16xf32> to vector<16xf32>
      %add3A_826 = arith.addf %get3A_821, %get3A_825 : vector<16xf32>
      %swap3A_827 = arith.index_cast %scan3A_159 : i32 to index
      %swap3A_828 = arith.constant 752 : index
      %swap3A_829 = tpu.vector_load %arg7[%swap3A_827, %swap3A_828] {strides = array<i32>} : memref<16x768xf32, #tpu.memory_space<vmem>>, vector<1x16xf32>,
      %swap3A_830 = vector.shape_cast %swap3A_829 : vector<1x16xf32> to vector<16xf32>
      %swap3A_831 = vector.shape_cast %add3A_826 : vector<16xf32> to vector<1x16xf32>
      tpu.vector_store %arg7[%swap3A_827, %swap3A_828], %swap3A_831 {strides = array<i32>} : memref<16x768xf32, #tpu.memory_space<vmem>>, vector<1x16xf32>,
      %scan3A_832 = arith.constant 0 : i32
      scf.yield %scan3A_832 : i32
    }
    %scan3A_55 = arith.constant 16 : i32
    %add3A_56 = arith.constant 0 : i32
    %add3A_57 = arith.addi %mul3A_2, %add3A_56 : i32
    %dma_start3A_58 = arith.constant 0 : i32
    %dma_start3A_59 = tpu.memref_slice %arg4[%add3A_57, %dma_start3A_58] : memref<2048x768xf32, #tpu.memory_space<hbm>> -> memref<16x768xf32, #tpu.memory_space<hbm>>
    %dma_start3A_60 = arith.constant 0 : i32
    %dma_start3A_61 = tpu.memref_slice %arg4[%add3A_57, %dma_start3A_60] : memref<2048x768xf32, #tpu.memory_space<hbm>> -> memref<16x768xf32, #tpu.memory_space<hbm>>
    tpu.enqueue_dma source(%arg7 : memref<16x768xf32, #tpu.memory_space<vmem>>) target(%dma_start3A_61 : memref<16x768xf32, #tpu.memory_space<hbm>>) target_semaphore(%arg14 : memref<!tpu.dma_semaphore, #tpu.memory_space<semaphore_mem>>)
    %dma_wait3A_62 = arith.constant 0 : i32
    %dma_wait3A_63 = arith.constant 0 : i32
    %dma_wait3A_64 = tpu.memref_slice %arg3[%dma_wait3A_62, %dma_wait3A_63] : memref<4608x768xf32, #tpu.memory_space<hbm>> -> memref<4608x768xf32, #tpu.memory_space<hbm>>
    tpu.wait_indirect_dma semaphore(%arg13 : memref<!tpu.dma_semaphore, #tpu.memory_space<semaphore_mem>>) src(%dma_wait3A_64 : memref<4608x768xf32, #tpu.memory_space<hbm>>) dst(%arg9 : memref<16x768xf32, #tpu.memory_space<vmem>>)
    %dma_wait3A_65 = arith.constant 0 : i32
    %dma_wait3A_66 = arith.constant 0 : i32
    %dma_wait3A_67 = tpu.memref_slice %arg3[%dma_wait3A_65, %dma_wait3A_66] : memref<4608x768xf32, #tpu.memory_space<hbm>> -> memref<4608x768xf32, #tpu.memory_space<hbm>>
    tpu.wait_indirect_dma semaphore(%arg13 : memref<!tpu.dma_semaphore, #tpu.memory_space<semaphore_mem>>) src(%dma_wait3A_67 : memref<4608x768xf32, #tpu.memory_space<hbm>>) dst(%arg10 : memref<16x768xf32, #tpu.memory_space<vmem>>)
    %dma_wait3A_68 = arith.constant 0 : i32
    %dma_wait3A_69 = tpu.memref_slice %arg4[%add3A_57, %dma_wait3A_68] : memref<2048x768xf32, #tpu.memory_space<hbm>> -> memref<16x768xf32, #tpu.memory_space<hbm>>
    %dma_wait3A_70 = arith.constant 0 : i32
    %dma_wait3A_71 = tpu.memref_slice %arg4[%add3A_57, %dma_wait3A_70] : memref<2048x768xf32, #tpu.memory_space<hbm>> -> memref<16x768xf32, #tpu.memory_space<hbm>>
    tpu.wait_dma2 semaphore(%arg14 : memref<!tpu.dma_semaphore, #tpu.memory_space<semaphore_mem>>) src(%arg7 : memref<16x768xf32, #tpu.memory_space<vmem>>) dst(%dma_wait3A_71 : memref<16x768xf32, #tpu.memory_space<hbm>>)
    %get3A_72 = arith.constant 32 : index
    %get3A_73 = tpu.vector_load %arg5[%get3A_72] {strides = array<i32>} : memref<64xi32, #tpu.memory_space<vmem>>, vector<16xi32>,
    %get3A_74 = vector.shape_cast %get3A_73 : vector<16xi32> to vector<16xi32>
    %dma_start3A_75 = arith.constant 0 : i32
    %dma_start3A_76 = arith.constant 0 : i32
    %dma_start3A_77 = tpu.memref_slice %arg3[%dma_start3A_75, %dma_start3A_76] : memref<4608x768xf32, #tpu.memory_space<hbm>> -> memref<4608x768xf32, #tpu.memory_space<hbm>>
    tpu.enqueue_indirect_dma source(%dma_start3A_77 : memref<4608x768xf32, #tpu.memory_space<hbm>>) target(%arg7 : memref<16x768xf32, #tpu.memory_space<vmem>>) offsets(%get3A_74 : vector<16xi32>) semaphore(%arg12 : memref<!tpu.dma_semaphore, #tpu.memory_space<semaphore_mem>>)
    %get3A_78 = arith.constant 32 : index
    %get3A_79 = tpu.vector_load %arg6[%get3A_78] {strides = array<i32>} : memref<64xi32, #tpu.memory_space<vmem>>, vector<16xi32>,
    %get3A_80 = vector.shape_cast %get3A_79 : vector<16xi32> to vector<16xi32>
    %dma_start3A_81 = arith.constant 0 : i32
    %dma_start3A_82 = arith.constant 0 : i32
    %dma_start3A_83 = tpu.memref_slice %arg3[%dma_start3A_81, %dma_start3A_82] : memref<4608x768xf32, #tpu.memory_space<hbm>> -> memref<4608x768xf32, #tpu.memory_space<hbm>>
    tpu.enqueue_indirect_dma source(%dma_start3A_83 : memref<4608x768xf32, #tpu.memory_space<hbm>>) target(%arg8 : memref<16x768xf32, #tpu.memory_space<vmem>>) offsets(%get3A_80 : vector<16xi32>) semaphore(%arg12 : memref<!tpu.dma_semaphore, #tpu.memory_space<semaphore_mem>>)
    %scan3A_84 = arith.constant 0 : i32
    %scan3A_85 = arith.constant 0 : i32
    %scan3A_86 = arith.constant 16 : i32
    %scan3A_87 = arith.addi %scan3A_85, %scan3A_86 : i32
    %scan3A_88 = arith.constant 1 : i32
    %scan3A_89 = scf.for %scan3A_159 = %scan3A_85 to %scan3A_87 step %scan3A_88 iter_args(%scan3A_160 = %scan3A_84) -> (i32)  : i32 {
      %get3A_161 = arith.index_cast %scan3A_159 : i32 to index
      %get3A_162 = arith.constant 0 : index
      %get3A_163 = tpu.vector_load %arg9[%get3A_161, %get3A_162] {strides = array<i32>} : memref<16x768xf32, #tpu.memory_space<vmem>>, vector<1x16xf32>,
      %get3A_164 = vector.shape_cast %get3A_163 : vector<1x16xf32> to vector<16xf32>
      %get3A_165 = arith.index_cast %scan3A_159 : i32 to index
      %get3A_166 = arith.constant 0 : index
      %get3A_167 = tpu.vector_load %arg10[%get3A_165, %get3A_166] {strides = array<i32>} : memref<16x768xf32, #tpu.memory_space<vmem>>, vector<1x16xf32>,
      %get3A_168 = vector.shape_cast %get3A_167 : vector<1x16xf32> to vector<16xf32>
      %add3A_169 = arith.addf %get3A_164, %get3A_168 : vector<16xf32>
      %swap3A = arith.index_cast %scan3A_159 : i32 to index
      %swap3A_170 = arith.constant 0 : index
      %swap3A_171 = tpu.vector_load %arg9[%swap3A, %swap3A_170] {strides = array<i32>} : memref<16x768xf32, #tpu.memory_space<vmem>>, vector<1x16xf32>,
      %swap3A_172 = vector.shape_cast %swap3A_171 : vector<1x16xf32> to vector<16xf32>
      %swap3A_173 = vector.shape_cast %add3A_169 : vector<16xf32> to vector<1x16xf32>
      tpu.vector_store %arg9[%swap3A, %swap3A_170], %swap3A_173 {strides = array<i32>} : memref<16x768xf32, #tpu.memory_space<vmem>>, vector<1x16xf32>,
      %get3A_174 = arith.index_cast %scan3A_159 : i32 to index
      %get3A_175 = arith.constant 16 : index
      %get3A_176 = tpu.vector_load %arg9[%get3A_174, %get3A_175] {strides = array<i32>} : memref<16x768xf32, #tpu.memory_space<vmem>>, vector<1x16xf32>,
      %get3A_177 = vector.shape_cast %get3A_176 : vector<1x16xf32> to vector<16xf32>
      %get3A_178 = arith.index_cast %scan3A_159 : i32 to index
      %get3A_179 = arith.constant 16 : index
      %get3A_180 = tpu.vector_load %arg10[%get3A_178, %get3A_179] {strides = array<i32>} : memref<16x768xf32, #tpu.memory_space<vmem>>, vector<1x16xf32>,
      %get3A_181 = vector.shape_cast %get3A_180 : vector<1x16xf32> to vector<16xf32>
      %add3A_182 = arith.addf %get3A_177, %get3A_181 : vector<16xf32>
      %swap3A_183 = arith.index_cast %scan3A_159 : i32 to index
      %swap3A_184 = arith.constant 16 : index
      %swap3A_185 = tpu.vector_load %arg9[%swap3A_183, %swap3A_184] {strides = array<i32>} : memref<16x768xf32, #tpu.memory_space<vmem>>, vector<1x16xf32>,
      %swap3A_186 = vector.shape_cast %swap3A_185 : vector<1x16xf32> to vector<16xf32>
      %swap3A_187 = vector.shape_cast %add3A_182 : vector<16xf32> to vector<1x16xf32>
      tpu.vector_store %arg9[%swap3A_183, %swap3A_184], %swap3A_187 {strides = array<i32>} : memref<16x768xf32, #tpu.memory_space<vmem>>, vector<1x16xf32>,
      %get3A_188 = arith.index_cast %scan3A_159 : i32 to index
      %get3A_189 = arith.constant 32 : index
      %get3A_190 = tpu.vector_load %arg9[%get3A_188, %get3A_189] {strides = array<i32>} : memref<16x768xf32, #tpu.memory_space<vmem>>, vector<1x16xf32>,
      %get3A_191 = vector.shape_cast %get3A_190 : vector<1x16xf32> to vector<16xf32>
      %get3A_192 = arith.index_cast %scan3A_159 : i32 to index
      %get3A_193 = arith.constant 32 : index
      %get3A_194 = tpu.vector_load %arg10[%get3A_192, %get3A_193] {strides = array<i32>} : memref<16x768xf32, #tpu.memory_space<vmem>>, vector<1x16xf32>,
      %get3A_195 = vector.shape_cast %get3A_194 : vector<1x16xf32> to vector<16xf32>
      %add3A_196 = arith.addf %get3A_191, %get3A_195 : vector<16xf32>
      %swap3A_197 = arith.index_cast %scan3A_159 : i32 to index
      %swap3A_198 = arith.constant 32 : index
      %swap3A_199 = tpu.vector_load %arg9[%swap3A_197, %swap3A_198] {strides = array<i32>} : memref<16x768xf32, #tpu.memory_space<vmem>>, vector<1x16xf32>,
      %swap3A_200 = vector.shape_cast %swap3A_199 : vector<1x16xf32> to vector<16xf32>
      %swap3A_201 = vector.shape_cast %add3A_196 : vector<16xf32> to vector<1x16xf32>
      tpu.vector_store %arg9[%swap3A_197, %swap3A_198], %swap3A_201 {strides = array<i32>} : memref<16x768xf32, #tpu.memory_space<vmem>>, vector<1x16xf32>,
      %get3A_202 = arith.index_cast %scan3A_159 : i32 to index
      %get3A_203 = arith.constant 48 : index
      %get3A_204 = tpu.vector_load %arg9[%get3A_202, %get3A_203] {strides = array<i32>} : memref<16x768xf32, #tpu.memory_space<vmem>>, vector<1x16xf32>,
      %get3A_205 = vector.shape_cast %get3A_204 : vector<1x16xf32> to vector<16xf32>
      %get3A_206 = arith.index_cast %scan3A_159 : i32 to index
      %get3A_207 = arith.constant 48 : index
      %get3A_208 = tpu.vector_load %arg10[%get3A_206, %get3A_207] {strides = array<i32>} : memref<16x768xf32, #tpu.memory_space<vmem>>, vector<1x16xf32>,
      %get3A_209 = vector.shape_cast %get3A_208 : vector<1x16xf32> to vector<16xf32>
      %add3A_210 = arith.addf %get3A_205, %get3A_209 : vector<16xf32>
      %swap3A_211 = arith.index_cast %scan3A_159 : i32 to index
      %swap3A_212 = arith.constant 48 : index
      %swap3A_213 = tpu.vector_load %arg9[%swap3A_211, %swap3A_212] {strides = array<i32>} : memref<16x768xf32, #tpu.memory_space<vmem>>, vector<1x16xf32>,
      %swap3A_214 = vector.shape_cast %swap3A_213 : vector<1x16xf32> to vector<16xf32>
      %swap3A_215 = vector.shape_cast %add3A_210 : vector<16xf32> to vector<1x16xf32>
      tpu.vector_store %arg9[%swap3A_211, %swap3A_212], %swap3A_215 {strides = array<i32>} : memref<16x768xf32, #tpu.memory_space<vmem>>, vector<1x16xf32>,
      %get3A_216 = arith.index_cast %scan3A_159 : i32 to index
      %get3A_217 = arith.constant 64 : index
      %get3A_218 = tpu.vector_load %arg9[%get3A_216, %get3A_217] {strides = array<i32>} : memref<16x768xf32, #tpu.memory_space<vmem>>, vector<1x16xf32>,
      %get3A_219 = vector.shape_cast %get3A_218 : vector<1x16xf32> to vector<16xf32>
      %get3A_220 = arith.index_cast %scan3A_159 : i32 to index
      %get3A_221 = arith.constant 64 : index
      %get3A_222 = tpu.vector_load %arg10[%get3A_220, %get3A_221] {strides = array<i32>} : memref<16x768xf32, #tpu.memory_space<vmem>>, vector<1x16xf32>,
      %get3A_223 = vector.shape_cast %get3A_222 : vector<1x16xf32> to vector<16xf32>
      %add3A_224 = arith.addf %get3A_219, %get3A_223 : vector<16xf32>
      %swap3A_225 = arith.index_cast %scan3A_159 : i32 to index
      %swap3A_226 = arith.constant 64 : index
      %swap3A_227 = tpu.vector_load %arg9[%swap3A_225, %swap3A_226] {strides = array<i32>} : memref<16x768xf32, #tpu.memory_space<vmem>>, vector<1x16xf32>,
      %swap3A_228 = vector.shape_cast %swap3A_227 : vector<1x16xf32> to vector<16xf32>
      %swap3A_229 = vector.shape_cast %add3A_224 : vector<16xf32> to vector<1x16xf32>
      tpu.vector_store %arg9[%swap3A_225, %swap3A_226], %swap3A_229 {strides = array<i32>} : memref<16x768xf32, #tpu.memory_space<vmem>>, vector<1x16xf32>,
      %get3A_230 = arith.index_cast %scan3A_159 : i32 to index
      %get3A_231 = arith.constant 80 : index
      %get3A_232 = tpu.vector_load %arg9[%get3A_230, %get3A_231] {strides = array<i32>} : memref<16x768xf32, #tpu.memory_space<vmem>>, vector<1x16xf32>,
      %get3A_233 = vector.shape_cast %get3A_232 : vector<1x16xf32> to vector<16xf32>
      %get3A_234 = arith.index_cast %scan3A_159 : i32 to index
      %get3A_235 = arith.constant 80 : index
      %get3A_236 = tpu.vector_load %arg10[%get3A_234, %get3A_235] {strides = array<i32>} : memref<16x768xf32, #tpu.memory_space<vmem>>, vector<1x16xf32>,
      %get3A_237 = vector.shape_cast %get3A_236 : vector<1x16xf32> to vector<16xf32>
      %add3A_238 = arith.addf %get3A_233, %get3A_237 : vector<16xf32>
      %swap3A_239 = arith.index_cast %scan3A_159 : i32 to index
      %swap3A_240 = arith.constant 80 : index
      %swap3A_241 = tpu.vector_load %arg9[%swap3A_239, %swap3A_240] {strides = array<i32>} : memref<16x768xf32, #tpu.memory_space<vmem>>, vector<1x16xf32>,
      %swap3A_242 = vector.shape_cast %swap3A_241 : vector<1x16xf32> to vector<16xf32>
      %swap3A_243 = vector.shape_cast %add3A_238 : vector<16xf32> to vector<1x16xf32>
      tpu.vector_store %arg9[%swap3A_239, %swap3A_240], %swap3A_243 {strides = array<i32>} : memref<16x768xf32, #tpu.memory_space<vmem>>, vector<1x16xf32>,
      %get3A_244 = arith.index_cast %scan3A_159 : i32 to index
      %get3A_245 = arith.constant 96 : index
      %get3A_246 = tpu.vector_load %arg9[%get3A_244, %get3A_245] {strides = array<i32>} : memref<16x768xf32, #tpu.memory_space<vmem>>, vector<1x16xf32>,
      %get3A_247 = vector.shape_cast %get3A_246 : vector<1x16xf32> to vector<16xf32>
      %get3A_248 = arith.index_cast %scan3A_159 : i32 to index
      %get3A_249 = arith.constant 96 : index
      %get3A_250 = tpu.vector_load %arg10[%get3A_248, %get3A_249] {strides = array<i32>} : memref<16x768xf32, #tpu.memory_space<vmem>>, vector<1x16xf32>,
      %get3A_251 = vector.shape_cast %get3A_250 : vector<1x16xf32> to vector<16xf32>
      %add3A_252 = arith.addf %get3A_247, %get3A_251 : vector<16xf32>
      %swap3A_253 = arith.index_cast %scan3A_159 : i32 to index
      %swap3A_254 = arith.constant 96 : index
      %swap3A_255 = tpu.vector_load %arg9[%swap3A_253, %swap3A_254] {strides = array<i32>} : memref<16x768xf32, #tpu.memory_space<vmem>>, vector<1x16xf32>,
      %swap3A_256 = vector.shape_cast %swap3A_255 : vector<1x16xf32> to vector<16xf32>
      %swap3A_257 = vector.shape_cast %add3A_252 : vector<16xf32> to vector<1x16xf32>
      tpu.vector_store %arg9[%swap3A_253, %swap3A_254], %swap3A_257 {strides = array<i32>} : memref<16x768xf32, #tpu.memory_space<vmem>>, vector<1x16xf32>,
      %get3A_258 = arith.index_cast %scan3A_159 : i32 to index
      %get3A_259 = arith.constant 112 : index
      %get3A_260 = tpu.vector_load %arg9[%get3A_258, %get3A_259] {strides = array<i32>} : memref<16x768xf32, #tpu.memory_space<vmem>>, vector<1x16xf32>,
      %get3A_261 = vector.shape_cast %get3A_260 : vector<1x16xf32> to vector<16xf32>
      %get3A_262 = arith.index_cast %scan3A_159 : i32 to index
      %get3A_263 = arith.constant 112 : index
      %get3A_264 = tpu.vector_load %arg10[%get3A_262, %get3A_263] {strides = array<i32>} : memref<16x768xf32, #tpu.memory_space<vmem>>, vector<1x16xf32>,
      %get3A_265 = vector.shape_cast %get3A_264 : vector<1x16xf32> to vector<16xf32>
      %add3A_266 = arith.addf %get3A_261, %get3A_265 : vector<16xf32>
      %swap3A_267 = arith.index_cast %scan3A_159 : i32 to index
      %swap3A_268 = arith.constant 112 : index
      %swap3A_269 = tpu.vector_load %arg9[%swap3A_267, %swap3A_268] {strides = array<i32>} : memref<16x768xf32, #tpu.memory_space<vmem>>, vector<1x16xf32>,
      %swap3A_270 = vector.shape_cast %swap3A_269 : vector<1x16xf32> to vector<16xf32>
      %swap3A_271 = vector.shape_cast %add3A_266 : vector<16xf32> to vector<1x16xf32>
      tpu.vector_store %arg9[%swap3A_267, %swap3A_268], %swap3A_271 {strides = array<i32>} : memref<16x768xf32, #tpu.memory_space<vmem>>, vector<1x16xf32>,
      %get3A_272 = arith.index_cast %scan3A_159 : i32 to index
      %get3A_273 = arith.constant 128 : index
      %get3A_274 = tpu.vector_load %arg9[%get3A_272, %get3A_273] {strides = array<i32>} : memref<16x768xf32, #tpu.memory_space<vmem>>, vector<1x16xf32>,
      %get3A_275 = vector.shape_cast %get3A_274 : vector<1x16xf32> to vector<16xf32>
      %get3A_276 = arith.index_cast %scan3A_159 : i32 to index
      %get3A_277 = arith.constant 128 : index
      %get3A_278 = tpu.vector_load %arg10[%get3A_276, %get3A_277] {strides = array<i32>} : memref<16x768xf32, #tpu.memory_space<vmem>>, vector<1x16xf32>,
      %get3A_279 = vector.shape_cast %get3A_278 : vector<1x16xf32> to vector<16xf32>
      %add3A_280 = arith.addf %get3A_275, %get3A_279 : vector<16xf32>
      %swap3A_281 = arith.index_cast %scan3A_159 : i32 to index
      %swap3A_282 = arith.constant 128 : index
      %swap3A_283 = tpu.vector_load %arg9[%swap3A_281, %swap3A_282] {strides = array<i32>} : memref<16x768xf32, #tpu.memory_space<vmem>>, vector<1x16xf32>,
      %swap3A_284 = vector.shape_cast %swap3A_283 : vector<1x16xf32> to vector<16xf32>
      %swap3A_285 = vector.shape_cast %add3A_280 : vector<16xf32> to vector<1x16xf32>
      tpu.vector_store %arg9[%swap3A_281, %swap3A_282], %swap3A_285 {strides = array<i32>} : memref<16x768xf32, #tpu.memory_space<vmem>>, vector<1x16xf32>,
      %get3A_286 = arith.index_cast %scan3A_159 : i32 to index
      %get3A_287 = arith.constant 144 : index
      %get3A_288 = tpu.vector_load %arg9[%get3A_286, %get3A_287] {strides = array<i32>} : memref<16x768xf32, #tpu.memory_space<vmem>>, vector<1x16xf32>,
      %get3A_289 = vector.shape_cast %get3A_288 : vector<1x16xf32> to vector<16xf32>
      %get3A_290 = arith.index_cast %scan3A_159 : i32 to index
      %get3A_291 = arith.constant 144 : index
      %get3A_292 = tpu.vector_load %arg10[%get3A_290, %get3A_291] {strides = array<i32>} : memref<16x768xf32, #tpu.memory_space<vmem>>, vector<1x16xf32>,
      %get3A_293 = vector.shape_cast %get3A_292 : vector<1x16xf32> to vector<16xf32>
      %add3A_294 = arith.addf %get3A_289, %get3A_293 : vector<16xf32>
      %swap3A_295 = arith.index_cast %scan3A_159 : i32 to index
      %swap3A_296 = arith.constant 144 : index
      %swap3A_297 = tpu.vector_load %arg9[%swap3A_295, %swap3A_296] {strides = array<i32>} : memref<16x768xf32, #tpu.memory_space<vmem>>, vector<1x16xf32>,
      %swap3A_298 = vector.shape_cast %swap3A_297 : vector<1x16xf32> to vector<16xf32>
      %swap3A_299 = vector.shape_cast %add3A_294 : vector<16xf32> to vector<1x16xf32>
      tpu.vector_store %arg9[%swap3A_295, %swap3A_296], %swap3A_299 {strides = array<i32>} : memref<16x768xf32, #tpu.memory_space<vmem>>, vector<1x16xf32>,
      %get3A_300 = arith.index_cast %scan3A_159 : i32 to index
      %get3A_301 = arith.constant 160 : index
      %get3A_302 = tpu.vector_load %arg9[%get3A_300, %get3A_301] {strides = array<i32>} : memref<16x768xf32, #tpu.memory_space<vmem>>, vector<1x16xf32>,
      %get3A_303 = vector.shape_cast %get3A_302 : vector<1x16xf32> to vector<16xf32>
      %get3A_304 = arith.index_cast %scan3A_159 : i32 to index
      %get3A_305 = arith.constant 160 : index
      %get3A_306 = tpu.vector_load %arg10[%get3A_304, %get3A_305] {strides = array<i32>} : memref<16x768xf32, #tpu.memory_space<vmem>>, vector<1x16xf32>,
      %get3A_307 = vector.shape_cast %get3A_306 : vector<1x16xf32> to vector<16xf32>
      %add3A_308 = arith.addf %get3A_303, %get3A_307 : vector<16xf32>
      %swap3A_309 = arith.index_cast %scan3A_159 : i32 to index
      %swap3A_310 = arith.constant 160 : index
      %swap3A_311 = tpu.vector_load %arg9[%swap3A_309, %swap3A_310] {strides = array<i32>} : memref<16x768xf32, #tpu.memory_space<vmem>>, vector<1x16xf32>,
      %swap3A_312 = vector.shape_cast %swap3A_311 : vector<1x16xf32> to vector<16xf32>
      %swap3A_313 = vector.shape_cast %add3A_308 : vector<16xf32> to vector<1x16xf32>
      tpu.vector_store %arg9[%swap3A_309, %swap3A_310], %swap3A_313 {strides = array<i32>} : memref<16x768xf32, #tpu.memory_space<vmem>>, vector<1x16xf32>,
      %get3A_314 = arith.index_cast %scan3A_159 : i32 to index
      %get3A_315 = arith.constant 176 : index
      %get3A_316 = tpu.vector_load %arg9[%get3A_314, %get3A_315] {strides = array<i32>} : memref<16x768xf32, #tpu.memory_space<vmem>>, vector<1x16xf32>,
      %get3A_317 = vector.shape_cast %get3A_316 : vector<1x16xf32> to vector<16xf32>
      %get3A_318 = arith.index_cast %scan3A_159 : i32 to index
      %get3A_319 = arith.constant 176 : index
      %get3A_320 = tpu.vector_load %arg10[%get3A_318, %get3A_319] {strides = array<i32>} : memref<16x768xf32, #tpu.memory_space<vmem>>, vector<1x16xf32>,
      %get3A_321 = vector.shape_cast %get3A_320 : vector<1x16xf32> to vector<16xf32>
      %add3A_322 = arith.addf %get3A_317, %get3A_321 : vector<16xf32>
      %swap3A_323 = arith.index_cast %scan3A_159 : i32 to index
      %swap3A_324 = arith.constant 176 : index
      %swap3A_325 = tpu.vector_load %arg9[%swap3A_323, %swap3A_324] {strides = array<i32>} : memref<16x768xf32, #tpu.memory_space<vmem>>, vector<1x16xf32>,
      %swap3A_326 = vector.shape_cast %swap3A_325 : vector<1x16xf32> to vector<16xf32>
      %swap3A_327 = vector.shape_cast %add3A_322 : vector<16xf32> to vector<1x16xf32>
      tpu.vector_store %arg9[%swap3A_323, %swap3A_324], %swap3A_327 {strides = array<i32>} : memref<16x768xf32, #tpu.memory_space<vmem>>, vector<1x16xf32>,
      %get3A_328 = arith.index_cast %scan3A_159 : i32 to index
      %get3A_329 = arith.constant 192 : index
      %get3A_330 = tpu.vector_load %arg9[%get3A_328, %get3A_329] {strides = array<i32>} : memref<16x768xf32, #tpu.memory_space<vmem>>, vector<1x16xf32>,
      %get3A_331 = vector.shape_cast %get3A_330 : vector<1x16xf32> to vector<16xf32>
      %get3A_332 = arith.index_cast %scan3A_159 : i32 to index
      %get3A_333 = arith.constant 192 : index
      %get3A_334 = tpu.vector_load %arg10[%get3A_332, %get3A_333] {strides = array<i32>} : memref<16x768xf32, #tpu.memory_space<vmem>>, vector<1x16xf32>,
      %get3A_335 = vector.shape_cast %get3A_334 : vector<1x16xf32> to vector<16xf32>
      %add3A_336 = arith.addf %get3A_331, %get3A_335 : vector<16xf32>
      %swap3A_337 = arith.index_cast %scan3A_159 : i32 to index
      %swap3A_338 = arith.constant 192 : index
      %swap3A_339 = tpu.vector_load %arg9[%swap3A_337, %swap3A_338] {strides = array<i32>} : memref<16x768xf32, #tpu.memory_space<vmem>>, vector<1x16xf32>,
      %swap3A_340 = vector.shape_cast %swap3A_339 : vector<1x16xf32> to vector<16xf32>
      %swap3A_341 = vector.shape_cast %add3A_336 : vector<16xf32> to vector<1x16xf32>
      tpu.vector_store %arg9[%swap3A_337, %swap3A_338], %swap3A_341 {strides = array<i32>} : memref<16x768xf32, #tpu.memory_space<vmem>>, vector<1x16xf32>,
      %get3A_342 = arith.index_cast %scan3A_159 : i32 to index
      %get3A_343 = arith.constant 208 : index
      %get3A_344 = tpu.vector_load %arg9[%get3A_342, %get3A_343] {strides = array<i32>} : memref<16x768xf32, #tpu.memory_space<vmem>>, vector<1x16xf32>,
      %get3A_345 = vector.shape_cast %get3A_344 : vector<1x16xf32> to vector<16xf32>
      %get3A_346 = arith.index_cast %scan3A_159 : i32 to index
      %get3A_347 = arith.constant 208 : index
      %get3A_348 = tpu.vector_load %arg10[%get3A_346, %get3A_347] {strides = array<i32>} : memref<16x768xf32, #tpu.memory_space<vmem>>, vector<1x16xf32>,
      %get3A_349 = vector.shape_cast %get3A_348 : vector<1x16xf32> to vector<16xf32>
      %add3A_350 = arith.addf %get3A_345, %get3A_349 : vector<16xf32>
      %swap3A_351 = arith.index_cast %scan3A_159 : i32 to index
      %swap3A_352 = arith.constant 208 : index
      %swap3A_353 = tpu.vector_load %arg9[%swap3A_351, %swap3A_352] {strides = array<i32>} : memref<16x768xf32, #tpu.memory_space<vmem>>, vector<1x16xf32>,
      %swap3A_354 = vector.shape_cast %swap3A_353 : vector<1x16xf32> to vector<16xf32>
      %swap3A_355 = vector.shape_cast %add3A_350 : vector<16xf32> to vector<1x16xf32>
      tpu.vector_store %arg9[%swap3A_351, %swap3A_352], %swap3A_355 {strides = array<i32>} : memref<16x768xf32, #tpu.memory_space<vmem>>, vector<1x16xf32>,
      %get3A_356 = arith.index_cast %scan3A_159 : i32 to index
      %get3A_357 = arith.constant 224 : index
      %get3A_358 = tpu.vector_load %arg9[%get3A_356, %get3A_357] {strides = array<i32>} : memref<16x768xf32, #tpu.memory_space<vmem>>, vector<1x16xf32>,
      %get3A_359 = vector.shape_cast %get3A_358 : vector<1x16xf32> to vector<16xf32>
      %get3A_360 = arith.index_cast %scan3A_159 : i32 to index
      %get3A_361 = arith.constant 224 : index
      %get3A_362 = tpu.vector_load %arg10[%get3A_360, %get3A_361] {strides = array<i32>} : memref<16x768xf32, #tpu.memory_space<vmem>>, vector<1x16xf32>,
      %get3A_363 = vector.shape_cast %get3A_362 : vector<1x16xf32> to vector<16xf32>
      %add3A_364 = arith.addf %get3A_359, %get3A_363 : vector<16xf32>
      %swap3A_365 = arith.index_cast %scan3A_159 : i32 to index
      %swap3A_366 = arith.constant 224 : index
      %swap3A_367 = tpu.vector_load %arg9[%swap3A_365, %swap3A_366] {strides = array<i32>} : memref<16x768xf32, #tpu.memory_space<vmem>>, vector<1x16xf32>,
      %swap3A_368 = vector.shape_cast %swap3A_367 : vector<1x16xf32> to vector<16xf32>
      %swap3A_369 = vector.shape_cast %add3A_364 : vector<16xf32> to vector<1x16xf32>
      tpu.vector_store %arg9[%swap3A_365, %swap3A_366], %swap3A_369 {strides = array<i32>} : memref<16x768xf32, #tpu.memory_space<vmem>>, vector<1x16xf32>,
      %get3A_370 = arith.index_cast %scan3A_159 : i32 to index
      %get3A_371 = arith.constant 240 : index
      %get3A_372 = tpu.vector_load %arg9[%get3A_370, %get3A_371] {strides = array<i32>} : memref<16x768xf32, #tpu.memory_space<vmem>>, vector<1x16xf32>,
      %get3A_373 = vector.shape_cast %get3A_372 : vector<1x16xf32> to vector<16xf32>
      %get3A_374 = arith.index_cast %scan3A_159 : i32 to index
      %get3A_375 = arith.constant 240 : index
      %get3A_376 = tpu.vector_load %arg10[%get3A_374, %get3A_375] {strides = array<i32>} : memref<16x768xf32, #tpu.memory_space<vmem>>, vector<1x16xf32>,
      %get3A_377 = vector.shape_cast %get3A_376 : vector<1x16xf32> to vector<16xf32>
      %add3A_378 = arith.addf %get3A_373, %get3A_377 : vector<16xf32>
      %swap3A_379 = arith.index_cast %scan3A_159 : i32 to index
      %swap3A_380 = arith.constant 240 : index
      %swap3A_381 = tpu.vector_load %arg9[%swap3A_379, %swap3A_380] {strides = array<i32>} : memref<16x768xf32, #tpu.memory_space<vmem>>, vector<1x16xf32>,
      %swap3A_382 = vector.shape_cast %swap3A_381 : vector<1x16xf32> to vector<16xf32>
      %swap3A_383 = vector.shape_cast %add3A_378 : vector<16xf32> to vector<1x16xf32>
      tpu.vector_store %arg9[%swap3A_379, %swap3A_380], %swap3A_383 {strides = array<i32>} : memref<16x768xf32, #tpu.memory_space<vmem>>, vector<1x16xf32>,
      %get3A_384 = arith.index_cast %scan3A_159 : i32 to index
      %get3A_385 = arith.constant 256 : index
      %get3A_386 = tpu.vector_load %arg9[%get3A_384, %get3A_385] {strides = array<i32>} : memref<16x768xf32, #tpu.memory_space<vmem>>, vector<1x16xf32>,
      %get3A_387 = vector.shape_cast %get3A_386 : vector<1x16xf32> to vector<16xf32>
      %get3A_388 = arith.index_cast %scan3A_159 : i32 to index
      %get3A_389 = arith.constant 256 : index
      %get3A_390 = tpu.vector_load %arg10[%get3A_388, %get3A_389] {strides = array<i32>} : memref<16x768xf32, #tpu.memory_space<vmem>>, vector<1x16xf32>,
      %get3A_391 = vector.shape_cast %get3A_390 : vector<1x16xf32> to vector<16xf32>
      %add3A_392 = arith.addf %get3A_387, %get3A_391 : vector<16xf32>
      %swap3A_393 = arith.index_cast %scan3A_159 : i32 to index
      %swap3A_394 = arith.constant 256 : index
      %swap3A_395 = tpu.vector_load %arg9[%swap3A_393, %swap3A_394] {strides = array<i32>} : memref<16x768xf32, #tpu.memory_space<vmem>>, vector<1x16xf32>,
      %swap3A_396 = vector.shape_cast %swap3A_395 : vector<1x16xf32> to vector<16xf32>
      %swap3A_397 = vector.shape_cast %add3A_392 : vector<16xf32> to vector<1x16xf32>
      tpu.vector_store %arg9[%swap3A_393, %swap3A_394], %swap3A_397 {strides = array<i32>} : memref<16x768xf32, #tpu.memory_space<vmem>>, vector<1x16xf32>,
      %get3A_398 = arith.index_cast %scan3A_159 : i32 to index
      %get3A_399 = arith.constant 272 : index
      %get3A_400 = tpu.vector_load %arg9[%get3A_398, %get3A_399] {strides = array<i32>} : memref<16x768xf32, #tpu.memory_space<vmem>>, vector<1x16xf32>,
      %get3A_401 = vector.shape_cast %get3A_400 : vector<1x16xf32> to vector<16xf32>
      %get3A_402 = arith.index_cast %scan3A_159 : i32 to index
      %get3A_403 = arith.constant 272 : index
      %get3A_404 = tpu.vector_load %arg10[%get3A_402, %get3A_403] {strides = array<i32>} : memref<16x768xf32, #tpu.memory_space<vmem>>, vector<1x16xf32>,
      %get3A_405 = vector.shape_cast %get3A_404 : vector<1x16xf32> to vector<16xf32>
      %add3A_406 = arith.addf %get3A_401, %get3A_405 : vector<16xf32>
      %swap3A_407 = arith.index_cast %scan3A_159 : i32 to index
      %swap3A_408 = arith.constant 272 : index
      %swap3A_409 = tpu.vector_load %arg9[%swap3A_407, %swap3A_408] {strides = array<i32>} : memref<16x768xf32, #tpu.memory_space<vmem>>, vector<1x16xf32>,
      %swap3A_410 = vector.shape_cast %swap3A_409 : vector<1x16xf32> to vector<16xf32>
      %swap3A_411 = vector.shape_cast %add3A_406 : vector<16xf32> to vector<1x16xf32>
      tpu.vector_store %arg9[%swap3A_407, %swap3A_408], %swap3A_411 {strides = array<i32>} : memref<16x768xf32, #tpu.memory_space<vmem>>, vector<1x16xf32>,
      %get3A_412 = arith.index_cast %scan3A_159 : i32 to index
      %get3A_413 = arith.constant 288 : index
      %get3A_414 = tpu.vector_load %arg9[%get3A_412, %get3A_413] {strides = array<i32>} : memref<16x768xf32, #tpu.memory_space<vmem>>, vector<1x16xf32>,
      %get3A_415 = vector.shape_cast %get3A_414 : vector<1x16xf32> to vector<16xf32>
      %get3A_416 = arith.index_cast %scan3A_159 : i32 to index
      %get3A_417 = arith.constant 288 : index
      %get3A_418 = tpu.vector_load %arg10[%get3A_416, %get3A_417] {strides = array<i32>} : memref<16x768xf32, #tpu.memory_space<vmem>>, vector<1x16xf32>,
      %get3A_419 = vector.shape_cast %get3A_418 : vector<1x16xf32> to vector<16xf32>
      %add3A_420 = arith.addf %get3A_415, %get3A_419 : vector<16xf32>
      %swap3A_421 = arith.index_cast %scan3A_159 : i32 to index
      %swap3A_422 = arith.constant 288 : index
      %swap3A_423 = tpu.vector_load %arg9[%swap3A_421, %swap3A_422] {strides = array<i32>} : memref<16x768xf32, #tpu.memory_space<vmem>>, vector<1x16xf32>,
      %swap3A_424 = vector.shape_cast %swap3A_423 : vector<1x16xf32> to vector<16xf32>
      %swap3A_425 = vector.shape_cast %add3A_420 : vector<16xf32> to vector<1x16xf32>
      tpu.vector_store %arg9[%swap3A_421, %swap3A_422], %swap3A_425 {strides = array<i32>} : memref<16x768xf32, #tpu.memory_space<vmem>>, vector<1x16xf32>,
      %get3A_426 = arith.index_cast %scan3A_159 : i32 to index
      %get3A_427 = arith.constant 304 : index
      %get3A_428 = tpu.vector_load %arg9[%get3A_426, %get3A_427] {strides = array<i32>} : memref<16x768xf32, #tpu.memory_space<vmem>>, vector<1x16xf32>,
      %get3A_429 = vector.shape_cast %get3A_428 : vector<1x16xf32> to vector<16xf32>
      %get3A_430 = arith.index_cast %scan3A_159 : i32 to index
      %get3A_431 = arith.constant 304 : index
      %get3A_432 = tpu.vector_load %arg10[%get3A_430, %get3A_431] {strides = array<i32>} : memref<16x768xf32, #tpu.memory_space<vmem>>, vector<1x16xf32>,
      %get3A_433 = vector.shape_cast %get3A_432 : vector<1x16xf32> to vector<16xf32>
      %add3A_434 = arith.addf %get3A_429, %get3A_433 : vector<16xf32>
      %swap3A_435 = arith.index_cast %scan3A_159 : i32 to index
      %swap3A_436 = arith.constant 304 : index
      %swap3A_437 = tpu.vector_load %arg9[%swap3A_435, %swap3A_436] {strides = array<i32>} : memref<16x768xf32, #tpu.memory_space<vmem>>, vector<1x16xf32>,
      %swap3A_438 = vector.shape_cast %swap3A_437 : vector<1x16xf32> to vector<16xf32>
      %swap3A_439 = vector.shape_cast %add3A_434 : vector<16xf32> to vector<1x16xf32>
      tpu.vector_store %arg9[%swap3A_435, %swap3A_436], %swap3A_439 {strides = array<i32>} : memref<16x768xf32, #tpu.memory_space<vmem>>, vector<1x16xf32>,
      %get3A_440 = arith.index_cast %scan3A_159 : i32 to index
      %get3A_441 = arith.constant 320 : index
      %get3A_442 = tpu.vector_load %arg9[%get3A_440, %get3A_441] {strides = array<i32>} : memref<16x768xf32, #tpu.memory_space<vmem>>, vector<1x16xf32>,
      %get3A_443 = vector.shape_cast %get3A_442 : vector<1x16xf32> to vector<16xf32>
      %get3A_444 = arith.index_cast %scan3A_159 : i32 to index
      %get3A_445 = arith.constant 320 : index
      %get3A_446 = tpu.vector_load %arg10[%get3A_444, %get3A_445] {strides = array<i32>} : memref<16x768xf32, #tpu.memory_space<vmem>>, vector<1x16xf32>,
      %get3A_447 = vector.shape_cast %get3A_446 : vector<1x16xf32> to vector<16xf32>
      %add3A_448 = arith.addf %get3A_443, %get3A_447 : vector<16xf32>
      %swap3A_449 = arith.index_cast %scan3A_159 : i32 to index
      %swap3A_450 = arith.constant 320 : index
      %swap3A_451 = tpu.vector_load %arg9[%swap3A_449, %swap3A_450] {strides = array<i32>} : memref<16x768xf32, #tpu.memory_space<vmem>>, vector<1x16xf32>,
      %swap3A_452 = vector.shape_cast %swap3A_451 : vector<1x16xf32> to vector<16xf32>
      %swap3A_453 = vector.shape_cast %add3A_448 : vector<16xf32> to vector<1x16xf32>
      tpu.vector_store %arg9[%swap3A_449, %swap3A_450], %swap3A_453 {strides = array<i32>} : memref<16x768xf32, #tpu.memory_space<vmem>>, vector<1x16xf32>,
      %get3A_454 = arith.index_cast %scan3A_159 : i32 to index
      %get3A_455 = arith.constant 336 : index
      %get3A_456 = tpu.vector_load %arg9[%get3A_454, %get3A_455] {strides = array<i32>} : memref<16x768xf32, #tpu.memory_space<vmem>>, vector<1x16xf32>,
      %get3A_457 = vector.shape_cast %get3A_456 : vector<1x16xf32> to vector<16xf32>
      %get3A_458 = arith.index_cast %scan3A_159 : i32 to index
      %get3A_459 = arith.constant 336 : index
      %get3A_460 = tpu.vector_load %arg10[%get3A_458, %get3A_459] {strides = array<i32>} : memref<16x768xf32, #tpu.memory_space<vmem>>, vector<1x16xf32>,
      %get3A_461 = vector.shape_cast %get3A_460 : vector<1x16xf32> to vector<16xf32>
      %add3A_462 = arith.addf %get3A_457, %get3A_461 : vector<16xf32>
      %swap3A_463 = arith.index_cast %scan3A_159 : i32 to index
      %swap3A_464 = arith.constant 336 : index
      %swap3A_465 = tpu.vector_load %arg9[%swap3A_463, %swap3A_464] {strides = array<i32>} : memref<16x768xf32, #tpu.memory_space<vmem>>, vector<1x16xf32>,
      %swap3A_466 = vector.shape_cast %swap3A_465 : vector<1x16xf32> to vector<16xf32>
      %swap3A_467 = vector.shape_cast %add3A_462 : vector<16xf32> to vector<1x16xf32>
      tpu.vector_store %arg9[%swap3A_463, %swap3A_464], %swap3A_467 {strides = array<i32>} : memref<16x768xf32, #tpu.memory_space<vmem>>, vector<1x16xf32>,
      %get3A_468 = arith.index_cast %scan3A_159 : i32 to index
      %get3A_469 = arith.constant 352 : index
      %get3A_470 = tpu.vector_load %arg9[%get3A_468, %get3A_469] {strides = array<i32>} : memref<16x768xf32, #tpu.memory_space<vmem>>, vector<1x16xf32>,
      %get3A_471 = vector.shape_cast %get3A_470 : vector<1x16xf32> to vector<16xf32>
      %get3A_472 = arith.index_cast %scan3A_159 : i32 to index
      %get3A_473 = arith.constant 352 : index
      %get3A_474 = tpu.vector_load %arg10[%get3A_472, %get3A_473] {strides = array<i32>} : memref<16x768xf32, #tpu.memory_space<vmem>>, vector<1x16xf32>,
      %get3A_475 = vector.shape_cast %get3A_474 : vector<1x16xf32> to vector<16xf32>
      %add3A_476 = arith.addf %get3A_471, %get3A_475 : vector<16xf32>
      %swap3A_477 = arith.index_cast %scan3A_159 : i32 to index
      %swap3A_478 = arith.constant 352 : index
      %swap3A_479 = tpu.vector_load %arg9[%swap3A_477, %swap3A_478] {strides = array<i32>} : memref<16x768xf32, #tpu.memory_space<vmem>>, vector<1x16xf32>,
      %swap3A_480 = vector.shape_cast %swap3A_479 : vector<1x16xf32> to vector<16xf32>
      %swap3A_481 = vector.shape_cast %add3A_476 : vector<16xf32> to vector<1x16xf32>
      tpu.vector_store %arg9[%swap3A_477, %swap3A_478], %swap3A_481 {strides = array<i32>} : memref<16x768xf32, #tpu.memory_space<vmem>>, vector<1x16xf32>,
      %get3A_482 = arith.index_cast %scan3A_159 : i32 to index
      %get3A_483 = arith.constant 368 : index
      %get3A_484 = tpu.vector_load %arg9[%get3A_482, %get3A_483] {strides = array<i32>} : memref<16x768xf32, #tpu.memory_space<vmem>>, vector<1x16xf32>,
      %get3A_485 = vector.shape_cast %get3A_484 : vector<1x16xf32> to vector<16xf32>
      %get3A_486 = arith.index_cast %scan3A_159 : i32 to index
      %get3A_487 = arith.constant 368 : index
      %get3A_488 = tpu.vector_load %arg10[%get3A_486, %get3A_487] {strides = array<i32>} : memref<16x768xf32, #tpu.memory_space<vmem>>, vector<1x16xf32>,
      %get3A_489 = vector.shape_cast %get3A_488 : vector<1x16xf32> to vector<16xf32>
      %add3A_490 = arith.addf %get3A_485, %get3A_489 : vector<16xf32>
      %swap3A_491 = arith.index_cast %scan3A_159 : i32 to index
      %swap3A_492 = arith.constant 368 : index
      %swap3A_493 = tpu.vector_load %arg9[%swap3A_491, %swap3A_492] {strides = array<i32>} : memref<16x768xf32, #tpu.memory_space<vmem>>, vector<1x16xf32>,
      %swap3A_494 = vector.shape_cast %swap3A_493 : vector<1x16xf32> to vector<16xf32>
      %swap3A_495 = vector.shape_cast %add3A_490 : vector<16xf32> to vector<1x16xf32>
      tpu.vector_store %arg9[%swap3A_491, %swap3A_492], %swap3A_495 {strides = array<i32>} : memref<16x768xf32, #tpu.memory_space<vmem>>, vector<1x16xf32>,
      %get3A_496 = arith.index_cast %scan3A_159 : i32 to index
      %get3A_497 = arith.constant 384 : index
      %get3A_498 = tpu.vector_load %arg9[%get3A_496, %get3A_497] {strides = array<i32>} : memref<16x768xf32, #tpu.memory_space<vmem>>, vector<1x16xf32>,
      %get3A_499 = vector.shape_cast %get3A_498 : vector<1x16xf32> to vector<16xf32>
      %get3A_500 = arith.index_cast %scan3A_159 : i32 to index
      %get3A_501 = arith.constant 384 : index
      %get3A_502 = tpu.vector_load %arg10[%get3A_500, %get3A_501] {strides = array<i32>} : memref<16x768xf32, #tpu.memory_space<vmem>>, vector<1x16xf32>,
      %get3A_503 = vector.shape_cast %get3A_502 : vector<1x16xf32> to vector<16xf32>
      %add3A_504 = arith.addf %get3A_499, %get3A_503 : vector<16xf32>
      %swap3A_505 = arith.index_cast %scan3A_159 : i32 to index
      %swap3A_506 = arith.constant 384 : index
      %swap3A_507 = tpu.vector_load %arg9[%swap3A_505, %swap3A_506] {strides = array<i32>} : memref<16x768xf32, #tpu.memory_space<vmem>>, vector<1x16xf32>,
      %swap3A_508 = vector.shape_cast %swap3A_507 : vector<1x16xf32> to vector<16xf32>
      %swap3A_509 = vector.shape_cast %add3A_504 : vector<16xf32> to vector<1x16xf32>
      tpu.vector_store %arg9[%swap3A_505, %swap3A_506], %swap3A_509 {strides = array<i32>} : memref<16x768xf32, #tpu.memory_space<vmem>>, vector<1x16xf32>,
      %get3A_510 = arith.index_cast %scan3A_159 : i32 to index
      %get3A_511 = arith.constant 400 : index
      %get3A_512 = tpu.vector_load %arg9[%get3A_510, %get3A_511] {strides = array<i32>} : memref<16x768xf32, #tpu.memory_space<vmem>>, vector<1x16xf32>,
      %get3A_513 = vector.shape_cast %get3A_512 : vector<1x16xf32> to vector<16xf32>
      %get3A_514 = arith.index_cast %scan3A_159 : i32 to index
      %get3A_515 = arith.constant 400 : index
      %get3A_516 = tpu.vector_load %arg10[%get3A_514, %get3A_515] {strides = array<i32>} : memref<16x768xf32, #tpu.memory_space<vmem>>, vector<1x16xf32>,
      %get3A_517 = vector.shape_cast %get3A_516 : vector<1x16xf32> to vector<16xf32>
      %add3A_518 = arith.addf %get3A_513, %get3A_517 : vector<16xf32>
      %swap3A_519 = arith.index_cast %scan3A_159 : i32 to index
      %swap3A_520 = arith.constant 400 : index
      %swap3A_521 = tpu.vector_load %arg9[%swap3A_519, %swap3A_520] {strides = array<i32>} : memref<16x768xf32, #tpu.memory_space<vmem>>, vector<1x16xf32>,
      %swap3A_522 = vector.shape_cast %swap3A_521 : vector<1x16xf32> to vector<16xf32>
      %swap3A_523 = vector.shape_cast %add3A_518 : vector<16xf32> to vector<1x16xf32>
      tpu.vector_store %arg9[%swap3A_519, %swap3A_520], %swap3A_523 {strides = array<i32>} : memref<16x768xf32, #tpu.memory_space<vmem>>, vector<1x16xf32>,
      %get3A_524 = arith.index_cast %scan3A_159 : i32 to index
      %get3A_525 = arith.constant 416 : index
      %get3A_526 = tpu.vector_load %arg9[%get3A_524, %get3A_525] {strides = array<i32>} : memref<16x768xf32, #tpu.memory_space<vmem>>, vector<1x16xf32>,
      %get3A_527 = vector.shape_cast %get3A_526 : vector<1x16xf32> to vector<16xf32>
      %get3A_528 = arith.index_cast %scan3A_159 : i32 to index
      %get3A_529 = arith.constant 416 : index
      %get3A_530 = tpu.vector_load %arg10[%get3A_528, %get3A_529] {strides = array<i32>} : memref<16x768xf32, #tpu.memory_space<vmem>>, vector<1x16xf32>,
      %get3A_531 = vector.shape_cast %get3A_530 : vector<1x16xf32> to vector<16xf32>
      %add3A_532 = arith.addf %get3A_527, %get3A_531 : vector<16xf32>
      %swap3A_533 = arith.index_cast %scan3A_159 : i32 to index
      %swap3A_534 = arith.constant 416 : index
      %swap3A_535 = tpu.vector_load %arg9[%swap3A_533, %swap3A_534] {strides = array<i32>} : memref<16x768xf32, #tpu.memory_space<vmem>>, vector<1x16xf32>,
      %swap3A_536 = vector.shape_cast %swap3A_535 : vector<1x16xf32> to vector<16xf32>
      %swap3A_537 = vector.shape_cast %add3A_532 : vector<16xf32> to vector<1x16xf32>
      tpu.vector_store %arg9[%swap3A_533, %swap3A_534], %swap3A_537 {strides = array<i32>} : memref<16x768xf32, #tpu.memory_space<vmem>>, vector<1x16xf32>,
      %get3A_538 = arith.index_cast %scan3A_159 : i32 to index
      %get3A_539 = arith.constant 432 : index
      %get3A_540 = tpu.vector_load %arg9[%get3A_538, %get3A_539] {strides = array<i32>} : memref<16x768xf32, #tpu.memory_space<vmem>>, vector<1x16xf32>,
      %get3A_541 = vector.shape_cast %get3A_540 : vector<1x16xf32> to vector<16xf32>
      %get3A_542 = arith.index_cast %scan3A_159 : i32 to index
      %get3A_543 = arith.constant 432 : index
      %get3A_544 = tpu.vector_load %arg10[%get3A_542, %get3A_543] {strides = array<i32>} : memref<16x768xf32, #tpu.memory_space<vmem>>, vector<1x16xf32>,
      %get3A_545 = vector.shape_cast %get3A_544 : vector<1x16xf32> to vector<16xf32>
      %add3A_546 = arith.addf %get3A_541, %get3A_545 : vector<16xf32>
      %swap3A_547 = arith.index_cast %scan3A_159 : i32 to index
      %swap3A_548 = arith.constant 432 : index
      %swap3A_549 = tpu.vector_load %arg9[%swap3A_547, %swap3A_548] {strides = array<i32>} : memref<16x768xf32, #tpu.memory_space<vmem>>, vector<1x16xf32>,
      %swap3A_550 = vector.shape_cast %swap3A_549 : vector<1x16xf32> to vector<16xf32>
      %swap3A_551 = vector.shape_cast %add3A_546 : vector<16xf32> to vector<1x16xf32>
      tpu.vector_store %arg9[%swap3A_547, %swap3A_548], %swap3A_551 {strides = array<i32>} : memref<16x768xf32, #tpu.memory_space<vmem>>, vector<1x16xf32>,
      %get3A_552 = arith.index_cast %scan3A_159 : i32 to index
      %get3A_553 = arith.constant 448 : index
      %get3A_554 = tpu.vector_load %arg9[%get3A_552, %get3A_553] {strides = array<i32>} : memref<16x768xf32, #tpu.memory_space<vmem>>, vector<1x16xf32>,
      %get3A_555 = vector.shape_cast %get3A_554 : vector<1x16xf32> to vector<16xf32>
      %get3A_556 = arith.index_cast %scan3A_159 : i32 to index
      %get3A_557 = arith.constant 448 : index
      %get3A_558 = tpu.vector_load %arg10[%get3A_556, %get3A_557] {strides = array<i32>} : memref<16x768xf32, #tpu.memory_space<vmem>>, vector<1x16xf32>,
      %get3A_559 = vector.shape_cast %get3A_558 : vector<1x16xf32> to vector<16xf32>
      %add3A_560 = arith.addf %get3A_555, %get3A_559 : vector<16xf32>
      %swap3A_561 = arith.index_cast %scan3A_159 : i32 to index
      %swap3A_562 = arith.constant 448 : index
      %swap3A_563 = tpu.vector_load %arg9[%swap3A_561, %swap3A_562] {strides = array<i32>} : memref<16x768xf32, #tpu.memory_space<vmem>>, vector<1x16xf32>,
      %swap3A_564 = vector.shape_cast %swap3A_563 : vector<1x16xf32> to vector<16xf32>
      %swap3A_565 = vector.shape_cast %add3A_560 : vector<16xf32> to vector<1x16xf32>
      tpu.vector_store %arg9[%swap3A_561, %swap3A_562], %swap3A_565 {strides = array<i32>} : memref<16x768xf32, #tpu.memory_space<vmem>>, vector<1x16xf32>,
      %get3A_566 = arith.index_cast %scan3A_159 : i32 to index
      %get3A_567 = arith.constant 464 : index
      %get3A_568 = tpu.vector_load %arg9[%get3A_566, %get3A_567] {strides = array<i32>} : memref<16x768xf32, #tpu.memory_space<vmem>>, vector<1x16xf32>,
      %get3A_569 = vector.shape_cast %get3A_568 : vector<1x16xf32> to vector<16xf32>
      %get3A_570 = arith.index_cast %scan3A_159 : i32 to index
      %get3A_571 = arith.constant 464 : index
      %get3A_572 = tpu.vector_load %arg10[%get3A_570, %get3A_571] {strides = array<i32>} : memref<16x768xf32, #tpu.memory_space<vmem>>, vector<1x16xf32>,
      %get3A_573 = vector.shape_cast %get3A_572 : vector<1x16xf32> to vector<16xf32>
      %add3A_574 = arith.addf %get3A_569, %get3A_573 : vector<16xf32>
      %swap3A_575 = arith.index_cast %scan3A_159 : i32 to index
      %swap3A_576 = arith.constant 464 : index
      %swap3A_577 = tpu.vector_load %arg9[%swap3A_575, %swap3A_576] {strides = array<i32>} : memref<16x768xf32, #tpu.memory_space<vmem>>, vector<1x16xf32>,
      %swap3A_578 = vector.shape_cast %swap3A_577 : vector<1x16xf32> to vector<16xf32>
      %swap3A_579 = vector.shape_cast %add3A_574 : vector<16xf32> to vector<1x16xf32>
      tpu.vector_store %arg9[%swap3A_575, %swap3A_576], %swap3A_579 {strides = array<i32>} : memref<16x768xf32, #tpu.memory_space<vmem>>, vector<1x16xf32>,
      %get3A_580 = arith.index_cast %scan3A_159 : i32 to index
      %get3A_581 = arith.constant 480 : index
      %get3A_582 = tpu.vector_load %arg9[%get3A_580, %get3A_581] {strides = array<i32>} : memref<16x768xf32, #tpu.memory_space<vmem>>, vector<1x16xf32>,
      %get3A_583 = vector.shape_cast %get3A_582 : vector<1x16xf32> to vector<16xf32>
      %get3A_584 = arith.index_cast %scan3A_159 : i32 to index
      %get3A_585 = arith.constant 480 : index
      %get3A_586 = tpu.vector_load %arg10[%get3A_584, %get3A_585] {strides = array<i32>} : memref<16x768xf32, #tpu.memory_space<vmem>>, vector<1x16xf32>,
      %get3A_587 = vector.shape_cast %get3A_586 : vector<1x16xf32> to vector<16xf32>
      %add3A_588 = arith.addf %get3A_583, %get3A_587 : vector<16xf32>
      %swap3A_589 = arith.index_cast %scan3A_159 : i32 to index
      %swap3A_590 = arith.constant 480 : index
      %swap3A_591 = tpu.vector_load %arg9[%swap3A_589, %swap3A_590] {strides = array<i32>} : memref<16x768xf32, #tpu.memory_space<vmem>>, vector<1x16xf32>,
      %swap3A_592 = vector.shape_cast %swap3A_591 : vector<1x16xf32> to vector<16xf32>
      %swap3A_593 = vector.shape_cast %add3A_588 : vector<16xf32> to vector<1x16xf32>
      tpu.vector_store %arg9[%swap3A_589, %swap3A_590], %swap3A_593 {strides = array<i32>} : memref<16x768xf32, #tpu.memory_space<vmem>>, vector<1x16xf32>,
      %get3A_594 = arith.index_cast %scan3A_159 : i32 to index
      %get3A_595 = arith.constant 496 : index
      %get3A_596 = tpu.vector_load %arg9[%get3A_594, %get3A_595] {strides = array<i32>} : memref<16x768xf32, #tpu.memory_space<vmem>>, vector<1x16xf32>,
      %get3A_597 = vector.shape_cast %get3A_596 : vector<1x16xf32> to vector<16xf32>
      %get3A_598 = arith.index_cast %scan3A_159 : i32 to index
      %get3A_599 = arith.constant 496 : index
      %get3A_600 = tpu.vector_load %arg10[%get3A_598, %get3A_599] {strides = array<i32>} : memref<16x768xf32, #tpu.memory_space<vmem>>, vector<1x16xf32>,
      %get3A_601 = vector.shape_cast %get3A_600 : vector<1x16xf32> to vector<16xf32>
      %add3A_602 = arith.addf %get3A_597, %get3A_601 : vector<16xf32>
      %swap3A_603 = arith.index_cast %scan3A_159 : i32 to index
      %swap3A_604 = arith.constant 496 : index
      %swap3A_605 = tpu.vector_load %arg9[%swap3A_603, %swap3A_604] {strides = array<i32>} : memref<16x768xf32, #tpu.memory_space<vmem>>, vector<1x16xf32>,
      %swap3A_606 = vector.shape_cast %swap3A_605 : vector<1x16xf32> to vector<16xf32>
      %swap3A_607 = vector.shape_cast %add3A_602 : vector<16xf32> to vector<1x16xf32>
      tpu.vector_store %arg9[%swap3A_603, %swap3A_604], %swap3A_607 {strides = array<i32>} : memref<16x768xf32, #tpu.memory_space<vmem>>, vector<1x16xf32>,
      %get3A_608 = arith.index_cast %scan3A_159 : i32 to index
      %get3A_609 = arith.constant 512 : index
      %get3A_610 = tpu.vector_load %arg9[%get3A_608, %get3A_609] {strides = array<i32>} : memref<16x768xf32, #tpu.memory_space<vmem>>, vector<1x16xf32>,
      %get3A_611 = vector.shape_cast %get3A_610 : vector<1x16xf32> to vector<16xf32>
      %get3A_612 = arith.index_cast %scan3A_159 : i32 to index
      %get3A_613 = arith.constant 512 : index
      %get3A_614 = tpu.vector_load %arg10[%get3A_612, %get3A_613] {strides = array<i32>} : memref<16x768xf32, #tpu.memory_space<vmem>>, vector<1x16xf32>,
      %get3A_615 = vector.shape_cast %get3A_614 : vector<1x16xf32> to vector<16xf32>
      %add3A_616 = arith.addf %get3A_611, %get3A_615 : vector<16xf32>
      %swap3A_617 = arith.index_cast %scan3A_159 : i32 to index
      %swap3A_618 = arith.constant 512 : index
      %swap3A_619 = tpu.vector_load %arg9[%swap3A_617, %swap3A_618] {strides = array<i32>} : memref<16x768xf32, #tpu.memory_space<vmem>>, vector<1x16xf32>,
      %swap3A_620 = vector.shape_cast %swap3A_619 : vector<1x16xf32> to vector<16xf32>
      %swap3A_621 = vector.shape_cast %add3A_616 : vector<16xf32> to vector<1x16xf32>
      tpu.vector_store %arg9[%swap3A_617, %swap3A_618], %swap3A_621 {strides = array<i32>} : memref<16x768xf32, #tpu.memory_space<vmem>>, vector<1x16xf32>,
      %get3A_622 = arith.index_cast %scan3A_159 : i32 to index
      %get3A_623 = arith.constant 528 : index
      %get3A_624 = tpu.vector_load %arg9[%get3A_622, %get3A_623] {strides = array<i32>} : memref<16x768xf32, #tpu.memory_space<vmem>>, vector<1x16xf32>,
      %get3A_625 = vector.shape_cast %get3A_624 : vector<1x16xf32> to vector<16xf32>
      %get3A_626 = arith.index_cast %scan3A_159 : i32 to index
      %get3A_627 = arith.constant 528 : index
      %get3A_628 = tpu.vector_load %arg10[%get3A_626, %get3A_627] {strides = array<i32>} : memref<16x768xf32, #tpu.memory_space<vmem>>, vector<1x16xf32>,
      %get3A_629 = vector.shape_cast %get3A_628 : vector<1x16xf32> to vector<16xf32>
      %add3A_630 = arith.addf %get3A_625, %get3A_629 : vector<16xf32>
      %swap3A_631 = arith.index_cast %scan3A_159 : i32 to index
      %swap3A_632 = arith.constant 528 : index
      %swap3A_633 = tpu.vector_load %arg9[%swap3A_631, %swap3A_632] {strides = array<i32>} : memref<16x768xf32, #tpu.memory_space<vmem>>, vector<1x16xf32>,
      %swap3A_634 = vector.shape_cast %swap3A_633 : vector<1x16xf32> to vector<16xf32>
      %swap3A_635 = vector.shape_cast %add3A_630 : vector<16xf32> to vector<1x16xf32>
      tpu.vector_store %arg9[%swap3A_631, %swap3A_632], %swap3A_635 {strides = array<i32>} : memref<16x768xf32, #tpu.memory_space<vmem>>, vector<1x16xf32>,
      %get3A_636 = arith.index_cast %scan3A_159 : i32 to index
      %get3A_637 = arith.constant 544 : index
      %get3A_638 = tpu.vector_load %arg9[%get3A_636, %get3A_637] {strides = array<i32>} : memref<16x768xf32, #tpu.memory_space<vmem>>, vector<1x16xf32>,
      %get3A_639 = vector.shape_cast %get3A_638 : vector<1x16xf32> to vector<16xf32>
      %get3A_640 = arith.index_cast %scan3A_159 : i32 to index
      %get3A_641 = arith.constant 544 : index
      %get3A_642 = tpu.vector_load %arg10[%get3A_640, %get3A_641] {strides = array<i32>} : memref<16x768xf32, #tpu.memory_space<vmem>>, vector<1x16xf32>,
      %get3A_643 = vector.shape_cast %get3A_642 : vector<1x16xf32> to vector<16xf32>
      %add3A_644 = arith.addf %get3A_639, %get3A_643 : vector<16xf32>
      %swap3A_645 = arith.index_cast %scan3A_159 : i32 to index
      %swap3A_646 = arith.constant 544 : index
      %swap3A_647 = tpu.vector_load %arg9[%swap3A_645, %swap3A_646] {strides = array<i32>} : memref<16x768xf32, #tpu.memory_space<vmem>>, vector<1x16xf32>,
      %swap3A_648 = vector.shape_cast %swap3A_647 : vector<1x16xf32> to vector<16xf32>
      %swap3A_649 = vector.shape_cast %add3A_644 : vector<16xf32> to vector<1x16xf32>
      tpu.vector_store %arg9[%swap3A_645, %swap3A_646], %swap3A_649 {strides = array<i32>} : memref<16x768xf32, #tpu.memory_space<vmem>>, vector<1x16xf32>,
      %get3A_650 = arith.index_cast %scan3A_159 : i32 to index
      %get3A_651 = arith.constant 560 : index
      %get3A_652 = tpu.vector_load %arg9[%get3A_650, %get3A_651] {strides = array<i32>} : memref<16x768xf32, #tpu.memory_space<vmem>>, vector<1x16xf32>,
      %get3A_653 = vector.shape_cast %get3A_652 : vector<1x16xf32> to vector<16xf32>
      %get3A_654 = arith.index_cast %scan3A_159 : i32 to index
      %get3A_655 = arith.constant 560 : index
      %get3A_656 = tpu.vector_load %arg10[%get3A_654, %get3A_655] {strides = array<i32>} : memref<16x768xf32, #tpu.memory_space<vmem>>, vector<1x16xf32>,
      %get3A_657 = vector.shape_cast %get3A_656 : vector<1x16xf32> to vector<16xf32>
      %add3A_658 = arith.addf %get3A_653, %get3A_657 : vector<16xf32>
      %swap3A_659 = arith.index_cast %scan3A_159 : i32 to index
      %swap3A_660 = arith.constant 560 : index
      %swap3A_661 = tpu.vector_load %arg9[%swap3A_659, %swap3A_660] {strides = array<i32>} : memref<16x768xf32, #tpu.memory_space<vmem>>, vector<1x16xf32>,
      %swap3A_662 = vector.shape_cast %swap3A_661 : vector<1x16xf32> to vector<16xf32>
      %swap3A_663 = vector.shape_cast %add3A_658 : vector<16xf32> to vector<1x16xf32>
      tpu.vector_store %arg9[%swap3A_659, %swap3A_660], %swap3A_663 {strides = array<i32>} : memref<16x768xf32, #tpu.memory_space<vmem>>, vector<1x16xf32>,
      %get3A_664 = arith.index_cast %scan3A_159 : i32 to index
      %get3A_665 = arith.constant 576 : index
      %get3A_666 = tpu.vector_load %arg9[%get3A_664, %get3A_665] {strides = array<i32>} : memref<16x768xf32, #tpu.memory_space<vmem>>, vector<1x16xf32>,
      %get3A_667 = vector.shape_cast %get3A_666 : vector<1x16xf32> to vector<16xf32>
      %get3A_668 = arith.index_cast %scan3A_159 : i32 to index
      %get3A_669 = arith.constant 576 : index
      %get3A_670 = tpu.vector_load %arg10[%get3A_668, %get3A_669] {strides = array<i32>} : memref<16x768xf32, #tpu.memory_space<vmem>>, vector<1x16xf32>,
      %get3A_671 = vector.shape_cast %get3A_670 : vector<1x16xf32> to vector<16xf32>
      %add3A_672 = arith.addf %get3A_667, %get3A_671 : vector<16xf32>
      %swap3A_673 = arith.index_cast %scan3A_159 : i32 to index
      %swap3A_674 = arith.constant 576 : index
      %swap3A_675 = tpu.vector_load %arg9[%swap3A_673, %swap3A_674] {strides = array<i32>} : memref<16x768xf32, #tpu.memory_space<vmem>>, vector<1x16xf32>,
      %swap3A_676 = vector.shape_cast %swap3A_675 : vector<1x16xf32> to vector<16xf32>
      %swap3A_677 = vector.shape_cast %add3A_672 : vector<16xf32> to vector<1x16xf32>
      tpu.vector_store %arg9[%swap3A_673, %swap3A_674], %swap3A_677 {strides = array<i32>} : memref<16x768xf32, #tpu.memory_space<vmem>>, vector<1x16xf32>,
      %get3A_678 = arith.index_cast %scan3A_159 : i32 to index
      %get3A_679 = arith.constant 592 : index
      %get3A_680 = tpu.vector_load %arg9[%get3A_678, %get3A_679] {strides = array<i32>} : memref<16x768xf32, #tpu.memory_space<vmem>>, vector<1x16xf32>,
      %get3A_681 = vector.shape_cast %get3A_680 : vector<1x16xf32> to vector<16xf32>
      %get3A_682 = arith.index_cast %scan3A_159 : i32 to index
      %get3A_683 = arith.constant 592 : index
      %get3A_684 = tpu.vector_load %arg10[%get3A_682, %get3A_683] {strides = array<i32>} : memref<16x768xf32, #tpu.memory_space<vmem>>, vector<1x16xf32>,
      %get3A_685 = vector.shape_cast %get3A_684 : vector<1x16xf32> to vector<16xf32>
      %add3A_686 = arith.addf %get3A_681, %get3A_685 : vector<16xf32>
      %swap3A_687 = arith.index_cast %scan3A_159 : i32 to index
      %swap3A_688 = arith.constant 592 : index
      %swap3A_689 = tpu.vector_load %arg9[%swap3A_687, %swap3A_688] {strides = array<i32>} : memref<16x768xf32, #tpu.memory_space<vmem>>, vector<1x16xf32>,
      %swap3A_690 = vector.shape_cast %swap3A_689 : vector<1x16xf32> to vector<16xf32>
      %swap3A_691 = vector.shape_cast %add3A_686 : vector<16xf32> to vector<1x16xf32>
      tpu.vector_store %arg9[%swap3A_687, %swap3A_688], %swap3A_691 {strides = array<i32>} : memref<16x768xf32, #tpu.memory_space<vmem>>, vector<1x16xf32>,
      %get3A_692 = arith.index_cast %scan3A_159 : i32 to index
      %get3A_693 = arith.constant 608 : index
      %get3A_694 = tpu.vector_load %arg9[%get3A_692, %get3A_693] {strides = array<i32>} : memref<16x768xf32, #tpu.memory_space<vmem>>, vector<1x16xf32>,
      %get3A_695 = vector.shape_cast %get3A_694 : vector<1x16xf32> to vector<16xf32>
      %get3A_696 = arith.index_cast %scan3A_159 : i32 to index
      %get3A_697 = arith.constant 608 : index
      %get3A_698 = tpu.vector_load %arg10[%get3A_696, %get3A_697] {strides = array<i32>} : memref<16x768xf32, #tpu.memory_space<vmem>>, vector<1x16xf32>,
      %get3A_699 = vector.shape_cast %get3A_698 : vector<1x16xf32> to vector<16xf32>
      %add3A_700 = arith.addf %get3A_695, %get3A_699 : vector<16xf32>
      %swap3A_701 = arith.index_cast %scan3A_159 : i32 to index
      %swap3A_702 = arith.constant 608 : index
      %swap3A_703 = tpu.vector_load %arg9[%swap3A_701, %swap3A_702] {strides = array<i32>} : memref<16x768xf32, #tpu.memory_space<vmem>>, vector<1x16xf32>,
      %swap3A_704 = vector.shape_cast %swap3A_703 : vector<1x16xf32> to vector<16xf32>
      %swap3A_705 = vector.shape_cast %add3A_700 : vector<16xf32> to vector<1x16xf32>
      tpu.vector_store %arg9[%swap3A_701, %swap3A_702], %swap3A_705 {strides = array<i32>} : memref<16x768xf32, #tpu.memory_space<vmem>>, vector<1x16xf32>,
      %get3A_706 = arith.index_cast %scan3A_159 : i32 to index
      %get3A_707 = arith.constant 624 : index
      %get3A_708 = tpu.vector_load %arg9[%get3A_706, %get3A_707] {strides = array<i32>} : memref<16x768xf32, #tpu.memory_space<vmem>>, vector<1x16xf32>,
      %get3A_709 = vector.shape_cast %get3A_708 : vector<1x16xf32> to vector<16xf32>
      %get3A_710 = arith.index_cast %scan3A_159 : i32 to index
      %get3A_711 = arith.constant 624 : index
      %get3A_712 = tpu.vector_load %arg10[%get3A_710, %get3A_711] {strides = array<i32>} : memref<16x768xf32, #tpu.memory_space<vmem>>, vector<1x16xf32>,
      %get3A_713 = vector.shape_cast %get3A_712 : vector<1x16xf32> to vector<16xf32>
      %add3A_714 = arith.addf %get3A_709, %get3A_713 : vector<16xf32>
      %swap3A_715 = arith.index_cast %scan3A_159 : i32 to index
      %swap3A_716 = arith.constant 624 : index
      %swap3A_717 = tpu.vector_load %arg9[%swap3A_715, %swap3A_716] {strides = array<i32>} : memref<16x768xf32, #tpu.memory_space<vmem>>, vector<1x16xf32>,
      %swap3A_718 = vector.shape_cast %swap3A_717 : vector<1x16xf32> to vector<16xf32>
      %swap3A_719 = vector.shape_cast %add3A_714 : vector<16xf32> to vector<1x16xf32>
      tpu.vector_store %arg9[%swap3A_715, %swap3A_716], %swap3A_719 {strides = array<i32>} : memref<16x768xf32, #tpu.memory_space<vmem>>, vector<1x16xf32>,
      %get3A_720 = arith.index_cast %scan3A_159 : i32 to index
      %get3A_721 = arith.constant 640 : index
      %get3A_722 = tpu.vector_load %arg9[%get3A_720, %get3A_721] {strides = array<i32>} : memref<16x768xf32, #tpu.memory_space<vmem>>, vector<1x16xf32>,
      %get3A_723 = vector.shape_cast %get3A_722 : vector<1x16xf32> to vector<16xf32>
      %get3A_724 = arith.index_cast %scan3A_159 : i32 to index
      %get3A_725 = arith.constant 640 : index
      %get3A_726 = tpu.vector_load %arg10[%get3A_724, %get3A_725] {strides = array<i32>} : memref<16x768xf32, #tpu.memory_space<vmem>>, vector<1x16xf32>,
      %get3A_727 = vector.shape_cast %get3A_726 : vector<1x16xf32> to vector<16xf32>
      %add3A_728 = arith.addf %get3A_723, %get3A_727 : vector<16xf32>
      %swap3A_729 = arith.index_cast %scan3A_159 : i32 to index
      %swap3A_730 = arith.constant 640 : index
      %swap3A_731 = tpu.vector_load %arg9[%swap3A_729, %swap3A_730] {strides = array<i32>} : memref<16x768xf32, #tpu.memory_space<vmem>>, vector<1x16xf32>,
      %swap3A_732 = vector.shape_cast %swap3A_731 : vector<1x16xf32> to vector<16xf32>
      %swap3A_733 = vector.shape_cast %add3A_728 : vector<16xf32> to vector<1x16xf32>
      tpu.vector_store %arg9[%swap3A_729, %swap3A_730], %swap3A_733 {strides = array<i32>} : memref<16x768xf32, #tpu.memory_space<vmem>>, vector<1x16xf32>,
      %get3A_734 = arith.index_cast %scan3A_159 : i32 to index
      %get3A_735 = arith.constant 656 : index
      %get3A_736 = tpu.vector_load %arg9[%get3A_734, %get3A_735] {strides = array<i32>} : memref<16x768xf32, #tpu.memory_space<vmem>>, vector<1x16xf32>,
      %get3A_737 = vector.shape_cast %get3A_736 : vector<1x16xf32> to vector<16xf32>
      %get3A_738 = arith.index_cast %scan3A_159 : i32 to index
      %get3A_739 = arith.constant 656 : index
      %get3A_740 = tpu.vector_load %arg10[%get3A_738, %get3A_739] {strides = array<i32>} : memref<16x768xf32, #tpu.memory_space<vmem>>, vector<1x16xf32>,
      %get3A_741 = vector.shape_cast %get3A_740 : vector<1x16xf32> to vector<16xf32>
      %add3A_742 = arith.addf %get3A_737, %get3A_741 : vector<16xf32>
      %swap3A_743 = arith.index_cast %scan3A_159 : i32 to index
      %swap3A_744 = arith.constant 656 : index
      %swap3A_745 = tpu.vector_load %arg9[%swap3A_743, %swap3A_744] {strides = array<i32>} : memref<16x768xf32, #tpu.memory_space<vmem>>, vector<1x16xf32>,
      %swap3A_746 = vector.shape_cast %swap3A_745 : vector<1x16xf32> to vector<16xf32>
      %swap3A_747 = vector.shape_cast %add3A_742 : vector<16xf32> to vector<1x16xf32>
      tpu.vector_store %arg9[%swap3A_743, %swap3A_744], %swap3A_747 {strides = array<i32>} : memref<16x768xf32, #tpu.memory_space<vmem>>, vector<1x16xf32>,
      %get3A_748 = arith.index_cast %scan3A_159 : i32 to index
      %get3A_749 = arith.constant 672 : index
      %get3A_750 = tpu.vector_load %arg9[%get3A_748, %get3A_749] {strides = array<i32>} : memref<16x768xf32, #tpu.memory_space<vmem>>, vector<1x16xf32>,
      %get3A_751 = vector.shape_cast %get3A_750 : vector<1x16xf32> to vector<16xf32>
      %get3A_752 = arith.index_cast %scan3A_159 : i32 to index
      %get3A_753 = arith.constant 672 : index
      %get3A_754 = tpu.vector_load %arg10[%get3A_752, %get3A_753] {strides = array<i32>} : memref<16x768xf32, #tpu.memory_space<vmem>>, vector<1x16xf32>,
      %get3A_755 = vector.shape_cast %get3A_754 : vector<1x16xf32> to vector<16xf32>
      %add3A_756 = arith.addf %get3A_751, %get3A_755 : vector<16xf32>
      %swap3A_757 = arith.index_cast %scan3A_159 : i32 to index
      %swap3A_758 = arith.constant 672 : index
      %swap3A_759 = tpu.vector_load %arg9[%swap3A_757, %swap3A_758] {strides = array<i32>} : memref<16x768xf32, #tpu.memory_space<vmem>>, vector<1x16xf32>,
      %swap3A_760 = vector.shape_cast %swap3A_759 : vector<1x16xf32> to vector<16xf32>
      %swap3A_761 = vector.shape_cast %add3A_756 : vector<16xf32> to vector<1x16xf32>
      tpu.vector_store %arg9[%swap3A_757, %swap3A_758], %swap3A_761 {strides = array<i32>} : memref<16x768xf32, #tpu.memory_space<vmem>>, vector<1x16xf32>,
      %get3A_762 = arith.index_cast %scan3A_159 : i32 to index
      %get3A_763 = arith.constant 688 : index
      %get3A_764 = tpu.vector_load %arg9[%get3A_762, %get3A_763] {strides = array<i32>} : memref<16x768xf32, #tpu.memory_space<vmem>>, vector<1x16xf32>,
      %get3A_765 = vector.shape_cast %get3A_764 : vector<1x16xf32> to vector<16xf32>
      %get3A_766 = arith.index_cast %scan3A_159 : i32 to index
      %get3A_767 = arith.constant 688 : index
      %get3A_768 = tpu.vector_load %arg10[%get3A_766, %get3A_767] {strides = array<i32>} : memref<16x768xf32, #tpu.memory_space<vmem>>, vector<1x16xf32>,
      %get3A_769 = vector.shape_cast %get3A_768 : vector<1x16xf32> to vector<16xf32>
      %add3A_770 = arith.addf %get3A_765, %get3A_769 : vector<16xf32>
      %swap3A_771 = arith.index_cast %scan3A_159 : i32 to index
      %swap3A_772 = arith.constant 688 : index
      %swap3A_773 = tpu.vector_load %arg9[%swap3A_771, %swap3A_772] {strides = array<i32>} : memref<16x768xf32, #tpu.memory_space<vmem>>, vector<1x16xf32>,
      %swap3A_774 = vector.shape_cast %swap3A_773 : vector<1x16xf32> to vector<16xf32>
      %swap3A_775 = vector.shape_cast %add3A_770 : vector<16xf32> to vector<1x16xf32>
      tpu.vector_store %arg9[%swap3A_771, %swap3A_772], %swap3A_775 {strides = array<i32>} : memref<16x768xf32, #tpu.memory_space<vmem>>, vector<1x16xf32>,
      %get3A_776 = arith.index_cast %scan3A_159 : i32 to index
      %get3A_777 = arith.constant 704 : index
      %get3A_778 = tpu.vector_load %arg9[%get3A_776, %get3A_777] {strides = array<i32>} : memref<16x768xf32, #tpu.memory_space<vmem>>, vector<1x16xf32>,
      %get3A_779 = vector.shape_cast %get3A_778 : vector<1x16xf32> to vector<16xf32>
      %get3A_780 = arith.index_cast %scan3A_159 : i32 to index
      %get3A_781 = arith.constant 704 : index
      %get3A_782 = tpu.vector_load %arg10[%get3A_780, %get3A_781] {strides = array<i32>} : memref<16x768xf32, #tpu.memory_space<vmem>>, vector<1x16xf32>,
      %get3A_783 = vector.shape_cast %get3A_782 : vector<1x16xf32> to vector<16xf32>
      %add3A_784 = arith.addf %get3A_779, %get3A_783 : vector<16xf32>
      %swap3A_785 = arith.index_cast %scan3A_159 : i32 to index
      %swap3A_786 = arith.constant 704 : index
      %swap3A_787 = tpu.vector_load %arg9[%swap3A_785, %swap3A_786] {strides = array<i32>} : memref<16x768xf32, #tpu.memory_space<vmem>>, vector<1x16xf32>,
      %swap3A_788 = vector.shape_cast %swap3A_787 : vector<1x16xf32> to vector<16xf32>
      %swap3A_789 = vector.shape_cast %add3A_784 : vector<16xf32> to vector<1x16xf32>
      tpu.vector_store %arg9[%swap3A_785, %swap3A_786], %swap3A_789 {strides = array<i32>} : memref<16x768xf32, #tpu.memory_space<vmem>>, vector<1x16xf32>,
      %get3A_790 = arith.index_cast %scan3A_159 : i32 to index
      %get3A_791 = arith.constant 720 : index
      %get3A_792 = tpu.vector_load %arg9[%get3A_790, %get3A_791] {strides = array<i32>} : memref<16x768xf32, #tpu.memory_space<vmem>>, vector<1x16xf32>,
      %get3A_793 = vector.shape_cast %get3A_792 : vector<1x16xf32> to vector<16xf32>
      %get3A_794 = arith.index_cast %scan3A_159 : i32 to index
      %get3A_795 = arith.constant 720 : index
      %get3A_796 = tpu.vector_load %arg10[%get3A_794, %get3A_795] {strides = array<i32>} : memref<16x768xf32, #tpu.memory_space<vmem>>, vector<1x16xf32>,
      %get3A_797 = vector.shape_cast %get3A_796 : vector<1x16xf32> to vector<16xf32>
      %add3A_798 = arith.addf %get3A_793, %get3A_797 : vector<16xf32>
      %swap3A_799 = arith.index_cast %scan3A_159 : i32 to index
      %swap3A_800 = arith.constant 720 : index
      %swap3A_801 = tpu.vector_load %arg9[%swap3A_799, %swap3A_800] {strides = array<i32>} : memref<16x768xf32, #tpu.memory_space<vmem>>, vector<1x16xf32>,
      %swap3A_802 = vector.shape_cast %swap3A_801 : vector<1x16xf32> to vector<16xf32>
      %swap3A_803 = vector.shape_cast %add3A_798 : vector<16xf32> to vector<1x16xf32>
      tpu.vector_store %arg9[%swap3A_799, %swap3A_800], %swap3A_803 {strides = array<i32>} : memref<16x768xf32, #tpu.memory_space<vmem>>, vector<1x16xf32>,
      %get3A_804 = arith.index_cast %scan3A_159 : i32 to index
      %get3A_805 = arith.constant 736 : index
      %get3A_806 = tpu.vector_load %arg9[%get3A_804, %get3A_805] {strides = array<i32>} : memref<16x768xf32, #tpu.memory_space<vmem>>, vector<1x16xf32>,
      %get3A_807 = vector.shape_cast %get3A_806 : vector<1x16xf32> to vector<16xf32>
      %get3A_808 = arith.index_cast %scan3A_159 : i32 to index
      %get3A_809 = arith.constant 736 : index
      %get3A_810 = tpu.vector_load %arg10[%get3A_808, %get3A_809] {strides = array<i32>} : memref<16x768xf32, #tpu.memory_space<vmem>>, vector<1x16xf32>,
      %get3A_811 = vector.shape_cast %get3A_810 : vector<1x16xf32> to vector<16xf32>
      %add3A_812 = arith.addf %get3A_807, %get3A_811 : vector<16xf32>
      %swap3A_813 = arith.index_cast %scan3A_159 : i32 to index
      %swap3A_814 = arith.constant 736 : index
      %swap3A_815 = tpu.vector_load %arg9[%swap3A_813, %swap3A_814] {strides = array<i32>} : memref<16x768xf32, #tpu.memory_space<vmem>>, vector<1x16xf32>,
      %swap3A_816 = vector.shape_cast %swap3A_815 : vector<1x16xf32> to vector<16xf32>
      %swap3A_817 = vector.shape_cast %add3A_812 : vector<16xf32> to vector<1x16xf32>
      tpu.vector_store %arg9[%swap3A_813, %swap3A_814], %swap3A_817 {strides = array<i32>} : memref<16x768xf32, #tpu.memory_space<vmem>>, vector<1x16xf32>,
      %get3A_818 = arith.index_cast %scan3A_159 : i32 to index
      %get3A_819 = arith.constant 752 : index
      %get3A_820 = tpu.vector_load %arg9[%get3A_818, %get3A_819] {strides = array<i32>} : memref<16x768xf32, #tpu.memory_space<vmem>>, vector<1x16xf32>,
      %get3A_821 = vector.shape_cast %get3A_820 : vector<1x16xf32> to vector<16xf32>
      %get3A_822 = arith.index_cast %scan3A_159 : i32 to index
      %get3A_823 = arith.constant 752 : index
      %get3A_824 = tpu.vector_load %arg10[%get3A_822, %get3A_823] {strides = array<i32>} : memref<16x768xf32, #tpu.memory_space<vmem>>, vector<1x16xf32>,
      %get3A_825 = vector.shape_cast %get3A_824 : vector<1x16xf32> to vector<16xf32>
      %add3A_826 = arith.addf %get3A_821, %get3A_825 : vector<16xf32>
      %swap3A_827 = arith.index_cast %scan3A_159 : i32 to index
      %swap3A_828 = arith.constant 752 : index
      %swap3A_829 = tpu.vector_load %arg9[%swap3A_827, %swap3A_828] {strides = array<i32>} : memref<16x768xf32, #tpu.memory_space<vmem>>, vector<1x16xf32>,
      %swap3A_830 = vector.shape_cast %swap3A_829 : vector<1x16xf32> to vector<16xf32>
      %swap3A_831 = vector.shape_cast %add3A_826 : vector<16xf32> to vector<1x16xf32>
      tpu.vector_store %arg9[%swap3A_827, %swap3A_828], %swap3A_831 {strides = array<i32>} : memref<16x768xf32, #tpu.memory_space<vmem>>, vector<1x16xf32>,
      %scan3A_832 = arith.constant 0 : i32
      scf.yield %scan3A_832 : i32
    }
    %scan3A_90 = arith.constant 16 : i32
    %add3A_91 = arith.constant 16 : i32
    %add3A_92 = arith.addi %mul3A_2, %add3A_91 : i32
    %dma_start3A_93 = arith.constant 0 : i32
    %dma_start3A_94 = tpu.memref_slice %arg4[%add3A_92, %dma_start3A_93] : memref<2048x768xf32, #tpu.memory_space<hbm>> -> memref<16x768xf32, #tpu.memory_space<hbm>>
    %dma_start3A_95 = arith.constant 0 : i32
    %dma_start3A_96 = tpu.memref_slice %arg4[%add3A_92, %dma_start3A_95] : memref<2048x768xf32, #tpu.memory_space<hbm>> -> memref<16x768xf32, #tpu.memory_space<hbm>>
    tpu.enqueue_dma source(%arg9 : memref<16x768xf32, #tpu.memory_space<vmem>>) target(%dma_start3A_96 : memref<16x768xf32, #tpu.memory_space<hbm>>) target_semaphore(%arg14 : memref<!tpu.dma_semaphore, #tpu.memory_space<semaphore_mem>>)
    %dma_wait3A_97 = arith.constant 0 : i32
    %dma_wait3A_98 = arith.constant 0 : i32
    %dma_wait3A_99 = tpu.memref_slice %arg3[%dma_wait3A_97, %dma_wait3A_98] : memref<4608x768xf32, #tpu.memory_space<hbm>> -> memref<4608x768xf32, #tpu.memory_space<hbm>>
    tpu.wait_indirect_dma semaphore(%arg12 : memref<!tpu.dma_semaphore, #tpu.memory_space<semaphore_mem>>) src(%dma_wait3A_99 : memref<4608x768xf32, #tpu.memory_space<hbm>>) dst(%arg7 : memref<16x768xf32, #tpu.memory_space<vmem>>)
    %dma_wait3A_100 = arith.constant 0 : i32
    %dma_wait3A_101 = arith.constant 0 : i32
    %dma_wait3A_102 = tpu.memref_slice %arg3[%dma_wait3A_100, %dma_wait3A_101] : memref<4608x768xf32, #tpu.memory_space<hbm>> -> memref<4608x768xf32, #tpu.memory_space<hbm>>
    tpu.wait_indirect_dma semaphore(%arg12 : memref<!tpu.dma_semaphore, #tpu.memory_space<semaphore_mem>>) src(%dma_wait3A_102 : memref<4608x768xf32, #tpu.memory_space<hbm>>) dst(%arg8 : memref<16x768xf32, #tpu.memory_space<vmem>>)
    %dma_wait3A_103 = arith.constant 0 : i32
    %dma_wait3A_104 = tpu.memref_slice %arg4[%add3A_92, %dma_wait3A_103] : memref<2048x768xf32, #tpu.memory_space<hbm>> -> memref<16x768xf32, #tpu.memory_space<hbm>>
    %dma_wait3A_105 = arith.constant 0 : i32
    %dma_wait3A_106 = tpu.memref_slice %arg4[%add3A_92, %dma_wait3A_105] : memref<2048x768xf32, #tpu.memory_space<hbm>> -> memref<16x768xf32, #tpu.memory_space<hbm>>
    tpu.wait_dma2 semaphore(%arg14 : memref<!tpu.dma_semaphore, #tpu.memory_space<semaphore_mem>>) src(%arg9 : memref<16x768xf32, #tpu.memory_space<vmem>>) dst(%dma_wait3A_106 : memref<16x768xf32, #tpu.memory_space<hbm>>)
    %get3A_107 = arith.constant 48 : index
    %get3A_108 = tpu.vector_load %arg5[%get3A_107] {strides = array<i32>} : memref<64xi32, #tpu.memory_space<vmem>>, vector<16xi32>,
    %get3A_109 = vector.shape_cast %get3A_108 : vector<16xi32> to vector<16xi32>
    %dma_start3A_110 = arith.constant 0 : i32
    %dma_start3A_111 = arith.constant 0 : i32
    %dma_start3A_112 = tpu.memref_slice %arg3[%dma_start3A_110, %dma_start3A_111] : memref<4608x768xf32, #tpu.memory_space<hbm>> -> memref<4608x768xf32, #tpu.memory_space<hbm>>
    tpu.enqueue_indirect_dma source(%dma_start3A_112 : memref<4608x768xf32, #tpu.memory_space<hbm>>) target(%arg9 : memref<16x768xf32, #tpu.memory_space<vmem>>) offsets(%get3A_109 : vector<16xi32>) semaphore(%arg13 : memref<!tpu.dma_semaphore, #tpu.memory_space<semaphore_mem>>)
    %get3A_113 = arith.constant 48 : index
    %get3A_114 = tpu.vector_load %arg6[%get3A_113] {strides = array<i32>} : memref<64xi32, #tpu.memory_space<vmem>>, vector<16xi32>,
    %get3A_115 = vector.shape_cast %get3A_114 : vector<16xi32> to vector<16xi32>
    %dma_start3A_116 = arith.constant 0 : i32
    %dma_start3A_117 = arith.constant 0 : i32
    %dma_start3A_118 = tpu.memref_slice %arg3[%dma_start3A_116, %dma_start3A_117] : memref<4608x768xf32, #tpu.memory_space<hbm>> -> memref<4608x768xf32, #tpu.memory_space<hbm>>
    tpu.enqueue_indirect_dma source(%dma_start3A_118 : memref<4608x768xf32, #tpu.memory_space<hbm>>) target(%arg10 : memref<16x768xf32, #tpu.memory_space<vmem>>) offsets(%get3A_115 : vector<16xi32>) semaphore(%arg13 : memref<!tpu.dma_semaphore, #tpu.memory_space<semaphore_mem>>)
    %scan3A_119 = arith.constant 0 : i32
    %scan3A_120 = arith.constant 0 : i32
    %scan3A_121 = arith.constant 16 : i32
    %scan3A_122 = arith.addi %scan3A_120, %scan3A_121 : i32
    %scan3A_123 = arith.constant 1 : i32
    %scan3A_124 = scf.for %scan3A_159 = %scan3A_120 to %scan3A_122 step %scan3A_123 iter_args(%scan3A_160 = %scan3A_119) -> (i32)  : i32 {
      %get3A_161 = arith.index_cast %scan3A_159 : i32 to index
      %get3A_162 = arith.constant 0 : index
      %get3A_163 = tpu.vector_load %arg7[%get3A_161, %get3A_162] {strides = array<i32>} : memref<16x768xf32, #tpu.memory_space<vmem>>, vector<1x16xf32>,
      %get3A_164 = vector.shape_cast %get3A_163 : vector<1x16xf32> to vector<16xf32>
      %get3A_165 = arith.index_cast %scan3A_159 : i32 to index
      %get3A_166 = arith.constant 0 : index
      %get3A_167 = tpu.vector_load %arg8[%get3A_165, %get3A_166] {strides = array<i32>} : memref<16x768xf32, #tpu.memory_space<vmem>>, vector<1x16xf32>,
      %get3A_168 = vector.shape_cast %get3A_167 : vector<1x16xf32> to vector<16xf32>
      %add3A_169 = arith.addf %get3A_164, %get3A_168 : vector<16xf32>
      %swap3A = arith.index_cast %scan3A_159 : i32 to index
      %swap3A_170 = arith.constant 0 : index
      %swap3A_171 = tpu.vector_load %arg7[%swap3A, %swap3A_170] {strides = array<i32>} : memref<16x768xf32, #tpu.memory_space<vmem>>, vector<1x16xf32>,
      %swap3A_172 = vector.shape_cast %swap3A_171 : vector<1x16xf32> to vector<16xf32>
      %swap3A_173 = vector.shape_cast %add3A_169 : vector<16xf32> to vector<1x16xf32>
      tpu.vector_store %arg7[%swap3A, %swap3A_170], %swap3A_173 {strides = array<i32>} : memref<16x768xf32, #tpu.memory_space<vmem>>, vector<1x16xf32>,
      %get3A_174 = arith.index_cast %scan3A_159 : i32 to index
      %get3A_175 = arith.constant 16 : index
      %get3A_176 = tpu.vector_load %arg7[%get3A_174, %get3A_175] {strides = array<i32>} : memref<16x768xf32, #tpu.memory_space<vmem>>, vector<1x16xf32>,
      %get3A_177 = vector.shape_cast %get3A_176 : vector<1x16xf32> to vector<16xf32>
      %get3A_178 = arith.index_cast %scan3A_159 : i32 to index
      %get3A_179 = arith.constant 16 : index
      %get3A_180 = tpu.vector_load %arg8[%get3A_178, %get3A_179] {strides = array<i32>} : memref<16x768xf32, #tpu.memory_space<vmem>>, vector<1x16xf32>,
      %get3A_181 = vector.shape_cast %get3A_180 : vector<1x16xf32> to vector<16xf32>
      %add3A_182 = arith.addf %get3A_177, %get3A_181 : vector<16xf32>
      %swap3A_183 = arith.index_cast %scan3A_159 : i32 to index
      %swap3A_184 = arith.constant 16 : index
      %swap3A_185 = tpu.vector_load %arg7[%swap3A_183, %swap3A_184] {strides = array<i32>} : memref<16x768xf32, #tpu.memory_space<vmem>>, vector<1x16xf32>,
      %swap3A_186 = vector.shape_cast %swap3A_185 : vector<1x16xf32> to vector<16xf32>
      %swap3A_187 = vector.shape_cast %add3A_182 : vector<16xf32> to vector<1x16xf32>
      tpu.vector_store %arg7[%swap3A_183, %swap3A_184], %swap3A_187 {strides = array<i32>} : memref<16x768xf32, #tpu.memory_space<vmem>>, vector<1x16xf32>,
      %get3A_188 = arith.index_cast %scan3A_159 : i32 to index
      %get3A_189 = arith.constant 32 : index
      %get3A_190 = tpu.vector_load %arg7[%get3A_188, %get3A_189] {strides = array<i32>} : memref<16x768xf32, #tpu.memory_space<vmem>>, vector<1x16xf32>,
      %get3A_191 = vector.shape_cast %get3A_190 : vector<1x16xf32> to vector<16xf32>
      %get3A_192 = arith.index_cast %scan3A_159 : i32 to index
      %get3A_193 = arith.constant 32 : index
      %get3A_194 = tpu.vector_load %arg8[%get3A_192, %get3A_193] {strides = array<i32>} : memref<16x768xf32, #tpu.memory_space<vmem>>, vector<1x16xf32>,
      %get3A_195 = vector.shape_cast %get3A_194 : vector<1x16xf32> to vector<16xf32>
      %add3A_196 = arith.addf %get3A_191, %get3A_195 : vector<16xf32>
      %swap3A_197 = arith.index_cast %scan3A_159 : i32 to index
      %swap3A_198 = arith.constant 32 : index
      %swap3A_199 = tpu.vector_load %arg7[%swap3A_197, %swap3A_198] {strides = array<i32>} : memref<16x768xf32, #tpu.memory_space<vmem>>, vector<1x16xf32>,
      %swap3A_200 = vector.shape_cast %swap3A_199 : vector<1x16xf32> to vector<16xf32>
      %swap3A_201 = vector.shape_cast %add3A_196 : vector<16xf32> to vector<1x16xf32>
      tpu.vector_store %arg7[%swap3A_197, %swap3A_198], %swap3A_201 {strides = array<i32>} : memref<16x768xf32, #tpu.memory_space<vmem>>, vector<1x16xf32>,
      %get3A_202 = arith.index_cast %scan3A_159 : i32 to index
      %get3A_203 = arith.constant 48 : index
      %get3A_204 = tpu.vector_load %arg7[%get3A_202, %get3A_203] {strides = array<i32>} : memref<16x768xf32, #tpu.memory_space<vmem>>, vector<1x16xf32>,
      %get3A_205 = vector.shape_cast %get3A_204 : vector<1x16xf32> to vector<16xf32>
      %get3A_206 = arith.index_cast %scan3A_159 : i32 to index
      %get3A_207 = arith.constant 48 : index
      %get3A_208 = tpu.vector_load %arg8[%get3A_206, %get3A_207] {strides = array<i32>} : memref<16x768xf32, #tpu.memory_space<vmem>>, vector<1x16xf32>,
      %get3A_209 = vector.shape_cast %get3A_208 : vector<1x16xf32> to vector<16xf32>
      %add3A_210 = arith.addf %get3A_205, %get3A_209 : vector<16xf32>
      %swap3A_211 = arith.index_cast %scan3A_159 : i32 to index
      %swap3A_212 = arith.constant 48 : index
      %swap3A_213 = tpu.vector_load %arg7[%swap3A_211, %swap3A_212] {strides = array<i32>} : memref<16x768xf32, #tpu.memory_space<vmem>>, vector<1x16xf32>,
      %swap3A_214 = vector.shape_cast %swap3A_213 : vector<1x16xf32> to vector<16xf32>
      %swap3A_215 = vector.shape_cast %add3A_210 : vector<16xf32> to vector<1x16xf32>
      tpu.vector_store %arg7[%swap3A_211, %swap3A_212], %swap3A_215 {strides = array<i32>} : memref<16x768xf32, #tpu.memory_space<vmem>>, vector<1x16xf32>,
      %get3A_216 = arith.index_cast %scan3A_159 : i32 to index
      %get3A_217 = arith.constant 64 : index
      %get3A_218 = tpu.vector_load %arg7[%get3A_216, %get3A_217] {strides = array<i32>} : memref<16x768xf32, #tpu.memory_space<vmem>>, vector<1x16xf32>,
      %get3A_219 = vector.shape_cast %get3A_218 : vector<1x16xf32> to vector<16xf32>
      %get3A_220 = arith.index_cast %scan3A_159 : i32 to index
      %get3A_221 = arith.constant 64 : index
      %get3A_222 = tpu.vector_load %arg8[%get3A_220, %get3A_221] {strides = array<i32>} : memref<16x768xf32, #tpu.memory_space<vmem>>, vector<1x16xf32>,
      %get3A_223 = vector.shape_cast %get3A_222 : vector<1x16xf32> to vector<16xf32>
      %add3A_224 = arith.addf %get3A_219, %get3A_223 : vector<16xf32>
      %swap3A_225 = arith.index_cast %scan3A_159 : i32 to index
      %swap3A_226 = arith.constant 64 : index
      %swap3A_227 = tpu.vector_load %arg7[%swap3A_225, %swap3A_226] {strides = array<i32>} : memref<16x768xf32, #tpu.memory_space<vmem>>, vector<1x16xf32>,
      %swap3A_228 = vector.shape_cast %swap3A_227 : vector<1x16xf32> to vector<16xf32>
      %swap3A_229 = vector.shape_cast %add3A_224 : vector<16xf32> to vector<1x16xf32>
      tpu.vector_store %arg7[%swap3A_225, %swap3A_226], %swap3A_229 {strides = array<i32>} : memref<16x768xf32, #tpu.memory_space<vmem>>, vector<1x16xf32>,
      %get3A_230 = arith.index_cast %scan3A_159 : i32 to index
      %get3A_231 = arith.constant 80 : index
      %get3A_232 = tpu.vector_load %arg7[%get3A_230, %get3A_231] {strides = array<i32>} : memref<16x768xf32, #tpu.memory_space<vmem>>, vector<1x16xf32>,
      %get3A_233 = vector.shape_cast %get3A_232 : vector<1x16xf32> to vector<16xf32>
      %get3A_234 = arith.index_cast %scan3A_159 : i32 to index
      %get3A_235 = arith.constant 80 : index
      %get3A_236 = tpu.vector_load %arg8[%get3A_234, %get3A_235] {strides = array<i32>} : memref<16x768xf32, #tpu.memory_space<vmem>>, vector<1x16xf32>,
      %get3A_237 = vector.shape_cast %get3A_236 : vector<1x16xf32> to vector<16xf32>
      %add3A_238 = arith.addf %get3A_233, %get3A_237 : vector<16xf32>
      %swap3A_239 = arith.index_cast %scan3A_159 : i32 to index
      %swap3A_240 = arith.constant 80 : index
      %swap3A_241 = tpu.vector_load %arg7[%swap3A_239, %swap3A_240] {strides = array<i32>} : memref<16x768xf32, #tpu.memory_space<vmem>>, vector<1x16xf32>,
      %swap3A_242 = vector.shape_cast %swap3A_241 : vector<1x16xf32> to vector<16xf32>
      %swap3A_243 = vector.shape_cast %add3A_238 : vector<16xf32> to vector<1x16xf32>
      tpu.vector_store %arg7[%swap3A_239, %swap3A_240], %swap3A_243 {strides = array<i32>} : memref<16x768xf32, #tpu.memory_space<vmem>>, vector<1x16xf32>,
      %get3A_244 = arith.index_cast %scan3A_159 : i32 to index
      %get3A_245 = arith.constant 96 : index
      %get3A_246 = tpu.vector_load %arg7[%get3A_244, %get3A_245] {strides = array<i32>} : memref<16x768xf32, #tpu.memory_space<vmem>>, vector<1x16xf32>,
      %get3A_247 = vector.shape_cast %get3A_246 : vector<1x16xf32> to vector<16xf32>
      %get3A_248 = arith.index_cast %scan3A_159 : i32 to index
      %get3A_249 = arith.constant 96 : index
      %get3A_250 = tpu.vector_load %arg8[%get3A_248, %get3A_249] {strides = array<i32>} : memref<16x768xf32, #tpu.memory_space<vmem>>, vector<1x16xf32>,
      %get3A_251 = vector.shape_cast %get3A_250 : vector<1x16xf32> to vector<16xf32>
      %add3A_252 = arith.addf %get3A_247, %get3A_251 : vector<16xf32>
      %swap3A_253 = arith.index_cast %scan3A_159 : i32 to index
      %swap3A_254 = arith.constant 96 : index
      %swap3A_255 = tpu.vector_load %arg7[%swap3A_253, %swap3A_254] {strides = array<i32>} : memref<16x768xf32, #tpu.memory_space<vmem>>, vector<1x16xf32>,
      %swap3A_256 = vector.shape_cast %swap3A_255 : vector<1x16xf32> to vector<16xf32>
      %swap3A_257 = vector.shape_cast %add3A_252 : vector<16xf32> to vector<1x16xf32>
      tpu.vector_store %arg7[%swap3A_253, %swap3A_254], %swap3A_257 {strides = array<i32>} : memref<16x768xf32, #tpu.memory_space<vmem>>, vector<1x16xf32>,
      %get3A_258 = arith.index_cast %scan3A_159 : i32 to index
      %get3A_259 = arith.constant 112 : index
      %get3A_260 = tpu.vector_load %arg7[%get3A_258, %get3A_259] {strides = array<i32>} : memref<16x768xf32, #tpu.memory_space<vmem>>, vector<1x16xf32>,
      %get3A_261 = vector.shape_cast %get3A_260 : vector<1x16xf32> to vector<16xf32>
      %get3A_262 = arith.index_cast %scan3A_159 : i32 to index
      %get3A_263 = arith.constant 112 : index
      %get3A_264 = tpu.vector_load %arg8[%get3A_262, %get3A_263] {strides = array<i32>} : memref<16x768xf32, #tpu.memory_space<vmem>>, vector<1x16xf32>,
      %get3A_265 = vector.shape_cast %get3A_264 : vector<1x16xf32> to vector<16xf32>
      %add3A_266 = arith.addf %get3A_261, %get3A_265 : vector<16xf32>
      %swap3A_267 = arith.index_cast %scan3A_159 : i32 to index
      %swap3A_268 = arith.constant 112 : index
      %swap3A_269 = tpu.vector_load %arg7[%swap3A_267, %swap3A_268] {strides = array<i32>} : memref<16x768xf32, #tpu.memory_space<vmem>>, vector<1x16xf32>,
      %swap3A_270 = vector.shape_cast %swap3A_269 : vector<1x16xf32> to vector<16xf32>
      %swap3A_271 = vector.shape_cast %add3A_266 : vector<16xf32> to vector<1x16xf32>
      tpu.vector_store %arg7[%swap3A_267, %swap3A_268], %swap3A_271 {strides = array<i32>} : memref<16x768xf32, #tpu.memory_space<vmem>>, vector<1x16xf32>,
      %get3A_272 = arith.index_cast %scan3A_159 : i32 to index
      %get3A_273 = arith.constant 128 : index
      %get3A_274 = tpu.vector_load %arg7[%get3A_272, %get3A_273] {strides = array<i32>} : memref<16x768xf32, #tpu.memory_space<vmem>>, vector<1x16xf32>,
      %get3A_275 = vector.shape_cast %get3A_274 : vector<1x16xf32> to vector<16xf32>
      %get3A_276 = arith.index_cast %scan3A_159 : i32 to index
      %get3A_277 = arith.constant 128 : index
      %get3A_278 = tpu.vector_load %arg8[%get3A_276, %get3A_277] {strides = array<i32>} : memref<16x768xf32, #tpu.memory_space<vmem>>, vector<1x16xf32>,
      %get3A_279 = vector.shape_cast %get3A_278 : vector<1x16xf32> to vector<16xf32>
      %add3A_280 = arith.addf %get3A_275, %get3A_279 : vector<16xf32>
      %swap3A_281 = arith.index_cast %scan3A_159 : i32 to index
      %swap3A_282 = arith.constant 128 : index
      %swap3A_283 = tpu.vector_load %arg7[%swap3A_281, %swap3A_282] {strides = array<i32>} : memref<16x768xf32, #tpu.memory_space<vmem>>, vector<1x16xf32>,
      %swap3A_284 = vector.shape_cast %swap3A_283 : vector<1x16xf32> to vector<16xf32>
      %swap3A_285 = vector.shape_cast %add3A_280 : vector<16xf32> to vector<1x16xf32>
      tpu.vector_store %arg7[%swap3A_281, %swap3A_282], %swap3A_285 {strides = array<i32>} : memref<16x768xf32, #tpu.memory_space<vmem>>, vector<1x16xf32>,
      %get3A_286 = arith.index_cast %scan3A_159 : i32 to index
      %get3A_287 = arith.constant 144 : index
      %get3A_288 = tpu.vector_load %arg7[%get3A_286, %get3A_287] {strides = array<i32>} : memref<16x768xf32, #tpu.memory_space<vmem>>, vector<1x16xf32>,
      %get3A_289 = vector.shape_cast %get3A_288 : vector<1x16xf32> to vector<16xf32>
      %get3A_290 = arith.index_cast %scan3A_159 : i32 to index
      %get3A_291 = arith.constant 144 : index
      %get3A_292 = tpu.vector_load %arg8[%get3A_290, %get3A_291] {strides = array<i32>} : memref<16x768xf32, #tpu.memory_space<vmem>>, vector<1x16xf32>,
      %get3A_293 = vector.shape_cast %get3A_292 : vector<1x16xf32> to vector<16xf32>
      %add3A_294 = arith.addf %get3A_289, %get3A_293 : vector<16xf32>
      %swap3A_295 = arith.index_cast %scan3A_159 : i32 to index
      %swap3A_296 = arith.constant 144 : index
      %swap3A_297 = tpu.vector_load %arg7[%swap3A_295, %swap3A_296] {strides = array<i32>} : memref<16x768xf32, #tpu.memory_space<vmem>>, vector<1x16xf32>,
      %swap3A_298 = vector.shape_cast %swap3A_297 : vector<1x16xf32> to vector<16xf32>
      %swap3A_299 = vector.shape_cast %add3A_294 : vector<16xf32> to vector<1x16xf32>
      tpu.vector_store %arg7[%swap3A_295, %swap3A_296], %swap3A_299 {strides = array<i32>} : memref<16x768xf32, #tpu.memory_space<vmem>>, vector<1x16xf32>,
      %get3A_300 = arith.index_cast %scan3A_159 : i32 to index
      %get3A_301 = arith.constant 160 : index
      %get3A_302 = tpu.vector_load %arg7[%get3A_300, %get3A_301] {strides = array<i32>} : memref<16x768xf32, #tpu.memory_space<vmem>>, vector<1x16xf32>,
      %get3A_303 = vector.shape_cast %get3A_302 : vector<1x16xf32> to vector<16xf32>
      %get3A_304 = arith.index_cast %scan3A_159 : i32 to index
      %get3A_305 = arith.constant 160 : index
      %get3A_306 = tpu.vector_load %arg8[%get3A_304, %get3A_305] {strides = array<i32>} : memref<16x768xf32, #tpu.memory_space<vmem>>, vector<1x16xf32>,
      %get3A_307 = vector.shape_cast %get3A_306 : vector<1x16xf32> to vector<16xf32>
      %add3A_308 = arith.addf %get3A_303, %get3A_307 : vector<16xf32>
      %swap3A_309 = arith.index_cast %scan3A_159 : i32 to index
      %swap3A_310 = arith.constant 160 : index
      %swap3A_311 = tpu.vector_load %arg7[%swap3A_309, %swap3A_310] {strides = array<i32>} : memref<16x768xf32, #tpu.memory_space<vmem>>, vector<1x16xf32>,
      %swap3A_312 = vector.shape_cast %swap3A_311 : vector<1x16xf32> to vector<16xf32>
      %swap3A_313 = vector.shape_cast %add3A_308 : vector<16xf32> to vector<1x16xf32>
      tpu.vector_store %arg7[%swap3A_309, %swap3A_310], %swap3A_313 {strides = array<i32>} : memref<16x768xf32, #tpu.memory_space<vmem>>, vector<1x16xf32>,
      %get3A_314 = arith.index_cast %scan3A_159 : i32 to index
      %get3A_315 = arith.constant 176 : index
      %get3A_316 = tpu.vector_load %arg7[%get3A_314, %get3A_315] {strides = array<i32>} : memref<16x768xf32, #tpu.memory_space<vmem>>, vector<1x16xf32>,
      %get3A_317 = vector.shape_cast %get3A_316 : vector<1x16xf32> to vector<16xf32>
      %get3A_318 = arith.index_cast %scan3A_159 : i32 to index
      %get3A_319 = arith.constant 176 : index
      %get3A_320 = tpu.vector_load %arg8[%get3A_318, %get3A_319] {strides = array<i32>} : memref<16x768xf32, #tpu.memory_space<vmem>>, vector<1x16xf32>,
      %get3A_321 = vector.shape_cast %get3A_320 : vector<1x16xf32> to vector<16xf32>
      %add3A_322 = arith.addf %get3A_317, %get3A_321 : vector<16xf32>
      %swap3A_323 = arith.index_cast %scan3A_159 : i32 to index
      %swap3A_324 = arith.constant 176 : index
      %swap3A_325 = tpu.vector_load %arg7[%swap3A_323, %swap3A_324] {strides = array<i32>} : memref<16x768xf32, #tpu.memory_space<vmem>>, vector<1x16xf32>,
      %swap3A_326 = vector.shape_cast %swap3A_325 : vector<1x16xf32> to vector<16xf32>
      %swap3A_327 = vector.shape_cast %add3A_322 : vector<16xf32> to vector<1x16xf32>
      tpu.vector_store %arg7[%swap3A_323, %swap3A_324], %swap3A_327 {strides = array<i32>} : memref<16x768xf32, #tpu.memory_space<vmem>>, vector<1x16xf32>,
      %get3A_328 = arith.index_cast %scan3A_159 : i32 to index
      %get3A_329 = arith.constant 192 : index
      %get3A_330 = tpu.vector_load %arg7[%get3A_328, %get3A_329] {strides = array<i32>} : memref<16x768xf32, #tpu.memory_space<vmem>>, vector<1x16xf32>,
      %get3A_331 = vector.shape_cast %get3A_330 : vector<1x16xf32> to vector<16xf32>
      %get3A_332 = arith.index_cast %scan3A_159 : i32 to index
      %get3A_333 = arith.constant 192 : index
      %get3A_334 = tpu.vector_load %arg8[%get3A_332, %get3A_333] {strides = array<i32>} : memref<16x768xf32, #tpu.memory_space<vmem>>, vector<1x16xf32>,
      %get3A_335 = vector.shape_cast %get3A_334 : vector<1x16xf32> to vector<16xf32>
      %add3A_336 = arith.addf %get3A_331, %get3A_335 : vector<16xf32>
      %swap3A_337 = arith.index_cast %scan3A_159 : i32 to index
      %swap3A_338 = arith.constant 192 : index
      %swap3A_339 = tpu.vector_load %arg7[%swap3A_337, %swap3A_338] {strides = array<i32>} : memref<16x768xf32, #tpu.memory_space<vmem>>, vector<1x16xf32>,
      %swap3A_340 = vector.shape_cast %swap3A_339 : vector<1x16xf32> to vector<16xf32>
      %swap3A_341 = vector.shape_cast %add3A_336 : vector<16xf32> to vector<1x16xf32>
      tpu.vector_store %arg7[%swap3A_337, %swap3A_338], %swap3A_341 {strides = array<i32>} : memref<16x768xf32, #tpu.memory_space<vmem>>, vector<1x16xf32>,
      %get3A_342 = arith.index_cast %scan3A_159 : i32 to index
      %get3A_343 = arith.constant 208 : index
      %get3A_344 = tpu.vector_load %arg7[%get3A_342, %get3A_343] {strides = array<i32>} : memref<16x768xf32, #tpu.memory_space<vmem>>, vector<1x16xf32>,
      %get3A_345 = vector.shape_cast %get3A_344 : vector<1x16xf32> to vector<16xf32>
      %get3A_346 = arith.index_cast %scan3A_159 : i32 to index
      %get3A_347 = arith.constant 208 : index
      %get3A_348 = tpu.vector_load %arg8[%get3A_346, %get3A_347] {strides = array<i32>} : memref<16x768xf32, #tpu.memory_space<vmem>>, vector<1x16xf32>,
      %get3A_349 = vector.shape_cast %get3A_348 : vector<1x16xf32> to vector<16xf32>
      %add3A_350 = arith.addf %get3A_345, %get3A_349 : vector<16xf32>
      %swap3A_351 = arith.index_cast %scan3A_159 : i32 to index
      %swap3A_352 = arith.constant 208 : index
      %swap3A_353 = tpu.vector_load %arg7[%swap3A_351, %swap3A_352] {strides = array<i32>} : memref<16x768xf32, #tpu.memory_space<vmem>>, vector<1x16xf32>,
      %swap3A_354 = vector.shape_cast %swap3A_353 : vector<1x16xf32> to vector<16xf32>
      %swap3A_355 = vector.shape_cast %add3A_350 : vector<16xf32> to vector<1x16xf32>
      tpu.vector_store %arg7[%swap3A_351, %swap3A_352], %swap3A_355 {strides = array<i32>} : memref<16x768xf32, #tpu.memory_space<vmem>>, vector<1x16xf32>,
      %get3A_356 = arith.index_cast %scan3A_159 : i32 to index
      %get3A_357 = arith.constant 224 : index
      %get3A_358 = tpu.vector_load %arg7[%get3A_356, %get3A_357] {strides = array<i32>} : memref<16x768xf32, #tpu.memory_space<vmem>>, vector<1x16xf32>,
      %get3A_359 = vector.shape_cast %get3A_358 : vector<1x16xf32> to vector<16xf32>
      %get3A_360 = arith.index_cast %scan3A_159 : i32 to index
      %get3A_361 = arith.constant 224 : index
      %get3A_362 = tpu.vector_load %arg8[%get3A_360, %get3A_361] {strides = array<i32>} : memref<16x768xf32, #tpu.memory_space<vmem>>, vector<1x16xf32>,
      %get3A_363 = vector.shape_cast %get3A_362 : vector<1x16xf32> to vector<16xf32>
      %add3A_364 = arith.addf %get3A_359, %get3A_363 : vector<16xf32>
      %swap3A_365 = arith.index_cast %scan3A_159 : i32 to index
      %swap3A_366 = arith.constant 224 : index
      %swap3A_367 = tpu.vector_load %arg7[%swap3A_365, %swap3A_366] {strides = array<i32>} : memref<16x768xf32, #tpu.memory_space<vmem>>, vector<1x16xf32>,
      %swap3A_368 = vector.shape_cast %swap3A_367 : vector<1x16xf32> to vector<16xf32>
      %swap3A_369 = vector.shape_cast %add3A_364 : vector<16xf32> to vector<1x16xf32>
      tpu.vector_store %arg7[%swap3A_365, %swap3A_366], %swap3A_369 {strides = array<i32>} : memref<16x768xf32, #tpu.memory_space<vmem>>, vector<1x16xf32>,
      %get3A_370 = arith.index_cast %scan3A_159 : i32 to index
      %get3A_371 = arith.constant 240 : index
      %get3A_372 = tpu.vector_load %arg7[%get3A_370, %get3A_371] {strides = array<i32>} : memref<16x768xf32, #tpu.memory_space<vmem>>, vector<1x16xf32>,
      %get3A_373 = vector.shape_cast %get3A_372 : vector<1x16xf32> to vector<16xf32>
      %get3A_374 = arith.index_cast %scan3A_159 : i32 to index
      %get3A_375 = arith.constant 240 : index
      %get3A_376 = tpu.vector_load %arg8[%get3A_374, %get3A_375] {strides = array<i32>} : memref<16x768xf32, #tpu.memory_space<vmem>>, vector<1x16xf32>,
      %get3A_377 = vector.shape_cast %get3A_376 : vector<1x16xf32> to vector<16xf32>
      %add3A_378 = arith.addf %get3A_373, %get3A_377 : vector<16xf32>
      %swap3A_379 = arith.index_cast %scan3A_159 : i32 to index
      %swap3A_380 = arith.constant 240 : index
      %swap3A_381 = tpu.vector_load %arg7[%swap3A_379, %swap3A_380] {strides = array<i32>} : memref<16x768xf32, #tpu.memory_space<vmem>>, vector<1x16xf32>,
      %swap3A_382 = vector.shape_cast %swap3A_381 : vector<1x16xf32> to vector<16xf32>
      %swap3A_383 = vector.shape_cast %add3A_378 : vector<16xf32> to vector<1x16xf32>
      tpu.vector_store %arg7[%swap3A_379, %swap3A_380], %swap3A_383 {strides = array<i32>} : memref<16x768xf32, #tpu.memory_space<vmem>>, vector<1x16xf32>,
      %get3A_384 = arith.index_cast %scan3A_159 : i32 to index
      %get3A_385 = arith.constant 256 : index
      %get3A_386 = tpu.vector_load %arg7[%get3A_384, %get3A_385] {strides = array<i32>} : memref<16x768xf32, #tpu.memory_space<vmem>>, vector<1x16xf32>,
      %get3A_387 = vector.shape_cast %get3A_386 : vector<1x16xf32> to vector<16xf32>
      %get3A_388 = arith.index_cast %scan3A_159 : i32 to index
      %get3A_389 = arith.constant 256 : index
      %get3A_390 = tpu.vector_load %arg8[%get3A_388, %get3A_389] {strides = array<i32>} : memref<16x768xf32, #tpu.memory_space<vmem>>, vector<1x16xf32>,
      %get3A_391 = vector.shape_cast %get3A_390 : vector<1x16xf32> to vector<16xf32>
      %add3A_392 = arith.addf %get3A_387, %get3A_391 : vector<16xf32>
      %swap3A_393 = arith.index_cast %scan3A_159 : i32 to index
      %swap3A_394 = arith.constant 256 : index
      %swap3A_395 = tpu.vector_load %arg7[%swap3A_393, %swap3A_394] {strides = array<i32>} : memref<16x768xf32, #tpu.memory_space<vmem>>, vector<1x16xf32>,
      %swap3A_396 = vector.shape_cast %swap3A_395 : vector<1x16xf32> to vector<16xf32>
      %swap3A_397 = vector.shape_cast %add3A_392 : vector<16xf32> to vector<1x16xf32>
      tpu.vector_store %arg7[%swap3A_393, %swap3A_394], %swap3A_397 {strides = array<i32>} : memref<16x768xf32, #tpu.memory_space<vmem>>, vector<1x16xf32>,
      %get3A_398 = arith.index_cast %scan3A_159 : i32 to index
      %get3A_399 = arith.constant 272 : index
      %get3A_400 = tpu.vector_load %arg7[%get3A_398, %get3A_399] {strides = array<i32>} : memref<16x768xf32, #tpu.memory_space<vmem>>, vector<1x16xf32>,
      %get3A_401 = vector.shape_cast %get3A_400 : vector<1x16xf32> to vector<16xf32>
      %get3A_402 = arith.index_cast %scan3A_159 : i32 to index
      %get3A_403 = arith.constant 272 : index
      %get3A_404 = tpu.vector_load %arg8[%get3A_402, %get3A_403] {strides = array<i32>} : memref<16x768xf32, #tpu.memory_space<vmem>>, vector<1x16xf32>,
      %get3A_405 = vector.shape_cast %get3A_404 : vector<1x16xf32> to vector<16xf32>
      %add3A_406 = arith.addf %get3A_401, %get3A_405 : vector<16xf32>
      %swap3A_407 = arith.index_cast %scan3A_159 : i32 to index
      %swap3A_408 = arith.constant 272 : index
      %swap3A_409 = tpu.vector_load %arg7[%swap3A_407, %swap3A_408] {strides = array<i32>} : memref<16x768xf32, #tpu.memory_space<vmem>>, vector<1x16xf32>,
      %swap3A_410 = vector.shape_cast %swap3A_409 : vector<1x16xf32> to vector<16xf32>
      %swap3A_411 = vector.shape_cast %add3A_406 : vector<16xf32> to vector<1x16xf32>
      tpu.vector_store %arg7[%swap3A_407, %swap3A_408], %swap3A_411 {strides = array<i32>} : memref<16x768xf32, #tpu.memory_space<vmem>>, vector<1x16xf32>,
      %get3A_412 = arith.index_cast %scan3A_159 : i32 to index
      %get3A_413 = arith.constant 288 : index
      %get3A_414 = tpu.vector_load %arg7[%get3A_412, %get3A_413] {strides = array<i32>} : memref<16x768xf32, #tpu.memory_space<vmem>>, vector<1x16xf32>,
      %get3A_415 = vector.shape_cast %get3A_414 : vector<1x16xf32> to vector<16xf32>
      %get3A_416 = arith.index_cast %scan3A_159 : i32 to index
      %get3A_417 = arith.constant 288 : index
      %get3A_418 = tpu.vector_load %arg8[%get3A_416, %get3A_417] {strides = array<i32>} : memref<16x768xf32, #tpu.memory_space<vmem>>, vector<1x16xf32>,
      %get3A_419 = vector.shape_cast %get3A_418 : vector<1x16xf32> to vector<16xf32>
      %add3A_420 = arith.addf %get3A_415, %get3A_419 : vector<16xf32>
      %swap3A_421 = arith.index_cast %scan3A_159 : i32 to index
      %swap3A_422 = arith.constant 288 : index
      %swap3A_423 = tpu.vector_load %arg7[%swap3A_421, %swap3A_422] {strides = array<i32>} : memref<16x768xf32, #tpu.memory_space<vmem>>, vector<1x16xf32>,
      %swap3A_424 = vector.shape_cast %swap3A_423 : vector<1x16xf32> to vector<16xf32>
      %swap3A_425 = vector.shape_cast %add3A_420 : vector<16xf32> to vector<1x16xf32>
      tpu.vector_store %arg7[%swap3A_421, %swap3A_422], %swap3A_425 {strides = array<i32>} : memref<16x768xf32, #tpu.memory_space<vmem>>, vector<1x16xf32>,
      %get3A_426 = arith.index_cast %scan3A_159 : i32 to index
      %get3A_427 = arith.constant 304 : index
      %get3A_428 = tpu.vector_load %arg7[%get3A_426, %get3A_427] {strides = array<i32>} : memref<16x768xf32, #tpu.memory_space<vmem>>, vector<1x16xf32>,
      %get3A_429 = vector.shape_cast %get3A_428 : vector<1x16xf32> to vector<16xf32>
      %get3A_430 = arith.index_cast %scan3A_159 : i32 to index
      %get3A_431 = arith.constant 304 : index
      %get3A_432 = tpu.vector_load %arg8[%get3A_430, %get3A_431] {strides = array<i32>} : memref<16x768xf32, #tpu.memory_space<vmem>>, vector<1x16xf32>,
      %get3A_433 = vector.shape_cast %get3A_432 : vector<1x16xf32> to vector<16xf32>
      %add3A_434 = arith.addf %get3A_429, %get3A_433 : vector<16xf32>
      %swap3A_435 = arith.index_cast %scan3A_159 : i32 to index
      %swap3A_436 = arith.constant 304 : index
      %swap3A_437 = tpu.vector_load %arg7[%swap3A_435, %swap3A_436] {strides = array<i32>} : memref<16x768xf32, #tpu.memory_space<vmem>>, vector<1x16xf32>,
      %swap3A_438 = vector.shape_cast %swap3A_437 : vector<1x16xf32> to vector<16xf32>
      %swap3A_439 = vector.shape_cast %add3A_434 : vector<16xf32> to vector<1x16xf32>
      tpu.vector_store %arg7[%swap3A_435, %swap3A_436], %swap3A_439 {strides = array<i32>} : memref<16x768xf32, #tpu.memory_space<vmem>>, vector<1x16xf32>,
      %get3A_440 = arith.index_cast %scan3A_159 : i32 to index
      %get3A_441 = arith.constant 320 : index
      %get3A_442 = tpu.vector_load %arg7[%get3A_440, %get3A_441] {strides = array<i32>} : memref<16x768xf32, #tpu.memory_space<vmem>>, vector<1x16xf32>,
      %get3A_443 = vector.shape_cast %get3A_442 : vector<1x16xf32> to vector<16xf32>
      %get3A_444 = arith.index_cast %scan3A_159 : i32 to index
      %get3A_445 = arith.constant 320 : index
      %get3A_446 = tpu.vector_load %arg8[%get3A_444, %get3A_445] {strides = array<i32>} : memref<16x768xf32, #tpu.memory_space<vmem>>, vector<1x16xf32>,
      %get3A_447 = vector.shape_cast %get3A_446 : vector<1x16xf32> to vector<16xf32>
      %add3A_448 = arith.addf %get3A_443, %get3A_447 : vector<16xf32>
      %swap3A_449 = arith.index_cast %scan3A_159 : i32 to index
      %swap3A_450 = arith.constant 320 : index
      %swap3A_451 = tpu.vector_load %arg7[%swap3A_449, %swap3A_450] {strides = array<i32>} : memref<16x768xf32, #tpu.memory_space<vmem>>, vector<1x16xf32>,
      %swap3A_452 = vector.shape_cast %swap3A_451 : vector<1x16xf32> to vector<16xf32>
      %swap3A_453 = vector.shape_cast %add3A_448 : vector<16xf32> to vector<1x16xf32>
      tpu.vector_store %arg7[%swap3A_449, %swap3A_450], %swap3A_453 {strides = array<i32>} : memref<16x768xf32, #tpu.memory_space<vmem>>, vector<1x16xf32>,
      %get3A_454 = arith.index_cast %scan3A_159 : i32 to index
      %get3A_455 = arith.constant 336 : index
      %get3A_456 = tpu.vector_load %arg7[%get3A_454, %get3A_455] {strides = array<i32>} : memref<16x768xf32, #tpu.memory_space<vmem>>, vector<1x16xf32>,
      %get3A_457 = vector.shape_cast %get3A_456 : vector<1x16xf32> to vector<16xf32>
      %get3A_458 = arith.index_cast %scan3A_159 : i32 to index
      %get3A_459 = arith.constant 336 : index
      %get3A_460 = tpu.vector_load %arg8[%get3A_458, %get3A_459] {strides = array<i32>} : memref<16x768xf32, #tpu.memory_space<vmem>>, vector<1x16xf32>,
      %get3A_461 = vector.shape_cast %get3A_460 : vector<1x16xf32> to vector<16xf32>
      %add3A_462 = arith.addf %get3A_457, %get3A_461 : vector<16xf32>
      %swap3A_463 = arith.index_cast %scan3A_159 : i32 to index
      %swap3A_464 = arith.constant 336 : index
      %swap3A_465 = tpu.vector_load %arg7[%swap3A_463, %swap3A_464] {strides = array<i32>} : memref<16x768xf32, #tpu.memory_space<vmem>>, vector<1x16xf32>,
      %swap3A_466 = vector.shape_cast %swap3A_465 : vector<1x16xf32> to vector<16xf32>
      %swap3A_467 = vector.shape_cast %add3A_462 : vector<16xf32> to vector<1x16xf32>
      tpu.vector_store %arg7[%swap3A_463, %swap3A_464], %swap3A_467 {strides = array<i32>} : memref<16x768xf32, #tpu.memory_space<vmem>>, vector<1x16xf32>,
      %get3A_468 = arith.index_cast %scan3A_159 : i32 to index
      %get3A_469 = arith.constant 352 : index
      %get3A_470 = tpu.vector_load %arg7[%get3A_468, %get3A_469] {strides = array<i32>} : memref<16x768xf32, #tpu.memory_space<vmem>>, vector<1x16xf32>,
      %get3A_471 = vector.shape_cast %get3A_470 : vector<1x16xf32> to vector<16xf32>
      %get3A_472 = arith.index_cast %scan3A_159 : i32 to index
      %get3A_473 = arith.constant 352 : index
      %get3A_474 = tpu.vector_load %arg8[%get3A_472, %get3A_473] {strides = array<i32>} : memref<16x768xf32, #tpu.memory_space<vmem>>, vector<1x16xf32>,
      %get3A_475 = vector.shape_cast %get3A_474 : vector<1x16xf32> to vector<16xf32>
      %add3A_476 = arith.addf %get3A_471, %get3A_475 : vector<16xf32>
      %swap3A_477 = arith.index_cast %scan3A_159 : i32 to index
      %swap3A_478 = arith.constant 352 : index
      %swap3A_479 = tpu.vector_load %arg7[%swap3A_477, %swap3A_478] {strides = array<i32>} : memref<16x768xf32, #tpu.memory_space<vmem>>, vector<1x16xf32>,
      %swap3A_480 = vector.shape_cast %swap3A_479 : vector<1x16xf32> to vector<16xf32>
      %swap3A_481 = vector.shape_cast %add3A_476 : vector<16xf32> to vector<1x16xf32>
      tpu.vector_store %arg7[%swap3A_477, %swap3A_478], %swap3A_481 {strides = array<i32>} : memref<16x768xf32, #tpu.memory_space<vmem>>, vector<1x16xf32>,
      %get3A_482 = arith.index_cast %scan3A_159 : i32 to index
      %get3A_483 = arith.constant 368 : index
      %get3A_484 = tpu.vector_load %arg7[%get3A_482, %get3A_483] {strides = array<i32>} : memref<16x768xf32, #tpu.memory_space<vmem>>, vector<1x16xf32>,
      %get3A_485 = vector.shape_cast %get3A_484 : vector<1x16xf32> to vector<16xf32>
      %get3A_486 = arith.index_cast %scan3A_159 : i32 to index
      %get3A_487 = arith.constant 368 : index
      %get3A_488 = tpu.vector_load %arg8[%get3A_486, %get3A_487] {strides = array<i32>} : memref<16x768xf32, #tpu.memory_space<vmem>>, vector<1x16xf32>,
      %get3A_489 = vector.shape_cast %get3A_488 : vector<1x16xf32> to vector<16xf32>
      %add3A_490 = arith.addf %get3A_485, %get3A_489 : vector<16xf32>
      %swap3A_491 = arith.index_cast %scan3A_159 : i32 to index
      %swap3A_492 = arith.constant 368 : index
      %swap3A_493 = tpu.vector_load %arg7[%swap3A_491, %swap3A_492] {strides = array<i32>} : memref<16x768xf32, #tpu.memory_space<vmem>>, vector<1x16xf32>,
      %swap3A_494 = vector.shape_cast %swap3A_493 : vector<1x16xf32> to vector<16xf32>
      %swap3A_495 = vector.shape_cast %add3A_490 : vector<16xf32> to vector<1x16xf32>
      tpu.vector_store %arg7[%swap3A_491, %swap3A_492], %swap3A_495 {strides = array<i32>} : memref<16x768xf32, #tpu.memory_space<vmem>>, vector<1x16xf32>,
      %get3A_496 = arith.index_cast %scan3A_159 : i32 to index
      %get3A_497 = arith.constant 384 : index
      %get3A_498 = tpu.vector_load %arg7[%get3A_496, %get3A_497] {strides = array<i32>} : memref<16x768xf32, #tpu.memory_space<vmem>>, vector<1x16xf32>,
      %get3A_499 = vector.shape_cast %get3A_498 : vector<1x16xf32> to vector<16xf32>
      %get3A_500 = arith.index_cast %scan3A_159 : i32 to index
      %get3A_501 = arith.constant 384 : index
      %get3A_502 = tpu.vector_load %arg8[%get3A_500, %get3A_501] {strides = array<i32>} : memref<16x768xf32, #tpu.memory_space<vmem>>, vector<1x16xf32>,
      %get3A_503 = vector.shape_cast %get3A_502 : vector<1x16xf32> to vector<16xf32>
      %add3A_504 = arith.addf %get3A_499, %get3A_503 : vector<16xf32>
      %swap3A_505 = arith.index_cast %scan3A_159 : i32 to index
      %swap3A_506 = arith.constant 384 : index
      %swap3A_507 = tpu.vector_load %arg7[%swap3A_505, %swap3A_506] {strides = array<i32>} : memref<16x768xf32, #tpu.memory_space<vmem>>, vector<1x16xf32>,
      %swap3A_508 = vector.shape_cast %swap3A_507 : vector<1x16xf32> to vector<16xf32>
      %swap3A_509 = vector.shape_cast %add3A_504 : vector<16xf32> to vector<1x16xf32>
      tpu.vector_store %arg7[%swap3A_505, %swap3A_506], %swap3A_509 {strides = array<i32>} : memref<16x768xf32, #tpu.memory_space<vmem>>, vector<1x16xf32>,
      %get3A_510 = arith.index_cast %scan3A_159 : i32 to index
      %get3A_511 = arith.constant 400 : index
      %get3A_512 = tpu.vector_load %arg7[%get3A_510, %get3A_511] {strides = array<i32>} : memref<16x768xf32, #tpu.memory_space<vmem>>, vector<1x16xf32>,
      %get3A_513 = vector.shape_cast %get3A_512 : vector<1x16xf32> to vector<16xf32>
      %get3A_514 = arith.index_cast %scan3A_159 : i32 to index
      %get3A_515 = arith.constant 400 : index
      %get3A_516 = tpu.vector_load %arg8[%get3A_514, %get3A_515] {strides = array<i32>} : memref<16x768xf32, #tpu.memory_space<vmem>>, vector<1x16xf32>,
      %get3A_517 = vector.shape_cast %get3A_516 : vector<1x16xf32> to vector<16xf32>
      %add3A_518 = arith.addf %get3A_513, %get3A_517 : vector<16xf32>
      %swap3A_519 = arith.index_cast %scan3A_159 : i32 to index
      %swap3A_520 = arith.constant 400 : index
      %swap3A_521 = tpu.vector_load %arg7[%swap3A_519, %swap3A_520] {strides = array<i32>} : memref<16x768xf32, #tpu.memory_space<vmem>>, vector<1x16xf32>,
      %swap3A_522 = vector.shape_cast %swap3A_521 : vector<1x16xf32> to vector<16xf32>
      %swap3A_523 = vector.shape_cast %add3A_518 : vector<16xf32> to vector<1x16xf32>
      tpu.vector_store %arg7[%swap3A_519, %swap3A_520], %swap3A_523 {strides = array<i32>} : memref<16x768xf32, #tpu.memory_space<vmem>>, vector<1x16xf32>,
      %get3A_524 = arith.index_cast %scan3A_159 : i32 to index
      %get3A_525 = arith.constant 416 : index
      %get3A_526 = tpu.vector_load %arg7[%get3A_524, %get3A_525] {strides = array<i32>} : memref<16x768xf32, #tpu.memory_space<vmem>>, vector<1x16xf32>,
      %get3A_527 = vector.shape_cast %get3A_526 : vector<1x16xf32> to vector<16xf32>
      %get3A_528 = arith.index_cast %scan3A_159 : i32 to index
      %get3A_529 = arith.constant 416 : index
      %get3A_530 = tpu.vector_load %arg8[%get3A_528, %get3A_529] {strides = array<i32>} : memref<16x768xf32, #tpu.memory_space<vmem>>, vector<1x16xf32>,
      %get3A_531 = vector.shape_cast %get3A_530 : vector<1x16xf32> to vector<16xf32>
      %add3A_532 = arith.addf %get3A_527, %get3A_531 : vector<16xf32>
      %swap3A_533 = arith.index_cast %scan3A_159 : i32 to index
      %swap3A_534 = arith.constant 416 : index
      %swap3A_535 = tpu.vector_load %arg7[%swap3A_533, %swap3A_534] {strides = array<i32>} : memref<16x768xf32, #tpu.memory_space<vmem>>, vector<1x16xf32>,
      %swap3A_536 = vector.shape_cast %swap3A_535 : vector<1x16xf32> to vector<16xf32>
      %swap3A_537 = vector.shape_cast %add3A_532 : vector<16xf32> to vector<1x16xf32>
      tpu.vector_store %arg7[%swap3A_533, %swap3A_534], %swap3A_537 {strides = array<i32>} : memref<16x768xf32, #tpu.memory_space<vmem>>, vector<1x16xf32>,
      %get3A_538 = arith.index_cast %scan3A_159 : i32 to index
      %get3A_539 = arith.constant 432 : index
      %get3A_540 = tpu.vector_load %arg7[%get3A_538, %get3A_539] {strides = array<i32>} : memref<16x768xf32, #tpu.memory_space<vmem>>, vector<1x16xf32>,
      %get3A_541 = vector.shape_cast %get3A_540 : vector<1x16xf32> to vector<16xf32>
      %get3A_542 = arith.index_cast %scan3A_159 : i32 to index
      %get3A_543 = arith.constant 432 : index
      %get3A_544 = tpu.vector_load %arg8[%get3A_542, %get3A_543] {strides = array<i32>} : memref<16x768xf32, #tpu.memory_space<vmem>>, vector<1x16xf32>,
      %get3A_545 = vector.shape_cast %get3A_544 : vector<1x16xf32> to vector<16xf32>
      %add3A_546 = arith.addf %get3A_541, %get3A_545 : vector<16xf32>
      %swap3A_547 = arith.index_cast %scan3A_159 : i32 to index
      %swap3A_548 = arith.constant 432 : index
      %swap3A_549 = tpu.vector_load %arg7[%swap3A_547, %swap3A_548] {strides = array<i32>} : memref<16x768xf32, #tpu.memory_space<vmem>>, vector<1x16xf32>,
      %swap3A_550 = vector.shape_cast %swap3A_549 : vector<1x16xf32> to vector<16xf32>
      %swap3A_551 = vector.shape_cast %add3A_546 : vector<16xf32> to vector<1x16xf32>
      tpu.vector_store %arg7[%swap3A_547, %swap3A_548], %swap3A_551 {strides = array<i32>} : memref<16x768xf32, #tpu.memory_space<vmem>>, vector<1x16xf32>,
      %get3A_552 = arith.index_cast %scan3A_159 : i32 to index
      %get3A_553 = arith.constant 448 : index
      %get3A_554 = tpu.vector_load %arg7[%get3A_552, %get3A_553] {strides = array<i32>} : memref<16x768xf32, #tpu.memory_space<vmem>>, vector<1x16xf32>,
      %get3A_555 = vector.shape_cast %get3A_554 : vector<1x16xf32> to vector<16xf32>
      %get3A_556 = arith.index_cast %scan3A_159 : i32 to index
      %get3A_557 = arith.constant 448 : index
      %get3A_558 = tpu.vector_load %arg8[%get3A_556, %get3A_557] {strides = array<i32>} : memref<16x768xf32, #tpu.memory_space<vmem>>, vector<1x16xf32>,
      %get3A_559 = vector.shape_cast %get3A_558 : vector<1x16xf32> to vector<16xf32>
      %add3A_560 = arith.addf %get3A_555, %get3A_559 : vector<16xf32>
      %swap3A_561 = arith.index_cast %scan3A_159 : i32 to index
      %swap3A_562 = arith.constant 448 : index
      %swap3A_563 = tpu.vector_load %arg7[%swap3A_561, %swap3A_562] {strides = array<i32>} : memref<16x768xf32, #tpu.memory_space<vmem>>, vector<1x16xf32>,
      %swap3A_564 = vector.shape_cast %swap3A_563 : vector<1x16xf32> to vector<16xf32>
      %swap3A_565 = vector.shape_cast %add3A_560 : vector<16xf32> to vector<1x16xf32>
      tpu.vector_store %arg7[%swap3A_561, %swap3A_562], %swap3A_565 {strides = array<i32>} : memref<16x768xf32, #tpu.memory_space<vmem>>, vector<1x16xf32>,
      %get3A_566 = arith.index_cast %scan3A_159 : i32 to index
      %get3A_567 = arith.constant 464 : index
      %get3A_568 = tpu.vector_load %arg7[%get3A_566, %get3A_567] {strides = array<i32>} : memref<16x768xf32, #tpu.memory_space<vmem>>, vector<1x16xf32>,
      %get3A_569 = vector.shape_cast %get3A_568 : vector<1x16xf32> to vector<16xf32>
      %get3A_570 = arith.index_cast %scan3A_159 : i32 to index
      %get3A_571 = arith.constant 464 : index
      %get3A_572 = tpu.vector_load %arg8[%get3A_570, %get3A_571] {strides = array<i32>} : memref<16x768xf32, #tpu.memory_space<vmem>>, vector<1x16xf32>,
      %get3A_573 = vector.shape_cast %get3A_572 : vector<1x16xf32> to vector<16xf32>
      %add3A_574 = arith.addf %get3A_569, %get3A_573 : vector<16xf32>
      %swap3A_575 = arith.index_cast %scan3A_159 : i32 to index
      %swap3A_576 = arith.constant 464 : index
      %swap3A_577 = tpu.vector_load %arg7[%swap3A_575, %swap3A_576] {strides = array<i32>} : memref<16x768xf32, #tpu.memory_space<vmem>>, vector<1x16xf32>,
      %swap3A_578 = vector.shape_cast %swap3A_577 : vector<1x16xf32> to vector<16xf32>
      %swap3A_579 = vector.shape_cast %add3A_574 : vector<16xf32> to vector<1x16xf32>
      tpu.vector_store %arg7[%swap3A_575, %swap3A_576], %swap3A_579 {strides = array<i32>} : memref<16x768xf32, #tpu.memory_space<vmem>>, vector<1x16xf32>,
      %get3A_580 = arith.index_cast %scan3A_159 : i32 to index
      %get3A_581 = arith.constant 480 : index
      %get3A_582 = tpu.vector_load %arg7[%get3A_580, %get3A_581] {strides = array<i32>} : memref<16x768xf32, #tpu.memory_space<vmem>>, vector<1x16xf32>,
      %get3A_583 = vector.shape_cast %get3A_582 : vector<1x16xf32> to vector<16xf32>
      %get3A_584 = arith.index_cast %scan3A_159 : i32 to index
      %get3A_585 = arith.constant 480 : index
      %get3A_586 = tpu.vector_load %arg8[%get3A_584, %get3A_585] {strides = array<i32>} : memref<16x768xf32, #tpu.memory_space<vmem>>, vector<1x16xf32>,
      %get3A_587 = vector.shape_cast %get3A_586 : vector<1x16xf32> to vector<16xf32>
      %add3A_588 = arith.addf %get3A_583, %get3A_587 : vector<16xf32>
      %swap3A_589 = arith.index_cast %scan3A_159 : i32 to index
      %swap3A_590 = arith.constant 480 : index
      %swap3A_591 = tpu.vector_load %arg7[%swap3A_589, %swap3A_590] {strides = array<i32>} : memref<16x768xf32, #tpu.memory_space<vmem>>, vector<1x16xf32>,
      %swap3A_592 = vector.shape_cast %swap3A_591 : vector<1x16xf32> to vector<16xf32>
      %swap3A_593 = vector.shape_cast %add3A_588 : vector<16xf32> to vector<1x16xf32>
      tpu.vector_store %arg7[%swap3A_589, %swap3A_590], %swap3A_593 {strides = array<i32>} : memref<16x768xf32, #tpu.memory_space<vmem>>, vector<1x16xf32>,
      %get3A_594 = arith.index_cast %scan3A_159 : i32 to index
      %get3A_595 = arith.constant 496 : index
      %get3A_596 = tpu.vector_load %arg7[%get3A_594, %get3A_595] {strides = array<i32>} : memref<16x768xf32, #tpu.memory_space<vmem>>, vector<1x16xf32>,
      %get3A_597 = vector.shape_cast %get3A_596 : vector<1x16xf32> to vector<16xf32>
      %get3A_598 = arith.index_cast %scan3A_159 : i32 to index
      %get3A_599 = arith.constant 496 : index
      %get3A_600 = tpu.vector_load %arg8[%get3A_598, %get3A_599] {strides = array<i32>} : memref<16x768xf32, #tpu.memory_space<vmem>>, vector<1x16xf32>,
      %get3A_601 = vector.shape_cast %get3A_600 : vector<1x16xf32> to vector<16xf32>
      %add3A_602 = arith.addf %get3A_597, %get3A_601 : vector<16xf32>
      %swap3A_603 = arith.index_cast %scan3A_159 : i32 to index
      %swap3A_604 = arith.constant 496 : index
      %swap3A_605 = tpu.vector_load %arg7[%swap3A_603, %swap3A_604] {strides = array<i32>} : memref<16x768xf32, #tpu.memory_space<vmem>>, vector<1x16xf32>,
      %swap3A_606 = vector.shape_cast %swap3A_605 : vector<1x16xf32> to vector<16xf32>
      %swap3A_607 = vector.shape_cast %add3A_602 : vector<16xf32> to vector<1x16xf32>
      tpu.vector_store %arg7[%swap3A_603, %swap3A_604], %swap3A_607 {strides = array<i32>} : memref<16x768xf32, #tpu.memory_space<vmem>>, vector<1x16xf32>,
      %get3A_608 = arith.index_cast %scan3A_159 : i32 to index
      %get3A_609 = arith.constant 512 : index
      %get3A_610 = tpu.vector_load %arg7[%get3A_608, %get3A_609] {strides = array<i32>} : memref<16x768xf32, #tpu.memory_space<vmem>>, vector<1x16xf32>,
      %get3A_611 = vector.shape_cast %get3A_610 : vector<1x16xf32> to vector<16xf32>
      %get3A_612 = arith.index_cast %scan3A_159 : i32 to index
      %get3A_613 = arith.constant 512 : index
      %get3A_614 = tpu.vector_load %arg8[%get3A_612, %get3A_613] {strides = array<i32>} : memref<16x768xf32, #tpu.memory_space<vmem>>, vector<1x16xf32>,
      %get3A_615 = vector.shape_cast %get3A_614 : vector<1x16xf32> to vector<16xf32>
      %add3A_616 = arith.addf %get3A_611, %get3A_615 : vector<16xf32>
      %swap3A_617 = arith.index_cast %scan3A_159 : i32 to index
      %swap3A_618 = arith.constant 512 : index
      %swap3A_619 = tpu.vector_load %arg7[%swap3A_617, %swap3A_618] {strides = array<i32>} : memref<16x768xf32, #tpu.memory_space<vmem>>, vector<1x16xf32>,
      %swap3A_620 = vector.shape_cast %swap3A_619 : vector<1x16xf32> to vector<16xf32>
      %swap3A_621 = vector.shape_cast %add3A_616 : vector<16xf32> to vector<1x16xf32>
      tpu.vector_store %arg7[%swap3A_617, %swap3A_618], %swap3A_621 {strides = array<i32>} : memref<16x768xf32, #tpu.memory_space<vmem>>, vector<1x16xf32>,
      %get3A_622 = arith.index_cast %scan3A_159 : i32 to index
      %get3A_623 = arith.constant 528 : index
      %get3A_624 = tpu.vector_load %arg7[%get3A_622, %get3A_623] {strides = array<i32>} : memref<16x768xf32, #tpu.memory_space<vmem>>, vector<1x16xf32>,
      %get3A_625 = vector.shape_cast %get3A_624 : vector<1x16xf32> to vector<16xf32>
      %get3A_626 = arith.index_cast %scan3A_159 : i32 to index
      %get3A_627 = arith.constant 528 : index
      %get3A_628 = tpu.vector_load %arg8[%get3A_626, %get3A_627] {strides = array<i32>} : memref<16x768xf32, #tpu.memory_space<vmem>>, vector<1x16xf32>,
      %get3A_629 = vector.shape_cast %get3A_628 : vector<1x16xf32> to vector<16xf32>
      %add3A_630 = arith.addf %get3A_625, %get3A_629 : vector<16xf32>
      %swap3A_631 = arith.index_cast %scan3A_159 : i32 to index
      %swap3A_632 = arith.constant 528 : index
      %swap3A_633 = tpu.vector_load %arg7[%swap3A_631, %swap3A_632] {strides = array<i32>} : memref<16x768xf32, #tpu.memory_space<vmem>>, vector<1x16xf32>,
      %swap3A_634 = vector.shape_cast %swap3A_633 : vector<1x16xf32> to vector<16xf32>
      %swap3A_635 = vector.shape_cast %add3A_630 : vector<16xf32> to vector<1x16xf32>
      tpu.vector_store %arg7[%swap3A_631, %swap3A_632], %swap3A_635 {strides = array<i32>} : memref<16x768xf32, #tpu.memory_space<vmem>>, vector<1x16xf32>,
      %get3A_636 = arith.index_cast %scan3A_159 : i32 to index
      %get3A_637 = arith.constant 544 : index
      %get3A_638 = tpu.vector_load %arg7[%get3A_636, %get3A_637] {strides = array<i32>} : memref<16x768xf32, #tpu.memory_space<vmem>>, vector<1x16xf32>,
      %get3A_639 = vector.shape_cast %get3A_638 : vector<1x16xf32> to vector<16xf32>
      %get3A_640 = arith.index_cast %scan3A_159 : i32 to index
      %get3A_641 = arith.constant 544 : index
      %get3A_642 = tpu.vector_load %arg8[%get3A_640, %get3A_641] {strides = array<i32>} : memref<16x768xf32, #tpu.memory_space<vmem>>, vector<1x16xf32>,
      %get3A_643 = vector.shape_cast %get3A_642 : vector<1x16xf32> to vector<16xf32>
      %add3A_644 = arith.addf %get3A_639, %get3A_643 : vector<16xf32>
      %swap3A_645 = arith.index_cast %scan3A_159 : i32 to index
      %swap3A_646 = arith.constant 544 : index
      %swap3A_647 = tpu.vector_load %arg7[%swap3A_645, %swap3A_646] {strides = array<i32>} : memref<16x768xf32, #tpu.memory_space<vmem>>, vector<1x16xf32>,
      %swap3A_648 = vector.shape_cast %swap3A_647 : vector<1x16xf32> to vector<16xf32>
      %swap3A_649 = vector.shape_cast %add3A_644 : vector<16xf32> to vector<1x16xf32>
      tpu.vector_store %arg7[%swap3A_645, %swap3A_646], %swap3A_649 {strides = array<i32>} : memref<16x768xf32, #tpu.memory_space<vmem>>, vector<1x16xf32>,
      %get3A_650 = arith.index_cast %scan3A_159 : i32 to index
      %get3A_651 = arith.constant 560 : index
      %get3A_652 = tpu.vector_load %arg7[%get3A_650, %get3A_651] {strides = array<i32>} : memref<16x768xf32, #tpu.memory_space<vmem>>, vector<1x16xf32>,
      %get3A_653 = vector.shape_cast %get3A_652 : vector<1x16xf32> to vector<16xf32>
      %get3A_654 = arith.index_cast %scan3A_159 : i32 to index
      %get3A_655 = arith.constant 560 : index
      %get3A_656 = tpu.vector_load %arg8[%get3A_654, %get3A_655] {strides = array<i32>} : memref<16x768xf32, #tpu.memory_space<vmem>>, vector<1x16xf32>,
      %get3A_657 = vector.shape_cast %get3A_656 : vector<1x16xf32> to vector<16xf32>
      %add3A_658 = arith.addf %get3A_653, %get3A_657 : vector<16xf32>
      %swap3A_659 = arith.index_cast %scan3A_159 : i32 to index
      %swap3A_660 = arith.constant 560 : index
      %swap3A_661 = tpu.vector_load %arg7[%swap3A_659, %swap3A_660] {strides = array<i32>} : memref<16x768xf32, #tpu.memory_space<vmem>>, vector<1x16xf32>,
      %swap3A_662 = vector.shape_cast %swap3A_661 : vector<1x16xf32> to vector<16xf32>
      %swap3A_663 = vector.shape_cast %add3A_658 : vector<16xf32> to vector<1x16xf32>
      tpu.vector_store %arg7[%swap3A_659, %swap3A_660], %swap3A_663 {strides = array<i32>} : memref<16x768xf32, #tpu.memory_space<vmem>>, vector<1x16xf32>,
      %get3A_664 = arith.index_cast %scan3A_159 : i32 to index
      %get3A_665 = arith.constant 576 : index
      %get3A_666 = tpu.vector_load %arg7[%get3A_664, %get3A_665] {strides = array<i32>} : memref<16x768xf32, #tpu.memory_space<vmem>>, vector<1x16xf32>,
      %get3A_667 = vector.shape_cast %get3A_666 : vector<1x16xf32> to vector<16xf32>
      %get3A_668 = arith.index_cast %scan3A_159 : i32 to index
      %get3A_669 = arith.constant 576 : index
      %get3A_670 = tpu.vector_load %arg8[%get3A_668, %get3A_669] {strides = array<i32>} : memref<16x768xf32, #tpu.memory_space<vmem>>, vector<1x16xf32>,
      %get3A_671 = vector.shape_cast %get3A_670 : vector<1x16xf32> to vector<16xf32>
      %add3A_672 = arith.addf %get3A_667, %get3A_671 : vector<16xf32>
      %swap3A_673 = arith.index_cast %scan3A_159 : i32 to index
      %swap3A_674 = arith.constant 576 : index
      %swap3A_675 = tpu.vector_load %arg7[%swap3A_673, %swap3A_674] {strides = array<i32>} : memref<16x768xf32, #tpu.memory_space<vmem>>, vector<1x16xf32>,
      %swap3A_676 = vector.shape_cast %swap3A_675 : vector<1x16xf32> to vector<16xf32>
      %swap3A_677 = vector.shape_cast %add3A_672 : vector<16xf32> to vector<1x16xf32>
      tpu.vector_store %arg7[%swap3A_673, %swap3A_674], %swap3A_677 {strides = array<i32>} : memref<16x768xf32, #tpu.memory_space<vmem>>, vector<1x16xf32>,
      %get3A_678 = arith.index_cast %scan3A_159 : i32 to index
      %get3A_679 = arith.constant 592 : index
      %get3A_680 = tpu.vector_load %arg7[%get3A_678, %get3A_679] {strides = array<i32>} : memref<16x768xf32, #tpu.memory_space<vmem>>, vector<1x16xf32>,
      %get3A_681 = vector.shape_cast %get3A_680 : vector<1x16xf32> to vector<16xf32>
      %get3A_682 = arith.index_cast %scan3A_159 : i32 to index
      %get3A_683 = arith.constant 592 : index
      %get3A_684 = tpu.vector_load %arg8[%get3A_682, %get3A_683] {strides = array<i32>} : memref<16x768xf32, #tpu.memory_space<vmem>>, vector<1x16xf32>,
      %get3A_685 = vector.shape_cast %get3A_684 : vector<1x16xf32> to vector<16xf32>
      %add3A_686 = arith.addf %get3A_681, %get3A_685 : vector<16xf32>
      %swap3A_687 = arith.index_cast %scan3A_159 : i32 to index
      %swap3A_688 = arith.constant 592 : index
      %swap3A_689 = tpu.vector_load %arg7[%swap3A_687, %swap3A_688] {strides = array<i32>} : memref<16x768xf32, #tpu.memory_space<vmem>>, vector<1x16xf32>,
      %swap3A_690 = vector.shape_cast %swap3A_689 : vector<1x16xf32> to vector<16xf32>
      %swap3A_691 = vector.shape_cast %add3A_686 : vector<16xf32> to vector<1x16xf32>
      tpu.vector_store %arg7[%swap3A_687, %swap3A_688], %swap3A_691 {strides = array<i32>} : memref<16x768xf32, #tpu.memory_space<vmem>>, vector<1x16xf32>,
      %get3A_692 = arith.index_cast %scan3A_159 : i32 to index
      %get3A_693 = arith.constant 608 : index
      %get3A_694 = tpu.vector_load %arg7[%get3A_692, %get3A_693] {strides = array<i32>} : memref<16x768xf32, #tpu.memory_space<vmem>>, vector<1x16xf32>,
      %get3A_695 = vector.shape_cast %get3A_694 : vector<1x16xf32> to vector<16xf32>
      %get3A_696 = arith.index_cast %scan3A_159 : i32 to index
      %get3A_697 = arith.constant 608 : index
      %get3A_698 = tpu.vector_load %arg8[%get3A_696, %get3A_697] {strides = array<i32>} : memref<16x768xf32, #tpu.memory_space<vmem>>, vector<1x16xf32>,
      %get3A_699 = vector.shape_cast %get3A_698 : vector<1x16xf32> to vector<16xf32>
      %add3A_700 = arith.addf %get3A_695, %get3A_699 : vector<16xf32>
      %swap3A_701 = arith.index_cast %scan3A_159 : i32 to index
      %swap3A_702 = arith.constant 608 : index
      %swap3A_703 = tpu.vector_load %arg7[%swap3A_701, %swap3A_702] {strides = array<i32>} : memref<16x768xf32, #tpu.memory_space<vmem>>, vector<1x16xf32>,
      %swap3A_704 = vector.shape_cast %swap3A_703 : vector<1x16xf32> to vector<16xf32>
      %swap3A_705 = vector.shape_cast %add3A_700 : vector<16xf32> to vector<1x16xf32>
      tpu.vector_store %arg7[%swap3A_701, %swap3A_702], %swap3A_705 {strides = array<i32>} : memref<16x768xf32, #tpu.memory_space<vmem>>, vector<1x16xf32>,
      %get3A_706 = arith.index_cast %scan3A_159 : i32 to index
      %get3A_707 = arith.constant 624 : index
      %get3A_708 = tpu.vector_load %arg7[%get3A_706, %get3A_707] {strides = array<i32>} : memref<16x768xf32, #tpu.memory_space<vmem>>, vector<1x16xf32>,
      %get3A_709 = vector.shape_cast %get3A_708 : vector<1x16xf32> to vector<16xf32>
      %get3A_710 = arith.index_cast %scan3A_159 : i32 to index
      %get3A_711 = arith.constant 624 : index
      %get3A_712 = tpu.vector_load %arg8[%get3A_710, %get3A_711] {strides = array<i32>} : memref<16x768xf32, #tpu.memory_space<vmem>>, vector<1x16xf32>,
      %get3A_713 = vector.shape_cast %get3A_712 : vector<1x16xf32> to vector<16xf32>
      %add3A_714 = arith.addf %get3A_709, %get3A_713 : vector<16xf32>
      %swap3A_715 = arith.index_cast %scan3A_159 : i32 to index
      %swap3A_716 = arith.constant 624 : index
      %swap3A_717 = tpu.vector_load %arg7[%swap3A_715, %swap3A_716] {strides = array<i32>} : memref<16x768xf32, #tpu.memory_space<vmem>>, vector<1x16xf32>,
      %swap3A_718 = vector.shape_cast %swap3A_717 : vector<1x16xf32> to vector<16xf32>
      %swap3A_719 = vector.shape_cast %add3A_714 : vector<16xf32> to vector<1x16xf32>
      tpu.vector_store %arg7[%swap3A_715, %swap3A_716], %swap3A_719 {strides = array<i32>} : memref<16x768xf32, #tpu.memory_space<vmem>>, vector<1x16xf32>,
      %get3A_720 = arith.index_cast %scan3A_159 : i32 to index
      %get3A_721 = arith.constant 640 : index
      %get3A_722 = tpu.vector_load %arg7[%get3A_720, %get3A_721] {strides = array<i32>} : memref<16x768xf32, #tpu.memory_space<vmem>>, vector<1x16xf32>,
      %get3A_723 = vector.shape_cast %get3A_722 : vector<1x16xf32> to vector<16xf32>
      %get3A_724 = arith.index_cast %scan3A_159 : i32 to index
      %get3A_725 = arith.constant 640 : index
      %get3A_726 = tpu.vector_load %arg8[%get3A_724, %get3A_725] {strides = array<i32>} : memref<16x768xf32, #tpu.memory_space<vmem>>, vector<1x16xf32>,
      %get3A_727 = vector.shape_cast %get3A_726 : vector<1x16xf32> to vector<16xf32>
      %add3A_728 = arith.addf %get3A_723, %get3A_727 : vector<16xf32>
      %swap3A_729 = arith.index_cast %scan3A_159 : i32 to index
      %swap3A_730 = arith.constant 640 : index
      %swap3A_731 = tpu.vector_load %arg7[%swap3A_729, %swap3A_730] {strides = array<i32>} : memref<16x768xf32, #tpu.memory_space<vmem>>, vector<1x16xf32>,
      %swap3A_732 = vector.shape_cast %swap3A_731 : vector<1x16xf32> to vector<16xf32>
      %swap3A_733 = vector.shape_cast %add3A_728 : vector<16xf32> to vector<1x16xf32>
      tpu.vector_store %arg7[%swap3A_729, %swap3A_730], %swap3A_733 {strides = array<i32>} : memref<16x768xf32, #tpu.memory_space<vmem>>, vector<1x16xf32>,
      %get3A_734 = arith.index_cast %scan3A_159 : i32 to index
      %get3A_735 = arith.constant 656 : index
      %get3A_736 = tpu.vector_load %arg7[%get3A_734, %get3A_735] {strides = array<i32>} : memref<16x768xf32, #tpu.memory_space<vmem>>, vector<1x16xf32>,
      %get3A_737 = vector.shape_cast %get3A_736 : vector<1x16xf32> to vector<16xf32>
      %get3A_738 = arith.index_cast %scan3A_159 : i32 to index
      %get3A_739 = arith.constant 656 : index
      %get3A_740 = tpu.vector_load %arg8[%get3A_738, %get3A_739] {strides = array<i32>} : memref<16x768xf32, #tpu.memory_space<vmem>>, vector<1x16xf32>,
      %get3A_741 = vector.shape_cast %get3A_740 : vector<1x16xf32> to vector<16xf32>
      %add3A_742 = arith.addf %get3A_737, %get3A_741 : vector<16xf32>
      %swap3A_743 = arith.index_cast %scan3A_159 : i32 to index
      %swap3A_744 = arith.constant 656 : index
      %swap3A_745 = tpu.vector_load %arg7[%swap3A_743, %swap3A_744] {strides = array<i32>} : memref<16x768xf32, #tpu.memory_space<vmem>>, vector<1x16xf32>,
      %swap3A_746 = vector.shape_cast %swap3A_745 : vector<1x16xf32> to vector<16xf32>
      %swap3A_747 = vector.shape_cast %add3A_742 : vector<16xf32> to vector<1x16xf32>
      tpu.vector_store %arg7[%swap3A_743, %swap3A_744], %swap3A_747 {strides = array<i32>} : memref<16x768xf32, #tpu.memory_space<vmem>>, vector<1x16xf32>,
      %get3A_748 = arith.index_cast %scan3A_159 : i32 to index
      %get3A_749 = arith.constant 672 : index
      %get3A_750 = tpu.vector_load %arg7[%get3A_748, %get3A_749] {strides = array<i32>} : memref<16x768xf32, #tpu.memory_space<vmem>>, vector<1x16xf32>,
      %get3A_751 = vector.shape_cast %get3A_750 : vector<1x16xf32> to vector<16xf32>
      %get3A_752 = arith.index_cast %scan3A_159 : i32 to index
      %get3A_753 = arith.constant 672 : index
      %get3A_754 = tpu.vector_load %arg8[%get3A_752, %get3A_753] {strides = array<i32>} : memref<16x768xf32, #tpu.memory_space<vmem>>, vector<1x16xf32>,
      %get3A_755 = vector.shape_cast %get3A_754 : vector<1x16xf32> to vector<16xf32>
      %add3A_756 = arith.addf %get3A_751, %get3A_755 : vector<16xf32>
      %swap3A_757 = arith.index_cast %scan3A_159 : i32 to index
      %swap3A_758 = arith.constant 672 : index
      %swap3A_759 = tpu.vector_load %arg7[%swap3A_757, %swap3A_758] {strides = array<i32>} : memref<16x768xf32, #tpu.memory_space<vmem>>, vector<1x16xf32>,
      %swap3A_760 = vector.shape_cast %swap3A_759 : vector<1x16xf32> to vector<16xf32>
      %swap3A_761 = vector.shape_cast %add3A_756 : vector<16xf32> to vector<1x16xf32>
      tpu.vector_store %arg7[%swap3A_757, %swap3A_758], %swap3A_761 {strides = array<i32>} : memref<16x768xf32, #tpu.memory_space<vmem>>, vector<1x16xf32>,
      %get3A_762 = arith.index_cast %scan3A_159 : i32 to index
      %get3A_763 = arith.constant 688 : index
      %get3A_764 = tpu.vector_load %arg7[%get3A_762, %get3A_763] {strides = array<i32>} : memref<16x768xf32, #tpu.memory_space<vmem>>, vector<1x16xf32>,
      %get3A_765 = vector.shape_cast %get3A_764 : vector<1x16xf32> to vector<16xf32>
      %get3A_766 = arith.index_cast %scan3A_159 : i32 to index
      %get3A_767 = arith.constant 688 : index
      %get3A_768 = tpu.vector_load %arg8[%get3A_766, %get3A_767] {strides = array<i32>} : memref<16x768xf32, #tpu.memory_space<vmem>>, vector<1x16xf32>,
      %get3A_769 = vector.shape_cast %get3A_768 : vector<1x16xf32> to vector<16xf32>
      %add3A_770 = arith.addf %get3A_765, %get3A_769 : vector<16xf32>
      %swap3A_771 = arith.index_cast %scan3A_159 : i32 to index
      %swap3A_772 = arith.constant 688 : index
      %swap3A_773 = tpu.vector_load %arg7[%swap3A_771, %swap3A_772] {strides = array<i32>} : memref<16x768xf32, #tpu.memory_space<vmem>>, vector<1x16xf32>,
      %swap3A_774 = vector.shape_cast %swap3A_773 : vector<1x16xf32> to vector<16xf32>
      %swap3A_775 = vector.shape_cast %add3A_770 : vector<16xf32> to vector<1x16xf32>
      tpu.vector_store %arg7[%swap3A_771, %swap3A_772], %swap3A_775 {strides = array<i32>} : memref<16x768xf32, #tpu.memory_space<vmem>>, vector<1x16xf32>,
      %get3A_776 = arith.index_cast %scan3A_159 : i32 to index
      %get3A_777 = arith.constant 704 : index
      %get3A_778 = tpu.vector_load %arg7[%get3A_776, %get3A_777] {strides = array<i32>} : memref<16x768xf32, #tpu.memory_space<vmem>>, vector<1x16xf32>,
      %get3A_779 = vector.shape_cast %get3A_778 : vector<1x16xf32> to vector<16xf32>
      %get3A_780 = arith.index_cast %scan3A_159 : i32 to index
      %get3A_781 = arith.constant 704 : index
      %get3A_782 = tpu.vector_load %arg8[%get3A_780, %get3A_781] {strides = array<i32>} : memref<16x768xf32, #tpu.memory_space<vmem>>, vector<1x16xf32>,
      %get3A_783 = vector.shape_cast %get3A_782 : vector<1x16xf32> to vector<16xf32>
      %add3A_784 = arith.addf %get3A_779, %get3A_783 : vector<16xf32>
      %swap3A_785 = arith.index_cast %scan3A_159 : i32 to index
      %swap3A_786 = arith.constant 704 : index
      %swap3A_787 = tpu.vector_load %arg7[%swap3A_785, %swap3A_786] {strides = array<i32>} : memref<16x768xf32, #tpu.memory_space<vmem>>, vector<1x16xf32>,
      %swap3A_788 = vector.shape_cast %swap3A_787 : vector<1x16xf32> to vector<16xf32>
      %swap3A_789 = vector.shape_cast %add3A_784 : vector<16xf32> to vector<1x16xf32>
      tpu.vector_store %arg7[%swap3A_785, %swap3A_786], %swap3A_789 {strides = array<i32>} : memref<16x768xf32, #tpu.memory_space<vmem>>, vector<1x16xf32>,
      %get3A_790 = arith.index_cast %scan3A_159 : i32 to index
      %get3A_791 = arith.constant 720 : index
      %get3A_792 = tpu.vector_load %arg7[%get3A_790, %get3A_791] {strides = array<i32>} : memref<16x768xf32, #tpu.memory_space<vmem>>, vector<1x16xf32>,
      %get3A_793 = vector.shape_cast %get3A_792 : vector<1x16xf32> to vector<16xf32>
      %get3A_794 = arith.index_cast %scan3A_159 : i32 to index
      %get3A_795 = arith.constant 720 : index
      %get3A_796 = tpu.vector_load %arg8[%get3A_794, %get3A_795] {strides = array<i32>} : memref<16x768xf32, #tpu.memory_space<vmem>>, vector<1x16xf32>,
      %get3A_797 = vector.shape_cast %get3A_796 : vector<1x16xf32> to vector<16xf32>
      %add3A_798 = arith.addf %get3A_793, %get3A_797 : vector<16xf32>
      %swap3A_799 = arith.index_cast %scan3A_159 : i32 to index
      %swap3A_800 = arith.constant 720 : index
      %swap3A_801 = tpu.vector_load %arg7[%swap3A_799, %swap3A_800] {strides = array<i32>} : memref<16x768xf32, #tpu.memory_space<vmem>>, vector<1x16xf32>,
      %swap3A_802 = vector.shape_cast %swap3A_801 : vector<1x16xf32> to vector<16xf32>
      %swap3A_803 = vector.shape_cast %add3A_798 : vector<16xf32> to vector<1x16xf32>
      tpu.vector_store %arg7[%swap3A_799, %swap3A_800], %swap3A_803 {strides = array<i32>} : memref<16x768xf32, #tpu.memory_space<vmem>>, vector<1x16xf32>,
      %get3A_804 = arith.index_cast %scan3A_159 : i32 to index
      %get3A_805 = arith.constant 736 : index
      %get3A_806 = tpu.vector_load %arg7[%get3A_804, %get3A_805] {strides = array<i32>} : memref<16x768xf32, #tpu.memory_space<vmem>>, vector<1x16xf32>,
      %get3A_807 = vector.shape_cast %get3A_806 : vector<1x16xf32> to vector<16xf32>
      %get3A_808 = arith.index_cast %scan3A_159 : i32 to index
      %get3A_809 = arith.constant 736 : index
      %get3A_810 = tpu.vector_load %arg8[%get3A_808, %get3A_809] {strides = array<i32>} : memref<16x768xf32, #tpu.memory_space<vmem>>, vector<1x16xf32>,
      %get3A_811 = vector.shape_cast %get3A_810 : vector<1x16xf32> to vector<16xf32>
      %add3A_812 = arith.addf %get3A_807, %get3A_811 : vector<16xf32>
      %swap3A_813 = arith.index_cast %scan3A_159 : i32 to index
      %swap3A_814 = arith.constant 736 : index
      %swap3A_815 = tpu.vector_load %arg7[%swap3A_813, %swap3A_814] {strides = array<i32>} : memref<16x768xf32, #tpu.memory_space<vmem>>, vector<1x16xf32>,
      %swap3A_816 = vector.shape_cast %swap3A_815 : vector<1x16xf32> to vector<16xf32>
      %swap3A_817 = vector.shape_cast %add3A_812 : vector<16xf32> to vector<1x16xf32>
      tpu.vector_store %arg7[%swap3A_813, %swap3A_814], %swap3A_817 {strides = array<i32>} : memref<16x768xf32, #tpu.memory_space<vmem>>, vector<1x16xf32>,
      %get3A_818 = arith.index_cast %scan3A_159 : i32 to index
      %get3A_819 = arith.constant 752 : index
      %get3A_820 = tpu.vector_load %arg7[%get3A_818, %get3A_819] {strides = array<i32>} : memref<16x768xf32, #tpu.memory_space<vmem>>, vector<1x16xf32>,
      %get3A_821 = vector.shape_cast %get3A_820 : vector<1x16xf32> to vector<16xf32>
      %get3A_822 = arith.index_cast %scan3A_159 : i32 to index
      %get3A_823 = arith.constant 752 : index
      %get3A_824 = tpu.vector_load %arg8[%get3A_822, %get3A_823] {strides = array<i32>} : memref<16x768xf32, #tpu.memory_space<vmem>>, vector<1x16xf32>,
      %get3A_825 = vector.shape_cast %get3A_824 : vector<1x16xf32> to vector<16xf32>
      %add3A_826 = arith.addf %get3A_821, %get3A_825 : vector<16xf32>
      %swap3A_827 = arith.index_cast %scan3A_159 : i32 to index
      %swap3A_828 = arith.constant 752 : index
      %swap3A_829 = tpu.vector_load %arg7[%swap3A_827, %swap3A_828] {strides = array<i32>} : memref<16x768xf32, #tpu.memory_space<vmem>>, vector<1x16xf32>,
      %swap3A_830 = vector.shape_cast %swap3A_829 : vector<1x16xf32> to vector<16xf32>
      %swap3A_831 = vector.shape_cast %add3A_826 : vector<16xf32> to vector<1x16xf32>
      tpu.vector_store %arg7[%swap3A_827, %swap3A_828], %swap3A_831 {strides = array<i32>} : memref<16x768xf32, #tpu.memory_space<vmem>>, vector<1x16xf32>,
      %scan3A_832 = arith.constant 0 : i32
      scf.yield %scan3A_832 : i32
    }
    %scan3A_125 = arith.constant 16 : i32
    %add3A_126 = arith.constant 32 : i32
    %add3A_127 = arith.addi %mul3A_2, %add3A_126 : i32
    %dma_start3A_128 = arith.constant 0 : i32
    %dma_start3A_129 = tpu.memref_slice %arg4[%add3A_127, %dma_start3A_128] : memref<2048x768xf32, #tpu.memory_space<hbm>> -> memref<16x768xf32, #tpu.memory_space<hbm>>
    %dma_start3A_130 = arith.constant 0 : i32
    %dma_start3A_131 = tpu.memref_slice %arg4[%add3A_127, %dma_start3A_130] : memref<2048x768xf32, #tpu.memory_space<hbm>> -> memref<16x768xf32, #tpu.memory_space<hbm>>
    tpu.enqueue_dma source(%arg7 : memref<16x768xf32, #tpu.memory_space<vmem>>) target(%dma_start3A_131 : memref<16x768xf32, #tpu.memory_space<hbm>>) target_semaphore(%arg14 : memref<!tpu.dma_semaphore, #tpu.memory_space<semaphore_mem>>)
    %dma_wait3A_132 = arith.constant 0 : i32
    %dma_wait3A_133 = arith.constant 0 : i32
    %dma_wait3A_134 = tpu.memref_slice %arg3[%dma_wait3A_132, %dma_wait3A_133] : memref<4608x768xf32, #tpu.memory_space<hbm>> -> memref<4608x768xf32, #tpu.memory_space<hbm>>
    tpu.wait_indirect_dma semaphore(%arg13 : memref<!tpu.dma_semaphore, #tpu.memory_space<semaphore_mem>>) src(%dma_wait3A_134 : memref<4608x768xf32, #tpu.memory_space<hbm>>) dst(%arg9 : memref<16x768xf32, #tpu.memory_space<vmem>>)
    %dma_wait3A_135 = arith.constant 0 : i32
    %dma_wait3A_136 = arith.constant 0 : i32
    %dma_wait3A_137 = tpu.memref_slice %arg3[%dma_wait3A_135, %dma_wait3A_136] : memref<4608x768xf32, #tpu.memory_space<hbm>> -> memref<4608x768xf32, #tpu.memory_space<hbm>>
    tpu.wait_indirect_dma semaphore(%arg13 : memref<!tpu.dma_semaphore, #tpu.memory_space<semaphore_mem>>) src(%dma_wait3A_137 : memref<4608x768xf32, #tpu.memory_space<hbm>>) dst(%arg10 : memref<16x768xf32, #tpu.memory_space<vmem>>)
    %scan3A_138 = arith.constant 0 : i32
    %scan3A_139 = arith.constant 0 : i32
    %scan3A_140 = arith.constant 16 : i32
    %scan3A_141 = arith.addi %scan3A_139, %scan3A_140 : i32
    %scan3A_142 = arith.constant 1 : i32
    %scan3A_143 = scf.for %scan3A_159 = %scan3A_139 to %scan3A_141 step %scan3A_142 iter_args(%scan3A_160 = %scan3A_138) -> (i32)  : i32 {
      %get3A_161 = arith.index_cast %scan3A_159 : i32 to index
      %get3A_162 = arith.constant 0 : index
      %get3A_163 = tpu.vector_load %arg9[%get3A_161, %get3A_162] {strides = array<i32>} : memref<16x768xf32, #tpu.memory_space<vmem>>, vector<1x16xf32>,
      %get3A_164 = vector.shape_cast %get3A_163 : vector<1x16xf32> to vector<16xf32>
      %get3A_165 = arith.index_cast %scan3A_159 : i32 to index
      %get3A_166 = arith.constant 0 : index
      %get3A_167 = tpu.vector_load %arg10[%get3A_165, %get3A_166] {strides = array<i32>} : memref<16x768xf32, #tpu.memory_space<vmem>>, vector<1x16xf32>,
      %get3A_168 = vector.shape_cast %get3A_167 : vector<1x16xf32> to vector<16xf32>
      %add3A_169 = arith.addf %get3A_164, %get3A_168 : vector<16xf32>
      %swap3A = arith.index_cast %scan3A_159 : i32 to index
      %swap3A_170 = arith.constant 0 : index
      %swap3A_171 = tpu.vector_load %arg9[%swap3A, %swap3A_170] {strides = array<i32>} : memref<16x768xf32, #tpu.memory_space<vmem>>, vector<1x16xf32>,
      %swap3A_172 = vector.shape_cast %swap3A_171 : vector<1x16xf32> to vector<16xf32>
      %swap3A_173 = vector.shape_cast %add3A_169 : vector<16xf32> to vector<1x16xf32>
      tpu.vector_store %arg9[%swap3A, %swap3A_170], %swap3A_173 {strides = array<i32>} : memref<16x768xf32, #tpu.memory_space<vmem>>, vector<1x16xf32>,
      %get3A_174 = arith.index_cast %scan3A_159 : i32 to index
      %get3A_175 = arith.constant 16 : index
      %get3A_176 = tpu.vector_load %arg9[%get3A_174, %get3A_175] {strides = array<i32>} : memref<16x768xf32, #tpu.memory_space<vmem>>, vector<1x16xf32>,
      %get3A_177 = vector.shape_cast %get3A_176 : vector<1x16xf32> to vector<16xf32>
      %get3A_178 = arith.index_cast %scan3A_159 : i32 to index
      %get3A_179 = arith.constant 16 : index
      %get3A_180 = tpu.vector_load %arg10[%get3A_178, %get3A_179] {strides = array<i32>} : memref<16x768xf32, #tpu.memory_space<vmem>>, vector<1x16xf32>,
      %get3A_181 = vector.shape_cast %get3A_180 : vector<1x16xf32> to vector<16xf32>
      %add3A_182 = arith.addf %get3A_177, %get3A_181 : vector<16xf32>
      %swap3A_183 = arith.index_cast %scan3A_159 : i32 to index
      %swap3A_184 = arith.constant 16 : index
      %swap3A_185 = tpu.vector_load %arg9[%swap3A_183, %swap3A_184] {strides = array<i32>} : memref<16x768xf32, #tpu.memory_space<vmem>>, vector<1x16xf32>,
      %swap3A_186 = vector.shape_cast %swap3A_185 : vector<1x16xf32> to vector<16xf32>
      %swap3A_187 = vector.shape_cast %add3A_182 : vector<16xf32> to vector<1x16xf32>
      tpu.vector_store %arg9[%swap3A_183, %swap3A_184], %swap3A_187 {strides = array<i32>} : memref<16x768xf32, #tpu.memory_space<vmem>>, vector<1x16xf32>,
      %get3A_188 = arith.index_cast %scan3A_159 : i32 to index
      %get3A_189 = arith.constant 32 : index
      %get3A_190 = tpu.vector_load %arg9[%get3A_188, %get3A_189] {strides = array<i32>} : memref<16x768xf32, #tpu.memory_space<vmem>>, vector<1x16xf32>,
      %get3A_191 = vector.shape_cast %get3A_190 : vector<1x16xf32> to vector<16xf32>
      %get3A_192 = arith.index_cast %scan3A_159 : i32 to index
      %get3A_193 = arith.constant 32 : index
      %get3A_194 = tpu.vector_load %arg10[%get3A_192, %get3A_193] {strides = array<i32>} : memref<16x768xf32, #tpu.memory_space<vmem>>, vector<1x16xf32>,
      %get3A_195 = vector.shape_cast %get3A_194 : vector<1x16xf32> to vector<16xf32>
      %add3A_196 = arith.addf %get3A_191, %get3A_195 : vector<16xf32>
      %swap3A_197 = arith.index_cast %scan3A_159 : i32 to index
      %swap3A_198 = arith.constant 32 : index
      %swap3A_199 = tpu.vector_load %arg9[%swap3A_197, %swap3A_198] {strides = array<i32>} : memref<16x768xf32, #tpu.memory_space<vmem>>, vector<1x16xf32>,
      %swap3A_200 = vector.shape_cast %swap3A_199 : vector<1x16xf32> to vector<16xf32>
      %swap3A_201 = vector.shape_cast %add3A_196 : vector<16xf32> to vector<1x16xf32>
      tpu.vector_store %arg9[%swap3A_197, %swap3A_198], %swap3A_201 {strides = array<i32>} : memref<16x768xf32, #tpu.memory_space<vmem>>, vector<1x16xf32>,
      %get3A_202 = arith.index_cast %scan3A_159 : i32 to index
      %get3A_203 = arith.constant 48 : index
      %get3A_204 = tpu.vector_load %arg9[%get3A_202, %get3A_203] {strides = array<i32>} : memref<16x768xf32, #tpu.memory_space<vmem>>, vector<1x16xf32>,
      %get3A_205 = vector.shape_cast %get3A_204 : vector<1x16xf32> to vector<16xf32>
      %get3A_206 = arith.index_cast %scan3A_159 : i32 to index
      %get3A_207 = arith.constant 48 : index
      %get3A_208 = tpu.vector_load %arg10[%get3A_206, %get3A_207] {strides = array<i32>} : memref<16x768xf32, #tpu.memory_space<vmem>>, vector<1x16xf32>,
      %get3A_209 = vector.shape_cast %get3A_208 : vector<1x16xf32> to vector<16xf32>
      %add3A_210 = arith.addf %get3A_205, %get3A_209 : vector<16xf32>
      %swap3A_211 = arith.index_cast %scan3A_159 : i32 to index
      %swap3A_212 = arith.constant 48 : index
      %swap3A_213 = tpu.vector_load %arg9[%swap3A_211, %swap3A_212] {strides = array<i32>} : memref<16x768xf32, #tpu.memory_space<vmem>>, vector<1x16xf32>,
      %swap3A_214 = vector.shape_cast %swap3A_213 : vector<1x16xf32> to vector<16xf32>
      %swap3A_215 = vector.shape_cast %add3A_210 : vector<16xf32> to vector<1x16xf32>
      tpu.vector_store %arg9[%swap3A_211, %swap3A_212], %swap3A_215 {strides = array<i32>} : memref<16x768xf32, #tpu.memory_space<vmem>>, vector<1x16xf32>,
      %get3A_216 = arith.index_cast %scan3A_159 : i32 to index
      %get3A_217 = arith.constant 64 : index
      %get3A_218 = tpu.vector_load %arg9[%get3A_216, %get3A_217] {strides = array<i32>} : memref<16x768xf32, #tpu.memory_space<vmem>>, vector<1x16xf32>,
      %get3A_219 = vector.shape_cast %get3A_218 : vector<1x16xf32> to vector<16xf32>
      %get3A_220 = arith.index_cast %scan3A_159 : i32 to index
      %get3A_221 = arith.constant 64 : index
      %get3A_222 = tpu.vector_load %arg10[%get3A_220, %get3A_221] {strides = array<i32>} : memref<16x768xf32, #tpu.memory_space<vmem>>, vector<1x16xf32>,
      %get3A_223 = vector.shape_cast %get3A_222 : vector<1x16xf32> to vector<16xf32>
      %add3A_224 = arith.addf %get3A_219, %get3A_223 : vector<16xf32>
      %swap3A_225 = arith.index_cast %scan3A_159 : i32 to index
      %swap3A_226 = arith.constant 64 : index
      %swap3A_227 = tpu.vector_load %arg9[%swap3A_225, %swap3A_226] {strides = array<i32>} : memref<16x768xf32, #tpu.memory_space<vmem>>, vector<1x16xf32>,
      %swap3A_228 = vector.shape_cast %swap3A_227 : vector<1x16xf32> to vector<16xf32>
      %swap3A_229 = vector.shape_cast %add3A_224 : vector<16xf32> to vector<1x16xf32>
      tpu.vector_store %arg9[%swap3A_225, %swap3A_226], %swap3A_229 {strides = array<i32>} : memref<16x768xf32, #tpu.memory_space<vmem>>, vector<1x16xf32>,
      %get3A_230 = arith.index_cast %scan3A_159 : i32 to index
      %get3A_231 = arith.constant 80 : index
      %get3A_232 = tpu.vector_load %arg9[%get3A_230, %get3A_231] {strides = array<i32>} : memref<16x768xf32, #tpu.memory_space<vmem>>, vector<1x16xf32>,
      %get3A_233 = vector.shape_cast %get3A_232 : vector<1x16xf32> to vector<16xf32>
      %get3A_234 = arith.index_cast %scan3A_159 : i32 to index
      %get3A_235 = arith.constant 80 : index
      %get3A_236 = tpu.vector_load %arg10[%get3A_234, %get3A_235] {strides = array<i32>} : memref<16x768xf32, #tpu.memory_space<vmem>>, vector<1x16xf32>,
      %get3A_237 = vector.shape_cast %get3A_236 : vector<1x16xf32> to vector<16xf32>
      %add3A_238 = arith.addf %get3A_233, %get3A_237 : vector<16xf32>
      %swap3A_239 = arith.index_cast %scan3A_159 : i32 to index
      %swap3A_240 = arith.constant 80 : index
      %swap3A_241 = tpu.vector_load %arg9[%swap3A_239, %swap3A_240] {strides = array<i32>} : memref<16x768xf32, #tpu.memory_space<vmem>>, vector<1x16xf32>,
      %swap3A_242 = vector.shape_cast %swap3A_241 : vector<1x16xf32> to vector<16xf32>
      %swap3A_243 = vector.shape_cast %add3A_238 : vector<16xf32> to vector<1x16xf32>
      tpu.vector_store %arg9[%swap3A_239, %swap3A_240], %swap3A_243 {strides = array<i32>} : memref<16x768xf32, #tpu.memory_space<vmem>>, vector<1x16xf32>,
      %get3A_244 = arith.index_cast %scan3A_159 : i32 to index
      %get3A_245 = arith.constant 96 : index
      %get3A_246 = tpu.vector_load %arg9[%get3A_244, %get3A_245] {strides = array<i32>} : memref<16x768xf32, #tpu.memory_space<vmem>>, vector<1x16xf32>,
      %get3A_247 = vector.shape_cast %get3A_246 : vector<1x16xf32> to vector<16xf32>
      %get3A_248 = arith.index_cast %scan3A_159 : i32 to index
      %get3A_249 = arith.constant 96 : index
      %get3A_250 = tpu.vector_load %arg10[%get3A_248, %get3A_249] {strides = array<i32>} : memref<16x768xf32, #tpu.memory_space<vmem>>, vector<1x16xf32>,
      %get3A_251 = vector.shape_cast %get3A_250 : vector<1x16xf32> to vector<16xf32>
      %add3A_252 = arith.addf %get3A_247, %get3A_251 : vector<16xf32>
      %swap3A_253 = arith.index_cast %scan3A_159 : i32 to index
      %swap3A_254 = arith.constant 96 : index
      %swap3A_255 = tpu.vector_load %arg9[%swap3A_253, %swap3A_254] {strides = array<i32>} : memref<16x768xf32, #tpu.memory_space<vmem>>, vector<1x16xf32>,
      %swap3A_256 = vector.shape_cast %swap3A_255 : vector<1x16xf32> to vector<16xf32>
      %swap3A_257 = vector.shape_cast %add3A_252 : vector<16xf32> to vector<1x16xf32>
      tpu.vector_store %arg9[%swap3A_253, %swap3A_254], %swap3A_257 {strides = array<i32>} : memref<16x768xf32, #tpu.memory_space<vmem>>, vector<1x16xf32>,
      %get3A_258 = arith.index_cast %scan3A_159 : i32 to index
      %get3A_259 = arith.constant 112 : index
      %get3A_260 = tpu.vector_load %arg9[%get3A_258, %get3A_259] {strides = array<i32>} : memref<16x768xf32, #tpu.memory_space<vmem>>, vector<1x16xf32>,
      %get3A_261 = vector.shape_cast %get3A_260 : vector<1x16xf32> to vector<16xf32>
      %get3A_262 = arith.index_cast %scan3A_159 : i32 to index
      %get3A_263 = arith.constant 112 : index
      %get3A_264 = tpu.vector_load %arg10[%get3A_262, %get3A_263] {strides = array<i32>} : memref<16x768xf32, #tpu.memory_space<vmem>>, vector<1x16xf32>,
      %get3A_265 = vector.shape_cast %get3A_264 : vector<1x16xf32> to vector<16xf32>
      %add3A_266 = arith.addf %get3A_261, %get3A_265 : vector<16xf32>
      %swap3A_267 = arith.index_cast %scan3A_159 : i32 to index
      %swap3A_268 = arith.constant 112 : index
      %swap3A_269 = tpu.vector_load %arg9[%swap3A_267, %swap3A_268] {strides = array<i32>} : memref<16x768xf32, #tpu.memory_space<vmem>>, vector<1x16xf32>,
      %swap3A_270 = vector.shape_cast %swap3A_269 : vector<1x16xf32> to vector<16xf32>
      %swap3A_271 = vector.shape_cast %add3A_266 : vector<16xf32> to vector<1x16xf32>
      tpu.vector_store %arg9[%swap3A_267, %swap3A_268], %swap3A_271 {strides = array<i32>} : memref<16x768xf32, #tpu.memory_space<vmem>>, vector<1x16xf32>,
      %get3A_272 = arith.index_cast %scan3A_159 : i32 to index
      %get3A_273 = arith.constant 128 : index
      %get3A_274 = tpu.vector_load %arg9[%get3A_272, %get3A_273] {strides = array<i32>} : memref<16x768xf32, #tpu.memory_space<vmem>>, vector<1x16xf32>,
      %get3A_275 = vector.shape_cast %get3A_274 : vector<1x16xf32> to vector<16xf32>
      %get3A_276 = arith.index_cast %scan3A_159 : i32 to index
      %get3A_277 = arith.constant 128 : index
      %get3A_278 = tpu.vector_load %arg10[%get3A_276, %get3A_277] {strides = array<i32>} : memref<16x768xf32, #tpu.memory_space<vmem>>, vector<1x16xf32>,
      %get3A_279 = vector.shape_cast %get3A_278 : vector<1x16xf32> to vector<16xf32>
      %add3A_280 = arith.addf %get3A_275, %get3A_279 : vector<16xf32>
      %swap3A_281 = arith.index_cast %scan3A_159 : i32 to index
      %swap3A_282 = arith.constant 128 : index
      %swap3A_283 = tpu.vector_load %arg9[%swap3A_281, %swap3A_282] {strides = array<i32>} : memref<16x768xf32, #tpu.memory_space<vmem>>, vector<1x16xf32>,
      %swap3A_284 = vector.shape_cast %swap3A_283 : vector<1x16xf32> to vector<16xf32>
      %swap3A_285 = vector.shape_cast %add3A_280 : vector<16xf32> to vector<1x16xf32>
      tpu.vector_store %arg9[%swap3A_281, %swap3A_282], %swap3A_285 {strides = array<i32>} : memref<16x768xf32, #tpu.memory_space<vmem>>, vector<1x16xf32>,
      %get3A_286 = arith.index_cast %scan3A_159 : i32 to index
      %get3A_287 = arith.constant 144 : index
      %get3A_288 = tpu.vector_load %arg9[%get3A_286, %get3A_287] {strides = array<i32>} : memref<16x768xf32, #tpu.memory_space<vmem>>, vector<1x16xf32>,
      %get3A_289 = vector.shape_cast %get3A_288 : vector<1x16xf32> to vector<16xf32>
      %get3A_290 = arith.index_cast %scan3A_159 : i32 to index
      %get3A_291 = arith.constant 144 : index
      %get3A_292 = tpu.vector_load %arg10[%get3A_290, %get3A_291] {strides = array<i32>} : memref<16x768xf32, #tpu.memory_space<vmem>>, vector<1x16xf32>,
      %get3A_293 = vector.shape_cast %get3A_292 : vector<1x16xf32> to vector<16xf32>
      %add3A_294 = arith.addf %get3A_289, %get3A_293 : vector<16xf32>
      %swap3A_295 = arith.index_cast %scan3A_159 : i32 to index
      %swap3A_296 = arith.constant 144 : index
      %swap3A_297 = tpu.vector_load %arg9[%swap3A_295, %swap3A_296] {strides = array<i32>} : memref<16x768xf32, #tpu.memory_space<vmem>>, vector<1x16xf32>,
      %swap3A_298 = vector.shape_cast %swap3A_297 : vector<1x16xf32> to vector<16xf32>
      %swap3A_299 = vector.shape_cast %add3A_294 : vector<16xf32> to vector<1x16xf32>
      tpu.vector_store %arg9[%swap3A_295, %swap3A_296], %swap3A_299 {strides = array<i32>} : memref<16x768xf32, #tpu.memory_space<vmem>>, vector<1x16xf32>,
      %get3A_300 = arith.index_cast %scan3A_159 : i32 to index
      %get3A_301 = arith.constant 160 : index
      %get3A_302 = tpu.vector_load %arg9[%get3A_300, %get3A_301] {strides = array<i32>} : memref<16x768xf32, #tpu.memory_space<vmem>>, vector<1x16xf32>,
      %get3A_303 = vector.shape_cast %get3A_302 : vector<1x16xf32> to vector<16xf32>
      %get3A_304 = arith.index_cast %scan3A_159 : i32 to index
      %get3A_305 = arith.constant 160 : index
      %get3A_306 = tpu.vector_load %arg10[%get3A_304, %get3A_305] {strides = array<i32>} : memref<16x768xf32, #tpu.memory_space<vmem>>, vector<1x16xf32>,
      %get3A_307 = vector.shape_cast %get3A_306 : vector<1x16xf32> to vector<16xf32>
      %add3A_308 = arith.addf %get3A_303, %get3A_307 : vector<16xf32>
      %swap3A_309 = arith.index_cast %scan3A_159 : i32 to index
      %swap3A_310 = arith.constant 160 : index
      %swap3A_311 = tpu.vector_load %arg9[%swap3A_309, %swap3A_310] {strides = array<i32>} : memref<16x768xf32, #tpu.memory_space<vmem>>, vector<1x16xf32>,
      %swap3A_312 = vector.shape_cast %swap3A_311 : vector<1x16xf32> to vector<16xf32>
      %swap3A_313 = vector.shape_cast %add3A_308 : vector<16xf32> to vector<1x16xf32>
      tpu.vector_store %arg9[%swap3A_309, %swap3A_310], %swap3A_313 {strides = array<i32>} : memref<16x768xf32, #tpu.memory_space<vmem>>, vector<1x16xf32>,
      %get3A_314 = arith.index_cast %scan3A_159 : i32 to index
      %get3A_315 = arith.constant 176 : index
      %get3A_316 = tpu.vector_load %arg9[%get3A_314, %get3A_315] {strides = array<i32>} : memref<16x768xf32, #tpu.memory_space<vmem>>, vector<1x16xf32>,
      %get3A_317 = vector.shape_cast %get3A_316 : vector<1x16xf32> to vector<16xf32>
      %get3A_318 = arith.index_cast %scan3A_159 : i32 to index
      %get3A_319 = arith.constant 176 : index
      %get3A_320 = tpu.vector_load %arg10[%get3A_318, %get3A_319] {strides = array<i32>} : memref<16x768xf32, #tpu.memory_space<vmem>>, vector<1x16xf32>,
      %get3A_321 = vector.shape_cast %get3A_320 : vector<1x16xf32> to vector<16xf32>
      %add3A_322 = arith.addf %get3A_317, %get3A_321 : vector<16xf32>
      %swap3A_323 = arith.index_cast %scan3A_159 : i32 to index
      %swap3A_324 = arith.constant 176 : index
      %swap3A_325 = tpu.vector_load %arg9[%swap3A_323, %swap3A_324] {strides = array<i32>} : memref<16x768xf32, #tpu.memory_space<vmem>>, vector<1x16xf32>,
      %swap3A_326 = vector.shape_cast %swap3A_325 : vector<1x16xf32> to vector<16xf32>
      %swap3A_327 = vector.shape_cast %add3A_322 : vector<16xf32> to vector<1x16xf32>
      tpu.vector_store %arg9[%swap3A_323, %swap3A_324], %swap3A_327 {strides = array<i32>} : memref<16x768xf32, #tpu.memory_space<vmem>>, vector<1x16xf32>,
      %get3A_328 = arith.index_cast %scan3A_159 : i32 to index
      %get3A_329 = arith.constant 192 : index
      %get3A_330 = tpu.vector_load %arg9[%get3A_328, %get3A_329] {strides = array<i32>} : memref<16x768xf32, #tpu.memory_space<vmem>>, vector<1x16xf32>,
      %get3A_331 = vector.shape_cast %get3A_330 : vector<1x16xf32> to vector<16xf32>
      %get3A_332 = arith.index_cast %scan3A_159 : i32 to index
      %get3A_333 = arith.constant 192 : index
      %get3A_334 = tpu.vector_load %arg10[%get3A_332, %get3A_333] {strides = array<i32>} : memref<16x768xf32, #tpu.memory_space<vmem>>, vector<1x16xf32>,
      %get3A_335 = vector.shape_cast %get3A_334 : vector<1x16xf32> to vector<16xf32>
      %add3A_336 = arith.addf %get3A_331, %get3A_335 : vector<16xf32>
      %swap3A_337 = arith.index_cast %scan3A_159 : i32 to index
      %swap3A_338 = arith.constant 192 : index
      %swap3A_339 = tpu.vector_load %arg9[%swap3A_337, %swap3A_338] {strides = array<i32>} : memref<16x768xf32, #tpu.memory_space<vmem>>, vector<1x16xf32>,
      %swap3A_340 = vector.shape_cast %swap3A_339 : vector<1x16xf32> to vector<16xf32>
      %swap3A_341 = vector.shape_cast %add3A_336 : vector<16xf32> to vector<1x16xf32>
      tpu.vector_store %arg9[%swap3A_337, %swap3A_338], %swap3A_341 {strides = array<i32>} : memref<16x768xf32, #tpu.memory_space<vmem>>, vector<1x16xf32>,
      %get3A_342 = arith.index_cast %scan3A_159 : i32 to index
      %get3A_343 = arith.constant 208 : index
      %get3A_344 = tpu.vector_load %arg9[%get3A_342, %get3A_343] {strides = array<i32>} : memref<16x768xf32, #tpu.memory_space<vmem>>, vector<1x16xf32>,
      %get3A_345 = vector.shape_cast %get3A_344 : vector<1x16xf32> to vector<16xf32>
      %get3A_346 = arith.index_cast %scan3A_159 : i32 to index
      %get3A_347 = arith.constant 208 : index
      %get3A_348 = tpu.vector_load %arg10[%get3A_346, %get3A_347] {strides = array<i32>} : memref<16x768xf32, #tpu.memory_space<vmem>>, vector<1x16xf32>,
      %get3A_349 = vector.shape_cast %get3A_348 : vector<1x16xf32> to vector<16xf32>
      %add3A_350 = arith.addf %get3A_345, %get3A_349 : vector<16xf32>
      %swap3A_351 = arith.index_cast %scan3A_159 : i32 to index
      %swap3A_352 = arith.constant 208 : index
      %swap3A_353 = tpu.vector_load %arg9[%swap3A_351, %swap3A_352] {strides = array<i32>} : memref<16x768xf32, #tpu.memory_space<vmem>>, vector<1x16xf32>,
      %swap3A_354 = vector.shape_cast %swap3A_353 : vector<1x16xf32> to vector<16xf32>
      %swap3A_355 = vector.shape_cast %add3A_350 : vector<16xf32> to vector<1x16xf32>
      tpu.vector_store %arg9[%swap3A_351, %swap3A_352], %swap3A_355 {strides = array<i32>} : memref<16x768xf32, #tpu.memory_space<vmem>>, vector<1x16xf32>,
      %get3A_356 = arith.index_cast %scan3A_159 : i32 to index
      %get3A_357 = arith.constant 224 : index
      %get3A_358 = tpu.vector_load %arg9[%get3A_356, %get3A_357] {strides = array<i32>} : memref<16x768xf32, #tpu.memory_space<vmem>>, vector<1x16xf32>,
      %get3A_359 = vector.shape_cast %get3A_358 : vector<1x16xf32> to vector<16xf32>
      %get3A_360 = arith.index_cast %scan3A_159 : i32 to index
      %get3A_361 = arith.constant 224 : index
      %get3A_362 = tpu.vector_load %arg10[%get3A_360, %get3A_361] {strides = array<i32>} : memref<16x768xf32, #tpu.memory_space<vmem>>, vector<1x16xf32>,
      %get3A_363 = vector.shape_cast %get3A_362 : vector<1x16xf32> to vector<16xf32>
      %add3A_364 = arith.addf %get3A_359, %get3A_363 : vector<16xf32>
      %swap3A_365 = arith.index_cast %scan3A_159 : i32 to index
      %swap3A_366 = arith.constant 224 : index
      %swap3A_367 = tpu.vector_load %arg9[%swap3A_365, %swap3A_366] {strides = array<i32>} : memref<16x768xf32, #tpu.memory_space<vmem>>, vector<1x16xf32>,
      %swap3A_368 = vector.shape_cast %swap3A_367 : vector<1x16xf32> to vector<16xf32>
      %swap3A_369 = vector.shape_cast %add3A_364 : vector<16xf32> to vector<1x16xf32>
      tpu.vector_store %arg9[%swap3A_365, %swap3A_366], %swap3A_369 {strides = array<i32>} : memref<16x768xf32, #tpu.memory_space<vmem>>, vector<1x16xf32>,
      %get3A_370 = arith.index_cast %scan3A_159 : i32 to index
      %get3A_371 = arith.constant 240 : index
      %get3A_372 = tpu.vector_load %arg9[%get3A_370, %get3A_371] {strides = array<i32>} : memref<16x768xf32, #tpu.memory_space<vmem>>, vector<1x16xf32>,
      %get3A_373 = vector.shape_cast %get3A_372 : vector<1x16xf32> to vector<16xf32>
      %get3A_374 = arith.index_cast %scan3A_159 : i32 to index
      %get3A_375 = arith.constant 240 : index
      %get3A_376 = tpu.vector_load %arg10[%get3A_374, %get3A_375] {strides = array<i32>} : memref<16x768xf32, #tpu.memory_space<vmem>>, vector<1x16xf32>,
      %get3A_377 = vector.shape_cast %get3A_376 : vector<1x16xf32> to vector<16xf32>
      %add3A_378 = arith.addf %get3A_373, %get3A_377 : vector<16xf32>
      %swap3A_379 = arith.index_cast %scan3A_159 : i32 to index
      %swap3A_380 = arith.constant 240 : index
      %swap3A_381 = tpu.vector_load %arg9[%swap3A_379, %swap3A_380] {strides = array<i32>} : memref<16x768xf32, #tpu.memory_space<vmem>>, vector<1x16xf32>,
      %swap3A_382 = vector.shape_cast %swap3A_381 : vector<1x16xf32> to vector<16xf32>
      %swap3A_383 = vector.shape_cast %add3A_378 : vector<16xf32> to vector<1x16xf32>
      tpu.vector_store %arg9[%swap3A_379, %swap3A_380], %swap3A_383 {strides = array<i32>} : memref<16x768xf32, #tpu.memory_space<vmem>>, vector<1x16xf32>,
      %get3A_384 = arith.index_cast %scan3A_159 : i32 to index
      %get3A_385 = arith.constant 256 : index
      %get3A_386 = tpu.vector_load %arg9[%get3A_384, %get3A_385] {strides = array<i32>} : memref<16x768xf32, #tpu.memory_space<vmem>>, vector<1x16xf32>,
      %get3A_387 = vector.shape_cast %get3A_386 : vector<1x16xf32> to vector<16xf32>
      %get3A_388 = arith.index_cast %scan3A_159 : i32 to index
      %get3A_389 = arith.constant 256 : index
      %get3A_390 = tpu.vector_load %arg10[%get3A_388, %get3A_389] {strides = array<i32>} : memref<16x768xf32, #tpu.memory_space<vmem>>, vector<1x16xf32>,
      %get3A_391 = vector.shape_cast %get3A_390 : vector<1x16xf32> to vector<16xf32>
      %add3A_392 = arith.addf %get3A_387, %get3A_391 : vector<16xf32>
      %swap3A_393 = arith.index_cast %scan3A_159 : i32 to index
      %swap3A_394 = arith.constant 256 : index
      %swap3A_395 = tpu.vector_load %arg9[%swap3A_393, %swap3A_394] {strides = array<i32>} : memref<16x768xf32, #tpu.memory_space<vmem>>, vector<1x16xf32>,
      %swap3A_396 = vector.shape_cast %swap3A_395 : vector<1x16xf32> to vector<16xf32>
      %swap3A_397 = vector.shape_cast %add3A_392 : vector<16xf32> to vector<1x16xf32>
      tpu.vector_store %arg9[%swap3A_393, %swap3A_394], %swap3A_397 {strides = array<i32>} : memref<16x768xf32, #tpu.memory_space<vmem>>, vector<1x16xf32>,
      %get3A_398 = arith.index_cast %scan3A_159 : i32 to index
      %get3A_399 = arith.constant 272 : index
      %get3A_400 = tpu.vector_load %arg9[%get3A_398, %get3A_399] {strides = array<i32>} : memref<16x768xf32, #tpu.memory_space<vmem>>, vector<1x16xf32>,
      %get3A_401 = vector.shape_cast %get3A_400 : vector<1x16xf32> to vector<16xf32>
      %get3A_402 = arith.index_cast %scan3A_159 : i32 to index
      %get3A_403 = arith.constant 272 : index
      %get3A_404 = tpu.vector_load %arg10[%get3A_402, %get3A_403] {strides = array<i32>} : memref<16x768xf32, #tpu.memory_space<vmem>>, vector<1x16xf32>,
      %get3A_405 = vector.shape_cast %get3A_404 : vector<1x16xf32> to vector<16xf32>
      %add3A_406 = arith.addf %get3A_401, %get3A_405 : vector<16xf32>
      %swap3A_407 = arith.index_cast %scan3A_159 : i32 to index
      %swap3A_408 = arith.constant 272 : index
      %swap3A_409 = tpu.vector_load %arg9[%swap3A_407, %swap3A_408] {strides = array<i32>} : memref<16x768xf32, #tpu.memory_space<vmem>>, vector<1x16xf32>,
      %swap3A_410 = vector.shape_cast %swap3A_409 : vector<1x16xf32> to vector<16xf32>
      %swap3A_411 = vector.shape_cast %add3A_406 : vector<16xf32> to vector<1x16xf32>
      tpu.vector_store %arg9[%swap3A_407, %swap3A_408], %swap3A_411 {strides = array<i32>} : memref<16x768xf32, #tpu.memory_space<vmem>>, vector<1x16xf32>,
      %get3A_412 = arith.index_cast %scan3A_159 : i32 to index
      %get3A_413 = arith.constant 288 : index
      %get3A_414 = tpu.vector_load %arg9[%get3A_412, %get3A_413] {strides = array<i32>} : memref<16x768xf32, #tpu.memory_space<vmem>>, vector<1x16xf32>,
      %get3A_415 = vector.shape_cast %get3A_414 : vector<1x16xf32> to vector<16xf32>
      %get3A_416 = arith.index_cast %scan3A_159 : i32 to index
      %get3A_417 = arith.constant 288 : index
      %get3A_418 = tpu.vector_load %arg10[%get3A_416, %get3A_417] {strides = array<i32>} : memref<16x768xf32, #tpu.memory_space<vmem>>, vector<1x16xf32>,
      %get3A_419 = vector.shape_cast %get3A_418 : vector<1x16xf32> to vector<16xf32>
      %add3A_420 = arith.addf %get3A_415, %get3A_419 : vector<16xf32>
      %swap3A_421 = arith.index_cast %scan3A_159 : i32 to index
      %swap3A_422 = arith.constant 288 : index
      %swap3A_423 = tpu.vector_load %arg9[%swap3A_421, %swap3A_422] {strides = array<i32>} : memref<16x768xf32, #tpu.memory_space<vmem>>, vector<1x16xf32>,
      %swap3A_424 = vector.shape_cast %swap3A_423 : vector<1x16xf32> to vector<16xf32>
      %swap3A_425 = vector.shape_cast %add3A_420 : vector<16xf32> to vector<1x16xf32>
      tpu.vector_store %arg9[%swap3A_421, %swap3A_422], %swap3A_425 {strides = array<i32>} : memref<16x768xf32, #tpu.memory_space<vmem>>, vector<1x16xf32>,
      %get3A_426 = arith.index_cast %scan3A_159 : i32 to index
      %get3A_427 = arith.constant 304 : index
      %get3A_428 = tpu.vector_load %arg9[%get3A_426, %get3A_427] {strides = array<i32>} : memref<16x768xf32, #tpu.memory_space<vmem>>, vector<1x16xf32>,
      %get3A_429 = vector.shape_cast %get3A_428 : vector<1x16xf32> to vector<16xf32>
      %get3A_430 = arith.index_cast %scan3A_159 : i32 to index
      %get3A_431 = arith.constant 304 : index
      %get3A_432 = tpu.vector_load %arg10[%get3A_430, %get3A_431] {strides = array<i32>} : memref<16x768xf32, #tpu.memory_space<vmem>>, vector<1x16xf32>,
      %get3A_433 = vector.shape_cast %get3A_432 : vector<1x16xf32> to vector<16xf32>
      %add3A_434 = arith.addf %get3A_429, %get3A_433 : vector<16xf32>
      %swap3A_435 = arith.index_cast %scan3A_159 : i32 to index
      %swap3A_436 = arith.constant 304 : index
      %swap3A_437 = tpu.vector_load %arg9[%swap3A_435, %swap3A_436] {strides = array<i32>} : memref<16x768xf32, #tpu.memory_space<vmem>>, vector<1x16xf32>,
      %swap3A_438 = vector.shape_cast %swap3A_437 : vector<1x16xf32> to vector<16xf32>
      %swap3A_439 = vector.shape_cast %add3A_434 : vector<16xf32> to vector<1x16xf32>
      tpu.vector_store %arg9[%swap3A_435, %swap3A_436], %swap3A_439 {strides = array<i32>} : memref<16x768xf32, #tpu.memory_space<vmem>>, vector<1x16xf32>,
      %get3A_440 = arith.index_cast %scan3A_159 : i32 to index
      %get3A_441 = arith.constant 320 : index
      %get3A_442 = tpu.vector_load %arg9[%get3A_440, %get3A_441] {strides = array<i32>} : memref<16x768xf32, #tpu.memory_space<vmem>>, vector<1x16xf32>,
      %get3A_443 = vector.shape_cast %get3A_442 : vector<1x16xf32> to vector<16xf32>
      %get3A_444 = arith.index_cast %scan3A_159 : i32 to index
      %get3A_445 = arith.constant 320 : index
      %get3A_446 = tpu.vector_load %arg10[%get3A_444, %get3A_445] {strides = array<i32>} : memref<16x768xf32, #tpu.memory_space<vmem>>, vector<1x16xf32>,
      %get3A_447 = vector.shape_cast %get3A_446 : vector<1x16xf32> to vector<16xf32>
      %add3A_448 = arith.addf %get3A_443, %get3A_447 : vector<16xf32>
      %swap3A_449 = arith.index_cast %scan3A_159 : i32 to index
      %swap3A_450 = arith.constant 320 : index
      %swap3A_451 = tpu.vector_load %arg9[%swap3A_449, %swap3A_450] {strides = array<i32>} : memref<16x768xf32, #tpu.memory_space<vmem>>, vector<1x16xf32>,
      %swap3A_452 = vector.shape_cast %swap3A_451 : vector<1x16xf32> to vector<16xf32>
      %swap3A_453 = vector.shape_cast %add3A_448 : vector<16xf32> to vector<1x16xf32>
      tpu.vector_store %arg9[%swap3A_449, %swap3A_450], %swap3A_453 {strides = array<i32>} : memref<16x768xf32, #tpu.memory_space<vmem>>, vector<1x16xf32>,
      %get3A_454 = arith.index_cast %scan3A_159 : i32 to index
      %get3A_455 = arith.constant 336 : index
      %get3A_456 = tpu.vector_load %arg9[%get3A_454, %get3A_455] {strides = array<i32>} : memref<16x768xf32, #tpu.memory_space<vmem>>, vector<1x16xf32>,
      %get3A_457 = vector.shape_cast %get3A_456 : vector<1x16xf32> to vector<16xf32>
      %get3A_458 = arith.index_cast %scan3A_159 : i32 to index
      %get3A_459 = arith.constant 336 : index
      %get3A_460 = tpu.vector_load %arg10[%get3A_458, %get3A_459] {strides = array<i32>} : memref<16x768xf32, #tpu.memory_space<vmem>>, vector<1x16xf32>,
      %get3A_461 = vector.shape_cast %get3A_460 : vector<1x16xf32> to vector<16xf32>
      %add3A_462 = arith.addf %get3A_457, %get3A_461 : vector<16xf32>
      %swap3A_463 = arith.index_cast %scan3A_159 : i32 to index
      %swap3A_464 = arith.constant 336 : index
      %swap3A_465 = tpu.vector_load %arg9[%swap3A_463, %swap3A_464] {strides = array<i32>} : memref<16x768xf32, #tpu.memory_space<vmem>>, vector<1x16xf32>,
      %swap3A_466 = vector.shape_cast %swap3A_465 : vector<1x16xf32> to vector<16xf32>
      %swap3A_467 = vector.shape_cast %add3A_462 : vector<16xf32> to vector<1x16xf32>
      tpu.vector_store %arg9[%swap3A_463, %swap3A_464], %swap3A_467 {strides = array<i32>} : memref<16x768xf32, #tpu.memory_space<vmem>>, vector<1x16xf32>,
      %get3A_468 = arith.index_cast %scan3A_159 : i32 to index
      %get3A_469 = arith.constant 352 : index
      %get3A_470 = tpu.vector_load %arg9[%get3A_468, %get3A_469] {strides = array<i32>} : memref<16x768xf32, #tpu.memory_space<vmem>>, vector<1x16xf32>,
      %get3A_471 = vector.shape_cast %get3A_470 : vector<1x16xf32> to vector<16xf32>
      %get3A_472 = arith.index_cast %scan3A_159 : i32 to index
      %get3A_473 = arith.constant 352 : index
      %get3A_474 = tpu.vector_load %arg10[%get3A_472, %get3A_473] {strides = array<i32>} : memref<16x768xf32, #tpu.memory_space<vmem>>, vector<1x16xf32>,
      %get3A_475 = vector.shape_cast %get3A_474 : vector<1x16xf32> to vector<16xf32>
      %add3A_476 = arith.addf %get3A_471, %get3A_475 : vector<16xf32>
      %swap3A_477 = arith.index_cast %scan3A_159 : i32 to index
      %swap3A_478 = arith.constant 352 : index
      %swap3A_479 = tpu.vector_load %arg9[%swap3A_477, %swap3A_478] {strides = array<i32>} : memref<16x768xf32, #tpu.memory_space<vmem>>, vector<1x16xf32>,
      %swap3A_480 = vector.shape_cast %swap3A_479 : vector<1x16xf32> to vector<16xf32>
      %swap3A_481 = vector.shape_cast %add3A_476 : vector<16xf32> to vector<1x16xf32>
      tpu.vector_store %arg9[%swap3A_477, %swap3A_478], %swap3A_481 {strides = array<i32>} : memref<16x768xf32, #tpu.memory_space<vmem>>, vector<1x16xf32>,
      %get3A_482 = arith.index_cast %scan3A_159 : i32 to index
      %get3A_483 = arith.constant 368 : index
      %get3A_484 = tpu.vector_load %arg9[%get3A_482, %get3A_483] {strides = array<i32>} : memref<16x768xf32, #tpu.memory_space<vmem>>, vector<1x16xf32>,
      %get3A_485 = vector.shape_cast %get3A_484 : vector<1x16xf32> to vector<16xf32>
      %get3A_486 = arith.index_cast %scan3A_159 : i32 to index
      %get3A_487 = arith.constant 368 : index
      %get3A_488 = tpu.vector_load %arg10[%get3A_486, %get3A_487] {strides = array<i32>} : memref<16x768xf32, #tpu.memory_space<vmem>>, vector<1x16xf32>,
      %get3A_489 = vector.shape_cast %get3A_488 : vector<1x16xf32> to vector<16xf32>
      %add3A_490 = arith.addf %get3A_485, %get3A_489 : vector<16xf32>
      %swap3A_491 = arith.index_cast %scan3A_159 : i32 to index
      %swap3A_492 = arith.constant 368 : index
      %swap3A_493 = tpu.vector_load %arg9[%swap3A_491, %swap3A_492] {strides = array<i32>} : memref<16x768xf32, #tpu.memory_space<vmem>>, vector<1x16xf32>,
      %swap3A_494 = vector.shape_cast %swap3A_493 : vector<1x16xf32> to vector<16xf32>
      %swap3A_495 = vector.shape_cast %add3A_490 : vector<16xf32> to vector<1x16xf32>
      tpu.vector_store %arg9[%swap3A_491, %swap3A_492], %swap3A_495 {strides = array<i32>} : memref<16x768xf32, #tpu.memory_space<vmem>>, vector<1x16xf32>,
      %get3A_496 = arith.index_cast %scan3A_159 : i32 to index
      %get3A_497 = arith.constant 384 : index
      %get3A_498 = tpu.vector_load %arg9[%get3A_496, %get3A_497] {strides = array<i32>} : memref<16x768xf32, #tpu.memory_space<vmem>>, vector<1x16xf32>,
      %get3A_499 = vector.shape_cast %get3A_498 : vector<1x16xf32> to vector<16xf32>
      %get3A_500 = arith.index_cast %scan3A_159 : i32 to index
      %get3A_501 = arith.constant 384 : index
      %get3A_502 = tpu.vector_load %arg10[%get3A_500, %get3A_501] {strides = array<i32>} : memref<16x768xf32, #tpu.memory_space<vmem>>, vector<1x16xf32>,
      %get3A_503 = vector.shape_cast %get3A_502 : vector<1x16xf32> to vector<16xf32>
      %add3A_504 = arith.addf %get3A_499, %get3A_503 : vector<16xf32>
      %swap3A_505 = arith.index_cast %scan3A_159 : i32 to index
      %swap3A_506 = arith.constant 384 : index
      %swap3A_507 = tpu.vector_load %arg9[%swap3A_505, %swap3A_506] {strides = array<i32>} : memref<16x768xf32, #tpu.memory_space<vmem>>, vector<1x16xf32>,
      %swap3A_508 = vector.shape_cast %swap3A_507 : vector<1x16xf32> to vector<16xf32>
      %swap3A_509 = vector.shape_cast %add3A_504 : vector<16xf32> to vector<1x16xf32>
      tpu.vector_store %arg9[%swap3A_505, %swap3A_506], %swap3A_509 {strides = array<i32>} : memref<16x768xf32, #tpu.memory_space<vmem>>, vector<1x16xf32>,
      %get3A_510 = arith.index_cast %scan3A_159 : i32 to index
      %get3A_511 = arith.constant 400 : index
      %get3A_512 = tpu.vector_load %arg9[%get3A_510, %get3A_511] {strides = array<i32>} : memref<16x768xf32, #tpu.memory_space<vmem>>, vector<1x16xf32>,
      %get3A_513 = vector.shape_cast %get3A_512 : vector<1x16xf32> to vector<16xf32>
      %get3A_514 = arith.index_cast %scan3A_159 : i32 to index
      %get3A_515 = arith.constant 400 : index
      %get3A_516 = tpu.vector_load %arg10[%get3A_514, %get3A_515] {strides = array<i32>} : memref<16x768xf32, #tpu.memory_space<vmem>>, vector<1x16xf32>,
      %get3A_517 = vector.shape_cast %get3A_516 : vector<1x16xf32> to vector<16xf32>
      %add3A_518 = arith.addf %get3A_513, %get3A_517 : vector<16xf32>
      %swap3A_519 = arith.index_cast %scan3A_159 : i32 to index
      %swap3A_520 = arith.constant 400 : index
      %swap3A_521 = tpu.vector_load %arg9[%swap3A_519, %swap3A_520] {strides = array<i32>} : memref<16x768xf32, #tpu.memory_space<vmem>>, vector<1x16xf32>,
      %swap3A_522 = vector.shape_cast %swap3A_521 : vector<1x16xf32> to vector<16xf32>
      %swap3A_523 = vector.shape_cast %add3A_518 : vector<16xf32> to vector<1x16xf32>
      tpu.vector_store %arg9[%swap3A_519, %swap3A_520], %swap3A_523 {strides = array<i32>} : memref<16x768xf32, #tpu.memory_space<vmem>>, vector<1x16xf32>,
      %get3A_524 = arith.index_cast %scan3A_159 : i32 to index
      %get3A_525 = arith.constant 416 : index
      %get3A_526 = tpu.vector_load %arg9[%get3A_524, %get3A_525] {strides = array<i32>} : memref<16x768xf32, #tpu.memory_space<vmem>>, vector<1x16xf32>,
      %get3A_527 = vector.shape_cast %get3A_526 : vector<1x16xf32> to vector<16xf32>
      %get3A_528 = arith.index_cast %scan3A_159 : i32 to index
      %get3A_529 = arith.constant 416 : index
      %get3A_530 = tpu.vector_load %arg10[%get3A_528, %get3A_529] {strides = array<i32>} : memref<16x768xf32, #tpu.memory_space<vmem>>, vector<1x16xf32>,
      %get3A_531 = vector.shape_cast %get3A_530 : vector<1x16xf32> to vector<16xf32>
      %add3A_532 = arith.addf %get3A_527, %get3A_531 : vector<16xf32>
      %swap3A_533 = arith.index_cast %scan3A_159 : i32 to index
      %swap3A_534 = arith.constant 416 : index
      %swap3A_535 = tpu.vector_load %arg9[%swap3A_533, %swap3A_534] {strides = array<i32>} : memref<16x768xf32, #tpu.memory_space<vmem>>, vector<1x16xf32>,
      %swap3A_536 = vector.shape_cast %swap3A_535 : vector<1x16xf32> to vector<16xf32>
      %swap3A_537 = vector.shape_cast %add3A_532 : vector<16xf32> to vector<1x16xf32>
      tpu.vector_store %arg9[%swap3A_533, %swap3A_534], %swap3A_537 {strides = array<i32>} : memref<16x768xf32, #tpu.memory_space<vmem>>, vector<1x16xf32>,
      %get3A_538 = arith.index_cast %scan3A_159 : i32 to index
      %get3A_539 = arith.constant 432 : index
      %get3A_540 = tpu.vector_load %arg9[%get3A_538, %get3A_539] {strides = array<i32>} : memref<16x768xf32, #tpu.memory_space<vmem>>, vector<1x16xf32>,
      %get3A_541 = vector.shape_cast %get3A_540 : vector<1x16xf32> to vector<16xf32>
      %get3A_542 = arith.index_cast %scan3A_159 : i32 to index
      %get3A_543 = arith.constant 432 : index
      %get3A_544 = tpu.vector_load %arg10[%get3A_542, %get3A_543] {strides = array<i32>} : memref<16x768xf32, #tpu.memory_space<vmem>>, vector<1x16xf32>,
      %get3A_545 = vector.shape_cast %get3A_544 : vector<1x16xf32> to vector<16xf32>
      %add3A_546 = arith.addf %get3A_541, %get3A_545 : vector<16xf32>
      %swap3A_547 = arith.index_cast %scan3A_159 : i32 to index
      %swap3A_548 = arith.constant 432 : index
      %swap3A_549 = tpu.vector_load %arg9[%swap3A_547, %swap3A_548] {strides = array<i32>} : memref<16x768xf32, #tpu.memory_space<vmem>>, vector<1x16xf32>,
      %swap3A_550 = vector.shape_cast %swap3A_549 : vector<1x16xf32> to vector<16xf32>
      %swap3A_551 = vector.shape_cast %add3A_546 : vector<16xf32> to vector<1x16xf32>
      tpu.vector_store %arg9[%swap3A_547, %swap3A_548], %swap3A_551 {strides = array<i32>} : memref<16x768xf32, #tpu.memory_space<vmem>>, vector<1x16xf32>,
      %get3A_552 = arith.index_cast %scan3A_159 : i32 to index
      %get3A_553 = arith.constant 448 : index
      %get3A_554 = tpu.vector_load %arg9[%get3A_552, %get3A_553] {strides = array<i32>} : memref<16x768xf32, #tpu.memory_space<vmem>>, vector<1x16xf32>,
      %get3A_555 = vector.shape_cast %get3A_554 : vector<1x16xf32> to vector<16xf32>
      %get3A_556 = arith.index_cast %scan3A_159 : i32 to index
      %get3A_557 = arith.constant 448 : index
      %get3A_558 = tpu.vector_load %arg10[%get3A_556, %get3A_557] {strides = array<i32>} : memref<16x768xf32, #tpu.memory_space<vmem>>, vector<1x16xf32>,
      %get3A_559 = vector.shape_cast %get3A_558 : vector<1x16xf32> to vector<16xf32>
      %add3A_560 = arith.addf %get3A_555, %get3A_559 : vector<16xf32>
      %swap3A_561 = arith.index_cast %scan3A_159 : i32 to index
      %swap3A_562 = arith.constant 448 : index
      %swap3A_563 = tpu.vector_load %arg9[%swap3A_561, %swap3A_562] {strides = array<i32>} : memref<16x768xf32, #tpu.memory_space<vmem>>, vector<1x16xf32>,
      %swap3A_564 = vector.shape_cast %swap3A_563 : vector<1x16xf32> to vector<16xf32>
      %swap3A_565 = vector.shape_cast %add3A_560 : vector<16xf32> to vector<1x16xf32>
      tpu.vector_store %arg9[%swap3A_561, %swap3A_562], %swap3A_565 {strides = array<i32>} : memref<16x768xf32, #tpu.memory_space<vmem>>, vector<1x16xf32>,
      %get3A_566 = arith.index_cast %scan3A_159 : i32 to index
      %get3A_567 = arith.constant 464 : index
      %get3A_568 = tpu.vector_load %arg9[%get3A_566, %get3A_567] {strides = array<i32>} : memref<16x768xf32, #tpu.memory_space<vmem>>, vector<1x16xf32>,
      %get3A_569 = vector.shape_cast %get3A_568 : vector<1x16xf32> to vector<16xf32>
      %get3A_570 = arith.index_cast %scan3A_159 : i32 to index
      %get3A_571 = arith.constant 464 : index
      %get3A_572 = tpu.vector_load %arg10[%get3A_570, %get3A_571] {strides = array<i32>} : memref<16x768xf32, #tpu.memory_space<vmem>>, vector<1x16xf32>,
      %get3A_573 = vector.shape_cast %get3A_572 : vector<1x16xf32> to vector<16xf32>
      %add3A_574 = arith.addf %get3A_569, %get3A_573 : vector<16xf32>
      %swap3A_575 = arith.index_cast %scan3A_159 : i32 to index
      %swap3A_576 = arith.constant 464 : index
      %swap3A_577 = tpu.vector_load %arg9[%swap3A_575, %swap3A_576] {strides = array<i32>} : memref<16x768xf32, #tpu.memory_space<vmem>>, vector<1x16xf32>,
      %swap3A_578 = vector.shape_cast %swap3A_577 : vector<1x16xf32> to vector<16xf32>
      %swap3A_579 = vector.shape_cast %add3A_574 : vector<16xf32> to vector<1x16xf32>
      tpu.vector_store %arg9[%swap3A_575, %swap3A_576], %swap3A_579 {strides = array<i32>} : memref<16x768xf32, #tpu.memory_space<vmem>>, vector<1x16xf32>,
      %get3A_580 = arith.index_cast %scan3A_159 : i32 to index
      %get3A_581 = arith.constant 480 : index
      %get3A_582 = tpu.vector_load %arg9[%get3A_580, %get3A_581] {strides = array<i32>} : memref<16x768xf32, #tpu.memory_space<vmem>>, vector<1x16xf32>,
      %get3A_583 = vector.shape_cast %get3A_582 : vector<1x16xf32> to vector<16xf32>
      %get3A_584 = arith.index_cast %scan3A_159 : i32 to index
      %get3A_585 = arith.constant 480 : index
      %get3A_586 = tpu.vector_load %arg10[%get3A_584, %get3A_585] {strides = array<i32>} : memref<16x768xf32, #tpu.memory_space<vmem>>, vector<1x16xf32>,
      %get3A_587 = vector.shape_cast %get3A_586 : vector<1x16xf32> to vector<16xf32>
      %add3A_588 = arith.addf %get3A_583, %get3A_587 : vector<16xf32>
      %swap3A_589 = arith.index_cast %scan3A_159 : i32 to index
      %swap3A_590 = arith.constant 480 : index
      %swap3A_591 = tpu.vector_load %arg9[%swap3A_589, %swap3A_590] {strides = array<i32>} : memref<16x768xf32, #tpu.memory_space<vmem>>, vector<1x16xf32>,
      %swap3A_592 = vector.shape_cast %swap3A_591 : vector<1x16xf32> to vector<16xf32>
      %swap3A_593 = vector.shape_cast %add3A_588 : vector<16xf32> to vector<1x16xf32>
      tpu.vector_store %arg9[%swap3A_589, %swap3A_590], %swap3A_593 {strides = array<i32>} : memref<16x768xf32, #tpu.memory_space<vmem>>, vector<1x16xf32>,
      %get3A_594 = arith.index_cast %scan3A_159 : i32 to index
      %get3A_595 = arith.constant 496 : index
      %get3A_596 = tpu.vector_load %arg9[%get3A_594, %get3A_595] {strides = array<i32>} : memref<16x768xf32, #tpu.memory_space<vmem>>, vector<1x16xf32>,
      %get3A_597 = vector.shape_cast %get3A_596 : vector<1x16xf32> to vector<16xf32>
      %get3A_598 = arith.index_cast %scan3A_159 : i32 to index
      %get3A_599 = arith.constant 496 : index
      %get3A_600 = tpu.vector_load %arg10[%get3A_598, %get3A_599] {strides = array<i32>} : memref<16x768xf32, #tpu.memory_space<vmem>>, vector<1x16xf32>,
      %get3A_601 = vector.shape_cast %get3A_600 : vector<1x16xf32> to vector<16xf32>
      %add3A_602 = arith.addf %get3A_597, %get3A_601 : vector<16xf32>
      %swap3A_603 = arith.index_cast %scan3A_159 : i32 to index
      %swap3A_604 = arith.constant 496 : index
      %swap3A_605 = tpu.vector_load %arg9[%swap3A_603, %swap3A_604] {strides = array<i32>} : memref<16x768xf32, #tpu.memory_space<vmem>>, vector<1x16xf32>,
      %swap3A_606 = vector.shape_cast %swap3A_605 : vector<1x16xf32> to vector<16xf32>
      %swap3A_607 = vector.shape_cast %add3A_602 : vector<16xf32> to vector<1x16xf32>
      tpu.vector_store %arg9[%swap3A_603, %swap3A_604], %swap3A_607 {strides = array<i32>} : memref<16x768xf32, #tpu.memory_space<vmem>>, vector<1x16xf32>,
      %get3A_608 = arith.index_cast %scan3A_159 : i32 to index
      %get3A_609 = arith.constant 512 : index
      %get3A_610 = tpu.vector_load %arg9[%get3A_608, %get3A_609] {strides = array<i32>} : memref<16x768xf32, #tpu.memory_space<vmem>>, vector<1x16xf32>,
      %get3A_611 = vector.shape_cast %get3A_610 : vector<1x16xf32> to vector<16xf32>
      %get3A_612 = arith.index_cast %scan3A_159 : i32 to index
      %get3A_613 = arith.constant 512 : index
      %get3A_614 = tpu.vector_load %arg10[%get3A_612, %get3A_613] {strides = array<i32>} : memref<16x768xf32, #tpu.memory_space<vmem>>, vector<1x16xf32>,
      %get3A_615 = vector.shape_cast %get3A_614 : vector<1x16xf32> to vector<16xf32>
      %add3A_616 = arith.addf %get3A_611, %get3A_615 : vector<16xf32>
      %swap3A_617 = arith.index_cast %scan3A_159 : i32 to index
      %swap3A_618 = arith.constant 512 : index
      %swap3A_619 = tpu.vector_load %arg9[%swap3A_617, %swap3A_618] {strides = array<i32>} : memref<16x768xf32, #tpu.memory_space<vmem>>, vector<1x16xf32>,
      %swap3A_620 = vector.shape_cast %swap3A_619 : vector<1x16xf32> to vector<16xf32>
      %swap3A_621 = vector.shape_cast %add3A_616 : vector<16xf32> to vector<1x16xf32>
      tpu.vector_store %arg9[%swap3A_617, %swap3A_618], %swap3A_621 {strides = array<i32>} : memref<16x768xf32, #tpu.memory_space<vmem>>, vector<1x16xf32>,
      %get3A_622 = arith.index_cast %scan3A_159 : i32 to index
      %get3A_623 = arith.constant 528 : index
      %get3A_624 = tpu.vector_load %arg9[%get3A_622, %get3A_623] {strides = array<i32>} : memref<16x768xf32, #tpu.memory_space<vmem>>, vector<1x16xf32>,
      %get3A_625 = vector.shape_cast %get3A_624 : vector<1x16xf32> to vector<16xf32>
      %get3A_626 = arith.index_cast %scan3A_159 : i32 to index
      %get3A_627 = arith.constant 528 : index
      %get3A_628 = tpu.vector_load %arg10[%get3A_626, %get3A_627] {strides = array<i32>} : memref<16x768xf32, #tpu.memory_space<vmem>>, vector<1x16xf32>,
      %get3A_629 = vector.shape_cast %get3A_628 : vector<1x16xf32> to vector<16xf32>
      %add3A_630 = arith.addf %get3A_625, %get3A_629 : vector<16xf32>
      %swap3A_631 = arith.index_cast %scan3A_159 : i32 to index
      %swap3A_632 = arith.constant 528 : index
      %swap3A_633 = tpu.vector_load %arg9[%swap3A_631, %swap3A_632] {strides = array<i32>} : memref<16x768xf32, #tpu.memory_space<vmem>>, vector<1x16xf32>,
      %swap3A_634 = vector.shape_cast %swap3A_633 : vector<1x16xf32> to vector<16xf32>
      %swap3A_635 = vector.shape_cast %add3A_630 : vector<16xf32> to vector<1x16xf32>
      tpu.vector_store %arg9[%swap3A_631, %swap3A_632], %swap3A_635 {strides = array<i32>} : memref<16x768xf32, #tpu.memory_space<vmem>>, vector<1x16xf32>,
      %get3A_636 = arith.index_cast %scan3A_159 : i32 to index
      %get3A_637 = arith.constant 544 : index
      %get3A_638 = tpu.vector_load %arg9[%get3A_636, %get3A_637] {strides = array<i32>} : memref<16x768xf32, #tpu.memory_space<vmem>>, vector<1x16xf32>,
      %get3A_639 = vector.shape_cast %get3A_638 : vector<1x16xf32> to vector<16xf32>
      %get3A_640 = arith.index_cast %scan3A_159 : i32 to index
      %get3A_641 = arith.constant 544 : index
      %get3A_642 = tpu.vector_load %arg10[%get3A_640, %get3A_641] {strides = array<i32>} : memref<16x768xf32, #tpu.memory_space<vmem>>, vector<1x16xf32>,
      %get3A_643 = vector.shape_cast %get3A_642 : vector<1x16xf32> to vector<16xf32>
      %add3A_644 = arith.addf %get3A_639, %get3A_643 : vector<16xf32>
      %swap3A_645 = arith.index_cast %scan3A_159 : i32 to index
      %swap3A_646 = arith.constant 544 : index
      %swap3A_647 = tpu.vector_load %arg9[%swap3A_645, %swap3A_646] {strides = array<i32>} : memref<16x768xf32, #tpu.memory_space<vmem>>, vector<1x16xf32>,
      %swap3A_648 = vector.shape_cast %swap3A_647 : vector<1x16xf32> to vector<16xf32>
      %swap3A_649 = vector.shape_cast %add3A_644 : vector<16xf32> to vector<1x16xf32>
      tpu.vector_store %arg9[%swap3A_645, %swap3A_646], %swap3A_649 {strides = array<i32>} : memref<16x768xf32, #tpu.memory_space<vmem>>, vector<1x16xf32>,
      %get3A_650 = arith.index_cast %scan3A_159 : i32 to index
      %get3A_651 = arith.constant 560 : index
      %get3A_652 = tpu.vector_load %arg9[%get3A_650, %get3A_651] {strides = array<i32>} : memref<16x768xf32, #tpu.memory_space<vmem>>, vector<1x16xf32>,
      %get3A_653 = vector.shape_cast %get3A_652 : vector<1x16xf32> to vector<16xf32>
      %get3A_654 = arith.index_cast %scan3A_159 : i32 to index
      %get3A_655 = arith.constant 560 : index
      %get3A_656 = tpu.vector_load %arg10[%get3A_654, %get3A_655] {strides = array<i32>} : memref<16x768xf32, #tpu.memory_space<vmem>>, vector<1x16xf32>,
      %get3A_657 = vector.shape_cast %get3A_656 : vector<1x16xf32> to vector<16xf32>
      %add3A_658 = arith.addf %get3A_653, %get3A_657 : vector<16xf32>
      %swap3A_659 = arith.index_cast %scan3A_159 : i32 to index
      %swap3A_660 = arith.constant 560 : index
      %swap3A_661 = tpu.vector_load %arg9[%swap3A_659, %swap3A_660] {strides = array<i32>} : memref<16x768xf32, #tpu.memory_space<vmem>>, vector<1x16xf32>,
      %swap3A_662 = vector.shape_cast %swap3A_661 : vector<1x16xf32> to vector<16xf32>
      %swap3A_663 = vector.shape_cast %add3A_658 : vector<16xf32> to vector<1x16xf32>
      tpu.vector_store %arg9[%swap3A_659, %swap3A_660], %swap3A_663 {strides = array<i32>} : memref<16x768xf32, #tpu.memory_space<vmem>>, vector<1x16xf32>,
      %get3A_664 = arith.index_cast %scan3A_159 : i32 to index
      %get3A_665 = arith.constant 576 : index
      %get3A_666 = tpu.vector_load %arg9[%get3A_664, %get3A_665] {strides = array<i32>} : memref<16x768xf32, #tpu.memory_space<vmem>>, vector<1x16xf32>,
      %get3A_667 = vector.shape_cast %get3A_666 : vector<1x16xf32> to vector<16xf32>
      %get3A_668 = arith.index_cast %scan3A_159 : i32 to index
      %get3A_669 = arith.constant 576 : index
      %get3A_670 = tpu.vector_load %arg10[%get3A_668, %get3A_669] {strides = array<i32>} : memref<16x768xf32, #tpu.memory_space<vmem>>, vector<1x16xf32>,
      %get3A_671 = vector.shape_cast %get3A_670 : vector<1x16xf32> to vector<16xf32>
      %add3A_672 = arith.addf %get3A_667, %get3A_671 : vector<16xf32>
      %swap3A_673 = arith.index_cast %scan3A_159 : i32 to index
      %swap3A_674 = arith.constant 576 : index
      %swap3A_675 = tpu.vector_load %arg9[%swap3A_673, %swap3A_674] {strides = array<i32>} : memref<16x768xf32, #tpu.memory_space<vmem>>, vector<1x16xf32>,
      %swap3A_676 = vector.shape_cast %swap3A_675 : vector<1x16xf32> to vector<16xf32>
      %swap3A_677 = vector.shape_cast %add3A_672 : vector<16xf32> to vector<1x16xf32>
      tpu.vector_store %arg9[%swap3A_673, %swap3A_674], %swap3A_677 {strides = array<i32>} : memref<16x768xf32, #tpu.memory_space<vmem>>, vector<1x16xf32>,
      %get3A_678 = arith.index_cast %scan3A_159 : i32 to index
      %get3A_679 = arith.constant 592 : index
      %get3A_680 = tpu.vector_load %arg9[%get3A_678, %get3A_679] {strides = array<i32>} : memref<16x768xf32, #tpu.memory_space<vmem>>, vector<1x16xf32>,
      %get3A_681 = vector.shape_cast %get3A_680 : vector<1x16xf32> to vector<16xf32>
      %get3A_682 = arith.index_cast %scan3A_159 : i32 to index
      %get3A_683 = arith.constant 592 : index
      %get3A_684 = tpu.vector_load %arg10[%get3A_682, %get3A_683] {strides = array<i32>} : memref<16x768xf32, #tpu.memory_space<vmem>>, vector<1x16xf32>,
      %get3A_685 = vector.shape_cast %get3A_684 : vector<1x16xf32> to vector<16xf32>
      %add3A_686 = arith.addf %get3A_681, %get3A_685 : vector<16xf32>
      %swap3A_687 = arith.index_cast %scan3A_159 : i32 to index
      %swap3A_688 = arith.constant 592 : index
      %swap3A_689 = tpu.vector_load %arg9[%swap3A_687, %swap3A_688] {strides = array<i32>} : memref<16x768xf32, #tpu.memory_space<vmem>>, vector<1x16xf32>,
      %swap3A_690 = vector.shape_cast %swap3A_689 : vector<1x16xf32> to vector<16xf32>
      %swap3A_691 = vector.shape_cast %add3A_686 : vector<16xf32> to vector<1x16xf32>
      tpu.vector_store %arg9[%swap3A_687, %swap3A_688], %swap3A_691 {strides = array<i32>} : memref<16x768xf32, #tpu.memory_space<vmem>>, vector<1x16xf32>,
      %get3A_692 = arith.index_cast %scan3A_159 : i32 to index
      %get3A_693 = arith.constant 608 : index
      %get3A_694 = tpu.vector_load %arg9[%get3A_692, %get3A_693] {strides = array<i32>} : memref<16x768xf32, #tpu.memory_space<vmem>>, vector<1x16xf32>,
      %get3A_695 = vector.shape_cast %get3A_694 : vector<1x16xf32> to vector<16xf32>
      %get3A_696 = arith.index_cast %scan3A_159 : i32 to index
      %get3A_697 = arith.constant 608 : index
      %get3A_698 = tpu.vector_load %arg10[%get3A_696, %get3A_697] {strides = array<i32>} : memref<16x768xf32, #tpu.memory_space<vmem>>, vector<1x16xf32>,
      %get3A_699 = vector.shape_cast %get3A_698 : vector<1x16xf32> to vector<16xf32>
      %add3A_700 = arith.addf %get3A_695, %get3A_699 : vector<16xf32>
      %swap3A_701 = arith.index_cast %scan3A_159 : i32 to index
      %swap3A_702 = arith.constant 608 : index
      %swap3A_703 = tpu.vector_load %arg9[%swap3A_701, %swap3A_702] {strides = array<i32>} : memref<16x768xf32, #tpu.memory_space<vmem>>, vector<1x16xf32>,
      %swap3A_704 = vector.shape_cast %swap3A_703 : vector<1x16xf32> to vector<16xf32>
      %swap3A_705 = vector.shape_cast %add3A_700 : vector<16xf32> to vector<1x16xf32>
      tpu.vector_store %arg9[%swap3A_701, %swap3A_702], %swap3A_705 {strides = array<i32>} : memref<16x768xf32, #tpu.memory_space<vmem>>, vector<1x16xf32>,
      %get3A_706 = arith.index_cast %scan3A_159 : i32 to index
      %get3A_707 = arith.constant 624 : index
      %get3A_708 = tpu.vector_load %arg9[%get3A_706, %get3A_707] {strides = array<i32>} : memref<16x768xf32, #tpu.memory_space<vmem>>, vector<1x16xf32>,
      %get3A_709 = vector.shape_cast %get3A_708 : vector<1x16xf32> to vector<16xf32>
      %get3A_710 = arith.index_cast %scan3A_159 : i32 to index
      %get3A_711 = arith.constant 624 : index
      %get3A_712 = tpu.vector_load %arg10[%get3A_710, %get3A_711] {strides = array<i32>} : memref<16x768xf32, #tpu.memory_space<vmem>>, vector<1x16xf32>,
      %get3A_713 = vector.shape_cast %get3A_712 : vector<1x16xf32> to vector<16xf32>
      %add3A_714 = arith.addf %get3A_709, %get3A_713 : vector<16xf32>
      %swap3A_715 = arith.index_cast %scan3A_159 : i32 to index
      %swap3A_716 = arith.constant 624 : index
      %swap3A_717 = tpu.vector_load %arg9[%swap3A_715, %swap3A_716] {strides = array<i32>} : memref<16x768xf32, #tpu.memory_space<vmem>>, vector<1x16xf32>,
      %swap3A_718 = vector.shape_cast %swap3A_717 : vector<1x16xf32> to vector<16xf32>
      %swap3A_719 = vector.shape_cast %add3A_714 : vector<16xf32> to vector<1x16xf32>
      tpu.vector_store %arg9[%swap3A_715, %swap3A_716], %swap3A_719 {strides = array<i32>} : memref<16x768xf32, #tpu.memory_space<vmem>>, vector<1x16xf32>,
      %get3A_720 = arith.index_cast %scan3A_159 : i32 to index
      %get3A_721 = arith.constant 640 : index
      %get3A_722 = tpu.vector_load %arg9[%get3A_720, %get3A_721] {strides = array<i32>} : memref<16x768xf32, #tpu.memory_space<vmem>>, vector<1x16xf32>,
      %get3A_723 = vector.shape_cast %get3A_722 : vector<1x16xf32> to vector<16xf32>
      %get3A_724 = arith.index_cast %scan3A_159 : i32 to index
      %get3A_725 = arith.constant 640 : index
      %get3A_726 = tpu.vector_load %arg10[%get3A_724, %get3A_725] {strides = array<i32>} : memref<16x768xf32, #tpu.memory_space<vmem>>, vector<1x16xf32>,
      %get3A_727 = vector.shape_cast %get3A_726 : vector<1x16xf32> to vector<16xf32>
      %add3A_728 = arith.addf %get3A_723, %get3A_727 : vector<16xf32>
      %swap3A_729 = arith.index_cast %scan3A_159 : i32 to index
      %swap3A_730 = arith.constant 640 : index
      %swap3A_731 = tpu.vector_load %arg9[%swap3A_729, %swap3A_730] {strides = array<i32>} : memref<16x768xf32, #tpu.memory_space<vmem>>, vector<1x16xf32>,
      %swap3A_732 = vector.shape_cast %swap3A_731 : vector<1x16xf32> to vector<16xf32>
      %swap3A_733 = vector.shape_cast %add3A_728 : vector<16xf32> to vector<1x16xf32>
      tpu.vector_store %arg9[%swap3A_729, %swap3A_730], %swap3A_733 {strides = array<i32>} : memref<16x768xf32, #tpu.memory_space<vmem>>, vector<1x16xf32>,
      %get3A_734 = arith.index_cast %scan3A_159 : i32 to index
      %get3A_735 = arith.constant 656 : index
      %get3A_736 = tpu.vector_load %arg9[%get3A_734, %get3A_735] {strides = array<i32>} : memref<16x768xf32, #tpu.memory_space<vmem>>, vector<1x16xf32>,
      %get3A_737 = vector.shape_cast %get3A_736 : vector<1x16xf32> to vector<16xf32>
      %get3A_738 = arith.index_cast %scan3A_159 : i32 to index
      %get3A_739 = arith.constant 656 : index
      %get3A_740 = tpu.vector_load %arg10[%get3A_738, %get3A_739] {strides = array<i32>} : memref<16x768xf32, #tpu.memory_space<vmem>>, vector<1x16xf32>,
      %get3A_741 = vector.shape_cast %get3A_740 : vector<1x16xf32> to vector<16xf32>
      %add3A_742 = arith.addf %get3A_737, %get3A_741 : vector<16xf32>
      %swap3A_743 = arith.index_cast %scan3A_159 : i32 to index
      %swap3A_744 = arith.constant 656 : index
      %swap3A_745 = tpu.vector_load %arg9[%swap3A_743, %swap3A_744] {strides = array<i32>} : memref<16x768xf32, #tpu.memory_space<vmem>>, vector<1x16xf32>,
      %swap3A_746 = vector.shape_cast %swap3A_745 : vector<1x16xf32> to vector<16xf32>
      %swap3A_747 = vector.shape_cast %add3A_742 : vector<16xf32> to vector<1x16xf32>
      tpu.vector_store %arg9[%swap3A_743, %swap3A_744], %swap3A_747 {strides = array<i32>} : memref<16x768xf32, #tpu.memory_space<vmem>>, vector<1x16xf32>,
      %get3A_748 = arith.index_cast %scan3A_159 : i32 to index
      %get3A_749 = arith.constant 672 : index
      %get3A_750 = tpu.vector_load %arg9[%get3A_748, %get3A_749] {strides = array<i32>} : memref<16x768xf32, #tpu.memory_space<vmem>>, vector<1x16xf32>,
      %get3A_751 = vector.shape_cast %get3A_750 : vector<1x16xf32> to vector<16xf32>
      %get3A_752 = arith.index_cast %scan3A_159 : i32 to index
      %get3A_753 = arith.constant 672 : index
      %get3A_754 = tpu.vector_load %arg10[%get3A_752, %get3A_753] {strides = array<i32>} : memref<16x768xf32, #tpu.memory_space<vmem>>, vector<1x16xf32>,
      %get3A_755 = vector.shape_cast %get3A_754 : vector<1x16xf32> to vector<16xf32>
      %add3A_756 = arith.addf %get3A_751, %get3A_755 : vector<16xf32>
      %swap3A_757 = arith.index_cast %scan3A_159 : i32 to index
      %swap3A_758 = arith.constant 672 : index
      %swap3A_759 = tpu.vector_load %arg9[%swap3A_757, %swap3A_758] {strides = array<i32>} : memref<16x768xf32, #tpu.memory_space<vmem>>, vector<1x16xf32>,
      %swap3A_760 = vector.shape_cast %swap3A_759 : vector<1x16xf32> to vector<16xf32>
      %swap3A_761 = vector.shape_cast %add3A_756 : vector<16xf32> to vector<1x16xf32>
      tpu.vector_store %arg9[%swap3A_757, %swap3A_758], %swap3A_761 {strides = array<i32>} : memref<16x768xf32, #tpu.memory_space<vmem>>, vector<1x16xf32>,
      %get3A_762 = arith.index_cast %scan3A_159 : i32 to index
      %get3A_763 = arith.constant 688 : index
      %get3A_764 = tpu.vector_load %arg9[%get3A_762, %get3A_763] {strides = array<i32>} : memref<16x768xf32, #tpu.memory_space<vmem>>, vector<1x16xf32>,
      %get3A_765 = vector.shape_cast %get3A_764 : vector<1x16xf32> to vector<16xf32>
      %get3A_766 = arith.index_cast %scan3A_159 : i32 to index
      %get3A_767 = arith.constant 688 : index
      %get3A_768 = tpu.vector_load %arg10[%get3A_766, %get3A_767] {strides = array<i32>} : memref<16x768xf32, #tpu.memory_space<vmem>>, vector<1x16xf32>,
      %get3A_769 = vector.shape_cast %get3A_768 : vector<1x16xf32> to vector<16xf32>
      %add3A_770 = arith.addf %get3A_765, %get3A_769 : vector<16xf32>
      %swap3A_771 = arith.index_cast %scan3A_159 : i32 to index
      %swap3A_772 = arith.constant 688 : index
      %swap3A_773 = tpu.vector_load %arg9[%swap3A_771, %swap3A_772] {strides = array<i32>} : memref<16x768xf32, #tpu.memory_space<vmem>>, vector<1x16xf32>,
      %swap3A_774 = vector.shape_cast %swap3A_773 : vector<1x16xf32> to vector<16xf32>
      %swap3A_775 = vector.shape_cast %add3A_770 : vector<16xf32> to vector<1x16xf32>
      tpu.vector_store %arg9[%swap3A_771, %swap3A_772], %swap3A_775 {strides = array<i32>} : memref<16x768xf32, #tpu.memory_space<vmem>>, vector<1x16xf32>,
      %get3A_776 = arith.index_cast %scan3A_159 : i32 to index
      %get3A_777 = arith.constant 704 : index
      %get3A_778 = tpu.vector_load %arg9[%get3A_776, %get3A_777] {strides = array<i32>} : memref<16x768xf32, #tpu.memory_space<vmem>>, vector<1x16xf32>,
      %get3A_779 = vector.shape_cast %get3A_778 : vector<1x16xf32> to vector<16xf32>
      %get3A_780 = arith.index_cast %scan3A_159 : i32 to index
      %get3A_781 = arith.constant 704 : index
      %get3A_782 = tpu.vector_load %arg10[%get3A_780, %get3A_781] {strides = array<i32>} : memref<16x768xf32, #tpu.memory_space<vmem>>, vector<1x16xf32>,
      %get3A_783 = vector.shape_cast %get3A_782 : vector<1x16xf32> to vector<16xf32>
      %add3A_784 = arith.addf %get3A_779, %get3A_783 : vector<16xf32>
      %swap3A_785 = arith.index_cast %scan3A_159 : i32 to index
      %swap3A_786 = arith.constant 704 : index
      %swap3A_787 = tpu.vector_load %arg9[%swap3A_785, %swap3A_786] {strides = array<i32>} : memref<16x768xf32, #tpu.memory_space<vmem>>, vector<1x16xf32>,
      %swap3A_788 = vector.shape_cast %swap3A_787 : vector<1x16xf32> to vector<16xf32>
      %swap3A_789 = vector.shape_cast %add3A_784 : vector<16xf32> to vector<1x16xf32>
      tpu.vector_store %arg9[%swap3A_785, %swap3A_786], %swap3A_789 {strides = array<i32>} : memref<16x768xf32, #tpu.memory_space<vmem>>, vector<1x16xf32>,
      %get3A_790 = arith.index_cast %scan3A_159 : i32 to index
      %get3A_791 = arith.constant 720 : index
      %get3A_792 = tpu.vector_load %arg9[%get3A_790, %get3A_791] {strides = array<i32>} : memref<16x768xf32, #tpu.memory_space<vmem>>, vector<1x16xf32>,
      %get3A_793 = vector.shape_cast %get3A_792 : vector<1x16xf32> to vector<16xf32>
      %get3A_794 = arith.index_cast %scan3A_159 : i32 to index
      %get3A_795 = arith.constant 720 : index
      %get3A_796 = tpu.vector_load %arg10[%get3A_794, %get3A_795] {strides = array<i32>} : memref<16x768xf32, #tpu.memory_space<vmem>>, vector<1x16xf32>,
      %get3A_797 = vector.shape_cast %get3A_796 : vector<1x16xf32> to vector<16xf32>
      %add3A_798 = arith.addf %get3A_793, %get3A_797 : vector<16xf32>
      %swap3A_799 = arith.index_cast %scan3A_159 : i32 to index
      %swap3A_800 = arith.constant 720 : index
      %swap3A_801 = tpu.vector_load %arg9[%swap3A_799, %swap3A_800] {strides = array<i32>} : memref<16x768xf32, #tpu.memory_space<vmem>>, vector<1x16xf32>,
      %swap3A_802 = vector.shape_cast %swap3A_801 : vector<1x16xf32> to vector<16xf32>
      %swap3A_803 = vector.shape_cast %add3A_798 : vector<16xf32> to vector<1x16xf32>
      tpu.vector_store %arg9[%swap3A_799, %swap3A_800], %swap3A_803 {strides = array<i32>} : memref<16x768xf32, #tpu.memory_space<vmem>>, vector<1x16xf32>,
      %get3A_804 = arith.index_cast %scan3A_159 : i32 to index
      %get3A_805 = arith.constant 736 : index
      %get3A_806 = tpu.vector_load %arg9[%get3A_804, %get3A_805] {strides = array<i32>} : memref<16x768xf32, #tpu.memory_space<vmem>>, vector<1x16xf32>,
      %get3A_807 = vector.shape_cast %get3A_806 : vector<1x16xf32> to vector<16xf32>
      %get3A_808 = arith.index_cast %scan3A_159 : i32 to index
      %get3A_809 = arith.constant 736 : index
      %get3A_810 = tpu.vector_load %arg10[%get3A_808, %get3A_809] {strides = array<i32>} : memref<16x768xf32, #tpu.memory_space<vmem>>, vector<1x16xf32>,
      %get3A_811 = vector.shape_cast %get3A_810 : vector<1x16xf32> to vector<16xf32>
      %add3A_812 = arith.addf %get3A_807, %get3A_811 : vector<16xf32>
      %swap3A_813 = arith.index_cast %scan3A_159 : i32 to index
      %swap3A_814 = arith.constant 736 : index
      %swap3A_815 = tpu.vector_load %arg9[%swap3A_813, %swap3A_814] {strides = array<i32>} : memref<16x768xf32, #tpu.memory_space<vmem>>, vector<1x16xf32>,
      %swap3A_816 = vector.shape_cast %swap3A_815 : vector<1x16xf32> to vector<16xf32>
      %swap3A_817 = vector.shape_cast %add3A_812 : vector<16xf32> to vector<1x16xf32>
      tpu.vector_store %arg9[%swap3A_813, %swap3A_814], %swap3A_817 {strides = array<i32>} : memref<16x768xf32, #tpu.memory_space<vmem>>, vector<1x16xf32>,
      %get3A_818 = arith.index_cast %scan3A_159 : i32 to index
      %get3A_819 = arith.constant 752 : index
      %get3A_820 = tpu.vector_load %arg9[%get3A_818, %get3A_819] {strides = array<i32>} : memref<16x768xf32, #tpu.memory_space<vmem>>, vector<1x16xf32>,
      %get3A_821 = vector.shape_cast %get3A_820 : vector<1x16xf32> to vector<16xf32>
      %get3A_822 = arith.index_cast %scan3A_159 : i32 to index
      %get3A_823 = arith.constant 752 : index
      %get3A_824 = tpu.vector_load %arg10[%get3A_822, %get3A_823] {strides = array<i32>} : memref<16x768xf32, #tpu.memory_space<vmem>>, vector<1x16xf32>,
      %get3A_825 = vector.shape_cast %get3A_824 : vector<1x16xf32> to vector<16xf32>
      %add3A_826 = arith.addf %get3A_821, %get3A_825 : vector<16xf32>
      %swap3A_827 = arith.index_cast %scan3A_159 : i32 to index
      %swap3A_828 = arith.constant 752 : index
      %swap3A_829 = tpu.vector_load %arg9[%swap3A_827, %swap3A_828] {strides = array<i32>} : memref<16x768xf32, #tpu.memory_space<vmem>>, vector<1x16xf32>,
      %swap3A_830 = vector.shape_cast %swap3A_829 : vector<1x16xf32> to vector<16xf32>
      %swap3A_831 = vector.shape_cast %add3A_826 : vector<16xf32> to vector<1x16xf32>
      tpu.vector_store %arg9[%swap3A_827, %swap3A_828], %swap3A_831 {strides = array<i32>} : memref<16x768xf32, #tpu.memory_space<vmem>>, vector<1x16xf32>,
      %scan3A_832 = arith.constant 0 : i32
      scf.yield %scan3A_832 : i32
    }
    %scan3A_144 = arith.constant 16 : i32
    %add3A_145 = arith.constant 48 : i32
    %add3A_146 = arith.addi %mul3A_2, %add3A_145 : i32
    %dma_start3A_147 = arith.constant 0 : i32
    %dma_start3A_148 = tpu.memref_slice %arg4[%add3A_146, %dma_start3A_147] : memref<2048x768xf32, #tpu.memory_space<hbm>> -> memref<16x768xf32, #tpu.memory_space<hbm>>
    %dma_start3A_149 = arith.constant 0 : i32
    %dma_start3A_150 = tpu.memref_slice %arg4[%add3A_146, %dma_start3A_149] : memref<2048x768xf32, #tpu.memory_space<hbm>> -> memref<16x768xf32, #tpu.memory_space<hbm>>
    tpu.enqueue_dma source(%arg9 : memref<16x768xf32, #tpu.memory_space<vmem>>) target(%dma_start3A_150 : memref<16x768xf32, #tpu.memory_space<hbm>>) target_semaphore(%arg14 : memref<!tpu.dma_semaphore, #tpu.memory_space<semaphore_mem>>)
    %dma_wait3A_151 = arith.constant 0 : i32
    %dma_wait3A_152 = tpu.memref_slice %arg4[%add3A_127, %dma_wait3A_151] : memref<2048x768xf32, #tpu.memory_space<hbm>> -> memref<16x768xf32, #tpu.memory_space<hbm>>
    %dma_wait3A_153 = arith.constant 0 : i32
    %dma_wait3A_154 = tpu.memref_slice %arg4[%add3A_127, %dma_wait3A_153] : memref<2048x768xf32, #tpu.memory_space<hbm>> -> memref<16x768xf32, #tpu.memory_space<hbm>>
    tpu.wait_dma2 semaphore(%arg14 : memref<!tpu.dma_semaphore, #tpu.memory_space<semaphore_mem>>) src(%arg7 : memref<16x768xf32, #tpu.memory_space<vmem>>) dst(%dma_wait3A_154 : memref<16x768xf32, #tpu.memory_space<hbm>>)
    %dma_wait3A_155 = arith.constant 0 : i32
    %dma_wait3A_156 = tpu.memref_slice %arg4[%add3A_146, %dma_wait3A_155] : memref<2048x768xf32, #tpu.memory_space<hbm>> -> memref<16x768xf32, #tpu.memory_space<hbm>>
    %dma_wait3A_157 = arith.constant 0 : i32
    %dma_wait3A_158 = tpu.memref_slice %arg4[%add3A_146, %dma_wait3A_157] : memref<2048x768xf32, #tpu.memory_space<hbm>> -> memref<16x768xf32, #tpu.memory_space<hbm>>
    tpu.wait_dma2 semaphore(%arg14 : memref<!tpu.dma_semaphore, #tpu.memory_space<semaphore_mem>>) src(%arg9 : memref<16x768xf32, #tpu.memory_space<vmem>>) dst(%dma_wait3A_158 : memref<16x768xf32, #tpu.memory_space<hbm>>)
    return
  }
}

#map = affine_map<(d0, d1) -> (0, 0)>
module attributes {stable_mosaic.version = 14 : i64} {
  func.func @_s1_body(%arg0: i32, %arg1: i32, %arg2: memref<2x2048xi32, #tpu.memory_space<hbm>>, %arg3: memref<2048x896xf32, #tpu.memory_space<hbm>>, %arg4: memref<4608x896xf32, #tpu.memory_space<hbm>>, %arg5: memref<64xi32, #tpu.memory_space<vmem>>, %arg6: memref<64xi32, #tpu.memory_space<vmem>>, %arg7: memref<64x896xf32, #tpu.memory_space<vmem>>, %arg8: memref<!tpu.dma_semaphore, #tpu.memory_space<semaphore_mem>>, %arg9: memref<!tpu.dma_semaphore, #tpu.memory_space<semaphore_mem>>, %arg10: memref<!tpu.dma_semaphore, #tpu.memory_space<semaphore_mem>>) attributes {dimension_semantics = [#tpu.dimension_semantics<core_parallel>, #tpu.dimension_semantics<subcore_parallel>], iteration_bounds = array<i64: 2, 16>, scalar_prefetch = 0 : i64, scratch_operands = 6 : i64, tpu.core_type = #tpu.core_type<sc_vector_subcore>, window_params = [{transform_indices = #map}, {transform_indices = #map}, {transform_indices = #map}]} {
    %mul3A = arith.constant 2 : i32
    %mul3A_0 = arith.muli %arg1, %mul3A : i32
    %add3A = arith.addi %mul3A_0, %arg0 : i32
    %mul3A_1 = arith.constant 64 : i32
    %mul3A_2 = arith.muli %add3A, %mul3A_1 : i32
    %dma_start3A = arith.constant 0 : i32
    %dma_start3A_3 = tpu.memref_slice %arg2[%dma_start3A, %mul3A_2] : memref<2x2048xi32, #tpu.memory_space<hbm>> -> memref<1x64xi32, #tpu.memory_space<hbm>>
    %dma_start3A_4 = tpu.memref_squeeze %dma_start3A_3 : memref<1x64xi32, #tpu.memory_space<hbm>> -> memref<64xi32, #tpu.memory_space<hbm>>
    %dma_start3A_5 = tpu.memref_slice %arg2[%dma_start3A, %mul3A_2] : memref<2x2048xi32, #tpu.memory_space<hbm>> -> memref<1x64xi32, #tpu.memory_space<hbm>>
    %dma_start3A_6 = tpu.memref_squeeze %dma_start3A_5 : memref<1x64xi32, #tpu.memory_space<hbm>> -> memref<64xi32, #tpu.memory_space<hbm>>
    tpu.enqueue_dma source(%dma_start3A_6 : memref<64xi32, #tpu.memory_space<hbm>>) target(%arg5 : memref<64xi32, #tpu.memory_space<vmem>>) target_semaphore(%arg8 : memref<!tpu.dma_semaphore, #tpu.memory_space<semaphore_mem>>)
    %dma_start3A_7 = arith.constant 1 : i32
    %dma_start3A_8 = tpu.memref_slice %arg2[%dma_start3A_7, %mul3A_2] : memref<2x2048xi32, #tpu.memory_space<hbm>> -> memref<1x64xi32, #tpu.memory_space<hbm>>
    %dma_start3A_9 = tpu.memref_squeeze %dma_start3A_8 : memref<1x64xi32, #tpu.memory_space<hbm>> -> memref<64xi32, #tpu.memory_space<hbm>>
    %dma_start3A_10 = tpu.memref_slice %arg2[%dma_start3A_7, %mul3A_2] : memref<2x2048xi32, #tpu.memory_space<hbm>> -> memref<1x64xi32, #tpu.memory_space<hbm>>
    %dma_start3A_11 = tpu.memref_squeeze %dma_start3A_10 : memref<1x64xi32, #tpu.memory_space<hbm>> -> memref<64xi32, #tpu.memory_space<hbm>>
    tpu.enqueue_dma source(%dma_start3A_11 : memref<64xi32, #tpu.memory_space<hbm>>) target(%arg6 : memref<64xi32, #tpu.memory_space<vmem>>) target_semaphore(%arg8 : memref<!tpu.dma_semaphore, #tpu.memory_space<semaphore_mem>>)
    %dma_start3A_12 = arith.constant 0 : i32
    %dma_start3A_13 = tpu.memref_slice %arg3[%mul3A_2, %dma_start3A_12] : memref<2048x896xf32, #tpu.memory_space<hbm>> -> memref<64x896xf32, #tpu.memory_space<hbm>>
    %dma_start3A_14 = arith.constant 0 : i32
    %dma_start3A_15 = tpu.memref_slice %arg3[%mul3A_2, %dma_start3A_14] : memref<2048x896xf32, #tpu.memory_space<hbm>> -> memref<64x896xf32, #tpu.memory_space<hbm>>
    tpu.enqueue_dma source(%dma_start3A_15 : memref<64x896xf32, #tpu.memory_space<hbm>>) target(%arg7 : memref<64x896xf32, #tpu.memory_space<vmem>>) target_semaphore(%arg9 : memref<!tpu.dma_semaphore, #tpu.memory_space<semaphore_mem>>)
    %dma_wait3A = arith.constant 0 : i32
    %dma_wait3A_16 = tpu.memref_slice %arg2[%dma_wait3A, %mul3A_2] : memref<2x2048xi32, #tpu.memory_space<hbm>> -> memref<1x64xi32, #tpu.memory_space<hbm>>
    %dma_wait3A_17 = tpu.memref_squeeze %dma_wait3A_16 : memref<1x64xi32, #tpu.memory_space<hbm>> -> memref<64xi32, #tpu.memory_space<hbm>>
    %dma_wait3A_18 = tpu.memref_slice %arg2[%dma_wait3A, %mul3A_2] : memref<2x2048xi32, #tpu.memory_space<hbm>> -> memref<1x64xi32, #tpu.memory_space<hbm>>
    %dma_wait3A_19 = tpu.memref_squeeze %dma_wait3A_18 : memref<1x64xi32, #tpu.memory_space<hbm>> -> memref<64xi32, #tpu.memory_space<hbm>>
    tpu.wait_dma2 semaphore(%arg8 : memref<!tpu.dma_semaphore, #tpu.memory_space<semaphore_mem>>) src(%dma_wait3A_19 : memref<64xi32, #tpu.memory_space<hbm>>) dst(%arg5 : memref<64xi32, #tpu.memory_space<vmem>>)
    %dma_wait3A_20 = arith.constant 1 : i32
    %dma_wait3A_21 = tpu.memref_slice %arg2[%dma_wait3A_20, %mul3A_2] : memref<2x2048xi32, #tpu.memory_space<hbm>> -> memref<1x64xi32, #tpu.memory_space<hbm>>
    %dma_wait3A_22 = tpu.memref_squeeze %dma_wait3A_21 : memref<1x64xi32, #tpu.memory_space<hbm>> -> memref<64xi32, #tpu.memory_space<hbm>>
    %dma_wait3A_23 = tpu.memref_slice %arg2[%dma_wait3A_20, %mul3A_2] : memref<2x2048xi32, #tpu.memory_space<hbm>> -> memref<1x64xi32, #tpu.memory_space<hbm>>
    %dma_wait3A_24 = tpu.memref_squeeze %dma_wait3A_23 : memref<1x64xi32, #tpu.memory_space<hbm>> -> memref<64xi32, #tpu.memory_space<hbm>>
    tpu.wait_dma2 semaphore(%arg8 : memref<!tpu.dma_semaphore, #tpu.memory_space<semaphore_mem>>) src(%dma_wait3A_24 : memref<64xi32, #tpu.memory_space<hbm>>) dst(%arg6 : memref<64xi32, #tpu.memory_space<vmem>>)
    %dma_wait3A_25 = arith.constant 0 : i32
    %dma_wait3A_26 = tpu.memref_slice %arg3[%mul3A_2, %dma_wait3A_25] : memref<2048x896xf32, #tpu.memory_space<hbm>> -> memref<64x896xf32, #tpu.memory_space<hbm>>
    %dma_wait3A_27 = arith.constant 0 : i32
    %dma_wait3A_28 = tpu.memref_slice %arg3[%mul3A_2, %dma_wait3A_27] : memref<2048x896xf32, #tpu.memory_space<hbm>> -> memref<64x896xf32, #tpu.memory_space<hbm>>
    tpu.wait_dma2 semaphore(%arg9 : memref<!tpu.dma_semaphore, #tpu.memory_space<semaphore_mem>>) src(%dma_wait3A_28 : memref<64x896xf32, #tpu.memory_space<hbm>>) dst(%arg7 : memref<64x896xf32, #tpu.memory_space<vmem>>)
    %get3A = arith.constant 0 : index
    %get3A_29 = tpu.vector_load %arg5[%get3A] {strides = array<i32>} : memref<64xi32, #tpu.memory_space<vmem>>, vector<16xi32>,
    %get3A_30 = vector.shape_cast %get3A_29 : vector<16xi32> to vector<16xi32>
    %dma_start3A_31 = arith.constant 0 : i32
    %dma_start3A_32 = arith.constant 0 : i32
    %dma_start3A_33 = tpu.memref_slice %arg7[%dma_start3A_31, %dma_start3A_32] : memref<64x896xf32, #tpu.memory_space<vmem>> -> memref<16x896xf32, #tpu.memory_space<vmem>>
    %dma_start3A_34 = arith.constant 0 : i32
    %dma_start3A_35 = arith.constant 0 : i32
    %dma_start3A_36 = tpu.memref_slice %arg4[%dma_start3A_34, %dma_start3A_35] : memref<4608x896xf32, #tpu.memory_space<hbm>> -> memref<4608x896xf32, #tpu.memory_space<hbm>>
    tpu.enqueue_indirect_dma source(%dma_start3A_33 : memref<16x896xf32, #tpu.memory_space<vmem>>) target(%dma_start3A_36 : memref<4608x896xf32, #tpu.memory_space<hbm>>) offsets(%get3A_30 : vector<16xi32>) semaphore(%arg10 : memref<!tpu.dma_semaphore, #tpu.memory_space<semaphore_mem>>)
    %get3A_37 = arith.constant 0 : index
    %get3A_38 = tpu.vector_load %arg6[%get3A_37] {strides = array<i32>} : memref<64xi32, #tpu.memory_space<vmem>>, vector<16xi32>,
    %get3A_39 = vector.shape_cast %get3A_38 : vector<16xi32> to vector<16xi32>
    %dma_start3A_40 = arith.constant 0 : i32
    %dma_start3A_41 = arith.constant 0 : i32
    %dma_start3A_42 = tpu.memref_slice %arg7[%dma_start3A_40, %dma_start3A_41] : memref<64x896xf32, #tpu.memory_space<vmem>> -> memref<16x896xf32, #tpu.memory_space<vmem>>
    %dma_start3A_43 = arith.constant 0 : i32
    %dma_start3A_44 = arith.constant 0 : i32
    %dma_start3A_45 = tpu.memref_slice %arg4[%dma_start3A_43, %dma_start3A_44] : memref<4608x896xf32, #tpu.memory_space<hbm>> -> memref<4608x896xf32, #tpu.memory_space<hbm>>
    tpu.enqueue_indirect_dma source(%dma_start3A_42 : memref<16x896xf32, #tpu.memory_space<vmem>>) target(%dma_start3A_45 : memref<4608x896xf32, #tpu.memory_space<hbm>>) offsets(%get3A_39 : vector<16xi32>) semaphore(%arg10 : memref<!tpu.dma_semaphore, #tpu.memory_space<semaphore_mem>>)
    %get3A_46 = arith.constant 16 : index
    %get3A_47 = tpu.vector_load %arg5[%get3A_46] {strides = array<i32>} : memref<64xi32, #tpu.memory_space<vmem>>, vector<16xi32>,
    %get3A_48 = vector.shape_cast %get3A_47 : vector<16xi32> to vector<16xi32>
    %dma_start3A_49 = arith.constant 16 : i32
    %dma_start3A_50 = arith.constant 0 : i32
    %dma_start3A_51 = tpu.memref_slice %arg7[%dma_start3A_49, %dma_start3A_50] : memref<64x896xf32, #tpu.memory_space<vmem>> -> memref<16x896xf32, #tpu.memory_space<vmem>>
    %dma_start3A_52 = arith.constant 0 : i32
    %dma_start3A_53 = arith.constant 0 : i32
    %dma_start3A_54 = tpu.memref_slice %arg4[%dma_start3A_52, %dma_start3A_53] : memref<4608x896xf32, #tpu.memory_space<hbm>> -> memref<4608x896xf32, #tpu.memory_space<hbm>>
    tpu.enqueue_indirect_dma source(%dma_start3A_51 : memref<16x896xf32, #tpu.memory_space<vmem>>) target(%dma_start3A_54 : memref<4608x896xf32, #tpu.memory_space<hbm>>) offsets(%get3A_48 : vector<16xi32>) semaphore(%arg10 : memref<!tpu.dma_semaphore, #tpu.memory_space<semaphore_mem>>)
    %get3A_55 = arith.constant 16 : index
    %get3A_56 = tpu.vector_load %arg6[%get3A_55] {strides = array<i32>} : memref<64xi32, #tpu.memory_space<vmem>>, vector<16xi32>,
    %get3A_57 = vector.shape_cast %get3A_56 : vector<16xi32> to vector<16xi32>
    %dma_start3A_58 = arith.constant 16 : i32
    %dma_start3A_59 = arith.constant 0 : i32
    %dma_start3A_60 = tpu.memref_slice %arg7[%dma_start3A_58, %dma_start3A_59] : memref<64x896xf32, #tpu.memory_space<vmem>> -> memref<16x896xf32, #tpu.memory_space<vmem>>
    %dma_start3A_61 = arith.constant 0 : i32
    %dma_start3A_62 = arith.constant 0 : i32
    %dma_start3A_63 = tpu.memref_slice %arg4[%dma_start3A_61, %dma_start3A_62] : memref<4608x896xf32, #tpu.memory_space<hbm>> -> memref<4608x896xf32, #tpu.memory_space<hbm>>
    tpu.enqueue_indirect_dma source(%dma_start3A_60 : memref<16x896xf32, #tpu.memory_space<vmem>>) target(%dma_start3A_63 : memref<4608x896xf32, #tpu.memory_space<hbm>>) offsets(%get3A_57 : vector<16xi32>) semaphore(%arg10 : memref<!tpu.dma_semaphore, #tpu.memory_space<semaphore_mem>>)
    %get3A_64 = arith.constant 32 : index
    %get3A_65 = tpu.vector_load %arg5[%get3A_64] {strides = array<i32>} : memref<64xi32, #tpu.memory_space<vmem>>, vector<16xi32>,
    %get3A_66 = vector.shape_cast %get3A_65 : vector<16xi32> to vector<16xi32>
    %dma_start3A_67 = arith.constant 32 : i32
    %dma_start3A_68 = arith.constant 0 : i32
    %dma_start3A_69 = tpu.memref_slice %arg7[%dma_start3A_67, %dma_start3A_68] : memref<64x896xf32, #tpu.memory_space<vmem>> -> memref<16x896xf32, #tpu.memory_space<vmem>>
    %dma_start3A_70 = arith.constant 0 : i32
    %dma_start3A_71 = arith.constant 0 : i32
    %dma_start3A_72 = tpu.memref_slice %arg4[%dma_start3A_70, %dma_start3A_71] : memref<4608x896xf32, #tpu.memory_space<hbm>> -> memref<4608x896xf32, #tpu.memory_space<hbm>>
    tpu.enqueue_indirect_dma source(%dma_start3A_69 : memref<16x896xf32, #tpu.memory_space<vmem>>) target(%dma_start3A_72 : memref<4608x896xf32, #tpu.memory_space<hbm>>) offsets(%get3A_66 : vector<16xi32>) semaphore(%arg10 : memref<!tpu.dma_semaphore, #tpu.memory_space<semaphore_mem>>)
    %get3A_73 = arith.constant 32 : index
    %get3A_74 = tpu.vector_load %arg6[%get3A_73] {strides = array<i32>} : memref<64xi32, #tpu.memory_space<vmem>>, vector<16xi32>,
    %get3A_75 = vector.shape_cast %get3A_74 : vector<16xi32> to vector<16xi32>
    %dma_start3A_76 = arith.constant 32 : i32
    %dma_start3A_77 = arith.constant 0 : i32
    %dma_start3A_78 = tpu.memref_slice %arg7[%dma_start3A_76, %dma_start3A_77] : memref<64x896xf32, #tpu.memory_space<vmem>> -> memref<16x896xf32, #tpu.memory_space<vmem>>
    %dma_start3A_79 = arith.constant 0 : i32
    %dma_start3A_80 = arith.constant 0 : i32
    %dma_start3A_81 = tpu.memref_slice %arg4[%dma_start3A_79, %dma_start3A_80] : memref<4608x896xf32, #tpu.memory_space<hbm>> -> memref<4608x896xf32, #tpu.memory_space<hbm>>
    tpu.enqueue_indirect_dma source(%dma_start3A_78 : memref<16x896xf32, #tpu.memory_space<vmem>>) target(%dma_start3A_81 : memref<4608x896xf32, #tpu.memory_space<hbm>>) offsets(%get3A_75 : vector<16xi32>) semaphore(%arg10 : memref<!tpu.dma_semaphore, #tpu.memory_space<semaphore_mem>>)
    %get3A_82 = arith.constant 48 : index
    %get3A_83 = tpu.vector_load %arg5[%get3A_82] {strides = array<i32>} : memref<64xi32, #tpu.memory_space<vmem>>, vector<16xi32>,
    %get3A_84 = vector.shape_cast %get3A_83 : vector<16xi32> to vector<16xi32>
    %dma_start3A_85 = arith.constant 48 : i32
    %dma_start3A_86 = arith.constant 0 : i32
    %dma_start3A_87 = tpu.memref_slice %arg7[%dma_start3A_85, %dma_start3A_86] : memref<64x896xf32, #tpu.memory_space<vmem>> -> memref<16x896xf32, #tpu.memory_space<vmem>>
    %dma_start3A_88 = arith.constant 0 : i32
    %dma_start3A_89 = arith.constant 0 : i32
    %dma_start3A_90 = tpu.memref_slice %arg4[%dma_start3A_88, %dma_start3A_89] : memref<4608x896xf32, #tpu.memory_space<hbm>> -> memref<4608x896xf32, #tpu.memory_space<hbm>>
    tpu.enqueue_indirect_dma source(%dma_start3A_87 : memref<16x896xf32, #tpu.memory_space<vmem>>) target(%dma_start3A_90 : memref<4608x896xf32, #tpu.memory_space<hbm>>) offsets(%get3A_84 : vector<16xi32>) semaphore(%arg10 : memref<!tpu.dma_semaphore, #tpu.memory_space<semaphore_mem>>)
    %get3A_91 = arith.constant 48 : index
    %get3A_92 = tpu.vector_load %arg6[%get3A_91] {strides = array<i32>} : memref<64xi32, #tpu.memory_space<vmem>>, vector<16xi32>,
    %get3A_93 = vector.shape_cast %get3A_92 : vector<16xi32> to vector<16xi32>
    %dma_start3A_94 = arith.constant 48 : i32
    %dma_start3A_95 = arith.constant 0 : i32
    %dma_start3A_96 = tpu.memref_slice %arg7[%dma_start3A_94, %dma_start3A_95] : memref<64x896xf32, #tpu.memory_space<vmem>> -> memref<16x896xf32, #tpu.memory_space<vmem>>
    %dma_start3A_97 = arith.constant 0 : i32
    %dma_start3A_98 = arith.constant 0 : i32
    %dma_start3A_99 = tpu.memref_slice %arg4[%dma_start3A_97, %dma_start3A_98] : memref<4608x896xf32, #tpu.memory_space<hbm>> -> memref<4608x896xf32, #tpu.memory_space<hbm>>
    tpu.enqueue_indirect_dma source(%dma_start3A_96 : memref<16x896xf32, #tpu.memory_space<vmem>>) target(%dma_start3A_99 : memref<4608x896xf32, #tpu.memory_space<hbm>>) offsets(%get3A_93 : vector<16xi32>) semaphore(%arg10 : memref<!tpu.dma_semaphore, #tpu.memory_space<semaphore_mem>>)
    %dma_wait3A_100 = arith.constant 0 : i32
    %dma_wait3A_101 = arith.constant 0 : i32
    %dma_wait3A_102 = tpu.memref_slice %arg7[%dma_wait3A_100, %dma_wait3A_101] : memref<64x896xf32, #tpu.memory_space<vmem>> -> memref<16x896xf32, #tpu.memory_space<vmem>>
    %dma_wait3A_103 = arith.constant 0 : i32
    %dma_wait3A_104 = arith.constant 0 : i32
    %dma_wait3A_105 = tpu.memref_slice %arg4[%dma_wait3A_103, %dma_wait3A_104] : memref<4608x896xf32, #tpu.memory_space<hbm>> -> memref<4608x896xf32, #tpu.memory_space<hbm>>
    tpu.wait_indirect_dma semaphore(%arg10 : memref<!tpu.dma_semaphore, #tpu.memory_space<semaphore_mem>>) src(%dma_wait3A_102 : memref<16x896xf32, #tpu.memory_space<vmem>>) dst(%dma_wait3A_105 : memref<4608x896xf32, #tpu.memory_space<hbm>>)
    %dma_wait3A_106 = arith.constant 0 : i32
    %dma_wait3A_107 = arith.constant 0 : i32
    %dma_wait3A_108 = tpu.memref_slice %arg7[%dma_wait3A_106, %dma_wait3A_107] : memref<64x896xf32, #tpu.memory_space<vmem>> -> memref<16x896xf32, #tpu.memory_space<vmem>>
    %dma_wait3A_109 = arith.constant 0 : i32
    %dma_wait3A_110 = arith.constant 0 : i32
    %dma_wait3A_111 = tpu.memref_slice %arg4[%dma_wait3A_109, %dma_wait3A_110] : memref<4608x896xf32, #tpu.memory_space<hbm>> -> memref<4608x896xf32, #tpu.memory_space<hbm>>
    tpu.wait_indirect_dma semaphore(%arg10 : memref<!tpu.dma_semaphore, #tpu.memory_space<semaphore_mem>>) src(%dma_wait3A_108 : memref<16x896xf32, #tpu.memory_space<vmem>>) dst(%dma_wait3A_111 : memref<4608x896xf32, #tpu.memory_space<hbm>>)
    %dma_wait3A_112 = arith.constant 16 : i32
    %dma_wait3A_113 = arith.constant 0 : i32
    %dma_wait3A_114 = tpu.memref_slice %arg7[%dma_wait3A_112, %dma_wait3A_113] : memref<64x896xf32, #tpu.memory_space<vmem>> -> memref<16x896xf32, #tpu.memory_space<vmem>>
    %dma_wait3A_115 = arith.constant 0 : i32
    %dma_wait3A_116 = arith.constant 0 : i32
    %dma_wait3A_117 = tpu.memref_slice %arg4[%dma_wait3A_115, %dma_wait3A_116] : memref<4608x896xf32, #tpu.memory_space<hbm>> -> memref<4608x896xf32, #tpu.memory_space<hbm>>
    tpu.wait_indirect_dma semaphore(%arg10 : memref<!tpu.dma_semaphore, #tpu.memory_space<semaphore_mem>>) src(%dma_wait3A_114 : memref<16x896xf32, #tpu.memory_space<vmem>>) dst(%dma_wait3A_117 : memref<4608x896xf32, #tpu.memory_space<hbm>>)
    %dma_wait3A_118 = arith.constant 16 : i32
    %dma_wait3A_119 = arith.constant 0 : i32
    %dma_wait3A_120 = tpu.memref_slice %arg7[%dma_wait3A_118, %dma_wait3A_119] : memref<64x896xf32, #tpu.memory_space<vmem>> -> memref<16x896xf32, #tpu.memory_space<vmem>>
    %dma_wait3A_121 = arith.constant 0 : i32
    %dma_wait3A_122 = arith.constant 0 : i32
    %dma_wait3A_123 = tpu.memref_slice %arg4[%dma_wait3A_121, %dma_wait3A_122] : memref<4608x896xf32, #tpu.memory_space<hbm>> -> memref<4608x896xf32, #tpu.memory_space<hbm>>
    tpu.wait_indirect_dma semaphore(%arg10 : memref<!tpu.dma_semaphore, #tpu.memory_space<semaphore_mem>>) src(%dma_wait3A_120 : memref<16x896xf32, #tpu.memory_space<vmem>>) dst(%dma_wait3A_123 : memref<4608x896xf32, #tpu.memory_space<hbm>>)
    %dma_wait3A_124 = arith.constant 32 : i32
    %dma_wait3A_125 = arith.constant 0 : i32
    %dma_wait3A_126 = tpu.memref_slice %arg7[%dma_wait3A_124, %dma_wait3A_125] : memref<64x896xf32, #tpu.memory_space<vmem>> -> memref<16x896xf32, #tpu.memory_space<vmem>>
    %dma_wait3A_127 = arith.constant 0 : i32
    %dma_wait3A_128 = arith.constant 0 : i32
    %dma_wait3A_129 = tpu.memref_slice %arg4[%dma_wait3A_127, %dma_wait3A_128] : memref<4608x896xf32, #tpu.memory_space<hbm>> -> memref<4608x896xf32, #tpu.memory_space<hbm>>
    tpu.wait_indirect_dma semaphore(%arg10 : memref<!tpu.dma_semaphore, #tpu.memory_space<semaphore_mem>>) src(%dma_wait3A_126 : memref<16x896xf32, #tpu.memory_space<vmem>>) dst(%dma_wait3A_129 : memref<4608x896xf32, #tpu.memory_space<hbm>>)
    %dma_wait3A_130 = arith.constant 32 : i32
    %dma_wait3A_131 = arith.constant 0 : i32
    %dma_wait3A_132 = tpu.memref_slice %arg7[%dma_wait3A_130, %dma_wait3A_131] : memref<64x896xf32, #tpu.memory_space<vmem>> -> memref<16x896xf32, #tpu.memory_space<vmem>>
    %dma_wait3A_133 = arith.constant 0 : i32
    %dma_wait3A_134 = arith.constant 0 : i32
    %dma_wait3A_135 = tpu.memref_slice %arg4[%dma_wait3A_133, %dma_wait3A_134] : memref<4608x896xf32, #tpu.memory_space<hbm>> -> memref<4608x896xf32, #tpu.memory_space<hbm>>
    tpu.wait_indirect_dma semaphore(%arg10 : memref<!tpu.dma_semaphore, #tpu.memory_space<semaphore_mem>>) src(%dma_wait3A_132 : memref<16x896xf32, #tpu.memory_space<vmem>>) dst(%dma_wait3A_135 : memref<4608x896xf32, #tpu.memory_space<hbm>>)
    %dma_wait3A_136 = arith.constant 48 : i32
    %dma_wait3A_137 = arith.constant 0 : i32
    %dma_wait3A_138 = tpu.memref_slice %arg7[%dma_wait3A_136, %dma_wait3A_137] : memref<64x896xf32, #tpu.memory_space<vmem>> -> memref<16x896xf32, #tpu.memory_space<vmem>>
    %dma_wait3A_139 = arith.constant 0 : i32
    %dma_wait3A_140 = arith.constant 0 : i32
    %dma_wait3A_141 = tpu.memref_slice %arg4[%dma_wait3A_139, %dma_wait3A_140] : memref<4608x896xf32, #tpu.memory_space<hbm>> -> memref<4608x896xf32, #tpu.memory_space<hbm>>
    tpu.wait_indirect_dma semaphore(%arg10 : memref<!tpu.dma_semaphore, #tpu.memory_space<semaphore_mem>>) src(%dma_wait3A_138 : memref<16x896xf32, #tpu.memory_space<vmem>>) dst(%dma_wait3A_141 : memref<4608x896xf32, #tpu.memory_space<hbm>>)
    %dma_wait3A_142 = arith.constant 48 : i32
    %dma_wait3A_143 = arith.constant 0 : i32
    %dma_wait3A_144 = tpu.memref_slice %arg7[%dma_wait3A_142, %dma_wait3A_143] : memref<64x896xf32, #tpu.memory_space<vmem>> -> memref<16x896xf32, #tpu.memory_space<vmem>>
    %dma_wait3A_145 = arith.constant 0 : i32
    %dma_wait3A_146 = arith.constant 0 : i32
    %dma_wait3A_147 = tpu.memref_slice %arg4[%dma_wait3A_145, %dma_wait3A_146] : memref<4608x896xf32, #tpu.memory_space<hbm>> -> memref<4608x896xf32, #tpu.memory_space<hbm>>
    tpu.wait_indirect_dma semaphore(%arg10 : memref<!tpu.dma_semaphore, #tpu.memory_space<semaphore_mem>>) src(%dma_wait3A_144 : memref<16x896xf32, #tpu.memory_space<vmem>>) dst(%dma_wait3A_147 : memref<4608x896xf32, #tpu.memory_space<hbm>>)
    return
  }
}

module attributes {stable_mosaic.version = 14 : i64} {
  func.func @_k1_body(%arg0: i32, %arg1: memref<256x768xf32, #tpu.memory_space<vmem>>, %arg2: memref<1x768xf32, #tpu.memory_space<vmem>>, %arg3: memref<1x768xf32, #tpu.memory_space<vmem>>, %arg4: memref<768x3840xf32, #tpu.memory_space<vmem>>, %arg5: memref<256x768xf32, #tpu.memory_space<vmem>>, %arg6: memref<256x768xf32, #tpu.memory_space<vmem>>, %arg7: memref<256x768xbf16, #tpu.memory_space<vmem>>, %arg8: memref<256x768xbf16, #tpu.memory_space<vmem>>, %arg9: memref<256x768xbf16, #tpu.memory_space<vmem>>) attributes {dimension_semantics = [#tpu.dimension_semantics<arbitrary>], iteration_bounds = array<i64: 8>, scalar_prefetch = 0 : i64, scratch_operands = 0 : i64, tpu.core_type = #tpu.core_type<tc>, window_params = [{transform_indices = @transform_0, window_bounds = array<i64: 256, 768>}, {pipeline_mode = #tpu.pipeline_mode<synchronous>, transform_indices = @transform_1, window_bounds = array<i64: 1, 768>}, {pipeline_mode = #tpu.pipeline_mode<synchronous>, transform_indices = @transform_2, window_bounds = array<i64: 1, 768>}, {pipeline_mode = #tpu.pipeline_mode<synchronous>, transform_indices = @transform_3, window_bounds = array<i64: 768, 3840>}, {transform_indices = @transform_4, window_bounds = array<i64: 256, 768>}, {transform_indices = @transform_5, window_bounds = array<i64: 256, 768>}, {transform_indices = @transform_6, window_bounds = array<i64: 256, 768>}, {transform_indices = @transform_7, window_bounds = array<i64: 256, 768>}, {transform_indices = @transform_8, window_bounds = array<i64: 256, 768>}]} {
    %get3A = arith.constant 0 : index
    %get3A_0 = arith.constant 0 : index
    %get3A_1 = vector.load %arg1[%get3A, %get3A_0] : memref<256x768xf32, #tpu.memory_space<vmem>>, vector<256x768xf32>
    %get3A_2 = arith.constant 0 : index
    %get3A_3 = arith.constant 0 : index
    %get3A_4 = vector.load %arg2[%get3A_2, %get3A_3] : memref<1x768xf32, #tpu.memory_space<vmem>>, vector<1x768xf32>
    %get3A_5 = arith.constant 0 : index
    %get3A_6 = arith.constant 0 : index
    %get3A_7 = vector.load %arg3[%get3A_5, %get3A_6] : memref<1x768xf32, #tpu.memory_space<vmem>>, vector<1x768xf32>
    %reduce_sum3A = arith.constant dense<0.000000e+00> : vector<256xf32>
    %reduce_sum3A_8 = vector.multi_reduction <add>, %get3A_1, %reduce_sum3A [1] : vector<256x768xf32> to vector<256xf32>
    %broadcast_in_dim3A = vector.shape_cast %reduce_sum3A_8 : vector<256xf32> to vector<256x1xf32>
    %div3A = arith.constant 7.680000e+02 : f32
    %div3A_9 = vector.broadcast %div3A : f32 to vector<256x1xf32>
    %div3A_10 = arith.divf %broadcast_in_dim3A, %div3A_9 : vector<256x1xf32>
    %sub3A = vector.broadcast %div3A_10 : vector<256x1xf32> to vector<256x768xf32>
    %sub3A_11 = arith.subf %get3A_1, %sub3A : vector<256x768xf32>
    %integer_pow3A = arith.mulf %sub3A_11, %sub3A_11 : vector<256x768xf32>
    %reduce_sum3A_12 = arith.constant dense<0.000000e+00> : vector<256xf32>
    %reduce_sum3A_13 = vector.multi_reduction <add>, %integer_pow3A, %reduce_sum3A_12 [1] : vector<256x768xf32> to vector<256xf32>
    %broadcast_in_dim3A_14 = vector.shape_cast %reduce_sum3A_13 : vector<256xf32> to vector<256x1xf32>
    %div3A_15 = arith.constant 7.680000e+02 : f32
    %div3A_16 = vector.broadcast %div3A_15 : f32 to vector<256x1xf32>
    %div3A_17 = arith.divf %broadcast_in_dim3A_14, %div3A_16 : vector<256x1xf32>
    %sub3A_18 = vector.broadcast %div3A_10 : vector<256x1xf32> to vector<256x768xf32>
    %sub3A_19 = arith.subf %get3A_1, %sub3A_18 : vector<256x768xf32>
    %add3A = arith.constant 9.99999974E-6 : f32
    %add3A_20 = vector.broadcast %add3A : f32 to vector<256x1xf32>
    %add3A_21 = arith.addf %div3A_17, %add3A_20 : vector<256x1xf32>
    %sqrt3A = math.sqrt %add3A_21 : vector<256x1xf32>
    %div3A_22 = vector.broadcast %sqrt3A : vector<256x1xf32> to vector<256x768xf32>
    %div3A_23 = arith.divf %sub3A_19, %div3A_22 : vector<256x768xf32>
    %mul3A = vector.broadcast %get3A_4 : vector<1x768xf32> to vector<256x768xf32>
    %mul3A_24 = arith.mulf %div3A_23, %mul3A : vector<256x768xf32>
    %add3A_25 = vector.broadcast %get3A_7 : vector<1x768xf32> to vector<256x768xf32>
    %add3A_26 = arith.addf %mul3A_24, %add3A_25 : vector<256x768xf32>
    %get3A_27 = arith.constant 0 : index
    %get3A_28 = arith.constant 0 : index
    %get3A_29 = vector.load %arg4[%get3A_27, %get3A_28] : memref<768x3840xf32, #tpu.memory_space<vmem>>, vector<768x3840xf32>
    %dot_general3A = arith.constant dense<0.000000e+00> : vector<256x3840xf32>
    %dot_general3A_30 = tpu.matmul %add3A_26, %get3A_29, %dot_general3A {dimension_numbers = #tpu.dot_dimension_numbers<[1], [0], [0], [1], [0, 0, 1, 1], [], []>, transpose_lhs_hint = false} : vector<256x768xf32>, vector<768x3840xf32>, vector<256x3840xf32> -> vector<256x3840xf32>
    %get3A_31 = arith.constant 0 : index
    %get3A_32 = arith.constant 0 : index
    %get3A_33 = vector.load %arg5[%get3A_31, %get3A_32] : memref<256x768xf32, #tpu.memory_space<vmem>>, vector<256x768xf32>
    %get3A_34 = arith.constant 0 : index
    %get3A_35 = arith.constant 0 : index
    %get3A_36 = vector.load %arg6[%get3A_34, %get3A_35] : memref<256x768xf32, #tpu.memory_space<vmem>>, vector<256x768xf32>
    %slice3A = vector.extract_strided_slice %dot_general3A_30 {offsets = [0, 0], sizes = [256, 768], strides = [1, 1]} : vector<256x3840xf32> to vector<256x768xf32>
    %slice3A_37 = vector.extract_strided_slice %dot_general3A_30 {offsets = [0, 768], sizes = [256, 768], strides = [1, 1]} : vector<256x3840xf32> to vector<256x768xf32>
    %slice3A_38 = vector.extract_strided_slice %dot_general3A_30 {offsets = [0, 1536], sizes = [256, 768], strides = [1, 1]} : vector<256x3840xf32> to vector<256x768xf32>
    %slice3A_39 = vector.extract_strided_slice %dot_general3A_30 {offsets = [0, 2304], sizes = [256, 768], strides = [1, 1]} : vector<256x3840xf32> to vector<256x768xf32>
    %slice3A_40 = vector.extract_strided_slice %dot_general3A_30 {offsets = [0, 3072], sizes = [256, 768], strides = [1, 1]} : vector<256x3840xf32> to vector<256x768xf32>
    %mul3A_41 = arith.mulf %slice3A, %get3A_33 : vector<256x768xf32>
    %mul3A_42 = arith.mulf %slice3A_39, %get3A_36 : vector<256x768xf32>
    %add3A_43 = arith.addf %mul3A_41, %mul3A_42 : vector<256x768xf32>
    %convert_element_type3A = arith.truncf %add3A_43 : vector<256x768xf32> to vector<256x768xbf16>
    %swap3A = arith.constant 0 : index
    %swap3A_44 = arith.constant 0 : index
    %swap3A_45 = vector.load %arg7[%swap3A, %swap3A_44] : memref<256x768xbf16, #tpu.memory_space<vmem>>, vector<256x768xbf16>
    tpu.vector_store %arg7[%swap3A, %swap3A_44], %convert_element_type3A {strides = array<i32>} : memref<256x768xbf16, #tpu.memory_space<vmem>>, vector<256x768xbf16>,
    %mul3A_46 = arith.mulf %slice3A_37, %get3A_33 : vector<256x768xf32>
    %mul3A_47 = arith.mulf %slice3A_40, %get3A_36 : vector<256x768xf32>
    %add3A_48 = arith.addf %mul3A_46, %mul3A_47 : vector<256x768xf32>
    %convert_element_type3A_49 = arith.truncf %add3A_48 : vector<256x768xf32> to vector<256x768xbf16>
    %swap3A_50 = arith.constant 0 : index
    %swap3A_51 = arith.constant 0 : index
    %swap3A_52 = vector.load %arg8[%swap3A_50, %swap3A_51] : memref<256x768xbf16, #tpu.memory_space<vmem>>, vector<256x768xbf16>
    tpu.vector_store %arg8[%swap3A_50, %swap3A_51], %convert_element_type3A_49 {strides = array<i32>} : memref<256x768xbf16, #tpu.memory_space<vmem>>, vector<256x768xbf16>,
    %convert_element_type3A_53 = arith.truncf %slice3A_38 : vector<256x768xf32> to vector<256x768xbf16>
    %swap3A_54 = arith.constant 0 : index
    %swap3A_55 = arith.constant 0 : index
    %swap3A_56 = vector.load %arg9[%swap3A_54, %swap3A_55] : memref<256x768xbf16, #tpu.memory_space<vmem>>, vector<256x768xbf16>
    tpu.vector_store %arg9[%swap3A_54, %swap3A_55], %convert_element_type3A_53 {strides = array<i32>} : memref<256x768xbf16, #tpu.memory_space<vmem>>, vector<256x768xbf16>,
    return
  }
  func.func @transform_0(%arg0: i32) -> (i32, i32) {
    %c0_i32 = arith.constant 0 : i32
    %c0_i32_0 = arith.constant 0 : i32
    return %arg0, %c0_i32 : i32, i32
  }
  func.func @transform_1(%arg0: i32) -> (i32, i32) {
    %c0_i32 = arith.constant 0 : i32
    %c0_i32_0 = arith.constant 0 : i32
    %c0_i32_1 = arith.constant 0 : i32
    return %c0_i32, %c0_i32_0 : i32, i32
  }
  func.func @transform_2(%arg0: i32) -> (i32, i32) {
    %c0_i32 = arith.constant 0 : i32
    %c0_i32_0 = arith.constant 0 : i32
    %c0_i32_1 = arith.constant 0 : i32
    return %c0_i32, %c0_i32_0 : i32, i32
  }
  func.func @transform_3(%arg0: i32) -> (i32, i32) {
    %c0_i32 = arith.constant 0 : i32
    %c0_i32_0 = arith.constant 0 : i32
    %c0_i32_1 = arith.constant 0 : i32
    return %c0_i32, %c0_i32_0 : i32, i32
  }
  func.func @transform_4(%arg0: i32) -> (i32, i32) {
    %c0_i32 = arith.constant 0 : i32
    %c0_i32_0 = arith.constant 0 : i32
    return %arg0, %c0_i32 : i32, i32
  }
  func.func @transform_5(%arg0: i32) -> (i32, i32) {
    %c0_i32 = arith.constant 0 : i32
    %c0_i32_0 = arith.constant 0 : i32
    return %arg0, %c0_i32 : i32, i32
  }
  func.func @transform_6(%arg0: i32) -> (i32, i32) {
    %c0_i32 = arith.constant 0 : i32
    %c0_i32_0 = arith.constant 0 : i32
    return %arg0, %c0_i32 : i32, i32
  }
  func.func @transform_7(%arg0: i32) -> (i32, i32) {
    %c0_i32 = arith.constant 0 : i32
    %c0_i32_0 = arith.constant 0 : i32
    return %arg0, %c0_i32 : i32, i32
  }
  func.func @transform_8(%arg0: i32) -> (i32, i32) {
    %c0_i32 = arith.constant 0 : i32
    %c0_i32_0 = arith.constant 0 : i32
    return %arg0, %c0_i32 : i32, i32
  }
}

module attributes {stable_mosaic.version = 14 : i64} {
  func.func @_k2_body(%arg0: i32, %arg1: i32, %arg2: memref<1x512x64xbf16, #tpu.memory_space<vmem>>, %arg3: memref<1x2048x64xbf16, #tpu.memory_space<vmem>>, %arg4: memref<1x2048x64xbf16, #tpu.memory_space<vmem>>, %arg5: memref<1x512x64xf32, #tpu.memory_space<vmem>>, %arg6: memref<4x512x512xf32, #tpu.memory_space<vmem>>) attributes {dimension_semantics = [#tpu.dimension_semantics<arbitrary>, #tpu.dimension_semantics<arbitrary>], iteration_bounds = array<i64: 12, 4>, scalar_prefetch = 0 : i64, scratch_operands = 1 : i64, tpu.core_type = #tpu.core_type<tc>, window_params = [{transform_indices = @transform_0, window_bounds = array<i64: 1, 512, 64>}, {transform_indices = @transform_1, window_bounds = array<i64: 1, 2048, 64>}, {transform_indices = @transform_2, window_bounds = array<i64: 1, 2048, 64>}, {transform_indices = @transform_3, window_bounds = array<i64: 1, 512, 64>}]} {
    %get3A = arith.constant 0 : index
    %get3A_0 = arith.constant 0 : index
    %get3A_1 = arith.constant 0 : index
    %get3A_2 = vector.load %arg2[%get3A, %get3A_0, %get3A_1] : memref<1x512x64xbf16, #tpu.memory_space<vmem>>, vector<1x512x64xbf16>
    %get3A_3 = vector.shape_cast %get3A_2 : vector<1x512x64xbf16> to vector<512x64xbf16>
    %mul3A = arith.constant 512 : i32
    %mul3A_4 = arith.muli %arg1, %mul3A : i32
    %get3A_5 = arith.constant 0 : index
    %get3A_6 = arith.index_cast %mul3A_4 : i32 to index
    %get3A_7 = arith.constant 0 : index
    %get3A_8 = vector.load %arg3[%get3A_5, %get3A_6, %get3A_7] : memref<1x2048x64xbf16, #tpu.memory_space<vmem>>, vector<1x512x64xbf16>
    %get3A_9 = vector.shape_cast %get3A_8 : vector<1x512x64xbf16> to vector<512x64xbf16>
    %dot_general3A = arith.constant dense<0.000000e+00> : vector<512x512xf32>
    %dot_general3A_10 = tpu.matmul %get3A_3, %get3A_9, %dot_general3A {dimension_numbers = #tpu.dot_dimension_numbers<[1], [1], [0], [0], [0, 0, 1, 0], [], []>, transpose_lhs_hint = false} : vector<512x64xbf16>, vector<512x64xbf16>, vector<512x512xf32> -> vector<512x512xf32>
    %mul3A_11 = arith.constant 1.250000e-01 : f32
    %mul3A_12 = vector.broadcast %mul3A_11 : f32 to vector<512x512xf32>
    %mul3A_13 = arith.mulf %dot_general3A_10, %mul3A_12 : vector<512x512xf32>
    %iota3A = tpu.iota {dimensions = array<i32: 0>} : vector<512x512xi32>
    %iota3A_14 = tpu.iota {dimensions = array<i32: 1>} : vector<512x512xi32>
    %ge3A = arith.cmpi sge, %iota3A, %iota3A_14 : vector<512x512xi32>
    %jit3A = arith.constant -1.000000e+30 : f32
    %broadcast_in_dim3A = vector.broadcast %jit3A : f32 to vector<512x512xf32>
    %select_n3A = arith.select %ge3A, %mul3A_13, %broadcast_in_dim3A : vector<512x512xi1>, vector<512x512xf32>
    %reduce_max3A = arith.constant dense<0xFF800000> : vector<512xf32>
    %reduce_max3A_15 = vector.multi_reduction <maximumf>, %select_n3A, %reduce_max3A [1] : vector<512x512xf32> to vector<512xf32>
    %broadcast_in_dim3A_16 = vector.shape_cast %reduce_max3A_15 : vector<512xf32> to vector<512x1xf32>
    %sub3A = vector.broadcast %broadcast_in_dim3A_16 : vector<512x1xf32> to vector<512x512xf32>
    %sub3A_17 = arith.subf %select_n3A, %sub3A : vector<512x512xf32>
    %exp3A = math.exp %sub3A_17 : vector<512x512xf32>
    %swap3A = arith.index_cast %arg1 : i32 to index
    %swap3A_18 = arith.constant 0 : index
    %swap3A_19 = arith.constant 0 : index
    %swap3A_20 = vector.load %arg6[%swap3A, %swap3A_18, %swap3A_19] : memref<4x512x512xf32, #tpu.memory_space<vmem>>, vector<1x512x512xf32>
    %swap3A_21 = vector.shape_cast %swap3A_20 : vector<1x512x512xf32> to vector<512x512xf32>
    %swap3A_22 = vector.shape_cast %exp3A : vector<512x512xf32> to vector<1x512x512xf32>
    tpu.vector_store %arg6[%swap3A, %swap3A_18, %swap3A_19], %swap3A_22 {strides = array<i32>} : memref<4x512x512xf32, #tpu.memory_space<vmem>>, vector<1x512x512xf32>,
    %reduce_sum3A = arith.constant dense<0.000000e+00> : vector<512xf32>
    %reduce_sum3A_23 = vector.multi_reduction <add>, %exp3A, %reduce_sum3A [1] : vector<512x512xf32> to vector<512xf32>
    %broadcast_in_dim3A_24 = vector.shape_cast %reduce_sum3A_23 : vector<512xf32> to vector<512x1xf32>
    %while3A = arith.constant 0 : i32
    %while3A_25 = arith.subi %arg1, %while3A : i32
    %while3A_26 = arith.addi %while3A, %while3A_25 : i32
    %while3A_27 = arith.constant 1 : i32
    %while3A_28 = arith.divsi %while3A_25, %while3A_27 : i32
    %while3A_29 = arith.muli %while3A_28, %while3A_27 : i32
    %while3A_30 = arith.addi %while3A, %while3A_29 : i32
    %while3A_31 = arith.constant 1 : i32
    %while3A_32 = scf.for %while3A_57 = %while3A to %while3A_30 step %while3A_31 iter_args(%while3A_58 = %broadcast_in_dim3A_24) -> (vector<512x1xf32>)  : i32 {
      %mul3A_59 = arith.constant 512 : i32
      %mul3A_60 = arith.muli %while3A_57, %mul3A_59 : i32
      %get3A_61 = arith.constant 0 : index
      %get3A_62 = arith.index_cast %mul3A_60 : i32 to index
      %get3A_63 = arith.constant 0 : index
      %get3A_64 = vector.load %arg3[%get3A_61, %get3A_62, %get3A_63] : memref<1x2048x64xbf16, #tpu.memory_space<vmem>>, vector<1x512x64xbf16>
      %get3A_65 = vector.shape_cast %get3A_64 : vector<1x512x64xbf16> to vector<512x64xbf16>
      %dot_general3A_66 = arith.constant dense<0.000000e+00> : vector<512x512xf32>
      %dot_general3A_67 = tpu.matmul %get3A_3, %get3A_65, %dot_general3A_66 {dimension_numbers = #tpu.dot_dimension_numbers<[1], [1], [0], [0], [0, 0, 1, 0], [], []>, transpose_lhs_hint = false} : vector<512x64xbf16>, vector<512x64xbf16>, vector<512x512xf32> -> vector<512x512xf32>
      %mul3A_68 = arith.constant 1.250000e-01 : f32
      %mul3A_69 = vector.broadcast %mul3A_68 : f32 to vector<512x512xf32>
      %mul3A_70 = arith.mulf %dot_general3A_67, %mul3A_69 : vector<512x512xf32>
      %sub3A_71 = vector.broadcast %broadcast_in_dim3A_16 : vector<512x1xf32> to vector<512x512xf32>
      %sub3A_72 = arith.subf %mul3A_70, %sub3A_71 : vector<512x512xf32>
      %exp3A_73 = math.exp %sub3A_72 : vector<512x512xf32>
      %swap3A_74 = arith.index_cast %while3A_57 : i32 to index
      %swap3A_75 = arith.constant 0 : index
      %swap3A_76 = arith.constant 0 : index
      %swap3A_77 = vector.load %arg6[%swap3A_74, %swap3A_75, %swap3A_76] : memref<4x512x512xf32, #tpu.memory_space<vmem>>, vector<1x512x512xf32>
      %swap3A_78 = vector.shape_cast %swap3A_77 : vector<1x512x512xf32> to vector<512x512xf32>
      %swap3A_79 = vector.shape_cast %exp3A_73 : vector<512x512xf32> to vector<1x512x512xf32>
      tpu.vector_store %arg6[%swap3A_74, %swap3A_75, %swap3A_76], %swap3A_79 {strides = array<i32>} : memref<4x512x512xf32, #tpu.memory_space<vmem>>, vector<1x512x512xf32>,
      %reduce_sum3A_80 = arith.constant dense<0.000000e+00> : vector<512xf32>
      %reduce_sum3A_81 = vector.multi_reduction <add>, %exp3A_73, %reduce_sum3A_80 [1] : vector<512x512xf32> to vector<512xf32>
      %broadcast_in_dim3A_82 = vector.shape_cast %reduce_sum3A_81 : vector<512xf32> to vector<512x1xf32>
      %add3A_83 = arith.addf %while3A_58, %broadcast_in_dim3A_82 : vector<512x1xf32>
      scf.yield %add3A_83 : vector<512x1xf32>
    }
    %while3A_33 = arith.constant 1 : i32
    %while3A_34 = scf.for %while3A_57 = %while3A_30 to %while3A_26 step %while3A_33 iter_args(%while3A_58 = %while3A_32) -> (vector<512x1xf32>)  : i32 {
      %mul3A_59 = arith.constant 512 : i32
      %mul3A_60 = arith.muli %while3A_57, %mul3A_59 : i32
      %get3A_61 = arith.constant 0 : index
      %get3A_62 = arith.index_cast %mul3A_60 : i32 to index
      %get3A_63 = arith.constant 0 : index
      %get3A_64 = vector.load %arg3[%get3A_61, %get3A_62, %get3A_63] : memref<1x2048x64xbf16, #tpu.memory_space<vmem>>, vector<1x512x64xbf16>
      %get3A_65 = vector.shape_cast %get3A_64 : vector<1x512x64xbf16> to vector<512x64xbf16>
      %dot_general3A_66 = arith.constant dense<0.000000e+00> : vector<512x512xf32>
      %dot_general3A_67 = tpu.matmul %get3A_3, %get3A_65, %dot_general3A_66 {dimension_numbers = #tpu.dot_dimension_numbers<[1], [1], [0], [0], [0, 0, 1, 0], [], []>, transpose_lhs_hint = false} : vector<512x64xbf16>, vector<512x64xbf16>, vector<512x512xf32> -> vector<512x512xf32>
      %mul3A_68 = arith.constant 1.250000e-01 : f32
      %mul3A_69 = vector.broadcast %mul3A_68 : f32 to vector<512x512xf32>
      %mul3A_70 = arith.mulf %dot_general3A_67, %mul3A_69 : vector<512x512xf32>
      %sub3A_71 = vector.broadcast %broadcast_in_dim3A_16 : vector<512x1xf32> to vector<512x512xf32>
      %sub3A_72 = arith.subf %mul3A_70, %sub3A_71 : vector<512x512xf32>
      %exp3A_73 = math.exp %sub3A_72 : vector<512x512xf32>
      %swap3A_74 = arith.index_cast %while3A_57 : i32 to index
      %swap3A_75 = arith.constant 0 : index
      %swap3A_76 = arith.constant 0 : index
      %swap3A_77 = vector.load %arg6[%swap3A_74, %swap3A_75, %swap3A_76] : memref<4x512x512xf32, #tpu.memory_space<vmem>>, vector<1x512x512xf32>
      %swap3A_78 = vector.shape_cast %swap3A_77 : vector<1x512x512xf32> to vector<512x512xf32>
      %swap3A_79 = vector.shape_cast %exp3A_73 : vector<512x512xf32> to vector<1x512x512xf32>
      tpu.vector_store %arg6[%swap3A_74, %swap3A_75, %swap3A_76], %swap3A_79 {strides = array<i32>} : memref<4x512x512xf32, #tpu.memory_space<vmem>>, vector<1x512x512xf32>,
      %reduce_sum3A_80 = arith.constant dense<0.000000e+00> : vector<512xf32>
      %reduce_sum3A_81 = vector.multi_reduction <add>, %exp3A_73, %reduce_sum3A_80 [1] : vector<512x512xf32> to vector<512xf32>
      %broadcast_in_dim3A_82 = vector.shape_cast %reduce_sum3A_81 : vector<512xf32> to vector<512x1xf32>
      %add3A_83 = arith.addf %while3A_58, %broadcast_in_dim3A_82 : vector<512x1xf32>
      scf.yield %add3A_83 : vector<512x1xf32>
    }
    %div3A = arith.constant 1.000000e+00 : f32
    %div3A_35 = vector.broadcast %div3A : f32 to vector<512x1xf32>
    %div3A_36 = arith.divf %div3A_35, %while3A_34 : vector<512x1xf32>
    %add3A = arith.constant 1 : i32
    %add3A_37 = arith.addi %arg1, %add3A : i32
    %broadcast_in_dim3A_38 = arith.constant 0.000000e+00 : f32
    %broadcast_in_dim3A_39 = vector.broadcast %broadcast_in_dim3A_38 : f32 to vector<512x64xf32>
    %while3A_40 = arith.constant 0 : i32
    %while3A_41 = arith.subi %add3A_37, %while3A_40 : i32
    %while3A_42 = arith.addi %while3A_40, %while3A_41 : i32
    %while3A_43 = arith.constant 1 : i32
    %while3A_44 = arith.divsi %while3A_41, %while3A_43 : i32
    %while3A_45 = arith.muli %while3A_44, %while3A_43 : i32
    %while3A_46 = arith.addi %while3A_40, %while3A_45 : i32
    %while3A_47 = arith.constant 1 : i32
    %while3A_48 = scf.for %while3A_57 = %while3A_40 to %while3A_46 step %while3A_47 iter_args(%while3A_58 = %broadcast_in_dim3A_39) -> (vector<512x64xf32>)  : i32 {
      %mul3A_59 = arith.constant 512 : i32
      %mul3A_60 = arith.muli %while3A_57, %mul3A_59 : i32
      %get3A_61 = arith.constant 0 : index
      %get3A_62 = arith.index_cast %mul3A_60 : i32 to index
      %get3A_63 = arith.constant 0 : index
      %get3A_64 = vector.load %arg4[%get3A_61, %get3A_62, %get3A_63] : memref<1x2048x64xbf16, #tpu.memory_space<vmem>>, vector<1x512x64xbf16>
      %get3A_65 = vector.shape_cast %get3A_64 : vector<1x512x64xbf16> to vector<512x64xbf16>
      %get3A_66 = arith.index_cast %while3A_57 : i32 to index
      %get3A_67 = arith.constant 0 : index
      %get3A_68 = arith.constant 0 : index
      %get3A_69 = vector.load %arg6[%get3A_66, %get3A_67, %get3A_68] : memref<4x512x512xf32, #tpu.memory_space<vmem>>, vector<1x512x512xf32>
      %get3A_70 = vector.shape_cast %get3A_69 : vector<1x512x512xf32> to vector<512x512xf32>
      %mul3A_71 = vector.broadcast %div3A_36 : vector<512x1xf32> to vector<512x512xf32>
      %mul3A_72 = arith.mulf %get3A_70, %mul3A_71 : vector<512x512xf32>
      %dot_general3A_73 = arith.constant dense<0.000000e+00> : vector<512x64xf32>
      %dot_general3A_74 = tpu.matmul %mul3A_72, %get3A_65, %dot_general3A_73 {dimension_numbers = #tpu.dot_dimension_numbers<[1], [0], [0], [1], [0, 0, 1, 1], [], []>, transpose_lhs_hint = false} : vector<512x512xf32>, vector<512x64xbf16>, vector<512x64xf32> -> vector<512x64xf32>
      %add3A_75 = arith.addf %while3A_58, %dot_general3A_74 : vector<512x64xf32>
      scf.yield %add3A_75 : vector<512x64xf32>
    }
    %while3A_49 = arith.constant 1 : i32
    %while3A_50 = scf.for %while3A_57 = %while3A_46 to %while3A_42 step %while3A_49 iter_args(%while3A_58 = %while3A_48) -> (vector<512x64xf32>)  : i32 {
      %mul3A_59 = arith.constant 512 : i32
      %mul3A_60 = arith.muli %while3A_57, %mul3A_59 : i32
      %get3A_61 = arith.constant 0 : index
      %get3A_62 = arith.index_cast %mul3A_60 : i32 to index
      %get3A_63 = arith.constant 0 : index
      %get3A_64 = vector.load %arg4[%get3A_61, %get3A_62, %get3A_63] : memref<1x2048x64xbf16, #tpu.memory_space<vmem>>, vector<1x512x64xbf16>
      %get3A_65 = vector.shape_cast %get3A_64 : vector<1x512x64xbf16> to vector<512x64xbf16>
      %get3A_66 = arith.index_cast %while3A_57 : i32 to index
      %get3A_67 = arith.constant 0 : index
      %get3A_68 = arith.constant 0 : index
      %get3A_69 = vector.load %arg6[%get3A_66, %get3A_67, %get3A_68] : memref<4x512x512xf32, #tpu.memory_space<vmem>>, vector<1x512x512xf32>
      %get3A_70 = vector.shape_cast %get3A_69 : vector<1x512x512xf32> to vector<512x512xf32>
      %mul3A_71 = vector.broadcast %div3A_36 : vector<512x1xf32> to vector<512x512xf32>
      %mul3A_72 = arith.mulf %get3A_70, %mul3A_71 : vector<512x512xf32>
      %dot_general3A_73 = arith.constant dense<0.000000e+00> : vector<512x64xf32>
      %dot_general3A_74 = tpu.matmul %mul3A_72, %get3A_65, %dot_general3A_73 {dimension_numbers = #tpu.dot_dimension_numbers<[1], [0], [0], [1], [0, 0, 1, 1], [], []>, transpose_lhs_hint = false} : vector<512x512xf32>, vector<512x64xbf16>, vector<512x64xf32> -> vector<512x64xf32>
      %add3A_75 = arith.addf %while3A_58, %dot_general3A_74 : vector<512x64xf32>
      scf.yield %add3A_75 : vector<512x64xf32>
    }
    %swap3A_51 = arith.constant 0 : index
    %swap3A_52 = arith.constant 0 : index
    %swap3A_53 = arith.constant 0 : index
    %swap3A_54 = vector.load %arg5[%swap3A_51, %swap3A_52, %swap3A_53] : memref<1x512x64xf32, #tpu.memory_space<vmem>>, vector<1x512x64xf32>
    %swap3A_55 = vector.shape_cast %swap3A_54 : vector<1x512x64xf32> to vector<512x64xf32>
    %swap3A_56 = vector.shape_cast %while3A_50 : vector<512x64xf32> to vector<1x512x64xf32>
    tpu.vector_store %arg5[%swap3A_51, %swap3A_52, %swap3A_53], %swap3A_56 {strides = array<i32>} : memref<1x512x64xf32, #tpu.memory_space<vmem>>, vector<1x512x64xf32>,
    return
  }
  func.func @transform_0(%arg0: i32, %arg1: i32) -> (i32, i32, i32) {
    %c0_i32 = arith.constant 0 : i32
    %c0_i32_0 = arith.constant 0 : i32
    return %arg0, %arg1, %c0_i32 : i32, i32, i32
  }
  func.func @transform_1(%arg0: i32, %arg1: i32) -> (i32, i32, i32) {
    %c0_i32 = arith.constant 0 : i32
    %c0_i32_0 = arith.constant 0 : i32
    %c0_i32_1 = arith.constant 0 : i32
    return %arg0, %c0_i32, %c0_i32_0 : i32, i32, i32
  }
  func.func @transform_2(%arg0: i32, %arg1: i32) -> (i32, i32, i32) {
    %c0_i32 = arith.constant 0 : i32
    %c0_i32_0 = arith.constant 0 : i32
    %c0_i32_1 = arith.constant 0 : i32
    return %arg0, %c0_i32, %c0_i32_0 : i32, i32, i32
  }
  func.func @transform_3(%arg0: i32, %arg1: i32) -> (i32, i32, i32) {
    %c0_i32 = arith.constant 0 : i32
    %c0_i32_0 = arith.constant 0 : i32
    return %arg0, %arg1, %c0_i32 : i32, i32, i32
  }
}

module attributes {stable_mosaic.version = 14 : i64} {
  func.func @_k3_body(%arg0: i32, %arg1: memref<256x768xf32, #tpu.memory_space<vmem>>, %arg2: memref<256x768xf32, #tpu.memory_space<vmem>>, %arg3: memref<768x768xf32, #tpu.memory_space<vmem>>, %arg4: memref<1x768xf32, #tpu.memory_space<vmem>>, %arg5: memref<1x768xf32, #tpu.memory_space<vmem>>, %arg6: memref<768x16xf32, #tpu.memory_space<vmem>>, %arg7: memref<1x16xf32, #tpu.memory_space<vmem>>, %arg8: memref<256x8xf32, #tpu.memory_space<vmem>>, %arg9: memref<256x256xf32, #tpu.memory_space<vmem>>, %arg10: memref<256x768xf32, #tpu.memory_space<vmem>>, %arg11: memref<256x896xf32, #tpu.memory_space<vmem>>, %arg12: memref<256x8xf32, #tpu.memory_space<vmem>>, %arg13: memref<1x8xf32, #tpu.memory_space<vmem>>, %arg14: memref<8x128xf32, #tpu.memory_space<vmem>>) attributes {dimension_semantics = [#tpu.dimension_semantics<arbitrary>], iteration_bounds = array<i64: 8>, scalar_prefetch = 0 : i64, scratch_operands = 1 : i64, tpu.core_type = #tpu.core_type<tc>, window_params = [{transform_indices = @transform_0, window_bounds = array<i64: 256, 768>}, {transform_indices = @transform_1, window_bounds = array<i64: 256, 768>}, {pipeline_mode = #tpu.pipeline_mode<synchronous>, transform_indices = @transform_2, window_bounds = array<i64: 768, 768>}, {pipeline_mode = #tpu.pipeline_mode<synchronous>, transform_indices = @transform_3, window_bounds = array<i64: 1, 768>}, {pipeline_mode = #tpu.pipeline_mode<synchronous>, transform_indices = @transform_4, window_bounds = array<i64: 1, 768>}, {pipeline_mode = #tpu.pipeline_mode<synchronous>, transform_indices = @transform_5, window_bounds = array<i64: 768, 16>}, {pipeline_mode = #tpu.pipeline_mode<synchronous>, transform_indices = @transform_6, window_bounds = array<i64: 1, 16>}, {transform_indices = @transform_7, window_bounds = array<i64: 256, 8>}, {pipeline_mode = #tpu.pipeline_mode<synchronous>, transform_indices = @transform_8, window_bounds = array<i64: 256, 256>}, {transform_indices = @transform_9, window_bounds = array<i64: 256, 768>}, {transform_indices = @transform_10, window_bounds = array<i64: 256, 896>}, {transform_indices = @transform_11, window_bounds = array<i64: 256, 8>}, {pipeline_mode = #tpu.pipeline_mode<synchronous>, transform_indices = @transform_12, window_bounds = array<i64: 1, 8>}]} {
    %eq3A = arith.constant 0 : i32
    %eq3A_0 = arith.cmpi eq, %arg0, %eq3A : i32
    %convert_element_type3A = arith.extui %eq3A_0 : i1 to i32
    %cond3A = arith.constant 0 : i32
    %cond3A_1 = arith.cmpi ne, %convert_element_type3A, %cond3A : i32
    scf.if %cond3A_1 {
      %broadcast_in_dim3A_174 = arith.constant 0.000000e+00 : f32
      %broadcast_in_dim3A_175 = vector.broadcast %broadcast_in_dim3A_174 : f32 to vector<8x128xf32>
      %swap3A_176 = arith.constant 0 : index
      %swap3A_177 = arith.constant 0 : index
      %swap3A_178 = vector.load %arg14[%swap3A_176, %swap3A_177] : memref<8x128xf32, #tpu.memory_space<vmem>>, vector<8x128xf32>
      tpu.vector_store %arg14[%swap3A_176, %swap3A_177], %broadcast_in_dim3A_175 {strides = array<i32>} : memref<8x128xf32, #tpu.memory_space<vmem>>, vector<8x128xf32>,
    } else {
    }
    %get3A = arith.constant 0 : index
    %get3A_2 = arith.constant 0 : index
    %get3A_3 = vector.load %arg2[%get3A, %get3A_2] : memref<256x768xf32, #tpu.memory_space<vmem>>, vector<256x768xf32>
    %get3A_4 = arith.constant 0 : index
    %get3A_5 = arith.constant 0 : index
    %get3A_6 = vector.load %arg1[%get3A_4, %get3A_5] : memref<256x768xf32, #tpu.memory_space<vmem>>, vector<256x768xf32>
    %get3A_7 = arith.constant 0 : index
    %get3A_8 = arith.constant 0 : index
    %get3A_9 = vector.load %arg3[%get3A_7, %get3A_8] : memref<768x768xf32, #tpu.memory_space<vmem>>, vector<768x768xf32>
    %dot_general3A = arith.constant dense<0.000000e+00> : vector<256x768xf32>
    %dot_general3A_10 = tpu.matmul %get3A_6, %get3A_9, %dot_general3A {dimension_numbers = #tpu.dot_dimension_numbers<[1], [0], [0], [1], [0, 0, 1, 1], [], []>, transpose_lhs_hint = false} : vector<256x768xf32>, vector<768x768xf32>, vector<256x768xf32> -> vector<256x768xf32>
    %add3A = arith.addf %get3A_3, %dot_general3A_10 : vector<256x768xf32>
    %swap3A = arith.constant 0 : index
    %swap3A_11 = arith.constant 0 : index
    %swap3A_12 = vector.load %arg10[%swap3A, %swap3A_11] : memref<256x768xf32, #tpu.memory_space<vmem>>, vector<256x768xf32>
    tpu.vector_store %arg10[%swap3A, %swap3A_11], %add3A {strides = array<i32>} : memref<256x768xf32, #tpu.memory_space<vmem>>, vector<256x768xf32>,
    %get3A_13 = arith.constant 0 : index
    %get3A_14 = arith.constant 0 : index
    %get3A_15 = vector.load %arg4[%get3A_13, %get3A_14] : memref<1x768xf32, #tpu.memory_space<vmem>>, vector<1x768xf32>
    %get3A_16 = arith.constant 0 : index
    %get3A_17 = arith.constant 0 : index
    %get3A_18 = vector.load %arg5[%get3A_16, %get3A_17] : memref<1x768xf32, #tpu.memory_space<vmem>>, vector<1x768xf32>
    %reduce_sum3A = arith.constant dense<0.000000e+00> : vector<256xf32>
    %reduce_sum3A_19 = vector.multi_reduction <add>, %add3A, %reduce_sum3A [1] : vector<256x768xf32> to vector<256xf32>
    %broadcast_in_dim3A = vector.shape_cast %reduce_sum3A_19 : vector<256xf32> to vector<256x1xf32>
    %div3A = arith.constant 7.680000e+02 : f32
    %div3A_20 = vector.broadcast %div3A : f32 to vector<256x1xf32>
    %div3A_21 = arith.divf %broadcast_in_dim3A, %div3A_20 : vector<256x1xf32>
    %sub3A = vector.broadcast %div3A_21 : vector<256x1xf32> to vector<256x768xf32>
    %sub3A_22 = arith.subf %add3A, %sub3A : vector<256x768xf32>
    %integer_pow3A = arith.mulf %sub3A_22, %sub3A_22 : vector<256x768xf32>
    %reduce_sum3A_23 = arith.constant dense<0.000000e+00> : vector<256xf32>
    %reduce_sum3A_24 = vector.multi_reduction <add>, %integer_pow3A, %reduce_sum3A_23 [1] : vector<256x768xf32> to vector<256xf32>
    %broadcast_in_dim3A_25 = vector.shape_cast %reduce_sum3A_24 : vector<256xf32> to vector<256x1xf32>
    %div3A_26 = arith.constant 7.680000e+02 : f32
    %div3A_27 = vector.broadcast %div3A_26 : f32 to vector<256x1xf32>
    %div3A_28 = arith.divf %broadcast_in_dim3A_25, %div3A_27 : vector<256x1xf32>
    %sub3A_29 = vector.broadcast %div3A_21 : vector<256x1xf32> to vector<256x768xf32>
    %sub3A_30 = arith.subf %add3A, %sub3A_29 : vector<256x768xf32>
    %add3A_31 = arith.constant 9.99999974E-6 : f32
    %add3A_32 = vector.broadcast %add3A_31 : f32 to vector<256x1xf32>
    %add3A_33 = arith.addf %div3A_28, %add3A_32 : vector<256x1xf32>
    %sqrt3A = math.sqrt %add3A_33 : vector<256x1xf32>
    %div3A_34 = vector.broadcast %sqrt3A : vector<256x1xf32> to vector<256x768xf32>
    %div3A_35 = arith.divf %sub3A_30, %div3A_34 : vector<256x768xf32>
    %mul3A = vector.broadcast %get3A_15 : vector<1x768xf32> to vector<256x768xf32>
    %mul3A_36 = arith.mulf %div3A_35, %mul3A : vector<256x768xf32>
    %add3A_37 = vector.broadcast %get3A_18 : vector<1x768xf32> to vector<256x768xf32>
    %add3A_38 = arith.addf %mul3A_36, %add3A_37 : vector<256x768xf32>
    %get3A_39 = arith.constant 0 : index
    %get3A_40 = arith.constant 0 : index
    %get3A_41 = vector.load %arg6[%get3A_39, %get3A_40] : memref<768x16xf32, #tpu.memory_space<vmem>>, vector<768x16xf32>
    %dot_general3A_42 = arith.constant dense<0.000000e+00> : vector<256x16xf32>
    %dot_general3A_43 = tpu.matmul %add3A_38, %get3A_41, %dot_general3A_42 {dimension_numbers = #tpu.dot_dimension_numbers<[1], [0], [0], [1], [0, 0, 1, 1], [], []>, transpose_lhs_hint = false} : vector<256x768xf32>, vector<768x16xf32>, vector<256x16xf32> -> vector<256x16xf32>
    %get3A_44 = arith.constant 0 : index
    %get3A_45 = arith.constant 0 : index
    %get3A_46 = vector.load %arg7[%get3A_44, %get3A_45] : memref<1x16xf32, #tpu.memory_space<vmem>>, vector<1x16xf32>
    %add3A_47 = vector.broadcast %get3A_46 : vector<1x16xf32> to vector<256x16xf32>
    %add3A_48 = arith.addf %dot_general3A_43, %add3A_47 : vector<256x16xf32>
    %slice3A = vector.extract_strided_slice %add3A_48 {offsets = [0, 0], sizes = [256, 8], strides = [1, 1]} : vector<256x16xf32> to vector<256x8xf32>
    %slice3A_49 = vector.extract_strided_slice %add3A_48 {offsets = [0, 8], sizes = [256, 8], strides = [1, 1]} : vector<256x16xf32> to vector<256x8xf32>
    %max3A = arith.constant 0.000000e+00 : f32
    %max3A_50 = vector.broadcast %max3A : f32 to vector<256x8xf32>
    %max3A_51 = arith.maximumf %slice3A_49, %max3A_50 : vector<256x8xf32>
    %abs3A = math.absf %slice3A_49 : vector<256x8xf32>
    %neg3A = arith.constant 0.000000e+00 : f32
    %neg3A_52 = vector.broadcast %neg3A : f32 to vector<256x8xf32>
    %neg3A_53 = arith.subf %neg3A_52, %abs3A : vector<256x8xf32>
    %exp3A = math.exp %neg3A_53 : vector<256x8xf32>
    %log1p3A = math.log1p %exp3A : vector<256x8xf32>
    %add3A_54 = arith.addf %max3A_51, %log1p3A : vector<256x8xf32>
    %get3A_55 = arith.constant 0 : index
    %get3A_56 = arith.constant 0 : index
    %get3A_57 = vector.load %arg8[%get3A_55, %get3A_56] : memref<256x8xf32, #tpu.memory_space<vmem>>, vector<256x8xf32>
    %mul3A_58 = arith.mulf %get3A_57, %add3A_54 : vector<256x8xf32>
    %add3A_59 = arith.addf %slice3A, %mul3A_58 : vector<256x8xf32>
    %iota3A = tpu.iota {dimensions = array<i32: 1>} : vector<256x8xi32>
    %reduce_max3A = arith.constant dense<0xFF800000> : vector<256xf32>
    %reduce_max3A_60 = vector.multi_reduction <maximumf>, %add3A_59, %reduce_max3A [1] : vector<256x8xf32> to vector<256xf32>
    %broadcast_in_dim3A_61 = vector.shape_cast %reduce_max3A_60 : vector<256xf32> to vector<256x1xf32>
    %eq3A_62 = vector.broadcast %broadcast_in_dim3A_61 : vector<256x1xf32> to vector<256x8xf32>
    %eq3A_63 = arith.cmpf oeq, %add3A_59, %eq3A_62 : vector<256x8xf32>
    %jit3A = arith.constant 8 : i32
    %broadcast_in_dim3A_64 = vector.broadcast %jit3A : i32 to vector<256x8xi32>
    %select_n3A = arith.select %eq3A_63, %iota3A, %broadcast_in_dim3A_64 : vector<256x8xi1>, vector<256x8xi32>
    %reduce_min3A = arith.constant dense<2147483647> : vector<256xi32>
    %reduce_min3A_65 = vector.multi_reduction <minsi>, %select_n3A, %reduce_min3A [1] : vector<256x8xi32> to vector<256xi32>
    %broadcast_in_dim3A_66 = vector.shape_cast %reduce_min3A_65 : vector<256xi32> to vector<256x1xi32>
    %eq3A_67 = vector.broadcast %broadcast_in_dim3A_66 : vector<256x1xi32> to vector<256x8xi32>
    %eq3A_68 = arith.cmpi eq, %iota3A, %eq3A_67 : vector<256x8xi32>
    %jit3A_69 = arith.constant -1.000000e+30 : f32
    %broadcast_in_dim3A_70 = vector.broadcast %jit3A_69 : f32 to vector<256x8xf32>
    %select_n3A_71 = arith.select %eq3A_68, %broadcast_in_dim3A_70, %add3A_59 : vector<256x8xi1>, vector<256x8xf32>
    %reduce_max3A_72 = arith.constant dense<0xFF800000> : vector<256xf32>
    %reduce_max3A_73 = vector.multi_reduction <maximumf>, %select_n3A_71, %reduce_max3A_72 [1] : vector<256x8xf32> to vector<256xf32>
    %broadcast_in_dim3A_74 = vector.shape_cast %reduce_max3A_73 : vector<256xf32> to vector<256x1xf32>
    %eq3A_75 = vector.broadcast %broadcast_in_dim3A_74 : vector<256x1xf32> to vector<256x8xf32>
    %eq3A_76 = arith.cmpf oeq, %select_n3A_71, %eq3A_75 : vector<256x8xf32>
    %jit3A_77 = arith.constant 8 : i32
    %broadcast_in_dim3A_78 = vector.broadcast %jit3A_77 : i32 to vector<256x8xi32>
    %select_n3A_79 = arith.select %eq3A_76, %iota3A, %broadcast_in_dim3A_78 : vector<256x8xi1>, vector<256x8xi32>
    %reduce_min3A_80 = arith.constant dense<2147483647> : vector<256xi32>
    %reduce_min3A_81 = vector.multi_reduction <minsi>, %select_n3A_79, %reduce_min3A_80 [1] : vector<256x8xi32> to vector<256xi32>
    %broadcast_in_dim3A_82 = vector.shape_cast %reduce_min3A_81 : vector<256xi32> to vector<256x1xi32>
    %sub3A_83 = arith.subf %broadcast_in_dim3A_74, %broadcast_in_dim3A_61 : vector<256x1xf32>
    %exp3A_84 = math.exp %sub3A_83 : vector<256x1xf32>
    %add3A_85 = arith.constant 1.000000e+00 : f32
    %add3A_86 = vector.broadcast %add3A_85 : f32 to vector<256x1xf32>
    %add3A_87 = arith.addf %add3A_86, %exp3A_84 : vector<256x1xf32>
    %div3A_88 = arith.constant 1.000000e+00 : f32
    %div3A_89 = vector.broadcast %div3A_88 : f32 to vector<256x1xf32>
    %div3A_90 = arith.divf %div3A_89, %add3A_87 : vector<256x1xf32>
    %div3A_91 = arith.divf %exp3A_84, %add3A_87 : vector<256x1xf32>
    %eq3A_92 = vector.broadcast %broadcast_in_dim3A_66 : vector<256x1xi32> to vector<256x8xi32>
    %eq3A_93 = arith.cmpi eq, %iota3A, %eq3A_92 : vector<256x8xi32>
    %eq3A_94 = vector.broadcast %broadcast_in_dim3A_82 : vector<256x1xi32> to vector<256x8xi32>
    %eq3A_95 = arith.cmpi eq, %iota3A, %eq3A_94 : vector<256x8xi32>
    %or3A = arith.ori %eq3A_93, %eq3A_95 : vector<256x8xi1>
    %convert_element_type3A_96 = arith.extui %or3A : vector<256x8xi1> to vector<256x8xi32>
    %convert_element_type3A_97 = arith.sitofp %convert_element_type3A_96 : vector<256x8xi32> to vector<256x8xf32>
    %get3A_98 = arith.constant 0 : index
    %get3A_99 = arith.constant 0 : index
    %get3A_100 = vector.load %arg14[%get3A_98, %get3A_99] : memref<8x128xf32, #tpu.memory_space<vmem>>, vector<1x8xf32>
    %get3A_101 = arith.constant 0 : index
    %get3A_102 = arith.constant 0 : index
    %get3A_103 = vector.load %arg9[%get3A_101, %get3A_102] : memref<256x256xf32, #tpu.memory_space<vmem>>, vector<256x256xf32>
    %dot_general3A_104 = arith.constant dense<0.000000e+00> : vector<256x8xf32>
    %dot_general3A_105 = tpu.matmul %get3A_103, %convert_element_type3A_97, %dot_general3A_104 {dimension_numbers = #tpu.dot_dimension_numbers<[1], [0], [0], [1], [0, 0, 1, 1], [], []>, precision = #tpu.contract_precision<fp32>, transpose_lhs_hint = false} : vector<256x256xf32>, vector<256x8xf32>, vector<256x8xf32> -> vector<256x8xf32>
    %add3A_106 = vector.broadcast %get3A_100 : vector<1x8xf32> to vector<256x8xf32>
    %add3A_107 = arith.addf %dot_general3A_105, %add3A_106 : vector<256x8xf32>
    %reduce_sum3A_108 = arith.constant dense<0.000000e+00> : vector<8xf32>
    %reduce_sum3A_109 = vector.multi_reduction <add>, %convert_element_type3A_97, %reduce_sum3A_108 [0] : vector<256x8xf32> to vector<8xf32>
    %broadcast_in_dim3A_110 = vector.shape_cast %reduce_sum3A_109 : vector<8xf32> to vector<1x8xf32>
    %add3A_111 = arith.addf %get3A_100, %broadcast_in_dim3A_110 : vector<1x8xf32>
    %swap3A_112 = arith.constant 0 : index
    %swap3A_113 = arith.constant 0 : index
    %swap3A_114 = vector.load %arg14[%swap3A_112, %swap3A_113] : memref<8x128xf32, #tpu.memory_space<vmem>>, vector<1x8xf32>
    tpu.vector_store %arg14[%swap3A_112, %swap3A_113], %add3A_111 {strides = array<i32>} : memref<8x128xf32, #tpu.memory_space<vmem>>, vector<1x8xf32>,
    %swap3A_115 = arith.constant 0 : index
    %swap3A_116 = arith.constant 0 : index
    %swap3A_117 = vector.load %arg13[%swap3A_115, %swap3A_116] : memref<1x8xf32, #tpu.memory_space<vmem>>, vector<1x8xf32>
    tpu.vector_store %arg13[%swap3A_115, %swap3A_116], %add3A_111 {strides = array<i32>} : memref<1x8xf32, #tpu.memory_space<vmem>>, vector<1x8xf32>,
    %eq3A_118 = vector.broadcast %broadcast_in_dim3A_66 : vector<256x1xi32> to vector<256x8xi32>
    %eq3A_119 = arith.cmpi eq, %iota3A, %eq3A_118 : vector<256x8xi32>
    %jit3A_120 = arith.constant 0.000000e+00 : f32
    %broadcast_in_dim3A_121 = vector.broadcast %jit3A_120 : f32 to vector<256x8xf32>
    %select_n3A_122 = arith.select %eq3A_119, %add3A_107, %broadcast_in_dim3A_121 : vector<256x8xi1>, vector<256x8xf32>
    %reduce_sum3A_123 = arith.constant dense<0.000000e+00> : vector<256xf32>
    %reduce_sum3A_124 = vector.multi_reduction <add>, %select_n3A_122, %reduce_sum3A_123 [1] : vector<256x8xf32> to vector<256xf32>
    %broadcast_in_dim3A_125 = vector.shape_cast %reduce_sum3A_124 : vector<256xf32> to vector<256x1xf32>
    %eq3A_126 = vector.broadcast %broadcast_in_dim3A_82 : vector<256x1xi32> to vector<256x8xi32>
    %eq3A_127 = arith.cmpi eq, %iota3A, %eq3A_126 : vector<256x8xi32>
    %jit3A_128 = arith.constant 0.000000e+00 : f32
    %broadcast_in_dim3A_129 = vector.broadcast %jit3A_128 : f32 to vector<256x8xf32>
    %select_n3A_130 = arith.select %eq3A_127, %add3A_107, %broadcast_in_dim3A_129 : vector<256x8xi1>, vector<256x8xf32>
    %reduce_sum3A_131 = arith.constant dense<0.000000e+00> : vector<256xf32>
    %reduce_sum3A_132 = vector.multi_reduction <add>, %select_n3A_130, %reduce_sum3A_131 [1] : vector<256x8xf32> to vector<256xf32>
    %broadcast_in_dim3A_133 = vector.shape_cast %reduce_sum3A_132 : vector<256xf32> to vector<256x1xf32>
    %lt3A = arith.constant 5.120000e+02 : f32
    %lt3A_134 = vector.broadcast %lt3A : f32 to vector<256x1xf32>
    %lt3A_135 = arith.cmpf olt, %broadcast_in_dim3A_125, %lt3A_134 : vector<256x1xf32>
    %lt3A_136 = arith.constant 5.120000e+02 : f32
    %lt3A_137 = vector.broadcast %lt3A_136 : f32 to vector<256x1xf32>
    %lt3A_138 = arith.cmpf olt, %broadcast_in_dim3A_133, %lt3A_137 : vector<256x1xf32>
    %convert_element_type3A_139 = arith.sitofp %broadcast_in_dim3A_66 : vector<256x1xi32> to vector<256x1xf32>
    %mul3A_140 = arith.constant 5.120000e+02 : f32
    %mul3A_141 = vector.broadcast %mul3A_140 : f32 to vector<256x1xf32>
    %mul3A_142 = arith.mulf %convert_element_type3A_139, %mul3A_141 : vector<256x1xf32>
    %add3A_143 = arith.addf %mul3A_142, %broadcast_in_dim3A_125 : vector<256x1xf32>
    %jit3A_144 = arith.constant 4.096000e+03 : f32
    %broadcast_in_dim3A_145 = vector.broadcast %jit3A_144 : f32 to vector<256x1xf32>
    %select_n3A_146 = arith.select %lt3A_135, %add3A_143, %broadcast_in_dim3A_145 : vector<256x1xi1>, vector<256x1xf32>
    %convert_element_type3A_147 = arith.sitofp %broadcast_in_dim3A_82 : vector<256x1xi32> to vector<256x1xf32>
    %mul3A_148 = arith.constant 5.120000e+02 : f32
    %mul3A_149 = vector.broadcast %mul3A_148 : f32 to vector<256x1xf32>
    %mul3A_150 = arith.mulf %convert_element_type3A_147, %mul3A_149 : vector<256x1xf32>
    %add3A_151 = arith.addf %mul3A_150, %broadcast_in_dim3A_133 : vector<256x1xf32>
    %jit3A_152 = arith.constant 4.096000e+03 : f32
    %broadcast_in_dim3A_153 = vector.broadcast %jit3A_152 : f32 to vector<256x1xf32>
    %select_n3A_154 = arith.select %lt3A_138, %add3A_151, %broadcast_in_dim3A_153 : vector<256x1xi1>, vector<256x1xf32>
    %jit3A_155 = arith.constant 0.000000e+00 : f32
    %broadcast_in_dim3A_156 = vector.broadcast %jit3A_155 : f32 to vector<256x1xf32>
    %select_n3A_157 = arith.select %lt3A_135, %div3A_90, %broadcast_in_dim3A_156 : vector<256x1xi1>, vector<256x1xf32>
    %jit3A_158 = arith.constant 0.000000e+00 : f32
    %broadcast_in_dim3A_159 = vector.broadcast %jit3A_158 : f32 to vector<256x1xf32>
    %select_n3A_160 = arith.select %lt3A_138, %div3A_91, %broadcast_in_dim3A_159 : vector<256x1xi1>, vector<256x1xf32>
    %broadcast_in_dim3A_161 = arith.constant 0.000000e+00 : f32
    %broadcast_in_dim3A_162 = vector.broadcast %broadcast_in_dim3A_161 : f32 to vector<256x1xf32>
    %concatenate3A = tpu.concatenate %select_n3A_146, %select_n3A_154, %select_n3A_157, %select_n3A_160, %broadcast_in_dim3A_162, %broadcast_in_dim3A_162, %broadcast_in_dim3A_162, %broadcast_in_dim3A_162 in 1 : vector<256x1xf32>, vector<256x1xf32>, vector<256x1xf32>, vector<256x1xf32>, vector<256x1xf32>, vector<256x1xf32>, vector<256x1xf32>, vector<256x1xf32> -> vector<256x8xf32>
    %swap3A_163 = arith.constant 0 : index
    %swap3A_164 = arith.constant 0 : index
    %swap3A_165 = vector.load %arg12[%swap3A_163, %swap3A_164] : memref<256x8xf32, #tpu.memory_space<vmem>>, vector<256x8xf32>
    tpu.vector_store %arg12[%swap3A_163, %swap3A_164], %concatenate3A {strides = array<i32>} : memref<256x8xf32, #tpu.memory_space<vmem>>, vector<256x8xf32>,
    %convert_element_type3A_166 = arith.sitofp %broadcast_in_dim3A_66 : vector<256x1xi32> to vector<256x1xf32>
    %broadcast_in_dim3A_167 = arith.constant 0.000000e+00 : f32
    %broadcast_in_dim3A_168 = vector.broadcast %broadcast_in_dim3A_167 : f32 to vector<256x125xf32>
    %concatenate3A_169 = tpu.concatenate %select_n3A_157, %select_n3A_160, %convert_element_type3A_166, %broadcast_in_dim3A_168 in 1 : vector<256x1xf32>, vector<256x1xf32>, vector<256x1xf32>, vector<256x125xf32> -> vector<256x128xf32>
    %concatenate3A_170 = tpu.concatenate %add3A_38, %concatenate3A_169 in 1 : vector<256x768xf32>, vector<256x128xf32> -> vector<256x896xf32>
    %swap3A_171 = arith.constant 0 : index
    %swap3A_172 = arith.constant 0 : index
    %swap3A_173 = vector.load %arg11[%swap3A_171, %swap3A_172] : memref<256x896xf32, #tpu.memory_space<vmem>>, vector<256x896xf32>
    tpu.vector_store %arg11[%swap3A_171, %swap3A_172], %concatenate3A_170 {strides = array<i32>} : memref<256x896xf32, #tpu.memory_space<vmem>>, vector<256x896xf32>,
    return
  }
  func.func @transform_0(%arg0: i32) -> (i32, i32) {
    %c0_i32 = arith.constant 0 : i32
    %c0_i32_0 = arith.constant 0 : i32
    return %arg0, %c0_i32 : i32, i32
  }
  func.func @transform_1(%arg0: i32) -> (i32, i32) {
    %c0_i32 = arith.constant 0 : i32
    %c0_i32_0 = arith.constant 0 : i32
    return %arg0, %c0_i32 : i32, i32
  }
  func.func @transform_2(%arg0: i32) -> (i32, i32) {
    %c0_i32 = arith.constant 0 : i32
    %c0_i32_0 = arith.constant 0 : i32
    %c0_i32_1 = arith.constant 0 : i32
    return %c0_i32, %c0_i32_0 : i32, i32
  }
  func.func @transform_3(%arg0: i32) -> (i32, i32) {
    %c0_i32 = arith.constant 0 : i32
    %c0_i32_0 = arith.constant 0 : i32
    %c0_i32_1 = arith.constant 0 : i32
    return %c0_i32, %c0_i32_0 : i32, i32
  }
  func.func @transform_4(%arg0: i32) -> (i32, i32) {
    %c0_i32 = arith.constant 0 : i32
    %c0_i32_0 = arith.constant 0 : i32
    %c0_i32_1 = arith.constant 0 : i32
    return %c0_i32, %c0_i32_0 : i32, i32
  }
  func.func @transform_5(%arg0: i32) -> (i32, i32) {
    %c0_i32 = arith.constant 0 : i32
    %c0_i32_0 = arith.constant 0 : i32
    %c0_i32_1 = arith.constant 0 : i32
    return %c0_i32, %c0_i32_0 : i32, i32
  }
  func.func @transform_6(%arg0: i32) -> (i32, i32) {
    %c0_i32 = arith.constant 0 : i32
    %c0_i32_0 = arith.constant 0 : i32
    %c0_i32_1 = arith.constant 0 : i32
    return %c0_i32, %c0_i32_0 : i32, i32
  }
  func.func @transform_7(%arg0: i32) -> (i32, i32) {
    %c0_i32 = arith.constant 0 : i32
    %c0_i32_0 = arith.constant 0 : i32
    return %arg0, %c0_i32 : i32, i32
  }
  func.func @transform_8(%arg0: i32) -> (i32, i32) {
    %c0_i32 = arith.constant 0 : i32
    %c0_i32_0 = arith.constant 0 : i32
    %c0_i32_1 = arith.constant 0 : i32
    return %c0_i32, %c0_i32_0 : i32, i32
  }
  func.func @transform_9(%arg0: i32) -> (i32, i32) {
    %c0_i32 = arith.constant 0 : i32
    %c0_i32_0 = arith.constant 0 : i32
    return %arg0, %c0_i32 : i32, i32
  }
  func.func @transform_10(%arg0: i32) -> (i32, i32) {
    %c0_i32 = arith.constant 0 : i32
    %c0_i32_0 = arith.constant 0 : i32
    return %arg0, %c0_i32 : i32, i32
  }
  func.func @transform_11(%arg0: i32) -> (i32, i32) {
    %c0_i32 = arith.constant 0 : i32
    %c0_i32_0 = arith.constant 0 : i32
    return %arg0, %c0_i32 : i32, i32
  }
  func.func @transform_12(%arg0: i32) -> (i32, i32) {
    %c0_i32 = arith.constant 0 : i32
    %c0_i32_0 = arith.constant 0 : i32
    %c0_i32_1 = arith.constant 0 : i32
    return %c0_i32, %c0_i32_0 : i32, i32
  }
}

module attributes {stable_mosaic.version = 14 : i64} {
  func.func @_k4_body(%arg0: i32, %arg1: i32, %arg2: memref<1x8xf32, #tpu.memory_space<smem>>, %arg3: memref<256x896xf32, #tpu.memory_space<vmem>>, %arg4: memref<1x768x3072xbf16, #tpu.memory_space<vmem>>, %arg5: memref<1x1x3072xf32, #tpu.memory_space<vmem>>, %arg6: memref<1x3072x768xbf16, #tpu.memory_space<vmem>>, %arg7: memref<1x1x768xf32, #tpu.memory_space<vmem>>, %arg8: memref<256x768xf32, #tpu.memory_space<vmem>>) attributes {dimension_semantics = [#tpu.dimension_semantics<arbitrary>, #tpu.dimension_semantics<arbitrary>], iteration_bounds = array<i64: 9, 2>, scalar_prefetch = 0 : i64, scratch_operands = 0 : i64, tpu.core_type = #tpu.core_type<tc>, window_params = [{transform_indices = @transform_0, window_bounds = array<i64: 1, 8>}, {transform_indices = @transform_1, window_bounds = array<i64: 256, 896>}, {transform_indices = @transform_2, window_bounds = array<i64: 1, 768, 3072>}, {transform_indices = @transform_3, window_bounds = array<i64: 1, 1, 3072>}, {transform_indices = @transform_4, window_bounds = array<i64: 1, 3072, 768>}, {transform_indices = @transform_5, window_bounds = array<i64: 1, 1, 768>}, {transform_indices = @transform_6, window_bounds = array<i64: 256, 768>}]} {
    %lt3A = arith.constant 8 : i32
    %lt3A_0 = arith.cmpi slt, %arg0, %lt3A : i32
    %convert_element_type3A = arith.extui %lt3A_0 : i1 to i32
    %cond3A = arith.constant 0 : i32
    %cond3A_1 = arith.cmpi ne, %convert_element_type3A, %cond3A : i32
    scf.if %cond3A_1 {
      %min3A = arith.constant 7 : i32
      %min3A_6 = arith.minsi %arg0, %min3A : i32
      %get3A = arith.constant 0 : index
      %get3A_7 = arith.index_cast %min3A_6 : i32 to index
      %get3A_8 = memref.load %arg2[%get3A, %get3A_7] : memref<1x8xf32, #tpu.memory_space<smem>>
      %iota3A = tpu.iota {dimensions = array<i32: 0>} : vector<256x1xi32>
      %mul3A = arith.constant 256 : i32
      %mul3A_9 = arith.muli %mul3A, %arg1 : i32
      %add3A = vector.broadcast %mul3A_9 : i32 to vector<256x1xi32>
      %add3A_10 = arith.addi %iota3A, %add3A : vector<256x1xi32>
      %convert_element_type3A_11 = arith.sitofp %add3A_10 : vector<256x1xi32> to vector<256x1xf32>
      %lt3A_12 = vector.broadcast %get3A_8 : f32 to vector<256x1xf32>
      %lt3A_13 = arith.cmpf olt, %convert_element_type3A_11, %lt3A_12 : vector<256x1xf32>
      %get3A_14 = arith.constant 0 : index
      %get3A_15 = arith.constant 0 : index
      %get3A_16 = vector.load %arg3[%get3A_14, %get3A_15] : memref<256x896xf32, #tpu.memory_space<vmem>>, vector<256x768xf32>
      %jit3A = arith.constant 0.000000e+00 : f32
      %broadcast_in_dim3A = vector.shape_cast %lt3A_13 : vector<256x1xi1> to vector<256x1xi1>
      %broadcast_in_dim3A_17 = vector.broadcast %broadcast_in_dim3A : vector<256x1xi1> to vector<256x768xi1>
      %broadcast_in_dim3A_18 = vector.broadcast %jit3A : f32 to vector<256x768xf32>
      %select_n3A = arith.select %broadcast_in_dim3A_17, %get3A_16, %broadcast_in_dim3A_18 : vector<256x768xi1>, vector<256x768xf32>
      %convert_element_type3A_19 = arith.truncf %select_n3A : vector<256x768xf32> to vector<256x768xbf16>
      %get3A_20 = arith.constant 0 : index
      %get3A_21 = arith.constant 770 : index
      %get3A_22 = vector.load %arg3[%get3A_20, %get3A_21] : memref<256x896xf32, #tpu.memory_space<vmem>>, vector<256x1xf32>
      %convert_element_type3A_23 = arith.sitofp %arg0 : i32 to f32
      %eq3A_24 = vector.broadcast %convert_element_type3A_23 : f32 to vector<256x1xf32>
      %eq3A_25 = arith.cmpf oeq, %get3A_22, %eq3A_24 : vector<256x1xf32>
      %get3A_26 = arith.constant 0 : index
      %get3A_27 = arith.constant 768 : index
      %get3A_28 = vector.load %arg3[%get3A_26, %get3A_27] : memref<256x896xf32, #tpu.memory_space<vmem>>, vector<256x1xf32>
      %get3A_29 = arith.constant 0 : index
      %get3A_30 = arith.constant 769 : index
      %get3A_31 = vector.load %arg3[%get3A_29, %get3A_30] : memref<256x896xf32, #tpu.memory_space<vmem>>, vector<256x1xf32>
      %select_n3A_32 = arith.select %eq3A_25, %get3A_28, %get3A_31 : vector<256x1xi1>, vector<256x1xf32>
      %jit3A_33 = arith.constant 0.000000e+00 : f32
      %broadcast_in_dim3A_34 = vector.broadcast %jit3A_33 : f32 to vector<256x1xf32>
      %select_n3A_35 = arith.select %lt3A_13, %select_n3A_32, %broadcast_in_dim3A_34 : vector<256x1xi1>, vector<256x1xf32>
      %get3A_36 = arith.constant 0 : index
      %get3A_37 = arith.constant 0 : index
      %get3A_38 = arith.constant 0 : index
      %get3A_39 = vector.load %arg4[%get3A_36, %get3A_37, %get3A_38] : memref<1x768x3072xbf16, #tpu.memory_space<vmem>>, vector<1x768x3072xbf16>
      %get3A_40 = vector.shape_cast %get3A_39 : vector<1x768x3072xbf16> to vector<768x3072xbf16>
      %dot_general3A = arith.constant dense<0.000000e+00> : vector<256x3072xf32>
      %dot_general3A_41 = tpu.matmul %convert_element_type3A_19, %get3A_40, %dot_general3A {dimension_numbers = #tpu.dot_dimension_numbers<[1], [0], [0], [1], [0, 0, 1, 1], [], []>, transpose_lhs_hint = false} : vector<256x768xbf16>, vector<768x3072xbf16>, vector<256x3072xf32> -> vector<256x3072xf32>
      %get3A_42 = arith.constant 0 : index
      %get3A_43 = arith.constant 0 : index
      %get3A_44 = arith.constant 0 : index
      %get3A_45 = vector.load %arg5[%get3A_42, %get3A_43, %get3A_44] : memref<1x1x3072xf32, #tpu.memory_space<vmem>>, vector<1x1x3072xf32>
      %get3A_46 = vector.shape_cast %get3A_45 : vector<1x1x3072xf32> to vector<1x3072xf32>
      %add3A_47 = vector.broadcast %get3A_46 : vector<1x3072xf32> to vector<256x3072xf32>
      %add3A_48 = arith.addf %dot_general3A_41, %add3A_47 : vector<256x3072xf32>
      %max3A = arith.constant 0.000000e+00 : f32
      %max3A_49 = vector.broadcast %max3A : f32 to vector<256x3072xf32>
      %max3A_50 = arith.maximumf %add3A_48, %max3A_49 : vector<256x3072xf32>
      %convert_element_type3A_51 = arith.truncf %max3A_50 : vector<256x3072xf32> to vector<256x3072xbf16>
      %get3A_52 = arith.constant 0 : index
      %get3A_53 = arith.constant 0 : index
      %get3A_54 = arith.constant 0 : index
      %get3A_55 = vector.load %arg6[%get3A_52, %get3A_53, %get3A_54] : memref<1x3072x768xbf16, #tpu.memory_space<vmem>>, vector<1x3072x768xbf16>
      %get3A_56 = vector.shape_cast %get3A_55 : vector<1x3072x768xbf16> to vector<3072x768xbf16>
      %dot_general3A_57 = arith.constant dense<0.000000e+00> : vector<256x768xf32>
      %dot_general3A_58 = tpu.matmul %convert_element_type3A_51, %get3A_56, %dot_general3A_57 {dimension_numbers = #tpu.dot_dimension_numbers<[1], [0], [0], [1], [0, 0, 1, 1], [], []>, transpose_lhs_hint = false} : vector<256x3072xbf16>, vector<3072x768xbf16>, vector<256x768xf32> -> vector<256x768xf32>
      %get3A_59 = arith.constant 0 : index
      %get3A_60 = arith.constant 0 : index
      %get3A_61 = arith.constant 0 : index
      %get3A_62 = vector.load %arg7[%get3A_59, %get3A_60, %get3A_61] : memref<1x1x768xf32, #tpu.memory_space<vmem>>, vector<1x1x768xf32>
      %get3A_63 = vector.shape_cast %get3A_62 : vector<1x1x768xf32> to vector<1x768xf32>
      %add3A_64 = vector.broadcast %get3A_63 : vector<1x768xf32> to vector<256x768xf32>
      %add3A_65 = arith.addf %dot_general3A_58, %add3A_64 : vector<256x768xf32>
      %mul3A_66 = vector.broadcast %select_n3A_35 : vector<256x1xf32> to vector<256x768xf32>
      %mul3A_67 = arith.mulf %add3A_65, %mul3A_66 : vector<256x768xf32>
      %swap3A = arith.constant 0 : index
      %swap3A_68 = arith.constant 0 : index
      %swap3A_69 = vector.load %arg8[%swap3A, %swap3A_68] : memref<256x768xf32, #tpu.memory_space<vmem>>, vector<256x768xf32>
      tpu.vector_store %arg8[%swap3A, %swap3A_68], %mul3A_67 {strides = array<i32>} : memref<256x768xf32, #tpu.memory_space<vmem>>, vector<256x768xf32>,
    } else {
    }
    %eq3A = arith.constant 8 : i32
    %eq3A_2 = arith.cmpi eq, %arg0, %eq3A : i32
    %convert_element_type3A_3 = arith.extui %eq3A_2 : i1 to i32
    %cond3A_4 = arith.constant 0 : i32
    %cond3A_5 = arith.cmpi ne, %convert_element_type3A_3, %cond3A_4 : i32
    scf.if %cond3A_5 {
      %broadcast_in_dim3A = arith.constant 0.000000e+00 : f32
      %broadcast_in_dim3A_6 = vector.broadcast %broadcast_in_dim3A : f32 to vector<256x768xf32>
      %swap3A = arith.constant 0 : index
      %swap3A_7 = arith.constant 0 : index
      %swap3A_8 = vector.load %arg8[%swap3A, %swap3A_7] : memref<256x768xf32, #tpu.memory_space<vmem>>, vector<256x768xf32>
      tpu.vector_store %arg8[%swap3A, %swap3A_7], %broadcast_in_dim3A_6 {strides = array<i32>} : memref<256x768xf32, #tpu.memory_space<vmem>>, vector<256x768xf32>,
    } else {
    }
    return
  }
  func.func @transform_0(%arg0: i32, %arg1: i32) -> (i32, i32) {
    %c0_i32 = arith.constant 0 : i32
    %c0_i32_0 = arith.constant 0 : i32
    %c0_i32_1 = arith.constant 0 : i32
    return %c0_i32, %c0_i32_0 : i32, i32
  }
  func.func @transform_1(%arg0: i32, %arg1: i32) -> (i32, i32) {
    %mul3A = arith.constant 2 : i32
    %mul3A_0 = arith.muli %arg0, %mul3A : i32
    %add3A = arith.addi %mul3A_0, %arg1 : i32
    %c0_i32 = arith.constant 0 : i32
    %c0_i32_1 = arith.constant 0 : i32
    return %add3A, %c0_i32 : i32, i32
  }
  func.func @transform_2(%arg0: i32, %arg1: i32) -> (i32, i32, i32) {
    %min3A = arith.constant 7 : i32
    %min3A_0 = arith.minsi %arg0, %min3A : i32
    %c0_i32 = arith.constant 0 : i32
    %c0_i32_1 = arith.constant 0 : i32
    %c0_i32_2 = arith.constant 0 : i32
    return %min3A_0, %c0_i32, %c0_i32_1 : i32, i32, i32
  }
  func.func @transform_3(%arg0: i32, %arg1: i32) -> (i32, i32, i32) {
    %min3A = arith.constant 7 : i32
    %min3A_0 = arith.minsi %arg0, %min3A : i32
    %c0_i32 = arith.constant 0 : i32
    %c0_i32_1 = arith.constant 0 : i32
    %c0_i32_2 = arith.constant 0 : i32
    return %min3A_0, %c0_i32, %c0_i32_1 : i32, i32, i32
  }
  func.func @transform_4(%arg0: i32, %arg1: i32) -> (i32, i32, i32) {
    %min3A = arith.constant 7 : i32
    %min3A_0 = arith.minsi %arg0, %min3A : i32
    %c0_i32 = arith.constant 0 : i32
    %c0_i32_1 = arith.constant 0 : i32
    %c0_i32_2 = arith.constant 0 : i32
    return %min3A_0, %c0_i32, %c0_i32_1 : i32, i32, i32
  }
  func.func @transform_5(%arg0: i32, %arg1: i32) -> (i32, i32, i32) {
    %min3A = arith.constant 7 : i32
    %min3A_0 = arith.minsi %arg0, %min3A : i32
    %c0_i32 = arith.constant 0 : i32
    %c0_i32_1 = arith.constant 0 : i32
    %c0_i32_2 = arith.constant 0 : i32
    return %min3A_0, %c0_i32, %c0_i32_1 : i32, i32, i32
  }
  func.func @transform_6(%arg0: i32, %arg1: i32) -> (i32, i32) {
    %mul3A = arith.constant 2 : i32
    %mul3A_0 = arith.muli %arg0, %mul3A : i32
    %add3A = arith.addi %mul3A_0, %arg1 : i32
    %c0_i32 = arith.constant 0 : i32
    %c0_i32_1 = arith.constant 0 : i32
    return %add3A, %c0_i32 : i32, i32
  }
}

module attributes {stable_mosaic.version = 14 : i64} {
  func.func @_k5_body(%arg0: i32, %arg1: memref<256x768xf32, #tpu.memory_space<vmem>>, %arg2: memref<256x768xf32, #tpu.memory_space<vmem>>, %arg3: memref<256x768xf32, #tpu.memory_space<vmem>>) attributes {dimension_semantics = [#tpu.dimension_semantics<arbitrary>], iteration_bounds = array<i64: 8>, scalar_prefetch = 0 : i64, scratch_operands = 0 : i64, tpu.core_type = #tpu.core_type<tc>, window_params = [{transform_indices = @transform_0, window_bounds = array<i64: 256, 768>}, {transform_indices = @transform_1, window_bounds = array<i64: 256, 768>}, {transform_indices = @transform_2, window_bounds = array<i64: 256, 768>}]} {
    %get3A = arith.constant 0 : index
    %get3A_0 = arith.constant 0 : index
    %get3A_1 = vector.load %arg1[%get3A, %get3A_0] : memref<256x768xf32, #tpu.memory_space<vmem>>, vector<256x768xf32>
    %get3A_2 = arith.constant 0 : index
    %get3A_3 = arith.constant 0 : index
    %get3A_4 = vector.load %arg2[%get3A_2, %get3A_3] : memref<256x768xf32, #tpu.memory_space<vmem>>, vector<256x768xf32>
    %add3A = arith.addf %get3A_1, %get3A_4 : vector<256x768xf32>
    %swap3A = arith.constant 0 : index
    %swap3A_5 = arith.constant 0 : index
    %swap3A_6 = vector.load %arg3[%swap3A, %swap3A_5] : memref<256x768xf32, #tpu.memory_space<vmem>>, vector<256x768xf32>
    tpu.vector_store %arg3[%swap3A, %swap3A_5], %add3A {strides = array<i32>} : memref<256x768xf32, #tpu.memory_space<vmem>>, vector<256x768xf32>,
    return
  }
  func.func @transform_0(%arg0: i32) -> (i32, i32) {
    %c0_i32 = arith.constant 0 : i32
    %c0_i32_0 = arith.constant 0 : i32
    return %arg0, %c0_i32 : i32, i32
  }
  func.func @transform_1(%arg0: i32) -> (i32, i32) {
    %c0_i32 = arith.constant 0 : i32
    %c0_i32_0 = arith.constant 0 : i32
    return %arg0, %c0_i32 : i32, i32
  }
  func.func @transform_2(%arg0: i32) -> (i32, i32) {
    %c0_i32 = arith.constant 0 : i32
    %c0_i32_0 = arith.constant 0 : i32
    return %arg0, %c0_i32 : i32, i32
  }
}

</mosaic_0001>

<sc_bundles>
// kernel: kernel.12.cloned.1.call-start
scs
__scs_entry_jumppad:
0x0: {  	(pc) =	sbr.rel $0x88, $3  }
0x1: {  	(tag) =	ssettag $0x0;
	lr =	simm.s32 $0x1  }
0x2: {  	[smem:$0x3F92] =	sst lr;
	_ =	strace $0xD0000000  }
0x3: {  	_ = 	snop  }
0x4: {  	_ = 	snop  }
0x5: {  	_ = 	snop  }
0x6: {  	_ = 	snop  }
0x7: {  	_ = 	snop  }
__scs_overlays_trampoline_lowered:
0x8: {  	[smem:$0x3FA1] =	sst s0  }
0x9: {  	[smem:$0x3FA2] =	sst s1  }
0xa: {  	[smem:$0x3FA3] =	sst s2  }
0xb: {  	[smem:$0x3FA4] =	sst s3  }
0xc: {  	[smem:$0x3FA5] =	sst s4  }
0xd: {  	[smem:$0x3FA6] =	sst s5  }
0xe: {  	[smem:$0x3FA7] =	sst s6  }
0xf: {  	[smem:$0x3FA8] =	sst s7  }
0x10: {  	[smem:$0x3FA9] =	sst s8  }
0x11: {  	[smem:$0x3FAA] =	sst s9;
	s0 =	simm.s32 @!p0 $0x0  }
0x12: {  	s1 =	sld [smem:$0x3F90];
	s0 =	simm.s32 @p0 $0x1  }
0x13: {  	[smem:$0x3FAB] =	sst s0;
	s0 =	simm.s32 @!p1 $0x0  }
0x14: {  	s2 =	sld [smem:$0x3F8F];
	s0 =	simm.s32 @p1 $0x1  }
0x15: {  	[smem:$0x3FAC] =	sst s0;
	s0 =	simm.s32 @!p2 $0x0  }
0x16: {  	s3 =	sld [smem:$0x3FDB];
	s0 =	simm.s32 @p2 $0x1  }
0x17: {  	s4 =	simm.s32 $0x1BF5;
	[smem:$0x3FAE] =	sst s0  }
0x18: {  	s0 =	sld [smem:$0x3F91];
	_ =	swait.ge [sflag:s4], $0x0  }
0x19: {  	s7 =	sld [smem:$0x3F92]  }
0x1a: {  	s8 =	sadd.s32 $0xFFFFE003, lr  }
0x1b: {  	s9 =	sadd.s32 $0xFFFFFEF7, lr;
	s5 =	simm.s32 $0xFFFFFFFF;
	p2 =	slt.u32 s8, $0xFFFFF086  }
0x1c: {  	p1 =	slt.u32 s9, $0xF7A;
	s5 =	simm.s32 @!p2 $0x0  }
0x1d: {  	s5 =	simm.s32 @p1 $0x1;
	p0 =	seq.s32 s7, s2  }
0x1e: {  	s7 =	smul.u32 @!p0 $0xF7A, s2;
	p2 =	seq.s32 @!p0 s5, $0x0  }
0x1f: {  	s9 =	smul.u32 $0xF7A, s1;
	s8 =	simm.s32 @!p0 $0x1BF5;
	p2 =	por !p2, p0  }
0x20: {  	[sflag:s8] =	ssyncset.s32 @!p0 $0xFFFFF086;
	s6 =	sadd.s32 @!p0 s3, s7;
	s7 =	simm.s32 @!p0 $0x108  }
0x21: {  	s3 =	sadd.s32 s3, s9;
	s6 =	sadd.s32 @!p0 $0x88, s6;
	s7 =	simm.s32 @p2 $0x1082  }
0x22: {  	[simem:s7], [sflag:s8] =	dma.local @!p0 [hbm:s6], $0xF7A  }
0x23: {  	s9 =	sor.u32 $0xD0000000, s2;
	s6 =	simm.s32 $0x108;
	_ =	swait.ge @!p0 [sflag:s8], $0x0  }
0x24: {  	s3 =	sadd.s32 $0x88, s3;
	s6 =	simm.s32 @!p1 $0x1082;
	[sflag:s4] =	ssyncset.s32 $0xFFFFF086  }
0x25: {  	[simem:s6], [sflag:s4] =	dma.local [hbm:s3], $0xF7A  }
0x26: {  	[smem:$0x3F92] =	sst s1;
	(tag) =	ssettag s2;
	_ =	strace s9  }
0x27: {  	s1 =	sld [smem:$0x3FA2]  }
0x28: {  	s2 =	sld [smem:$0x3FA3]  }
0x29: {  	s4 =	sld [smem:$0x3FA5]  }
0x2a: {  	p0 =	seq.s32 s5, $0x0;
	s5 =	sld [smem:$0x3FA6]  }
0x2b: {  	s6 =	sld [smem:$0x3FA7]  }
0x2c: {  	s7 =	sld [smem:$0x3FA8]  }
0x2d: {  	s3 =	simm.s32 $0x108;
	s8 =	sld [smem:$0x3FA9]  }
0x2e: {  	s3 =	simm.s32 @!p0 $0x1082;
	s9 =	sld [smem:$0x3FAA]  }
0x2f: {  	lr =	sadd.s32 s0, s3;
	s0 =	sld [smem:$0x3FA1]  }
0x30: {  	s3 =	sld [smem:$0x3FA4]  }
0x31: {  	[smem:$0x3FAD] =	sst s10  }
0x32: {  	s10 =	sld [smem:$0x3FAB];
	_ =	sdelay $0x3  }
0x33: {  	p0 =	seq.s32 s10, $0x1;
	s10 =	sld [smem:$0x3FAD];
	_ =	sdelay $0x3  }
0x34: {  	[smem:$0x3FAD] =	sst s10  }
0x35: {  	s10 =	sld [smem:$0x3FAC];
	_ =	sdelay $0x3  }
0x36: {  	p1 =	seq.s32 s10, $0x1;
	s10 =	sld [smem:$0x3FAD];
	_ =	sdelay $0x3  }
0x37: {  	[smem:$0x3FAD] =	sst s10  }
0x38: {  	s10 =	sld [smem:$0x3FAE]  }
0x39: {  	_ = 	snop;
	(pc) =	sbr.ind lr, $3  }
0x3a: {  	_ = 	snop  }
0x3b: {  	_ = 	snop  }
0x3c: {  	p2 =	seq.s32 s10, $0x1;
	s10 =	sld [smem:$0x3FAD]  }
0x3d: {  	_ =	shalt  }
0x3e: {  	_ =	shalt  }
0x3f: {  	_ =	shalt  }
0x40: {  	_ =	shalt  }
0x41: {  	_ =	shalt  }
0x42: {  	_ =	shalt  }
0x43: {  	_ =	shalt  }
0x44: {  	_ =	shalt  }
0x45: {  	_ =	shalt  }
0x46: {  	_ =	shalt  }
0x47: {  	_ =	shalt  }
0x48: {  	_ =	shalt  }
0x49: {  	_ =	shalt  }
0x4a: {  	_ =	shalt  }
0x4b: {  	_ =	shalt  }
0x4c: {  	_ =	shalt  }
0x4d: {  	_ =	shalt  }
0x4e: {  	_ =	shalt  }
0x4f: {  	_ =	shalt  }
0x50: {  	_ =	shalt  }
0x51: {  	_ =	shalt  }
0x52: {  	_ =	shalt  }
0x53: {  	_ =	shalt  }
0x54: {  	_ =	shalt  }
0x55: {  	_ =	shalt  }
0x56: {  	_ =	shalt  }
0x57: {  	_ =	shalt  }
0x58: {  	_ =	shalt  }
0x59: {  	_ =	shalt  }
0x5a: {  	_ =	shalt  }
0x5b: {  	_ =	shalt  }
0x5c: {  	_ =	shalt  }
0x5d: {  	_ =	shalt  }
0x5e: {  	_ =	shalt  }
0x5f: {  	_ =	shalt  }
0x60: {  	_ =	shalt  }
0x61: {  	_ =	shalt  }
0x62: {  	_ =	shalt  }
0x63: {  	_ =	shalt  }
0x64: {  	_ =	shalt  }
0x65: {  	_ =	shalt  }
0x66: {  	_ =	shalt  }
0x67: {  	_ =	shalt  }
0x68: {  	_ =	shalt  }
0x69: {  	_ =	shalt  }
0x6a: {  	_ =	shalt  }
0x6b: {  	_ =	shalt  }
0x6c: {  	_ =	shalt  }
0x6d: {  	_ =	shalt  }
0x6e: {  	_ =	shalt  }
0x6f: {  	_ =	shalt  }
0x70: {  	_ =	shalt  }
0x71: {  	_ =	shalt  }
0x72: {  	_ =	shalt  }
0x73: {  	_ =	shalt  }
0x74: {  	_ =	shalt  }
0x75: {  	_ =	shalt  }
0x76: {  	_ =	shalt  }
0x77: {  	_ =	shalt  }
0x78: {  	_ =	shalt  }
0x79: {  	_ =	shalt  }
0x7a: {  	_ =	shalt  }
0x7b: {  	_ =	shalt  }
0x7c: {  	_ =	shalt  }
0x7d: {  	_ =	shalt  }
0x7e: {  	_ =	shalt  }
0x7f: {  	_ =	shalt  }
0x80: {  	_ =	shalt  }
0x81: {  	_ =	shalt  }
0x82: {  	_ =	shalt  }
0x83: {  	_ =	shalt  }
0x84: {  	_ =	shalt  }
0x85: {  	_ =	shalt  }
0x86: {  	_ =	shalt  }
0x87: {  	_ =	shalt  }
.Lfunc_end0:
.L_simem_size_0:
called_computation.1_lowered:
.L_overlay_start_0:
0x88: {  	s2 =	sld [smem:$0x3FD9]  }
0x89: {  	s3 =	sld [smem:$0x3FFE];
	_ =	sdelay $0x1  }
0x8a: {  	s1 =	srdreg.scid  }
0x8b: {  	s0 =	sand.u32 $0x1, s1  }
0x8c: {  	s17 =	sshll.u32 s0, $0xA;
	s2 =	sadd.s32 s3, s2  }
0x8d: {  	s2 =	sadd.s32 s2, s17  }
0x8e: {  	[smem:$0x3FB9] =	sst s2  }
0x8f: {  	_ = 	snop  }
0x90: {  	s2 =	sld [smem:$0x3FD0];
	(tm) =	ssettm $0x1  }
0x91: {  	s18 =	sld [smem:$0x3FFB];
	_ =	sdelay $0x3  }
0x92: {  	_ =	strace s18  }
0x93: {  	s3 =	sld [smem:$0x3FFC];
	_ =	sdelay $0x3  }
0x94: {  	_ =	strace s3  }
0x95: {  	s3 =	sld [smem:$0x3FFD];
	_ =	sdelay $0x3  }
0x96: {  	_ =	strace s3  }
0x97: {  	_ =	strace $0x8FFFFFFF  }
0x98: {  	s19 =	sld [smem:$0x3FDB];
	_ =	sdelay $0x1  }
0x99: {  	s4 =	simm.s32 $_scs_section_size  }
0x9a: {  	s5 =	simm.s32 $_size__tile_overlayer_lowered;
	s6 =	simm.s32 $_tile_overlayer_lowered  }
0x9b: {  	s22 =	simm.s32 $0x1BFF;
	s21 =	sshll.u32 s6, $0x1;
	s3 =	sadd.s32 s4, s19  }
0x9c: {  	s7 =	simm.s32 $0x0;
	s20 =	sshll.u32 s5, $0x1;
	s5 =	sadd.s32 s21, s3  }
0x9d: {  	[timem:s7], [sflag:s22] =	dma.local [hbm:s5], s20  }
0x9e: {  	_ =	swait.ge [sflag:s22], s20  }
0x9f: {  	s4 =	ssub.s32 $0x0, s20;
	[sflag:s22] =	ssyncset.done $0x0  }
0xa0: {  	[sflag:s22] =	ssyncadd.s32 s4;
	_ =	sdelay $0x1  }
0xa1: {  	s23 =	simm.s32 $0x1B8B  }
0xa2: {  	_ =	swait.ge [sflag:s23], $0x1  }
0xa3: {  	[sflag:s23] =	ssyncset.done $0x0  }
0xa4: {  	s25 =	simm.s32 $0x1B8E;
	s24 =	sld [smem:$0x3FFE];
	[sflag:s23] =	ssyncadd.s32 $0xFFFFFFFF  }
0xa5: {  	s26 =	simm.s32 $execute0_lowered;
	[smem:$0x3FD2] =	sst s25  }
0xa6: {  	s5 =	sshll.u32 s26, $0x1;
	_ =	strace $0x80000049;
	[dreg:$0x1] =	wrdreg $0xFFFFFFFF  }
0xa7: {  	s28 =	simm.s32 $_size_execute0_lowered;
	s3 =	sadd.s32 s3, s5;
	[dreg:$0x0] =	wrdreg $0x0  }
0xa8: {  	s5 =	sshll.u32 s28, $0x1;
	[dreg:$0x2] =	wrdreg s3  }
0xa9: {  	[dreg:$0x3] =	wrdreg s5  }
0xaa: {  	[dreg:$0x4] =	wrdreg $0xC0  }
0xab: {  	_ =	task [dreg:s7], $0x5FFFF  }
0xac: {  	[dreg:$0x1] =	wrdreg $0xFFFFFFFF  }
0xad: {  	[dreg:$0x0] =	wrdreg $0x60  }
0xae: {  	[dreg:$0x2] =	wrdreg s24  }
0xaf: {  	[dreg:$0x3] =	wrdreg s2  }
0xb0: {  	[dreg:$0x4] =	wrdreg $0x9  }
0xb1: {  	_ =	task.clear_ibuf [dreg:s7], $0x5FFFF;
	_ =	strace $0x90000049  }
0xb2: {  	s29 =	simm.s32 $0x9;
	_ =	strace $0x8000004B  }
0xb3: {  	_ =	swait.ge [sflag:s29], $0x1  }
0xb4: {  	[sflag:s29] =	ssyncadd.s32 $0xFFFFFFFF  }
0xb5: {  	_ =	strace $0x9000004B  }
0xb6: {  	_ =	sfence  }
0xb7: {  	s30 =	sld [smem:$0x0];
	_ =	sdelay $0x2  }
0xb8: {  	s31 =	sshll.u32 s1, $0xD;
	s1 =	sshrl.u32 s1, $0x2  }
0xb9: {  	s3 =	sand.u32 $0x4000, s31;
	s1 =	sadd.s32 s1, s30  }
0xba: {  	s0 =	sor.u32 s3, s0;
	s1 =	sshll.u32 s1, $0x11  }
0xbb: {  	s0 =	sor.u32 s1, s0  }
0xbc: {  	s0 =	sadd.s32 $0x8F2B, s0  }
0xbd: {  	[sflag:s0] =	ssyncadd.remote.s32 $0x1  }
0xbe: {  	_ =	sfence.sel $0xFFFF  }
0xbf: {  	[dreg:$0x0] =	wrdreg $0xFFFFFFFF;
	(pc) =	sbr.abs _section_cstart, $3  }
0xc0: {  	[dreg:$0x1] =	wrdreg $0xFFFFFFFF  }
0xc1: {  	_ =	task.clear_ibuf [dreg:s7], $0x2FFFF;
	_ =	strace $0x9FFFFFFF  }
0xc2: {  	(tm) =	ssettm $0x7FFFFFFF  }
0xc3: {  	_ =	shalt  }
tec
execute0_lowered:
.L_overlay_start_1:
0x0: {  	(tag) =	ssettag $0x1  }
0x1: {  	s0 =	rddreg [dreg:$0x0]  }
0x2: {  	s1 =	rddreg [dreg:$0x1];
	s2 =	simm.s32 $0x0;
	s3 =	srdreg.scid  }
0x3: {  	s4 =	stileid.u32;
	s14 =	simm.s32 $0x1;
	s15 =	simm.s32 $0x100  }
0x4: {  	s28 =	simm.s32 $0x2;
	s29 =	simm.s32 $0x6100;
	s13 =	simm.s32 $0x8900  }
0x5: {  	s16 =	simm.s32 $0x9100;
	s17 =	simm.s32 $0x9900;
	s18 =	simm.s32 $0xA100  }
0x6: {  	s19 =	simm.s32 $0xA900;
	s20 =	simm.s32 $0xB100;
	s21 =	simm.s32 $0xB900  }
0x7: {  	s22 =	simm.s32 $0x3;
	s23 =	simm.s32 $0x4;
	s24 =	simm.s32 $0x0  }
0x8: {  	[smem:$0x7FF] =	sst s2;
	s3 =	sand.u32 $0x1, s3;
	s4 =	sshll.u32 s4, $0x7  }
0x9: {  	s6 =	sadd.s32 $0x3B200, s0;
	_ =	strace $0x8000004A;
	s5 =	sshll.u32 s3, $0x6  }
0xa: {  	s7 =	ssub.s32 $0x2, s3;
	s3 =	sadd.s32 $0x3B400, s0;
	s4 =	sor.u32 s5, s4  }
0xb: {  	s8 =	sshrl.u32 s7, $0x1;
	s9 =	sshll.u32 s4, $0x1;
	s4 =	sshrl.u32 s4, $0x3  }
0xc: {  	s12 =	ssub.s32 s7, s8;
	s8 =	sadd.s32 $0x3B600, s0;
	s26 =	smul.u32 $0x300, s4  }
0xd: {  	s10 =	sand.u32 $0xF00, s9;
	s9 =	sor.u32 s5, s9;
	s11 =	smul.u32 $0x1800, s4  }
0xe: {  	s12 =	smax.u32 s12, $0x1;
	s5 =	sor.u32 s5, s10;
	s9 =	sshrl.u32 s9, $0x3  }
0xf: {  	s5 =	sshrl.u32 s5, $0x3;
	s9 =	sor.u32 $0x10, s9;
	s7 =	sadd.s32 s1, s26  }
0x10: {  	v2 =	vlaneseq.u32;
	s30 =	sshrl.u32 s11, $0x3;
	s4 =	sadd.s32 s6, s5;
	s5 =	sadd.s32 s6, s9  }
0x11: {  	vm0 =	vmmov $0xffff;
	v1 =	vshrl.u32 v2, $0x3;
	s6 =	sadd.s32 $0x3B500, s0;
	s9 =	sadd.s32 $0x600, s7;
	s31 =	sadd.s32 s1, s30  }
0x12: {  	v0 =	vand.u32 $0x7, v2;
	v2 =	vor.u32 $0x8, v2;
	v1 =	vmul.u32 $0x8, v1;
	s1 =	simm.s32 $0x8100;
	s10 =	sadd.s32 $0xC00, s31;
	s11 =	sadd.s32 $0x1200, s31  }
.LBB2_1:
0x13: {  	[tilespmem:s2], [sflag:$0x1] =	stream.linear.gather [hbm4b:s4+s2], $0x40, $0x38;
	[tilespmem:$0xC100] =	vst v63  }
0x14: {  	s0 =	simm.s32 $0x80  }
0x15: {  	[tilespmem:s0], [sflag:$0x1] =	stream.linear.gather [hbm4b:s5+s2], $0x40, $0x38;
	[tilespmem:$0xC100] =	vst v63  }
0x16: {  	_ =	swait.ge [sflag:s14], $0x40  }
0x17: {  	[sflag:s14] =	ssyncset.done $0x0  }
0x18: {  	[sflag:s14] =	ssyncadd.s32 $0xFFFFFFC0  }
0x19: {  	_ =	swait.ge [sflag:s14], $0x40  }
0x1a: {  	[sflag:s14] =	ssyncset.done $0x0  }
0x1b: {  	[sflag:s14] =	ssyncadd.s32 $0xFFFFFFC0  }
0x1c: {  	v3 =	vld [tilespmem:$0x0];
	_ =	sdelay $0x4  }
0x1d: {  	v4 =	vshrl.u32 v3, $0x3  }
0x1e: {  	v4 =	vmul.u32 $0x30, v4  }
0x1f: {  	v3 =	vand.u32 $0x7, v3  }
0x20: {  	v3 =	vor.u32 v3, v4  }
0x21: {  	v4 =	vperm.xlane v3, v0;
	_ =	sdelay $0x1  }
0x22: {  	v4 =	vadd.s32 v1, v4;
	_ =	sdelay $0x3  }
0x23: {  	v3 =	vperm.xlane v3, v2  }
0x24: {  	[tilespmem:s15], [sflag:$0x2] =	stream.indirect_vreg.gather [hbm4b:s3+s2], $0x80, v4, vm0, $0xb8;
	[tilespmem:$0xC100] =	vst v63  }
0x25: {  	s26 =	simm.s32 $0x900;
	v3 =	vadd.s32 v1, v3  }
0x26: {  	[tilespmem:s26], [sflag:$0x2] =	stream.indirect_vreg.gather [hbm4b:s6+s2], $0x80, v4, vm0, $0xb8;
	[tilespmem:$0xC100] =	vst v63  }
0x27: {  	s31 =	simm.s32 $0x1100  }
0x28: {  	[tilespmem:s31], [sflag:$0x2] =	stream.indirect_vreg.gather [hbm4b:s8+s2], $0x80, v4, vm0, $0xb8;
	[tilespmem:$0xC100] =	vst v63  }
0x29: {  	s25 =	simm.s32 $0x1900  }
0x2a: {  	[tilespmem:s25], [sflag:$0x2] =	stream.indirect_vreg.gather [hbm4b:s3+s2], $0x80, v3, vm0, $0xb8;
	[tilespmem:$0xC100] =	vst v63  }
0x2b: {  	s26 =	simm.s32 $0x2100  }
0x2c: {  	[tilespmem:s26], [sflag:$0x2] =	stream.indirect_vreg.gather [hbm4b:s6+s2], $0x80, v3, vm0, $0xb8;
	[tilespmem:$0xC100] =	vst v63  }
0x2d: {  	s31 =	simm.s32 $0x2900  }
0x2e: {  	[tilespmem:s31], [sflag:$0x2] =	stream.indirect_vreg.gather [hbm4b:s8+s2], $0x80, v3, vm0, $0xb8;
	[tilespmem:$0xC100] =	vst v63  }
0x2f: {  	v3 =	vld [tilespmem:$0x80];
	_ =	sdelay $0x4  }
0x30: {  	v4 =	vshrl.u32 v3, $0x3  }
0x31: {  	v4 =	vmul.u32 $0x30, v4  }
0x32: {  	v3 =	vand.u32 $0x7, v3  }
0x33: {  	v3 =	vor.u32 v3, v4  }
0x34: {  	v4 =	vperm.xlane v3, v0;
	_ =	sdelay $0x1  }
0x35: {  	v4 =	vadd.s32 v1, v4;
	_ =	sdelay $0x3  }
0x36: {  	s25 =	simm.s32 $0x3100;
	v3 =	vperm.xlane v3, v2  }
0x37: {  	[tilespmem:s25], [sflag:$0x2] =	stream.indirect_vreg.gather [hbm4b:s3+s2], $0x80, v4, vm0, $0xb8;
	[tilespmem:$0xC100] =	vst v63  }
0x38: {  	s26 =	simm.s32 $0x3900;
	v3 =	vadd.s32 v1, v3  }
0x39: {  	[tilespmem:s26], [sflag:$0x2] =	stream.indirect_vreg.gather [hbm4b:s6+s2], $0x80, v4, vm0, $0xb8;
	[tilespmem:$0xC100] =	vst v63  }
0x3a: {  	s31 =	simm.s32 $0x4100  }
0x3b: {  	[tilespmem:s31], [sflag:$0x2] =	stream.indirect_vreg.gather [hbm4b:s8+s2], $0x80, v4, vm0, $0xb8;
	[tilespmem:$0xC100] =	vst v63  }
0x3c: {  	s25 =	simm.s32 $0x4900  }
0x3d: {  	[tilespmem:s25], [sflag:$0x2] =	stream.indirect_vreg.gather [hbm4b:s3+s2], $0x80, v3, vm0, $0xb8;
	[tilespmem:$0xC100] =	vst v63  }
0x3e: {  	s26 =	simm.s32 $0x5100  }
0x3f: {  	[tilespmem:s26], [sflag:$0x2] =	stream.indirect_vreg.gather [hbm4b:s6+s2], $0x80, v3, vm0, $0xb8;
	[tilespmem:$0xC100] =	vst v63  }
0x40: {  	s31 =	simm.s32 $0x5900  }
0x41: {  	[tilespmem:s31], [sflag:$0x2] =	stream.indirect_vreg.gather [hbm4b:s8+s2], $0x80, v3, vm0, $0xb8;
	[tilespmem:$0xC100] =	vst v63  }
0x42: {  	_ =	swait.ge [sflag:s28], $0x3000  }
0x43: {  	[sflag:s28] =	ssyncset.done $0x0  }
0x44: {  	[sflag:s28] =	ssyncadd.s32 $0xFFFFD000  }
0x45: {  	_ =	swait.ge [sflag:s28], $0x3000  }
0x46: {  	[sflag:s28] =	ssyncset.done $0x0  }
0x47: {  	[sflag:s28] =	ssyncadd.s32 $0xFFFFD000  }
0x48: {  	v3 =	vld [tilespmem:$0x10];
	_ =	sdelay $0x4  }
0x49: {  	v4 =	vshrl.u32 v3, $0x3  }
0x4a: {  	v4 =	vmul.u32 $0x30, v4  }
0x4b: {  	v3 =	vand.u32 $0x7, v3  }
0x4c: {  	v3 =	vor.u32 v3, v4  }
0x4d: {  	v4 =	vperm.xlane v3, v0;
	_ =	sdelay $0x1  }
0x4e: {  	v4 =	vadd.s32 v1, v4;
	_ =	sdelay $0x3  }
0x4f: {  	v3 =	vperm.xlane v3, v2  }
0x50: {  	[tilespmem:s29], [sflag:$0x3] =	stream.indirect_vreg.gather [hbm4b:s3+s2], $0x80, v4, vm0, $0xb8;
	[tilespmem:$0xC100] =	vst v63  }
0x51: {  	s25 =	simm.s32 $0x6900;
	v3 =	vadd.s32 v1, v3  }
0x52: {  	[tilespmem:s25], [sflag:$0x3] =	stream.indirect_vreg.gather [hbm4b:s6+s2], $0x80, v4, vm0, $0xb8;
	[tilespmem:$0xC100] =	vst v63  }
0x53: {  	s26 =	simm.s32 $0x7100  }
0x54: {  	[tilespmem:s26], [sflag:$0x3] =	stream.indirect_vreg.gather [hbm4b:s8+s2], $0x80, v4, vm0, $0xb8;
	[tilespmem:$0xC100] =	vst v63  }
0x55: {  	s31 =	simm.s32 $0x7900  }
0x56: {  	[tilespmem:s31], [sflag:$0x3] =	stream.indirect_vreg.gather [hbm4b:s3+s2], $0x80, v3, vm0, $0xb8;
	[tilespmem:$0xC100] =	vst v63  }
0x57: {  	_ = 	snop  }
0x58: {  	[tilespmem:s1], [sflag:$0x3] =	stream.indirect_vreg.gather [hbm4b:s6+s2], $0x80, v3, vm0, $0xb8;
	[tilespmem:$0xC100] =	vst v63  }
0x59: {  	_ = 	snop  }
0x5a: {  	[tilespmem:s13], [sflag:$0x3] =	stream.indirect_vreg.gather [hbm4b:s8+s2], $0x80, v3, vm0, $0xb8;
	[tilespmem:$0xC100] =	vst v63  }
0x5b: {  	v3 =	vld [tilespmem:$0x90];
	_ =	sdelay $0x4  }
0x5c: {  	v4 =	vshrl.u32 v3, $0x3  }
0x5d: {  	v4 =	vmul.u32 $0x30, v4  }
0x5e: {  	v3 =	vand.u32 $0x7, v3  }
0x5f: {  	v3 =	vor.u32 v3, v4  }
0x60: {  	v4 =	vperm.xlane v3, v0;
	_ =	sdelay $0x1  }
0x61: {  	v4 =	vadd.s32 v1, v4;
	_ =	sdelay $0x3  }
0x62: {  	v3 =	vperm.xlane v3, v2  }
0x63: {  	[tilespmem:s16], [sflag:$0x3] =	stream.indirect_vreg.gather [hbm4b:s3+s2], $0x80, v4, vm0, $0xb8;
	[tilespmem:$0xC100] =	vst v63  }
0x64: {  	v3 =	vadd.s32 v1, v3  }
0x65: {  	[tilespmem:s17], [sflag:$0x3] =	stream.indirect_vreg.gather [hbm4b:s6+s2], $0x80, v4, vm0, $0xb8;
	[tilespmem:$0xC100] =	vst v63  }
0x66: {  	_ = 	snop  }
0x67: {  	[tilespmem:s18], [sflag:$0x3] =	stream.indirect_vreg.gather [hbm4b:s8+s2], $0x80, v4, vm0, $0xb8;
	[tilespmem:$0xC100] =	vst v63  }
0x68: {  	s25 =	simm.s32 $0x0  }
0x69: {  	[tilespmem:s19], [sflag:$0x3] =	stream.indirect_vreg.gather [hbm4b:s3+s2], $0x80, v3, vm0, $0xb8;
	[tilespmem:$0xC100] =	vst v63  }
0x6a: {  	s25 =	smul.u32 $0x1800, s25;
	s26 =	sand.u32 $0x380, s2  }
0x6b: {  	[tilespmem:s20], [sflag:$0x3] =	stream.indirect_vreg.gather [hbm4b:s6+s2], $0x80, v3, vm0, $0xb8;
	[tilespmem:$0xC100] =	vst v63  }
0x6c: {  	s25 =	sor.u32 s26, s25  }
0x6d: {  	[tilespmem:s21], [sflag:$0x3] =	stream.indirect_vreg.gather [hbm4b:s8+s2], $0x80, v3, vm0, $0xb8;
	[tilespmem:$0xC100] =	vst v63  }
0x6e: {  	v12 =	vld [tilespmem:s25+$0x3100]  }
0x6f: {  	v13 =	vld [tilespmem:s25+$0x3110]  }
0x70: {  	v14 =	vld [tilespmem:s25+$0x3120]  }
0x71: {  	v15 =	vld [tilespmem:s25+$0x3130]  }
0x72: {  	v16 =	vld [tilespmem:s25+$0x3140]  }
0x73: {  	v17 =	vld [tilespmem:s25+$0x3150]  }
0x74: {  	v18 =	vld [tilespmem:s25+$0x3160]  }
0x75: {  	v19 =	vld [tilespmem:s25+$0x3170]  }
0x76: {  	v20 =	vld [tilespmem:s25+$0x3500]  }
0x77: {  	v21 =	vld [tilespmem:s25+$0x3510]  }
0x78: {  	v22 =	vld [tilespmem:s25+$0x3520]  }
0x79: {  	v23 =	vld [tilespmem:s25+$0x3530]  }
0x7a: {  	v24 =	vld [tilespmem:s25+$0x3540]  }
0x7b: {  	v25 =	vld [tilespmem:s25+$0x3550]  }
0x7c: {  	v26 =	vld [tilespmem:s25+$0x3560]  }
0x7d: {  	v27 =	vld [tilespmem:s25+$0x3570]  }
0x7e: {  	v28 =	vld [tilespmem:s25+$0x3900]  }
0x7f: {  	v29 =	vld [tilespmem:s25+$0x3910]  }
0x80: {  	v30 =	vld [tilespmem:s25+$0x3920]  }
0x81: {  	v31 =	vld [tilespmem:s25+$0x3930]  }
0x82: {  	v32 =	vld [tilespmem:s25+$0x3940]  }
0x83: {  	v33 =	vld [tilespmem:s25+$0x3950]  }
0x84: {  	v34 =	vld [tilespmem:s25+$0x3960]  }
0x85: {  	v35 =	vld [tilespmem:s25+$0x3970]  }
0x86: {  	v36 =	vld [tilespmem:s25+$0x3D00]  }
0x87: {  	v37 =	vld [tilespmem:s25+$0x3D10]  }
0x88: {  	v38 =	vld [tilespmem:s25+$0x3D20]  }
0x89: {  	v39 =	vld [tilespmem:s25+$0x3D30]  }
0x8a: {  	v40 =	vld [tilespmem:s25+$0x3D40]  }
0x8b: {  	v41 =	vld [tilespmem:s25+$0x3D50]  }
0x8c: {  	v42 =	vld [tilespmem:s25+$0x3D60]  }
0x8d: {  	v43 =	vld [tilespmem:s25+$0x3D70]  }
0x8e: {  	v44 =	vld [tilespmem:s25+$0x4100]  }
0x8f: {  	v45 =	vld [tilespmem:s25+$0x4110]  }
0x90: {  	v46 =	vld [tilespmem:s25+$0x4120]  }
0x91: {  	v47 =	vld [tilespmem:s25+$0x4130]  }
0x92: {  	v48 =	vld [tilespmem:s25+$0x4140]  }
0x93: {  	v49 =	vld [tilespmem:s25+$0x4150]  }
0x94: {  	v50 =	vld [tilespmem:s25+$0x4160]  }
0x95: {  	v11 =	vld [tilespmem:s25+$0x4170]  }
0x96: {  	v10 =	vld [tilespmem:s25+$0x4500]  }
0x97: {  	v9 =	vld [tilespmem:s25+$0x4510]  }
0x98: {  	v8 =	vld [tilespmem:s25+$0x4520]  }
0x99: {  	v7 =	vld [tilespmem:s25+$0x4530]  }
0x9a: {  	v6 =	vld [tilespmem:s25+$0x4540]  }
0x9b: {  	v51 =	vld [tilespmem:s25+$0x100]  }
0x9c: {  	v52 =	vld [tilespmem:s25+$0x110]  }
0x9d: {  	v53 =	vld [tilespmem:s25+$0x120]  }
0x9e: {  	v54 =	vld [tilespmem:s25+$0x130]  }
0x9f: {  	v55 =	vld [tilespmem:s25+$0x140]  }
0xa0: {  	v62 =	vld [tilespmem:s25+$0x150];
	v12 =	vadd.f32 v12, v51  }
0xa1: {  	v63 =	vld [tilespmem:s25+$0x160];
	v13 =	vadd.f32 v13, v52  }
0xa2: {  	[tilespmem:s25+$0x100] =	vst v12;
	v12 =	vadd.f32 v14, v53;
	v14 =	vld [tilespmem:s25+$0x170]  }
0xa3: {  	[tilespmem:s25+$0x110] =	vst v13;
	v13 =	vadd.f32 v15, v54;
	v15 =	vld [tilespmem:s25+$0x500]  }
0xa4: {  	[tilespmem:s25+$0x120] =	vst v12;
	v12 =	vadd.f32 v16, v55;
	v16 =	vld [tilespmem:s25+$0x510]  }
0xa5: {  	[tilespmem:s25+$0x130] =	vst v13;
	v13 =	vadd.f32 v17, v62;
	v17 =	vld [tilespmem:s25+$0x520]  }
0xa6: {  	v5 =	vld [tilespmem:s25+$0x4550]  }
0xa7: {  	[tilespmem:s25+$0x140] =	vst v12;
	v12 =	vadd.f32 v18, v63;
	v18 =	vld [tilespmem:s25+$0x570]  }
0xa8: {  	[tilespmem:s25+$0x150] =	vst v13;
	v13 =	vadd.f32 v19, v14;
	v14 =	vld [tilespmem:s25+$0x530]  }
0xa9: {  	[tilespmem:s25+$0x160] =	vst v12;
	v12 =	vadd.f32 v20, v15;
	v15 =	vld [tilespmem:s25+$0x540]  }
0xaa: {  	[tilespmem:s25+$0x170] =	vst v13;
	v13 =	vadd.f32 v21, v16;
	v16 =	vadd.f32 v22, v17;
	v17 =	vld [tilespmem:s25+$0x560]  }
0xab: {  	[tilespmem:s25+$0x500] =	vst v12;
	v12 =	vld [tilespmem:s25+$0x550]  }
0xac: {  	[tilespmem:s25+$0x510] =	vst v13;
	v13 =	vld [tilespmem:s25+$0x900];
	v18 =	vadd.f32 v27, v18  }
0xad: {  	[tilespmem:s25+$0x520] =	vst v16;
	v16 =	vld [tilespmem:s25+$0x910];
	v14 =	vadd.f32 v23, v14  }
0xae: {  	v4 =	vld [tilespmem:s25+$0x4560];
	v15 =	vadd.f32 v24, v15;
	[tilespmem:s25+$0x570] =	vst v18  }
0xaf: {  	[tilespmem:s25+$0x530] =	vst v14;
	v14 =	vld [tilespmem:s25+$0x920];
	v17 =	vadd.f32 v26, v17  }
0xb0: {  	v12 =	vadd.f32 v25, v12;
	[tilespmem:s25+$0x540] =	vst v15;
	v15 =	vld [tilespmem:s25+$0x930]  }
0xb1: {  	v18 =	vld [tilespmem:s25+$0x970];
	[tilespmem:s25+$0x560] =	vst v17;
	v13 =	vadd.f32 v28, v13  }
0xb2: {  	v16 =	vadd.f32 v29, v16;
	[tilespmem:s25+$0x550] =	vst v12;
	v12 =	vld [tilespmem:s25+$0x940]  }
0xb3: {  	v17 =	vld [tilespmem:s25+$0x950];
	[tilespmem:s25+$0x900] =	vst v13  }
0xb4: {  	[tilespmem:s25+$0x910] =	vst v16;
	v16 =	vld [tilespmem:s25+$0x960];
	v13 =	vadd.f32 v30, v14  }
0xb5: {  	v14 =	vld [tilespmem:s25+$0xD00];
	v15 =	vadd.f32 v31, v15  }
0xb6: {  	[tilespmem:s25+$0x920] =	vst v13;
	v13 =	vld [tilespmem:s25+$0xD10]  }
0xb7: {  	v12 =	vadd.f32 v32, v12;
	[tilespmem:s25+$0x930] =	vst v15;
	v15 =	vld [tilespmem:s25+$0xD20]  }
0xb8: {  	v3 =	vld [tilespmem:s25+$0x4570];
	v17 =	vadd.f32 v33, v17  }
0xb9: {  	v16 =	vadd.f32 v34, v16;
	[tilespmem:s25+$0x940] =	vst v12;
	v12 =	vld [tilespmem:s25+$0xD30]  }
0xba: {  	[tilespmem:s25+$0x950] =	vst v17;
	v17 =	vld [tilespmem:s25+$0xD40];
	v14 =	vadd.f32 v36, v14  }
0xbb: {  	v18 =	vadd.f32 v35, v18;
	[tilespmem:s25+$0x960] =	vst v16;
	v16 =	vld [tilespmem:s25+$0xD50]  }
0xbc: {  	v13 =	vadd.f32 v37, v13;
	[tilespmem:s25+$0xD00] =	vst v14;
	v14 =	vadd.f32 v38, v15;
	v15 =	vld [tilespmem:s25+$0xD60]  }
0xbd: {  	[tilespmem:s25+$0x970] =	vst v18;
	v18 =	vld [tilespmem:s25+$0xD70]  }
0xbe: {  	[tilespmem:s25+$0xD10] =	vst v13;
	v13 =	vld [tilespmem:s25+$0x1100];
	v12 =	vadd.f32 v39, v12  }
0xbf: {  	v17 =	vadd.f32 v40, v17;
	[tilespmem:s25+$0xD20] =	vst v14;
	v14 =	vld [tilespmem:s25+$0x1110]  }
0xc0: {  	v16 =	vadd.f32 v41, v16;
	[tilespmem:s25+$0xD30] =	vst v12;
	v12 =	vld [tilespmem:s25+$0x1120]  }
0xc1: {  	[tilespmem:s25+$0xD40] =	vst v17;
	v17 =	vld [tilespmem:s25+$0x1130];
	v15 =	vadd.f32 v42, v15  }
0xc2: {  	v19 =	vld [tilespmem:s25+$0x1140];
	[tilespmem:s25+$0xD50] =	vst v16;
	v16 =	vadd.f32 v43, v18  }
0xc3: {  	v18 =	vld [tilespmem:s25+$0x1150];
	v13 =	vadd.f32 v44, v13;
	[tilespmem:s25+$0xD60] =	vst v15  }
0xc4: {  	v20 =	vld [tilespmem:s25+$0x1160];
	[tilespmem:s25+$0xD70] =	vst v16;
	v14 =	vadd.f32 v45, v14  }
0xc5: {  	v16 =	vld [tilespmem:s25+$0x1170];
	[tilespmem:s25+$0x1100] =	vst v13;
	v12 =	vadd.f32 v46, v12  }
0xc6: {  	v15 =	vld [tilespmem:s25+$0x1500];
	v13 =	vadd.f32 v47, v17;
	[tilespmem:s25+$0x1110] =	vst v14  }
0xc7: {  	v14 =	vld [tilespmem:s25+$0x1510];
	[tilespmem:s25+$0x1120] =	vst v12;
	v12 =	vadd.f32 v48, v19  }
0xc8: {  	[tilespmem:s25+$0x1130] =	vst v13;
	v13 =	vld [tilespmem:s25+$0x1520];
	v18 =	vadd.f32 v49, v18  }
0xc9: {  	s30 =	simm.s32 $0x0;
	s26 =	simm.s32 $0x1;
	v17 =	vadd.f32 v50, v20;
	[tilespmem:s25+$0x1140] =	vst v12;
	v12 =	vld [tilespmem:s25+$0x1530]  }
.LBB2_2:
0xca: {  	s31 =	sshrl.u32 s26, $0x3;
	p0 =	sne.s32 s26, $0xF;
	[tilespmem:s25+$0x1150] =	vst v18;
	v11 =	vadd.f32 v11, v16;
	v16 =	vld [tilespmem:s25+$0x1540]  }
0xcb: {  	s30 =	sadd.s32 $0x80, s30;
	s31 =	smul.u32 $0x1800, s31;
	[tilespmem:s25+$0x1160] =	vst v17;
	v10 =	vadd.f32 v10, v15;
	v15 =	vld [tilespmem:s25+$0x1550]  }
0xcc: {  	s0 =	sand.u32 $0x380, s30;
	[tilespmem:s25+$0x1170] =	vst v11;
	v9 =	vadd.f32 v9, v14;
	v11 =	vld [tilespmem:s25+$0x1560]  }
0xcd: {  	s0 =	sor.u32 s0, s31;
	[tilespmem:s25+$0x1500] =	vst v10;
	v8 =	vadd.f32 v8, v13;
	v10 =	vld [tilespmem:s25+$0x1570]  }
0xce: {  	v39 =	vld [tilespmem:s0+$0x3100];
	[tilespmem:s25+$0x1510] =	vst v9;
	v7 =	vadd.f32 v7, v12  }
0xcf: {  	v40 =	vld [tilespmem:s0+$0x3110];
	[tilespmem:s25+$0x1520] =	vst v8;
	v6 =	vadd.f32 v6, v16  }
0xd0: {  	v41 =	vld [tilespmem:s0+$0x3120];
	[tilespmem:s25+$0x1530] =	vst v7;
	v5 =	vadd.f32 v5, v15  }
0xd1: {  	v42 =	vld [tilespmem:s0+$0x3130];
	[tilespmem:s25+$0x1540] =	vst v6;
	v4 =	vadd.f32 v4, v11  }
0xd2: {  	v43 =	vld [tilespmem:s0+$0x3140];
	[tilespmem:s25+$0x1550] =	vst v5;
	v3 =	vadd.f32 v3, v10  }
0xd3: {  	v44 =	vld [tilespmem:s0+$0x3150];
	[tilespmem:s25+$0x1560] =	vst v4  }
0xd4: {  	v45 =	vld [tilespmem:s0+$0x3160];
	[tilespmem:s25+$0x1570] =	vst v3;
	s25 =	smov.u32 s0  }
0xd5: {  	v46 =	vld [tilespmem:s25+$0x3170]  }
0xd6: {  	v47 =	vld [tilespmem:s25+$0x3500]  }
0xd7: {  	v48 =	vld [tilespmem:s25+$0x3510]  }
0xd8: {  	v49 =	vld [tilespmem:s25+$0x3520]  }
0xd9: {  	v50 =	vld [tilespmem:s25+$0x3530]  }
0xda: {  	v38 =	vld [tilespmem:s25+$0x3540]  }
0xdb: {  	v37 =	vld [tilespmem:s25+$0x3550]  }
0xdc: {  	v36 =	vld [tilespmem:s25+$0x3560]  }
0xdd: {  	v35 =	vld [tilespmem:s25+$0x3570]  }
0xde: {  	v34 =	vld [tilespmem:s25+$0x3900]  }
0xdf: {  	v33 =	vld [tilespmem:s25+$0x3910]  }
0xe0: {  	v32 =	vld [tilespmem:s25+$0x3920]  }
0xe1: {  	v31 =	vld [tilespmem:s25+$0x3930]  }
0xe2: {  	v30 =	vld [tilespmem:s25+$0x3940]  }
0xe3: {  	v29 =	vld [tilespmem:s25+$0x3950]  }
0xe4: {  	v28 =	vld [tilespmem:s25+$0x3960]  }
0xe5: {  	v27 =	vld [tilespmem:s25+$0x3970]  }
0xe6: {  	v26 =	vld [tilespmem:s25+$0x3D00]  }
0xe7: {  	v25 =	vld [tilespmem:s25+$0x3D10]  }
0xe8: {  	v24 =	vld [tilespmem:s25+$0x3D20]  }
0xe9: {  	v23 =	vld [tilespmem:s25+$0x3D30]  }
0xea: {  	v22 =	vld [tilespmem:s25+$0x3D40]  }
0xeb: {  	v21 =	vld [tilespmem:s25+$0x3D50]  }
0xec: {  	v20 =	vld [tilespmem:s25+$0x3D60]  }
0xed: {  	v19 =	vld [tilespmem:s25+$0x3D70]  }
0xee: {  	v18 =	vld [tilespmem:s25+$0x4100]  }
0xef: {  	v17 =	vld [tilespmem:s25+$0x4110]  }
0xf0: {  	v16 =	vld [tilespmem:s25+$0x4120]  }
0xf1: {  	v15 =	vld [tilespmem:s25+$0x4130]  }
0xf2: {  	v14 =	vld [tilespmem:s25+$0x4140]  }
0xf3: {  	v13 =	vld [tilespmem:s25+$0x4150]  }
0xf4: {  	v12 =	vld [tilespmem:s25+$0x4160]  }
0xf5: {  	v11 =	vld [tilespmem:s25+$0x4170]  }
0xf6: {  	v10 =	vld [tilespmem:s25+$0x4500]  }
0xf7: {  	v9 =	vld [tilespmem:s25+$0x4510]  }
0xf8: {  	v8 =	vld [tilespmem:s25+$0x4520]  }
0xf9: {  	v7 =	vld [tilespmem:s25+$0x4530]  }
0xfa: {  	v6 =	vld [tilespmem:s25+$0x4540]  }
0xfb: {  	v5 =	vld [tilespmem:s25+$0x4550]  }
0xfc: {  	v4 =	vld [tilespmem:s25+$0x4560]  }
0xfd: {  	v3 =	vld [tilespmem:s25+$0x4570]  }
0xfe: {  	v51 =	vld [tilespmem:s25+$0x100]  }
0xff: {  	v52 =	vld [tilespmem:s25+$0x110]  }
0x100: {  	v53 =	vld [tilespmem:s25+$0x120]  }
0x101: {  	v54 =	vld [tilespmem:s25+$0x130]  }
0x102: {  	v55 =	vld [tilespmem:s25+$0x140]  }
0x103: {  	v39 =	vadd.f32 v39, v51;
	v51 =	vld [tilespmem:s25+$0x150]  }
0x104: {  	v40 =	vadd.f32 v40, v52;
	v52 =	vld [tilespmem:s25+$0x160]  }
0x105: {  	[tilespmem:s25+$0x100] =	vst v39;
	v39 =	vadd.f32 v41, v53;
	v41 =	vld [tilespmem:s25+$0x170]  }
0x106: {  	[tilespmem:s25+$0x110] =	vst v40;
	v40 =	vadd.f32 v42, v54;
	v42 =	vld [tilespmem:s25+$0x500]  }
0x107: {  	[tilespmem:s25+$0x120] =	vst v39;
	v39 =	vadd.f32 v43, v55;
	v43 =	vld [tilespmem:s25+$0x510]  }
0x108: {  	[tilespmem:s25+$0x130] =	vst v40;
	v40 =	vadd.f32 v44, v51;
	v44 =	vld [tilespmem:s25+$0x520]  }
0x109: {  	[tilespmem:s25+$0x140] =	vst v39;
	v39 =	vadd.f32 v45, v52;
	v45 =	vld [tilespmem:s25+$0x530]  }
0x10a: {  	[tilespmem:s25+$0x150] =	vst v40;
	v40 =	vadd.f32 v46, v41;
	v41 =	vld [tilespmem:s25+$0x540]  }
0x10b: {  	[tilespmem:s25+$0x160] =	vst v39;
	v39 =	vadd.f32 v47, v42;
	v42 =	vld [tilespmem:s25+$0x550]  }
0x10c: {  	[tilespmem:s25+$0x170] =	vst v40;
	v40 =	vadd.f32 v48, v43;
	v43 =	vld [tilespmem:s25+$0x560]  }
0x10d: {  	[tilespmem:s25+$0x500] =	vst v39;
	v39 =	vadd.f32 v49, v44;
	v44 =	vld [tilespmem:s25+$0x570]  }
0x10e: {  	[tilespmem:s25+$0x510] =	vst v40;
	v40 =	vadd.f32 v50, v45;
	v45 =	vld [tilespmem:s25+$0x900]  }
0x10f: {  	[tilespmem:s25+$0x520] =	vst v39;
	v38 =	vadd.f32 v38, v41;
	v39 =	vld [tilespmem:s25+$0x910]  }
0x110: {  	[tilespmem:s25+$0x530] =	vst v40;
	v37 =	vadd.f32 v37, v42;
	v40 =	vld [tilespmem:s25+$0x920]  }
0x111: {  	[tilespmem:s25+$0x540] =	vst v38;
	v36 =	vadd.f32 v36, v43;
	v38 =	vld [tilespmem:s25+$0x930]  }
0x112: {  	[tilespmem:s25+$0x550] =	vst v37;
	v35 =	vadd.f32 v35, v44;
	v37 =	vld [tilespmem:s25+$0x940]  }
0x113: {  	[tilespmem:s25+$0x560] =	vst v36;
	v34 =	vadd.f32 v34, v45;
	v36 =	vld [tilespmem:s25+$0x950]  }
0x114: {  	[tilespmem:s25+$0x570] =	vst v35;
	v33 =	vadd.f32 v33, v39;
	v35 =	vld [tilespmem:s25+$0x960]  }
0x115: {  	[tilespmem:s25+$0x900] =	vst v34;
	v32 =	vadd.f32 v32, v40;
	v34 =	vld [tilespmem:s25+$0x970]  }
0x116: {  	[tilespmem:s25+$0x910] =	vst v33;
	v31 =	vadd.f32 v31, v38;
	v33 =	vld [tilespmem:s25+$0xD00]  }
0x117: {  	[tilespmem:s25+$0x920] =	vst v32;
	v30 =	vadd.f32 v30, v37;
	v32 =	vld [tilespmem:s25+$0xD10]  }
0x118: {  	[tilespmem:s25+$0x930] =	vst v31;
	v29 =	vadd.f32 v29, v36;
	v31 =	vld [tilespmem:s25+$0xD20]  }
0x119: {  	[tilespmem:s25+$0x940] =	vst v30;
	v28 =	vadd.f32 v28, v35;
	v30 =	vld [tilespmem:s25+$0xD30]  }
0x11a: {  	[tilespmem:s25+$0x950] =	vst v29;
	v27 =	vadd.f32 v27, v34;
	v29 =	vld [tilespmem:s25+$0xD40]  }
0x11b: {  	[tilespmem:s25+$0x960] =	vst v28;
	v26 =	vadd.f32 v26, v33;
	v28 =	vld [tilespmem:s25+$0xD50]  }
0x11c: {  	[tilespmem:s25+$0x970] =	vst v27;
	v25 =	vadd.f32 v25, v32;
	v27 =	vld [tilespmem:s25+$0xD60]  }
0x11d: {  	[tilespmem:s25+$0xD00] =	vst v26;
	v24 =	vadd.f32 v24, v31;
	v26 =	vld [tilespmem:s25+$0xD70]  }
0x11e: {  	[tilespmem:s25+$0xD10] =	vst v25;
	v23 =	vadd.f32 v23, v30;
	v25 =	vld [tilespmem:s25+$0x1100]  }
0x11f: {  	[tilespmem:s25+$0xD20] =	vst v24;
	v22 =	vadd.f32 v22, v29;
	v24 =	vld [tilespmem:s25+$0x1110]  }
0x120: {  	[tilespmem:s25+$0xD30] =	vst v23;
	v21 =	vadd.f32 v21, v28;
	v23 =	vld [tilespmem:s25+$0x1120]  }
0x121: {  	[tilespmem:s25+$0xD40] =	vst v22;
	v20 =	vadd.f32 v20, v27;
	v22 =	vld [tilespmem:s25+$0x1130]  }
0x122: {  	[tilespmem:s25+$0xD50] =	vst v21;
	v19 =	vadd.f32 v19, v26;
	v21 =	vld [tilespmem:s25+$0x1140]  }
0x123: {  	[tilespmem:s25+$0xD60] =	vst v20;
	v18 =	vadd.f32 v18, v25;
	v20 =	vld [tilespmem:s25+$0x1150]  }
0x124: {  	[tilespmem:s25+$0xD70] =	vst v19;
	v17 =	vadd.f32 v17, v24;
	v19 =	vld [tilespmem:s25+$0x1160]  }
.Ltmp0:
0x125: {  	[tilespmem:s25+$0x1100] =	vst v18;
	v18 =	vadd.f32 v16, v23;
	v16 =	vld [tilespmem:s25+$0x1170];
	(pc) =	sbr.rel @p0 .LBB2_2-.Ltmp0, $4  }
0x126: {  	[tilespmem:s25+$0x1110] =	vst v17;
	v17 =	vadd.f32 v15, v22;
	v15 =	vld [tilespmem:s25+$0x1500]  }
0x127: {  	[tilespmem:s25+$0x1120] =	vst v18;
	v21 =	vadd.f32 v14, v21;
	v14 =	vld [tilespmem:s25+$0x1510]  }
0x128: {  	[tilespmem:s25+$0x1130] =	vst v17;
	v18 =	vadd.f32 v13, v20;
	v13 =	vld [tilespmem:s25+$0x1520]  }
0x129: {  	s26 =	sadd.s32 $0x1, s26;
	[tilespmem:s25+$0x1140] =	vst v21;
	v17 =	vadd.f32 v12, v19;
	v12 =	vld [tilespmem:s25+$0x1530]  }
0x12a: {  	[tilespmem:s25+$0x1150] =	vst v18;
	v18 =	vld [tilespmem:s25+$0x1540];
	v11 =	vadd.f32 v11, v16  }
0x12b: {  	v16 =	vld [tilespmem:s25+$0x1550];
	[tilespmem:s25+$0x1160] =	vst v17;
	v10 =	vadd.f32 v10, v15  }
0x12c: {  	[tilespmem:s25+$0x1170] =	vst v11;
	v9 =	vadd.f32 v9, v14;
	v11 =	vld [tilespmem:s25+$0x1560]  }
0x12d: {  	[tilespmem:s25+$0x1500] =	vst v10;
	v8 =	vadd.f32 v8, v13;
	v10 =	vld [tilespmem:s25+$0x1570]  }
0x12e: {  	[tilespmem:s25+$0x1510] =	vst v9;
	v7 =	vadd.f32 v7, v12  }
0x12f: {  	[tilespmem:s25+$0x1520] =	vst v8;
	v6 =	vadd.f32 v6, v18  }
0x130: {  	v5 =	vadd.f32 v5, v16;
	[tilespmem:s25+$0x1530] =	vst v7  }
0x131: {  	[tilespmem:s25+$0x1540] =	vst v6;
	v4 =	vadd.f32 v4, v11  }
0x132: {  	[tilespmem:s25+$0x1550] =	vst v5;
	v3 =	vadd.f32 v3, v10  }
0x133: {  	[tilespmem:s25+$0x1560] =	vst v4  }
0x134: {  	[tilespmem:s25+$0x1570] =	vst v3;
	s25 =	simm.s32 $0x0  }
0x135: {  	[hbm4b:s7+s25] =	stream.linear.scatter [tilespmem:s15], [sflag:$0x4], $0x3000, $0x38;
	[tilespmem:$0xC100] =	vst v63  }
0x136: {  	_ =	swait.ge [sflag:s22], $0x3000  }
0x137: {  	[sflag:s22] =	ssyncset.done $0x0  }
0x138: {  	[sflag:s22] =	ssyncadd.s32 $0xFFFFD000  }
0x139: {  	_ =	swait.ge [sflag:s22], $0x3000  }
0x13a: {  	[sflag:s22] =	ssyncset.done $0x0  }
0x13b: {  	[sflag:s22] =	ssyncadd.s32 $0xFFFFD000  }
0x13c: {  	_ =	swait.ge [sflag:s23], $0x3000  }
0x13d: {  	[sflag:s23] =	ssyncset.done $0x0  }
0x13e: {  	[sflag:s23] =	ssyncadd.s32 $0xFFFFD000  }
0x13f: {  	v3 =	vld [tilespmem:$0x20];
	_ =	sdelay $0x4  }
0x140: {  	v4 =	vshrl.u32 v3, $0x3  }
0x141: {  	v4 =	vmul.u32 $0x30, v4  }
0x142: {  	v3 =	vand.u32 $0x7, v3  }
0x143: {  	v3 =	vor.u32 v3, v4  }
0x144: {  	v4 =	vperm.xlane v3, v0;
	_ =	sdelay $0x1  }
0x145: {  	v4 =	vadd.s32 v1, v4;
	_ =	sdelay $0x3  }
0x146: {  	v3 =	vperm.xlane v3, v2  }
0x147: {  	[tilespmem:s15], [sflag:$0x2] =	stream.indirect_vreg.gather [hbm4b:s3+s25], $0x80, v4, vm0, $0xb8;
	[tilespmem:$0xC100] =	vst v63  }
0x148: {  	s0 =	simm.s32 $0x900;
	v3 =	vadd.s32 v1, v3  }
0x149: {  	[tilespmem:s0], [sflag:$0x2] =	stream.indirect_vreg.gather [hbm4b:s6+s25], $0x80, v4, vm0, $0xb8;
	[tilespmem:$0xC100] =	vst v63  }
0x14a: {  	s31 =	simm.s32 $0x1100  }
0x14b: {  	[tilespmem:s31], [sflag:$0x2] =	stream.indirect_vreg.gather [hbm4b:s8+s25], $0x80, v4, vm0, $0xb8;
	[tilespmem:$0xC100] =	vst v63  }
0x14c: {  	s26 =	simm.s32 $0x1900  }
0x14d: {  	[tilespmem:s26], [sflag:$0x2] =	stream.indirect_vreg.gather [hbm4b:s3+s25], $0x80, v3, vm0, $0xb8;
	[tilespmem:$0xC100] =	vst v63  }
0x14e: {  	s31 =	simm.s32 $0x2100  }
0x14f: {  	[tilespmem:s31], [sflag:$0x2] =	stream.indirect_vreg.gather [hbm4b:s6+s25], $0x80, v3, vm0, $0xb8;
	[tilespmem:$0xC100] =	vst v63  }
0x150: {  	s26 =	simm.s32 $0x2900  }
0x151: {  	[tilespmem:s26], [sflag:$0x2] =	stream.indirect_vreg.gather [hbm4b:s8+s25], $0x80, v3, vm0, $0xb8;
	[tilespmem:$0xC100] =	vst v63  }
0x152: {  	v3 =	vld [tilespmem:$0xA0];
	_ =	sdelay $0x4  }
0x153: {  	v4 =	vshrl.u32 v3, $0x3  }
0x154: {  	v4 =	vmul.u32 $0x30, v4  }
0x155: {  	v3 =	vand.u32 $0x7, v3  }
0x156: {  	v3 =	vor.u32 v3, v4  }
0x157: {  	v4 =	vperm.xlane v3, v0;
	_ =	sdelay $0x1  }
0x158: {  	v4 =	vadd.s32 v1, v4;
	_ =	sdelay $0x3  }
0x159: {  	s31 =	simm.s32 $0x3100;
	v3 =	vperm.xlane v3, v2  }
0x15a: {  	[tilespmem:s31], [sflag:$0x2] =	stream.indirect_vreg.gather [hbm4b:s3+s25], $0x80, v4, vm0, $0xb8;
	[tilespmem:$0xC100] =	vst v63  }
0x15b: {  	s26 =	simm.s32 $0x3900;
	v3 =	vadd.s32 v1, v3  }
0x15c: {  	[tilespmem:s26], [sflag:$0x2] =	stream.indirect_vreg.gather [hbm4b:s6+s25], $0x80, v4, vm0, $0xb8;
	[tilespmem:$0xC100] =	vst v63  }
0x15d: {  	s31 =	simm.s32 $0x4100  }
0x15e: {  	[tilespmem:s31], [sflag:$0x2] =	stream.indirect_vreg.gather [hbm4b:s8+s25], $0x80, v4, vm0, $0xb8;
	[tilespmem:$0xC100] =	vst v63  }
0x15f: {  	s26 =	simm.s32 $0x4900  }
0x160: {  	[tilespmem:s26], [sflag:$0x2] =	stream.indirect_vreg.gather [hbm4b:s3+s25], $0x80, v3, vm0, $0xb8;
	[tilespmem:$0xC100] =	vst v63  }
0x161: {  	s31 =	simm.s32 $0x5100  }
0x162: {  	[tilespmem:s31], [sflag:$0x2] =	stream.indirect_vreg.gather [hbm4b:s6+s25], $0x80, v3, vm0, $0xb8;
	[tilespmem:$0xC100] =	vst v63  }
0x163: {  	s31 =	simm.s32 $0x0  }
0x164: {  	s26 =	simm.s32 $0x5900;
	s0 =	smul.u32 $0x1800, s31  }
0x165: {  	[tilespmem:s26], [sflag:$0x2] =	stream.indirect_vreg.gather [hbm4b:s8+s25], $0x80, v3, vm0, $0xb8;
	[tilespmem:$0xC100] =	vst v63  }
0x166: {  	s26 =	sand.u32 $0x380, s25  }
0x167: {  	s26 =	sor.u32 s26, s0  }
0x168: {  	v12 =	vld [tilespmem:s26+$0x9100]  }
0x169: {  	v13 =	vld [tilespmem:s26+$0x9110]  }
0x16a: {  	v14 =	vld [tilespmem:s26+$0x9120]  }
0x16b: {  	v15 =	vld [tilespmem:s26+$0x9130]  }
0x16c: {  	v16 =	vld [tilespmem:s26+$0x9140]  }
0x16d: {  	v17 =	vld [tilespmem:s26+$0x9150]  }
0x16e: {  	v18 =	vld [tilespmem:s26+$0x9160]  }
0x16f: {  	v19 =	vld [tilespmem:s26+$0x9170]  }
0x170: {  	v20 =	vld [tilespmem:s26+$0x9500]  }
0x171: {  	v21 =	vld [tilespmem:s26+$0x9510]  }
0x172: {  	v22 =	vld [tilespmem:s26+$0x9520]  }
0x173: {  	v23 =	vld [tilespmem:s26+$0x9530]  }
0x174: {  	v24 =	vld [tilespmem:s26+$0x9540]  }
0x175: {  	v25 =	vld [tilespmem:s26+$0x9550]  }
0x176: {  	v26 =	vld [tilespmem:s26+$0x9560]  }
0x177: {  	v27 =	vld [tilespmem:s26+$0x9570]  }
0x178: {  	v28 =	vld [tilespmem:s26+$0x9900]  }
0x179: {  	v29 =	vld [tilespmem:s26+$0x9910]  }
0x17a: {  	v30 =	vld [tilespmem:s26+$0x9920]  }
0x17b: {  	v31 =	vld [tilespmem:s26+$0x9930]  }
0x17c: {  	v32 =	vld [tilespmem:s26+$0x9940]  }
0x17d: {  	v33 =	vld [tilespmem:s26+$0x9950]  }
0x17e: {  	v34 =	vld [tilespmem:s26+$0x9960]  }
0x17f: {  	v35 =	vld [tilespmem:s26+$0x9970]  }
0x180: {  	v36 =	vld [tilespmem:s26+$0x9D00]  }
0x181: {  	v37 =	vld [tilespmem:s26+$0x9D10]  }
0x182: {  	v38 =	vld [tilespmem:s26+$0x9D20]  }
0x183: {  	v39 =	vld [tilespmem:s26+$0x9D30]  }
0x184: {  	v40 =	vld [tilespmem:s26+$0x9D40]  }
0x185: {  	v41 =	vld [tilespmem:s26+$0x9D50]  }
0x186: {  	v42 =	vld [tilespmem:s26+$0x9D60]  }
0x187: {  	v43 =	vld [tilespmem:s26+$0x9D70]  }
0x188: {  	v44 =	vld [tilespmem:s26+$0xA100]  }
0x189: {  	v45 =	vld [tilespmem:s26+$0xA110]  }
0x18a: {  	v46 =	vld [tilespmem:s26+$0xA120]  }
0x18b: {  	v47 =	vld [tilespmem:s26+$0xA130]  }
0x18c: {  	v48 =	vld [tilespmem:s26+$0xA140]  }
0x18d: {  	v49 =	vld [tilespmem:s26+$0xA150]  }
0x18e: {  	v50 =	vld [tilespmem:s26+$0xA160]  }
0x18f: {  	v11 =	vld [tilespmem:s26+$0xA170]  }
0x190: {  	v10 =	vld [tilespmem:s26+$0xA500]  }
0x191: {  	v9 =	vld [tilespmem:s26+$0xA510]  }
0x192: {  	v8 =	vld [tilespmem:s26+$0xA520]  }
0x193: {  	v7 =	vld [tilespmem:s26+$0xA530]  }
0x194: {  	v6 =	vld [tilespmem:s26+$0xA540]  }
0x195: {  	v51 =	vld [tilespmem:s26+$0x6100]  }
0x196: {  	v52 =	vld [tilespmem:s26+$0x6110]  }
0x197: {  	v53 =	vld [tilespmem:s26+$0x6120]  }
0x198: {  	v54 =	vld [tilespmem:s26+$0x6130]  }
0x199: {  	v55 =	vld [tilespmem:s26+$0x6140]  }
0x19a: {  	v62 =	vld [tilespmem:s26+$0x6150];
	v12 =	vadd.f32 v12, v51  }
0x19b: {  	v63 =	vld [tilespmem:s26+$0x6160];
	v13 =	vadd.f32 v13, v52  }
0x19c: {  	[tilespmem:s26+$0x6100] =	vst v12;
	v12 =	vadd.f32 v14, v53;
	v14 =	vld [tilespmem:s26+$0x6170]  }
0x19d: {  	[tilespmem:s26+$0x6110] =	vst v13;
	v13 =	vadd.f32 v15, v54;
	v15 =	vld [tilespmem:s26+$0x6500]  }
0x19e: {  	[tilespmem:s26+$0x6120] =	vst v12;
	v12 =	vadd.f32 v16, v55;
	v16 =	vld [tilespmem:s26+$0x6510]  }
0x19f: {  	[tilespmem:s26+$0x6130] =	vst v13;
	v13 =	vadd.f32 v17, v62;
	v17 =	vld [tilespmem:s26+$0x6520]  }
0x1a0: {  	v5 =	vld [tilespmem:s26+$0xA550]  }
0x1a1: {  	[tilespmem:s26+$0x6140] =	vst v12;
	v12 =	vadd.f32 v18, v63;
	v18 =	vld [tilespmem:s26+$0x6570]  }
0x1a2: {  	[tilespmem:s26+$0x6150] =	vst v13;
	v13 =	vadd.f32 v19, v14;
	v14 =	vld [tilespmem:s26+$0x6530]  }
0x1a3: {  	[tilespmem:s26+$0x6160] =	vst v12;
	v12 =	vadd.f32 v20, v15;
	v15 =	vld [tilespmem:s26+$0x6540]  }
0x1a4: {  	[tilespmem:s26+$0x6170] =	vst v13;
	v13 =	vadd.f32 v21, v16;
	v16 =	vadd.f32 v22, v17;
	v17 =	vld [tilespmem:s26+$0x6560]  }
0x1a5: {  	[tilespmem:s26+$0x6500] =	vst v12;
	v12 =	vld [tilespmem:s26+$0x6550]  }
0x1a6: {  	[tilespmem:s26+$0x6510] =	vst v13;
	v13 =	vld [tilespmem:s26+$0x6900];
	v18 =	vadd.f32 v27, v18  }
0x1a7: {  	[tilespmem:s26+$0x6520] =	vst v16;
	v16 =	vld [tilespmem:s26+$0x6910];
	v14 =	vadd.f32 v23, v14  }
0x1a8: {  	v4 =	vld [tilespmem:s26+$0xA560];
	v15 =	vadd.f32 v24, v15;
	[tilespmem:s26+$0x6570] =	vst v18  }
0x1a9: {  	[tilespmem:s26+$0x6530] =	vst v14;
	v14 =	vld [tilespmem:s26+$0x6920];
	v17 =	vadd.f32 v26, v17  }
0x1aa: {  	v12 =	vadd.f32 v25, v12;
	[tilespmem:s26+$0x6540] =	vst v15;
	v15 =	vld [tilespmem:s26+$0x6930]  }
0x1ab: {  	v18 =	vld [tilespmem:s26+$0x6970];
	[tilespmem:s26+$0x6560] =	vst v17;
	v13 =	vadd.f32 v28, v13  }
0x1ac: {  	v16 =	vadd.f32 v29, v16;
	[tilespmem:s26+$0x6550] =	vst v12;
	v12 =	vld [tilespmem:s26+$0x6940]  }
0x1ad: {  	v17 =	vld [tilespmem:s26+$0x6950];
	[tilespmem:s26+$0x6900] =	vst v13  }
0x1ae: {  	[tilespmem:s26+$0x6910] =	vst v16;
	v16 =	vld [tilespmem:s26+$0x6960];
	v13 =	vadd.f32 v30, v14  }
0x1af: {  	v14 =	vld [tilespmem:s26+$0x6D00];
	v15 =	vadd.f32 v31, v15  }
0x1b0: {  	[tilespmem:s26+$0x6920] =	vst v13;
	v13 =	vld [tilespmem:s26+$0x6D10]  }
0x1b1: {  	v12 =	vadd.f32 v32, v12;
	[tilespmem:s26+$0x6930] =	vst v15;
	v15 =	vld [tilespmem:s26+$0x6D20]  }
0x1b2: {  	v3 =	vld [tilespmem:s26+$0xA570];
	v17 =	vadd.f32 v33, v17  }
0x1b3: {  	v16 =	vadd.f32 v34, v16;
	[tilespmem:s26+$0x6940] =	vst v12;
	v12 =	vld [tilespmem:s26+$0x6D30]  }
0x1b4: {  	[tilespmem:s26+$0x6950] =	vst v17;
	v17 =	vld [tilespmem:s26+$0x6D40];
	v14 =	vadd.f32 v36, v14  }
0x1b5: {  	v18 =	vadd.f32 v35, v18;
	[tilespmem:s26+$0x6960] =	vst v16;
	v16 =	vld [tilespmem:s26+$0x6D50]  }
0x1b6: {  	v13 =	vadd.f32 v37, v13;
	[tilespmem:s26+$0x6D00] =	vst v14;
	v14 =	vadd.f32 v38, v15;
	v15 =	vld [tilespmem:s26+$0x6D60]  }
0x1b7: {  	[tilespmem:s26+$0x6970] =	vst v18;
	v18 =	vld [tilespmem:s26+$0x6D70]  }
0x1b8: {  	[tilespmem:s26+$0x6D10] =	vst v13;
	v13 =	vld [tilespmem:s26+$0x7100];
	v12 =	vadd.f32 v39, v12  }
0x1b9: {  	v17 =	vadd.f32 v40, v17;
	[tilespmem:s26+$0x6D20] =	vst v14;
	v14 =	vld [tilespmem:s26+$0x7110]  }
0x1ba: {  	v16 =	vadd.f32 v41, v16;
	[tilespmem:s26+$0x6D30] =	vst v12;
	v12 =	vld [tilespmem:s26+$0x7120]  }
0x1bb: {  	[tilespmem:s26+$0x6D40] =	vst v17;
	v17 =	vld [tilespmem:s26+$0x7130];
	v15 =	vadd.f32 v42, v15  }
0x1bc: {  	v19 =	vld [tilespmem:s26+$0x7140];
	[tilespmem:s26+$0x6D50] =	vst v16;
	v16 =	vadd.f32 v43, v18  }
0x1bd: {  	v18 =	vld [tilespmem:s26+$0x7150];
	v13 =	vadd.f32 v44, v13;
	[tilespmem:s26+$0x6D60] =	vst v15  }
0x1be: {  	v20 =	vld [tilespmem:s26+$0x7160];
	[tilespmem:s26+$0x6D70] =	vst v16;
	v14 =	vadd.f32 v45, v14  }
0x1bf: {  	v16 =	vld [tilespmem:s26+$0x7170];
	[tilespmem:s26+$0x7100] =	vst v13;
	v12 =	vadd.f32 v46, v12  }
0x1c0: {  	v15 =	vld [tilespmem:s26+$0x7500];
	v13 =	vadd.f32 v47, v17;
	[tilespmem:s26+$0x7110] =	vst v14  }
0x1c1: {  	v14 =	vld [tilespmem:s26+$0x7510];
	[tilespmem:s26+$0x7120] =	vst v12;
	v12 =	vadd.f32 v48, v19  }
0x1c2: {  	[tilespmem:s26+$0x7130] =	vst v13;
	v13 =	vld [tilespmem:s26+$0x7520];
	v18 =	vadd.f32 v49, v18  }
0x1c3: {  	s30 =	simm.s32 $0x1;
	v17 =	vadd.f32 v50, v20;
	[tilespmem:s26+$0x7140] =	vst v12;
	v12 =	vld [tilespmem:s26+$0x7530]  }
.LBB2_4:
0x1c4: {  	s0 =	sshrl.u32 s30, $0x3;
	p0 =	sne.s32 s30, $0xF;
	[tilespmem:s26+$0x7150] =	vst v18;
	v11 =	vadd.f32 v11, v16;
	v16 =	vld [tilespmem:s26+$0x7540]  }
0x1c5: {  	s25 =	sadd.s32 $0x80, s25;
	s0 =	smul.u32 $0x1800, s0;
	[tilespmem:s26+$0x7160] =	vst v17;
	v10 =	vadd.f32 v10, v15;
	v15 =	vld [tilespmem:s26+$0x7550]  }
0x1c6: {  	s31 =	sand.u32 $0x380, s25;
	[tilespmem:s26+$0x7170] =	vst v11;
	v9 =	vadd.f32 v9, v14;
	v11 =	vld [tilespmem:s26+$0x7560]  }
0x1c7: {  	s0 =	sor.u32 s31, s0;
	[tilespmem:s26+$0x7500] =	vst v10;
	v8 =	vadd.f32 v8, v13;
	v10 =	vld [tilespmem:s26+$0x7570]  }
0x1c8: {  	v39 =	vld [tilespmem:s0+$0x9100];
	[tilespmem:s26+$0x7510] =	vst v9;
	v7 =	vadd.f32 v7, v12  }
0x1c9: {  	v40 =	vld [tilespmem:s0+$0x9110];
	[tilespmem:s26+$0x7520] =	vst v8;
	v6 =	vadd.f32 v6, v16  }
0x1ca: {  	v41 =	vld [tilespmem:s0+$0x9120];
	[tilespmem:s26+$0x7530] =	vst v7;
	v5 =	vadd.f32 v5, v15  }
0x1cb: {  	v42 =	vld [tilespmem:s0+$0x9130];
	[tilespmem:s26+$0x7540] =	vst v6;
	v4 =	vadd.f32 v4, v11  }
0x1cc: {  	v43 =	vld [tilespmem:s0+$0x9140];
	[tilespmem:s26+$0x7550] =	vst v5;
	v3 =	vadd.f32 v3, v10  }
0x1cd: {  	v44 =	vld [tilespmem:s0+$0x9150];
	[tilespmem:s26+$0x7560] =	vst v4  }
0x1ce: {  	v45 =	vld [tilespmem:s0+$0x9160];
	[tilespmem:s26+$0x7570] =	vst v3;
	s26 =	smov.u32 s0  }
0x1cf: {  	v46 =	vld [tilespmem:s26+$0x9170]  }
0x1d0: {  	v47 =	vld [tilespmem:s26+$0x9500]  }
0x1d1: {  	v48 =	vld [tilespmem:s26+$0x9510]  }
0x1d2: {  	v49 =	vld [tilespmem:s26+$0x9520]  }
0x1d3: {  	v50 =	vld [tilespmem:s26+$0x9530]  }
0x1d4: {  	v38 =	vld [tilespmem:s26+$0x9540]  }
0x1d5: {  	v37 =	vld [tilespmem:s26+$0x9550]  }
0x1d6: {  	v36 =	vld [tilespmem:s26+$0x9560]  }
0x1d7: {  	v35 =	vld [tilespmem:s26+$0x9570]  }
0x1d8: {  	v34 =	vld [tilespmem:s26+$0x9900]  }
0x1d9: {  	v33 =	vld [tilespmem:s26+$0x9910]  }
0x1da: {  	v32 =	vld [tilespmem:s26+$0x9920]  }
0x1db: {  	v31 =	vld [tilespmem:s26+$0x9930]  }
0x1dc: {  	v30 =	vld [tilespmem:s26+$0x9940]  }
0x1dd: {  	v29 =	vld [tilespmem:s26+$0x9950]  }
0x1de: {  	v28 =	vld [tilespmem:s26+$0x9960]  }
0x1df: {  	v27 =	vld [tilespmem:s26+$0x9970]  }
0x1e0: {  	v26 =	vld [tilespmem:s26+$0x9D00]  }
0x1e1: {  	v25 =	vld [tilespmem:s26+$0x9D10]  }
0x1e2: {  	v24 =	vld [tilespmem:s26+$0x9D20]  }
0x1e3: {  	v23 =	vld [tilespmem:s26+$0x9D30]  }
0x1e4: {  	v22 =	vld [tilespmem:s26+$0x9D40]  }
0x1e5: {  	v21 =	vld [tilespmem:s26+$0x9D50]  }
0x1e6: {  	v20 =	vld [tilespmem:s26+$0x9D60]  }
0x1e7: {  	v19 =	vld [tilespmem:s26+$0x9D70]  }
0x1e8: {  	v18 =	vld [tilespmem:s26+$0xA100]  }
0x1e9: {  	v17 =	vld [tilespmem:s26+$0xA110]  }
0x1ea: {  	v16 =	vld [tilespmem:s26+$0xA120]  }
0x1eb: {  	v15 =	vld [tilespmem:s26+$0xA130]  }
0x1ec: {  	v14 =	vld [tilespmem:s26+$0xA140]  }
0x1ed: {  	v13 =	vld [tilespmem:s26+$0xA150]  }
0x1ee: {  	v12 =	vld [tilespmem:s26+$0xA160]  }
0x1ef: {  	v11 =	vld [tilespmem:s26+$0xA170]  }
0x1f0: {  	v10 =	vld [tilespmem:s26+$0xA500]  }
0x1f1: {  	v9 =	vld [tilespmem:s26+$0xA510]  }
0x1f2: {  	v8 =	vld [tilespmem:s26+$0xA520]  }
0x1f3: {  	v7 =	vld [tilespmem:s26+$0xA530]  }
0x1f4: {  	v6 =	vld [tilespmem:s26+$0xA540]  }
0x1f5: {  	v5 =	vld [tilespmem:s26+$0xA550]  }
0x1f6: {  	v4 =	vld [tilespmem:s26+$0xA560]  }
0x1f7: {  	v3 =	vld [tilespmem:s26+$0xA570]  }
0x1f8: {  	v51 =	vld [tilespmem:s26+$0x6100]  }
0x1f9: {  	v52 =	vld [tilespmem:s26+$0x6110]  }
0x1fa: {  	v53 =	vld [tilespmem:s26+$0x6120]  }
0x1fb: {  	v54 =	vld [tilespmem:s26+$0x6130]  }
0x1fc: {  	v55 =	vld [tilespmem:s26+$0x6140]  }
0x1fd: {  	v39 =	vadd.f32 v39, v51;
	v51 =	vld [tilespmem:s26+$0x6150]  }
0x1fe: {  	v40 =	vadd.f32 v40, v52;
	v52 =	vld [tilespmem:s26+$0x6160]  }
0x1ff: {  	[tilespmem:s26+$0x6100] =	vst v39;
	v39 =	vadd.f32 v41, v53;
	v41 =	vld [tilespmem:s26+$0x6170]  }
0x200: {  	[tilespmem:s26+$0x6110] =	vst v40;
	v40 =	vadd.f32 v42, v54;
	v42 =	vld [tilespmem:s26+$0x6500]  }
0x201: {  	[tilespmem:s26+$0x6120] =	vst v39;
	v39 =	vadd.f32 v43, v55;
	v43 =	vld [tilespmem:s26+$0x6510]  }
0x202: {  	[tilespmem:s26+$0x6130] =	vst v40;
	v40 =	vadd.f32 v44, v51;
	v44 =	vld [tilespmem:s26+$0x6520]  }
0x203: {  	[tilespmem:s26+$0x6140] =	vst v39;
	v39 =	vadd.f32 v45, v52;
	v45 =	vld [tilespmem:s26+$0x6530]  }
0x204: {  	[tilespmem:s26+$0x6150] =	vst v40;
	v40 =	vadd.f32 v46, v41;
	v41 =	vld [tilespmem:s26+$0x6540]  }
0x205: {  	[tilespmem:s26+$0x6160] =	vst v39;
	v39 =	vadd.f32 v47, v42;
	v42 =	vld [tilespmem:s26+$0x6550]  }
0x206: {  	[tilespmem:s26+$0x6170] =	vst v40;
	v40 =	vadd.f32 v48, v43;
	v43 =	vld [tilespmem:s26+$0x6560]  }
0x207: {  	[tilespmem:s26+$0x6500] =	vst v39;
	v39 =	vadd.f32 v49, v44;
	v44 =	vld [tilespmem:s26+$0x6570]  }
0x208: {  	[tilespmem:s26+$0x6510] =	vst v40;
	v40 =	vadd.f32 v50, v45;
	v45 =	vld [tilespmem:s26+$0x6900]  }
0x209: {  	[tilespmem:s26+$0x6520] =	vst v39;
	v38 =	vadd.f32 v38, v41;
	v39 =	vld [tilespmem:s26+$0x6910]  }
0x20a: {  	[tilespmem:s26+$0x6530] =	vst v40;
	v37 =	vadd.f32 v37, v42;
	v40 =	vld [tilespmem:s26+$0x6920]  }
0x20b: {  	[tilespmem:s26+$0x6540] =	vst v38;
	v36 =	vadd.f32 v36, v43;
	v38 =	vld [tilespmem:s26+$0x6930]  }
0x20c: {  	[tilespmem:s26+$0x6550] =	vst v37;
	v35 =	vadd.f32 v35, v44;
	v37 =	vld [tilespmem:s26+$0x6940]  }
0x20d: {  	[tilespmem:s26+$0x6560] =	vst v36;
	v34 =	vadd.f32 v34, v45;
	v36 =	vld [tilespmem:s26+$0x6950]  }
0x20e: {  	[tilespmem:s26+$0x6570] =	vst v35;
	v33 =	vadd.f32 v33, v39;
	v35 =	vld [tilespmem:s26+$0x6960]  }
0x20f: {  	[tilespmem:s26+$0x6900] =	vst v34;
	v32 =	vadd.f32 v32, v40;
	v34 =	vld [tilespmem:s26+$0x6970]  }
0x210: {  	[tilespmem:s26+$0x6910] =	vst v33;
	v31 =	vadd.f32 v31, v38;
	v33 =	vld [tilespmem:s26+$0x6D00]  }
0x211: {  	[tilespmem:s26+$0x6920] =	vst v32;
	v30 =	vadd.f32 v30, v37;
	v32 =	vld [tilespmem:s26+$0x6D10]  }
0x212: {  	[tilespmem:s26+$0x6930] =	vst v31;
	v29 =	vadd.f32 v29, v36;
	v31 =	vld [tilespmem:s26+$0x6D20]  }
0x213: {  	[tilespmem:s26+$0x6940] =	vst v30;
	v28 =	vadd.f32 v28, v35;
	v30 =	vld [tilespmem:s26+$0x6D30]  }
0x214: {  	[tilespmem:s26+$0x6950] =	vst v29;
	v27 =	vadd.f32 v27, v34;
	v29 =	vld [tilespmem:s26+$0x6D40]  }
0x215: {  	[tilespmem:s26+$0x6960] =	vst v28;
	v26 =	vadd.f32 v26, v33;
	v28 =	vld [tilespmem:s26+$0x6D50]  }
0x216: {  	[tilespmem:s26+$0x6970] =	vst v27;
	v25 =	vadd.f32 v25, v32;
	v27 =	vld [tilespmem:s26+$0x6D60]  }
0x217: {  	[tilespmem:s26+$0x6D00] =	vst v26;
	v24 =	vadd.f32 v24, v31;
	v26 =	vld [tilespmem:s26+$0x6D70]  }
0x218: {  	[tilespmem:s26+$0x6D10] =	vst v25;
	v23 =	vadd.f32 v23, v30;
	v25 =	vld [tilespmem:s26+$0x7100]  }
0x219: {  	[tilespmem:s26+$0x6D20] =	vst v24;
	v22 =	vadd.f32 v22, v29;
	v24 =	vld [tilespmem:s26+$0x7110]  }
0x21a: {  	[tilespmem:s26+$0x6D30] =	vst v23;
	v21 =	vadd.f32 v21, v28;
	v23 =	vld [tilespmem:s26+$0x7120]  }
0x21b: {  	[tilespmem:s26+$0x6D40] =	vst v22;
	v20 =	vadd.f32 v20, v27;
	v22 =	vld [tilespmem:s26+$0x7130]  }
0x21c: {  	[tilespmem:s26+$0x6D50] =	vst v21;
	v19 =	vadd.f32 v19, v26;
	v21 =	vld [tilespmem:s26+$0x7140]  }
0x21d: {  	[tilespmem:s26+$0x6D60] =	vst v20;
	v18 =	vadd.f32 v18, v25;
	v20 =	vld [tilespmem:s26+$0x7150]  }
0x21e: {  	[tilespmem:s26+$0x6D70] =	vst v19;
	v17 =	vadd.f32 v17, v24;
	v19 =	vld [tilespmem:s26+$0x7160]  }
.Ltmp1:
0x21f: {  	[tilespmem:s26+$0x7100] =	vst v18;
	v18 =	vadd.f32 v16, v23;
	v16 =	vld [tilespmem:s26+$0x7170];
	(pc) =	sbr.rel @p0 .LBB2_4-.Ltmp1, $4  }
0x220: {  	[tilespmem:s26+$0x7110] =	vst v17;
	v17 =	vadd.f32 v15, v22;
	v15 =	vld [tilespmem:s26+$0x7500]  }
0x221: {  	[tilespmem:s26+$0x7120] =	vst v18;
	v21 =	vadd.f32 v14, v21;
	v14 =	vld [tilespmem:s26+$0x7510]  }
0x222: {  	[tilespmem:s26+$0x7130] =	vst v17;
	v18 =	vadd.f32 v13, v20;
	v13 =	vld [tilespmem:s26+$0x7520]  }
0x223: {  	s30 =	sadd.s32 $0x1, s30;
	[tilespmem:s26+$0x7140] =	vst v21;
	v17 =	vadd.f32 v12, v19;
	v12 =	vld [tilespmem:s26+$0x7530]  }
0x224: {  	[tilespmem:s26+$0x7150] =	vst v18;
	v18 =	vld [tilespmem:s26+$0x7540];
	v11 =	vadd.f32 v11, v16  }
0x225: {  	v16 =	vld [tilespmem:s26+$0x7550];
	[tilespmem:s26+$0x7160] =	vst v17;
	v10 =	vadd.f32 v10, v15  }
0x226: {  	[tilespmem:s26+$0x7170] =	vst v11;
	v9 =	vadd.f32 v9, v14;
	v11 =	vld [tilespmem:s26+$0x7560]  }
0x227: {  	[tilespmem:s26+$0x7500] =	vst v10;
	v8 =	vadd.f32 v8, v13;
	v10 =	vld [tilespmem:s26+$0x7570]  }
0x228: {  	[tilespmem:s26+$0x7510] =	vst v9;
	v7 =	vadd.f32 v7, v12  }
0x229: {  	[tilespmem:s26+$0x7520] =	vst v8;
	v6 =	vadd.f32 v6, v18  }
0x22a: {  	v5 =	vadd.f32 v5, v16;
	[tilespmem:s26+$0x7530] =	vst v7  }
0x22b: {  	[tilespmem:s26+$0x7540] =	vst v6;
	v4 =	vadd.f32 v4, v11  }
0x22c: {  	[tilespmem:s26+$0x7550] =	vst v5;
	v3 =	vadd.f32 v3, v10  }
0x22d: {  	[tilespmem:s26+$0x7560] =	vst v4  }
0x22e: {  	s25 =	simm.s32 $0x0;
	[tilespmem:s26+$0x7570] =	vst v3  }
0x22f: {  	[hbm4b:s9+s25] =	stream.linear.scatter [tilespmem:s29], [sflag:$0x4], $0x3000, $0x38;
	[tilespmem:$0xC100] =	vst v63  }
0x230: {  	_ =	swait.ge [sflag:s28], $0x3000  }
0x231: {  	[sflag:s28] =	ssyncset.done $0x0  }
0x232: {  	[sflag:s28] =	ssyncadd.s32 $0xFFFFD000  }
0x233: {  	_ =	swait.ge [sflag:s28], $0x3000  }
0x234: {  	[sflag:s28] =	ssyncset.done $0x0  }
0x235: {  	[sflag:s28] =	ssyncadd.s32 $0xFFFFD000  }
0x236: {  	_ =	swait.ge [sflag:s23], $0x3000  }
0x237: {  	[sflag:s23] =	ssyncset.done $0x0  }
0x238: {  	[sflag:s23] =	ssyncadd.s32 $0xFFFFD000  }
0x239: {  	v3 =	vld [tilespmem:$0x30];
	_ =	sdelay $0x4  }
0x23a: {  	v4 =	vshrl.u32 v3, $0x3  }
0x23b: {  	v4 =	vmul.u32 $0x30, v4  }
0x23c: {  	v3 =	vand.u32 $0x7, v3  }
0x23d: {  	v3 =	vor.u32 v3, v4  }
0x23e: {  	v4 =	vperm.xlane v3, v0;
	_ =	sdelay $0x1  }
0x23f: {  	v4 =	vadd.s32 v1, v4;
	_ =	sdelay $0x3  }
0x240: {  	v3 =	vperm.xlane v3, v2  }
0x241: {  	[tilespmem:s29], [sflag:$0x3] =	stream.indirect_vreg.gather [hbm4b:s3+s25], $0x80, v4, vm0, $0xb8;
	[tilespmem:$0xC100] =	vst v63  }
0x242: {  	s0 =	simm.s32 $0x6900;
	v3 =	vadd.s32 v1, v3  }
0x243: {  	[tilespmem:s0], [sflag:$0x3] =	stream.indirect_vreg.gather [hbm4b:s6+s25], $0x80, v4, vm0, $0xb8;
	[tilespmem:$0xC100] =	vst v63  }
0x244: {  	s26 =	simm.s32 $0x7100  }
0x245: {  	[tilespmem:s26], [sflag:$0x3] =	stream.indirect_vreg.gather [hbm4b:s8+s25], $0x80, v4, vm0, $0xb8;
	[tilespmem:$0xC100] =	vst v63  }
0x246: {  	s31 =	simm.s32 $0x7900  }
0x247: {  	[tilespmem:s31], [sflag:$0x3] =	stream.indirect_vreg.gather [hbm4b:s3+s25], $0x80, v3, vm0, $0xb8;
	[tilespmem:$0xC100] =	vst v63  }
0x248: {  	_ = 	snop  }
0x249: {  	[tilespmem:s1], [sflag:$0x3] =	stream.indirect_vreg.gather [hbm4b:s6+s25], $0x80, v3, vm0, $0xb8;
	[tilespmem:$0xC100] =	vst v63  }
0x24a: {  	_ = 	snop  }
0x24b: {  	[tilespmem:s13], [sflag:$0x3] =	stream.indirect_vreg.gather [hbm4b:s8+s25], $0x80, v3, vm0, $0xb8;
	[tilespmem:$0xC100] =	vst v63  }
0x24c: {  	v3 =	vld [tilespmem:$0xB0];
	_ =	sdelay $0x4  }
0x24d: {  	v4 =	vshrl.u32 v3, $0x3  }
0x24e: {  	v4 =	vmul.u32 $0x30, v4  }
0x24f: {  	v3 =	vand.u32 $0x7, v3  }
0x250: {  	v3 =	vor.u32 v3, v4  }
0x251: {  	v4 =	vperm.xlane v3, v0;
	_ =	sdelay $0x1  }
0x252: {  	v4 =	vadd.s32 v1, v4;
	_ =	sdelay $0x3  }
0x253: {  	v3 =	vperm.xlane v3, v2  }
0x254: {  	[tilespmem:s16], [sflag:$0x3] =	stream.indirect_vreg.gather [hbm4b:s3+s25], $0x80, v4, vm0, $0xb8;
	[tilespmem:$0xC100] =	vst v63  }
0x255: {  	v3 =	vadd.s32 v1, v3  }
0x256: {  	[tilespmem:s17], [sflag:$0x3] =	stream.indirect_vreg.gather [hbm4b:s6+s25], $0x80, v4, vm0, $0xb8;
	[tilespmem:$0xC100] =	vst v63  }
0x257: {  	_ = 	snop  }
0x258: {  	[tilespmem:s18], [sflag:$0x3] =	stream.indirect_vreg.gather [hbm4b:s8+s25], $0x80, v4, vm0, $0xb8;
	[tilespmem:$0xC100] =	vst v63  }
0x259: {  	s26 =	simm.s32 $0x0  }
0x25a: {  	[tilespmem:s19], [sflag:$0x3] =	stream.indirect_vreg.gather [hbm4b:s3+s25], $0x80, v3, vm0, $0xb8;
	[tilespmem:$0xC100] =	vst v63  }
0x25b: {  	s0 =	smul.u32 $0x1800, s26;
	s31 =	sand.u32 $0x380, s25  }
0x25c: {  	[tilespmem:s20], [sflag:$0x3] =	stream.indirect_vreg.gather [hbm4b:s6+s25], $0x80, v3, vm0, $0xb8;
	[tilespmem:$0xC100] =	vst v63  }
0x25d: {  	s26 =	sor.u32 s31, s0  }
0x25e: {  	[tilespmem:s21], [sflag:$0x3] =	stream.indirect_vreg.gather [hbm4b:s8+s25], $0x80, v3, vm0, $0xb8;
	[tilespmem:$0xC100] =	vst v63  }
0x25f: {  	v12 =	vld [tilespmem:s26+$0x3100]  }
0x260: {  	v13 =	vld [tilespmem:s26+$0x3110]  }
0x261: {  	v14 =	vld [tilespmem:s26+$0x3120]  }
0x262: {  	v15 =	vld [tilespmem:s26+$0x3130]  }
0x263: {  	v16 =	vld [tilespmem:s26+$0x3140]  }
0x264: {  	v17 =	vld [tilespmem:s26+$0x3150]  }
0x265: {  	v18 =	vld [tilespmem:s26+$0x3160]  }
0x266: {  	v19 =	vld [tilespmem:s26+$0x3170]  }
0x267: {  	v20 =	vld [tilespmem:s26+$0x3500]  }
0x268: {  	v21 =	vld [tilespmem:s26+$0x3510]  }
0x269: {  	v22 =	vld [tilespmem:s26+$0x3520]  }
0x26a: {  	v23 =	vld [tilespmem:s26+$0x3530]  }
0x26b: {  	v24 =	vld [tilespmem:s26+$0x3540]  }
0x26c: {  	v25 =	vld [tilespmem:s26+$0x3550]  }
0x26d: {  	v26 =	vld [tilespmem:s26+$0x3560]  }
0x26e: {  	v27 =	vld [tilespmem:s26+$0x3570]  }
0x26f: {  	v28 =	vld [tilespmem:s26+$0x3900]  }
0x270: {  	v29 =	vld [tilespmem:s26+$0x3910]  }
0x271: {  	v30 =	vld [tilespmem:s26+$0x3920]  }
0x272: {  	v31 =	vld [tilespmem:s26+$0x3930]  }
0x273: {  	v32 =	vld [tilespmem:s26+$0x3940]  }
0x274: {  	v33 =	vld [tilespmem:s26+$0x3950]  }
0x275: {  	v34 =	vld [tilespmem:s26+$0x3960]  }
0x276: {  	v35 =	vld [tilespmem:s26+$0x3970]  }
0x277: {  	v36 =	vld [tilespmem:s26+$0x3D00]  }
0x278: {  	v37 =	vld [tilespmem:s26+$0x3D10]  }
0x279: {  	v38 =	vld [tilespmem:s26+$0x3D20]  }
0x27a: {  	v39 =	vld [tilespmem:s26+$0x3D30]  }
0x27b: {  	v40 =	vld [tilespmem:s26+$0x3D40]  }
0x27c: {  	v41 =	vld [tilespmem:s26+$0x3D50]  }
0x27d: {  	v42 =	vld [tilespmem:s26+$0x3D60]  }
0x27e: {  	v43 =	vld [tilespmem:s26+$0x3D70]  }
0x27f: {  	v44 =	vld [tilespmem:s26+$0x4100]  }
0x280: {  	v45 =	vld [tilespmem:s26+$0x4110]  }
0x281: {  	v46 =	vld [tilespmem:s26+$0x4120]  }
0x282: {  	v47 =	vld [tilespmem:s26+$0x4130]  }
0x283: {  	v48 =	vld [tilespmem:s26+$0x4140]  }
0x284: {  	v49 =	vld [tilespmem:s26+$0x4150]  }
0x285: {  	v50 =	vld [tilespmem:s26+$0x4160]  }
0x286: {  	v11 =	vld [tilespmem:s26+$0x4170]  }
0x287: {  	v10 =	vld [tilespmem:s26+$0x4500]  }
0x288: {  	v9 =	vld [tilespmem:s26+$0x4510]  }
0x289: {  	v8 =	vld [tilespmem:s26+$0x4520]  }
0x28a: {  	v7 =	vld [tilespmem:s26+$0x4530]  }
0x28b: {  	v6 =	vld [tilespmem:s26+$0x4540]  }
0x28c: {  	v51 =	vld [tilespmem:s26+$0x100]  }
0x28d: {  	v52 =	vld [tilespmem:s26+$0x110]  }
0x28e: {  	v53 =	vld [tilespmem:s26+$0x120]  }
0x28f: {  	v54 =	vld [tilespmem:s26+$0x130]  }
0x290: {  	v55 =	vld [tilespmem:s26+$0x140]  }
0x291: {  	v62 =	vld [tilespmem:s26+$0x150];
	v12 =	vadd.f32 v12, v51  }
0x292: {  	v63 =	vld [tilespmem:s26+$0x160];
	v13 =	vadd.f32 v13, v52  }
0x293: {  	[tilespmem:s26+$0x100] =	vst v12;
	v12 =	vadd.f32 v14, v53;
	v14 =	vld [tilespmem:s26+$0x170]  }
0x294: {  	[tilespmem:s26+$0x110] =	vst v13;
	v13 =	vadd.f32 v15, v54;
	v15 =	vld [tilespmem:s26+$0x500]  }
0x295: {  	[tilespmem:s26+$0x120] =	vst v12;
	v12 =	vadd.f32 v16, v55;
	v16 =	vld [tilespmem:s26+$0x510]  }
0x296: {  	[tilespmem:s26+$0x130] =	vst v13;
	v13 =	vadd.f32 v17, v62;
	v17 =	vld [tilespmem:s26+$0x520]  }
0x297: {  	v5 =	vld [tilespmem:s26+$0x4550]  }
0x298: {  	[tilespmem:s26+$0x140] =	vst v12;
	v12 =	vadd.f32 v18, v63;
	v18 =	vld [tilespmem:s26+$0x570]  }
0x299: {  	[tilespmem:s26+$0x150] =	vst v13;
	v13 =	vadd.f32 v19, v14;
	v14 =	vld [tilespmem:s26+$0x530]  }
0x29a: {  	[tilespmem:s26+$0x160] =	vst v12;
	v12 =	vadd.f32 v20, v15;
	v15 =	vld [tilespmem:s26+$0x540]  }
0x29b: {  	[tilespmem:s26+$0x170] =	vst v13;
	v13 =	vadd.f32 v21, v16;
	v16 =	vadd.f32 v22, v17;
	v17 =	vld [tilespmem:s26+$0x560]  }
0x29c: {  	[tilespmem:s26+$0x500] =	vst v12;
	v12 =	vld [tilespmem:s26+$0x550]  }
0x29d: {  	[tilespmem:s26+$0x510] =	vst v13;
	v13 =	vld [tilespmem:s26+$0x900];
	v18 =	vadd.f32 v27, v18  }
0x29e: {  	[tilespmem:s26+$0x520] =	vst v16;
	v16 =	vld [tilespmem:s26+$0x910];
	v14 =	vadd.f32 v23, v14  }
0x29f: {  	v4 =	vld [tilespmem:s26+$0x4560];
	v15 =	vadd.f32 v24, v15;
	[tilespmem:s26+$0x570] =	vst v18  }
0x2a0: {  	[tilespmem:s26+$0x530] =	vst v14;
	v14 =	vld [tilespmem:s26+$0x920];
	v17 =	vadd.f32 v26, v17  }
0x2a1: {  	v12 =	vadd.f32 v25, v12;
	[tilespmem:s26+$0x540] =	vst v15;
	v15 =	vld [tilespmem:s26+$0x930]  }
0x2a2: {  	v18 =	vld [tilespmem:s26+$0x970];
	[tilespmem:s26+$0x560] =	vst v17;
	v13 =	vadd.f32 v28, v13  }
0x2a3: {  	v16 =	vadd.f32 v29, v16;
	[tilespmem:s26+$0x550] =	vst v12;
	v12 =	vld [tilespmem:s26+$0x940]  }
0x2a4: {  	v17 =	vld [tilespmem:s26+$0x950];
	[tilespmem:s26+$0x900] =	vst v13  }
0x2a5: {  	[tilespmem:s26+$0x910] =	vst v16;
	v16 =	vld [tilespmem:s26+$0x960];
	v13 =	vadd.f32 v30, v14  }
0x2a6: {  	v14 =	vld [tilespmem:s26+$0xD00];
	v15 =	vadd.f32 v31, v15  }
0x2a7: {  	[tilespmem:s26+$0x920] =	vst v13;
	v13 =	vld [tilespmem:s26+$0xD10]  }
0x2a8: {  	v12 =	vadd.f32 v32, v12;
	[tilespmem:s26+$0x930] =	vst v15;
	v15 =	vld [tilespmem:s26+$0xD20]  }
0x2a9: {  	v3 =	vld [tilespmem:s26+$0x4570];
	v17 =	vadd.f32 v33, v17  }
0x2aa: {  	v16 =	vadd.f32 v34, v16;
	[tilespmem:s26+$0x940] =	vst v12;
	v12 =	vld [tilespmem:s26+$0xD30]  }
0x2ab: {  	[tilespmem:s26+$0x950] =	vst v17;
	v17 =	vld [tilespmem:s26+$0xD40];
	v14 =	vadd.f32 v36, v14  }
0x2ac: {  	v18 =	vadd.f32 v35, v18;
	[tilespmem:s26+$0x960] =	vst v16;
	v16 =	vld [tilespmem:s26+$0xD50]  }
0x2ad: {  	v13 =	vadd.f32 v37, v13;
	[tilespmem:s26+$0xD00] =	vst v14;
	v14 =	vadd.f32 v38, v15;
	v15 =	vld [tilespmem:s26+$0xD60]  }
0x2ae: {  	[tilespmem:s26+$0x970] =	vst v18;
	v18 =	vld [tilespmem:s26+$0xD70]  }
0x2af: {  	[tilespmem:s26+$0xD10] =	vst v13;
	v13 =	vld [tilespmem:s26+$0x1100];
	v12 =	vadd.f32 v39, v12  }
0x2b0: {  	v17 =	vadd.f32 v40, v17;
	[tilespmem:s26+$0xD20] =	vst v14;
	v14 =	vld [tilespmem:s26+$0x1110]  }
0x2b1: {  	v16 =	vadd.f32 v41, v16;
	[tilespmem:s26+$0xD30] =	vst v12;
	v12 =	vld [tilespmem:s26+$0x1120]  }
0x2b2: {  	[tilespmem:s26+$0xD40] =	vst v17;
	v17 =	vld [tilespmem:s26+$0x1130];
	v15 =	vadd.f32 v42, v15  }
0x2b3: {  	v19 =	vld [tilespmem:s26+$0x1140];
	[tilespmem:s26+$0xD50] =	vst v16;
	v16 =	vadd.f32 v43, v18  }
0x2b4: {  	v18 =	vld [tilespmem:s26+$0x1150];
	v13 =	vadd.f32 v44, v13;
	[tilespmem:s26+$0xD60] =	vst v15  }
0x2b5: {  	v20 =	vld [tilespmem:s26+$0x1160];
	[tilespmem:s26+$0xD70] =	vst v16;
	v14 =	vadd.f32 v45, v14  }
0x2b6: {  	v16 =	vld [tilespmem:s26+$0x1170];
	[tilespmem:s26+$0x1100] =	vst v13;
	v12 =	vadd.f32 v46, v12  }
0x2b7: {  	v15 =	vld [tilespmem:s26+$0x1500];
	v13 =	vadd.f32 v47, v17;
	[tilespmem:s26+$0x1110] =	vst v14  }
0x2b8: {  	v14 =	vld [tilespmem:s26+$0x1510];
	[tilespmem:s26+$0x1120] =	vst v12;
	v12 =	vadd.f32 v48, v19  }
0x2b9: {  	[tilespmem:s26+$0x1130] =	vst v13;
	v13 =	vld [tilespmem:s26+$0x1520];
	v18 =	vadd.f32 v49, v18  }
0x2ba: {  	s30 =	simm.s32 $0x1;
	v17 =	vadd.f32 v50, v20;
	[tilespmem:s26+$0x1140] =	vst v12;
	v12 =	vld [tilespmem:s26+$0x1530]  }
.LBB2_6:
0x2bb: {  	s0 =	sshrl.u32 s30, $0x3;
	p0 =	sne.s32 s30, $0xF;
	[tilespmem:s26+$0x1150] =	vst v18;
	v11 =	vadd.f32 v11, v16;
	v16 =	vld [tilespmem:s26+$0x1540]  }
0x2bc: {  	s25 =	sadd.s32 $0x80, s25;
	s0 =	smul.u32 $0x1800, s0;
	[tilespmem:s26+$0x1160] =	vst v17;
	v10 =	vadd.f32 v10, v15;
	v15 =	vld [tilespmem:s26+$0x1550]  }
0x2bd: {  	s31 =	sand.u32 $0x380, s25;
	[tilespmem:s26+$0x1170] =	vst v11;
	v9 =	vadd.f32 v9, v14;
	v11 =	vld [tilespmem:s26+$0x1560]  }
0x2be: {  	s0 =	sor.u32 s31, s0;
	[tilespmem:s26+$0x1500] =	vst v10;
	v8 =	vadd.f32 v8, v13;
	v10 =	vld [tilespmem:s26+$0x1570]  }
0x2bf: {  	v39 =	vld [tilespmem:s0+$0x3100];
	[tilespmem:s26+$0x1510] =	vst v9;
	v7 =	vadd.f32 v7, v12  }
0x2c0: {  	v40 =	vld [tilespmem:s0+$0x3110];
	[tilespmem:s26+$0x1520] =	vst v8;
	v6 =	vadd.f32 v6, v16  }
0x2c1: {  	v41 =	vld [tilespmem:s0+$0x3120];
	[tilespmem:s26+$0x1530] =	vst v7;
	v5 =	vadd.f32 v5, v15  }
0x2c2: {  	v42 =	vld [tilespmem:s0+$0x3130];
	[tilespmem:s26+$0x1540] =	vst v6;
	v4 =	vadd.f32 v4, v11  }
0x2c3: {  	v43 =	vld [tilespmem:s0+$0x3140];
	[tilespmem:s26+$0x1550] =	vst v5;
	v3 =	vadd.f32 v3, v10  }
0x2c4: {  	v44 =	vld [tilespmem:s0+$0x3150];
	[tilespmem:s26+$0x1560] =	vst v4  }
0x2c5: {  	v45 =	vld [tilespmem:s0+$0x3160];
	[tilespmem:s26+$0x1570] =	vst v3;
	s26 =	smov.u32 s0  }
0x2c6: {  	v46 =	vld [tilespmem:s26+$0x3170]  }
0x2c7: {  	v47 =	vld [tilespmem:s26+$0x3500]  }
0x2c8: {  	v48 =	vld [tilespmem:s26+$0x3510]  }
0x2c9: {  	v49 =	vld [tilespmem:s26+$0x3520]  }
0x2ca: {  	v50 =	vld [tilespmem:s26+$0x3530]  }
0x2cb: {  	v38 =	vld [tilespmem:s26+$0x3540]  }
0x2cc: {  	v37 =	vld [tilespmem:s26+$0x3550]  }
0x2cd: {  	v36 =	vld [tilespmem:s26+$0x3560]  }
0x2ce: {  	v35 =	vld [tilespmem:s26+$0x3570]  }
0x2cf: {  	v34 =	vld [tilespmem:s26+$0x3900]  }
0x2d0: {  	v33 =	vld [tilespmem:s26+$0x3910]  }
0x2d1: {  	v32 =	vld [tilespmem:s26+$0x3920]  }
0x2d2: {  	v31 =	vld [tilespmem:s26+$0x3930]  }
0x2d3: {  	v30 =	vld [tilespmem:s26+$0x3940]  }
0x2d4: {  	v29 =	vld [tilespmem:s26+$0x3950]  }
0x2d5: {  	v28 =	vld [tilespmem:s26+$0x3960]  }
0x2d6: {  	v27 =	vld [tilespmem:s26+$0x3970]  }
0x2d7: {  	v26 =	vld [tilespmem:s26+$0x3D00]  }
0x2d8: {  	v25 =	vld [tilespmem:s26+$0x3D10]  }
0x2d9: {  	v24 =	vld [tilespmem:s26+$0x3D20]  }
0x2da: {  	v23 =	vld [tilespmem:s26+$0x3D30]  }
0x2db: {  	v22 =	vld [tilespmem:s26+$0x3D40]  }
0x2dc: {  	v21 =	vld [tilespmem:s26+$0x3D50]  }
0x2dd: {  	v20 =	vld [tilespmem:s26+$0x3D60]  }
0x2de: {  	v19 =	vld [tilespmem:s26+$0x3D70]  }
0x2df: {  	v18 =	vld [tilespmem:s26+$0x4100]  }
0x2e0: {  	v17 =	vld [tilespmem:s26+$0x4110]  }
0x2e1: {  	v16 =	vld [tilespmem:s26+$0x4120]  }
0x2e2: {  	v15 =	vld [tilespmem:s26+$0x4130]  }
0x2e3: {  	v14 =	vld [tilespmem:s26+$0x4140]  }
0x2e4: {  	v13 =	vld [tilespmem:s26+$0x4150]  }
0x2e5: {  	v12 =	vld [tilespmem:s26+$0x4160]  }
0x2e6: {  	v11 =	vld [tilespmem:s26+$0x4170]  }
0x2e7: {  	v10 =	vld [tilespmem:s26+$0x4500]  }
0x2e8: {  	v9 =	vld [tilespmem:s26+$0x4510]  }
0x2e9: {  	v8 =	vld [tilespmem:s26+$0x4520]  }
0x2ea: {  	v7 =	vld [tilespmem:s26+$0x4530]  }
0x2eb: {  	v6 =	vld [tilespmem:s26+$0x4540]  }
0x2ec: {  	v5 =	vld [tilespmem:s26+$0x4550]  }
0x2ed: {  	v4 =	vld [tilespmem:s26+$0x4560]  }
0x2ee: {  	v3 =	vld [tilespmem:s26+$0x4570]  }
0x2ef: {  	v51 =	vld [tilespmem:s26+$0x100]  }
0x2f0: {  	v52 =	vld [tilespmem:s26+$0x110]  }
0x2f1: {  	v53 =	vld [tilespmem:s26+$0x120]  }
0x2f2: {  	v54 =	vld [tilespmem:s26+$0x130]  }
0x2f3: {  	v55 =	vld [tilespmem:s26+$0x140]  }
0x2f4: {  	v39 =	vadd.f32 v39, v51;
	v51 =	vld [tilespmem:s26+$0x150]  }
0x2f5: {  	v40 =	vadd.f32 v40, v52;
	v52 =	vld [tilespmem:s26+$0x160]  }
0x2f6: {  	[tilespmem:s26+$0x100] =	vst v39;
	v39 =	vadd.f32 v41, v53;
	v41 =	vld [tilespmem:s26+$0x170]  }
0x2f7: {  	[tilespmem:s26+$0x110] =	vst v40;
	v40 =	vadd.f32 v42, v54;
	v42 =	vld [tilespmem:s26+$0x500]  }
0x2f8: {  	[tilespmem:s26+$0x120] =	vst v39;
	v39 =	vadd.f32 v43, v55;
	v43 =	vld [tilespmem:s26+$0x510]  }
0x2f9: {  	[tilespmem:s26+$0x130] =	vst v40;
	v40 =	vadd.f32 v44, v51;
	v44 =	vld [tilespmem:s26+$0x520]  }
0x2fa: {  	[tilespmem:s26+$0x140] =	vst v39;
	v39 =	vadd.f32 v45, v52;
	v45 =	vld [tilespmem:s26+$0x530]  }
0x2fb: {  	[tilespmem:s26+$0x150] =	vst v40;
	v40 =	vadd.f32 v46, v41;
	v41 =	vld [tilespmem:s26+$0x540]  }
0x2fc: {  	[tilespmem:s26+$0x160] =	vst v39;
	v39 =	vadd.f32 v47, v42;
	v42 =	vld [tilespmem:s26+$0x550]  }
0x2fd: {  	[tilespmem:s26+$0x170] =	vst v40;
	v40 =	vadd.f32 v48, v43;
	v43 =	vld [tilespmem:s26+$0x560]  }
0x2fe: {  	[tilespmem:s26+$0x500] =	vst v39;
	v39 =	vadd.f32 v49, v44;
	v44 =	vld [tilespmem:s26+$0x570]  }
0x2ff: {  	[tilespmem:s26+$0x510] =	vst v40;
	v40 =	vadd.f32 v50, v45;
	v45 =	vld [tilespmem:s26+$0x900]  }
0x300: {  	[tilespmem:s26+$0x520] =	vst v39;
	v38 =	vadd.f32 v38, v41;
	v39 =	vld [tilespmem:s26+$0x910]  }
0x301: {  	[tilespmem:s26+$0x530] =	vst v40;
	v37 =	vadd.f32 v37, v42;
	v40 =	vld [tilespmem:s26+$0x920]  }
0x302: {  	[tilespmem:s26+$0x540] =	vst v38;
	v36 =	vadd.f32 v36, v43;
	v38 =	vld [tilespmem:s26+$0x930]  }
0x303: {  	[tilespmem:s26+$0x550] =	vst v37;
	v35 =	vadd.f32 v35, v44;
	v37 =	vld [tilespmem:s26+$0x940]  }
0x304: {  	[tilespmem:s26+$0x560] =	vst v36;
	v34 =	vadd.f32 v34, v45;
	v36 =	vld [tilespmem:s26+$0x950]  }
0x305: {  	[tilespmem:s26+$0x570] =	vst v35;
	v33 =	vadd.f32 v33, v39;
	v35 =	vld [tilespmem:s26+$0x960]  }
0x306: {  	[tilespmem:s26+$0x900] =	vst v34;
	v32 =	vadd.f32 v32, v40;
	v34 =	vld [tilespmem:s26+$0x970]  }
0x307: {  	[tilespmem:s26+$0x910] =	vst v33;
	v31 =	vadd.f32 v31, v38;
	v33 =	vld [tilespmem:s26+$0xD00]  }
0x308: {  	[tilespmem:s26+$0x920] =	vst v32;
	v30 =	vadd.f32 v30, v37;
	v32 =	vld [tilespmem:s26+$0xD10]  }
0x309: {  	[tilespmem:s26+$0x930] =	vst v31;
	v29 =	vadd.f32 v29, v36;
	v31 =	vld [tilespmem:s26+$0xD20]  }
0x30a: {  	[tilespmem:s26+$0x940] =	vst v30;
	v28 =	vadd.f32 v28, v35;
	v30 =	vld [tilespmem:s26+$0xD30]  }
0x30b: {  	[tilespmem:s26+$0x950] =	vst v29;
	v27 =	vadd.f32 v27, v34;
	v29 =	vld [tilespmem:s26+$0xD40]  }
0x30c: {  	[tilespmem:s26+$0x960] =	vst v28;
	v26 =	vadd.f32 v26, v33;
	v28 =	vld [tilespmem:s26+$0xD50]  }
0x30d: {  	[tilespmem:s26+$0x970] =	vst v27;
	v25 =	vadd.f32 v25, v32;
	v27 =	vld [tilespmem:s26+$0xD60]  }
0x30e: {  	[tilespmem:s26+$0xD00] =	vst v26;
	v24 =	vadd.f32 v24, v31;
	v26 =	vld [tilespmem:s26+$0xD70]  }
0x30f: {  	[tilespmem:s26+$0xD10] =	vst v25;
	v23 =	vadd.f32 v23, v30;
	v25 =	vld [tilespmem:s26+$0x1100]  }
0x310: {  	[tilespmem:s26+$0xD20] =	vst v24;
	v22 =	vadd.f32 v22, v29;
	v24 =	vld [tilespmem:s26+$0x1110]  }
0x311: {  	[tilespmem:s26+$0xD30] =	vst v23;
	v21 =	vadd.f32 v21, v28;
	v23 =	vld [tilespmem:s26+$0x1120]  }
0x312: {  	[tilespmem:s26+$0xD40] =	vst v22;
	v20 =	vadd.f32 v20, v27;
	v22 =	vld [tilespmem:s26+$0x1130]  }
0x313: {  	[tilespmem:s26+$0xD50] =	vst v21;
	v19 =	vadd.f32 v19, v26;
	v21 =	vld [tilespmem:s26+$0x1140]  }
0x314: {  	[tilespmem:s26+$0xD60] =	vst v20;
	v18 =	vadd.f32 v18, v25;
	v20 =	vld [tilespmem:s26+$0x1150]  }
0x315: {  	[tilespmem:s26+$0xD70] =	vst v19;
	v17 =	vadd.f32 v17, v24;
	v19 =	vld [tilespmem:s26+$0x1160]  }
.Ltmp2:
0x316: {  	[tilespmem:s26+$0x1100] =	vst v18;
	v18 =	vadd.f32 v16, v23;
	v16 =	vld [tilespmem:s26+$0x1170];
	(pc) =	sbr.rel @p0 .LBB2_6-.Ltmp2, $4  }
0x317: {  	[tilespmem:s26+$0x1110] =	vst v17;
	v17 =	vadd.f32 v15, v22;
	v15 =	vld [tilespmem:s26+$0x1500]  }
0x318: {  	[tilespmem:s26+$0x1120] =	vst v18;
	v21 =	vadd.f32 v14, v21;
	v14 =	vld [tilespmem:s26+$0x1510]  }
0x319: {  	[tilespmem:s26+$0x1130] =	vst v17;
	v18 =	vadd.f32 v13, v20;
	v13 =	vld [tilespmem:s26+$0x1520]  }
0x31a: {  	s30 =	sadd.s32 $0x1, s30;
	[tilespmem:s26+$0x1140] =	vst v21;
	v17 =	vadd.f32 v12, v19;
	v12 =	vld [tilespmem:s26+$0x1530]  }
0x31b: {  	[tilespmem:s26+$0x1150] =	vst v18;
	v18 =	vld [tilespmem:s26+$0x1540];
	v11 =	vadd.f32 v11, v16  }
0x31c: {  	v16 =	vld [tilespmem:s26+$0x1550];
	[tilespmem:s26+$0x1160] =	vst v17;
	v10 =	vadd.f32 v10, v15  }
0x31d: {  	[tilespmem:s26+$0x1170] =	vst v11;
	v9 =	vadd.f32 v9, v14;
	v11 =	vld [tilespmem:s26+$0x1560]  }
0x31e: {  	[tilespmem:s26+$0x1500] =	vst v10;
	v8 =	vadd.f32 v8, v13;
	v10 =	vld [tilespmem:s26+$0x1570]  }
0x31f: {  	[tilespmem:s26+$0x1510] =	vst v9;
	v7 =	vadd.f32 v7, v12  }
0x320: {  	[tilespmem:s26+$0x1520] =	vst v8;
	v6 =	vadd.f32 v6, v18  }
0x321: {  	v5 =	vadd.f32 v5, v16;
	[tilespmem:s26+$0x1530] =	vst v7  }
0x322: {  	[tilespmem:s26+$0x1540] =	vst v6;
	v4 =	vadd.f32 v4, v11  }
0x323: {  	[tilespmem:s26+$0x1550] =	vst v5;
	v3 =	vadd.f32 v3, v10  }
0x324: {  	[tilespmem:s26+$0x1560] =	vst v4  }
0x325: {  	[tilespmem:s26+$0x1570] =	vst v3;
	s26 =	simm.s32 $0x0  }
0x326: {  	[hbm4b:s10+s26] =	stream.linear.scatter [tilespmem:s15], [sflag:$0x4], $0x3000, $0x38;
	[tilespmem:$0xC100] =	vst v63  }
0x327: {  	_ =	swait.ge [sflag:s22], $0x3000  }
0x328: {  	[sflag:s22] =	ssyncset.done $0x0  }
0x329: {  	s0 =	simm.s32 $0x0;
	[sflag:s22] =	ssyncadd.s32 $0xFFFFD000  }
0x32a: {  	s0 =	smul.u32 $0x1800, s0;
	_ =	swait.ge [sflag:s22], $0x3000  }
0x32b: {  	s25 =	sand.u32 $0x380, s26;
	[sflag:s22] =	ssyncset.done $0x0  }
0x32c: {  	s25 =	sor.u32 s25, s0;
	[sflag:s22] =	ssyncadd.s32 $0xFFFFD000  }
0x32d: {  	v12 =	vld [tilespmem:s25+$0x9100]  }
0x32e: {  	v13 =	vld [tilespmem:s25+$0x9110]  }
0x32f: {  	v14 =	vld [tilespmem:s25+$0x9120]  }
0x330: {  	v15 =	vld [tilespmem:s25+$0x9130]  }
0x331: {  	v16 =	vld [tilespmem:s25+$0x9140]  }
0x332: {  	v17 =	vld [tilespmem:s25+$0x9150]  }
0x333: {  	v18 =	vld [tilespmem:s25+$0x9160]  }
0x334: {  	v19 =	vld [tilespmem:s25+$0x9170]  }
0x335: {  	v20 =	vld [tilespmem:s25+$0x9500]  }
0x336: {  	v21 =	vld [tilespmem:s25+$0x9510]  }
0x337: {  	v22 =	vld [tilespmem:s25+$0x9520]  }
0x338: {  	v23 =	vld [tilespmem:s25+$0x9530]  }
0x339: {  	v24 =	vld [tilespmem:s25+$0x9540]  }
0x33a: {  	v25 =	vld [tilespmem:s25+$0x9550]  }
0x33b: {  	v26 =	vld [tilespmem:s25+$0x9560]  }
0x33c: {  	v27 =	vld [tilespmem:s25+$0x9570]  }
0x33d: {  	v28 =	vld [tilespmem:s25+$0x9900]  }
0x33e: {  	v29 =	vld [tilespmem:s25+$0x9910]  }
0x33f: {  	v30 =	vld [tilespmem:s25+$0x9920]  }
0x340: {  	v31 =	vld [tilespmem:s25+$0x9930]  }
0x341: {  	v32 =	vld [tilespmem:s25+$0x9940]  }
0x342: {  	v33 =	vld [tilespmem:s25+$0x9950]  }
0x343: {  	v34 =	vld [tilespmem:s25+$0x9960]  }
0x344: {  	v35 =	vld [tilespmem:s25+$0x9970]  }
0x345: {  	v36 =	vld [tilespmem:s25+$0x9D00]  }
0x346: {  	v37 =	vld [tilespmem:s25+$0x9D10]  }
0x347: {  	v38 =	vld [tilespmem:s25+$0x9D20]  }
0x348: {  	v39 =	vld [tilespmem:s25+$0x9D30]  }
0x349: {  	v40 =	vld [tilespmem:s25+$0x9D40]  }
0x34a: {  	v41 =	vld [tilespmem:s25+$0x9D50]  }
0x34b: {  	v42 =	vld [tilespmem:s25+$0x9D60]  }
0x34c: {  	v43 =	vld [tilespmem:s25+$0x9D70]  }
0x34d: {  	v44 =	vld [tilespmem:s25+$0xA100]  }
0x34e: {  	v45 =	vld [tilespmem:s25+$0xA110]  }
0x34f: {  	v46 =	vld [tilespmem:s25+$0xA120]  }
0x350: {  	v47 =	vld [tilespmem:s25+$0xA130]  }
0x351: {  	v48 =	vld [tilespmem:s25+$0xA140]  }
0x352: {  	v49 =	vld [tilespmem:s25+$0xA150]  }
0x353: {  	v50 =	vld [tilespmem:s25+$0xA160]  }
0x354: {  	v11 =	vld [tilespmem:s25+$0xA170]  }
0x355: {  	v10 =	vld [tilespmem:s25+$0xA500]  }
0x356: {  	v9 =	vld [tilespmem:s25+$0xA510]  }
0x357: {  	v8 =	vld [tilespmem:s25+$0xA520]  }
0x358: {  	v7 =	vld [tilespmem:s25+$0xA530]  }
0x359: {  	v6 =	vld [tilespmem:s25+$0xA540]  }
0x35a: {  	v51 =	vld [tilespmem:s25+$0x6100]  }
0x35b: {  	v52 =	vld [tilespmem:s25+$0x6110]  }
0x35c: {  	v53 =	vld [tilespmem:s25+$0x6120]  }
0x35d: {  	v54 =	vld [tilespmem:s25+$0x6130]  }
0x35e: {  	v55 =	vld [tilespmem:s25+$0x6140]  }
0x35f: {  	v62 =	vld [tilespmem:s25+$0x6150];
	v12 =	vadd.f32 v12, v51  }
0x360: {  	v63 =	vld [tilespmem:s25+$0x6160];
	v13 =	vadd.f32 v13, v52  }
0x361: {  	[tilespmem:s25+$0x6100] =	vst v12;
	v12 =	vadd.f32 v14, v53;
	v14 =	vld [tilespmem:s25+$0x6170]  }
0x362: {  	[tilespmem:s25+$0x6110] =	vst v13;
	v13 =	vadd.f32 v15, v54;
	v15 =	vld [tilespmem:s25+$0x6500]  }
0x363: {  	[tilespmem:s25+$0x6120] =	vst v12;
	v12 =	vadd.f32 v16, v55;
	v16 =	vld [tilespmem:s25+$0x6510]  }
0x364: {  	[tilespmem:s25+$0x6130] =	vst v13;
	v13 =	vadd.f32 v17, v62;
	v17 =	vld [tilespmem:s25+$0x6520]  }
0x365: {  	v5 =	vld [tilespmem:s25+$0xA550]  }
0x366: {  	[tilespmem:s25+$0x6140] =	vst v12;
	v12 =	vadd.f32 v18, v63;
	v18 =	vld [tilespmem:s25+$0x6570]  }
0x367: {  	[tilespmem:s25+$0x6150] =	vst v13;
	v13 =	vadd.f32 v19, v14;
	v14 =	vld [tilespmem:s25+$0x6530]  }
0x368: {  	[tilespmem:s25+$0x6160] =	vst v12;
	v12 =	vadd.f32 v20, v15;
	v15 =	vld [tilespmem:s25+$0x6540]  }
0x369: {  	[tilespmem:s25+$0x6170] =	vst v13;
	v13 =	vadd.f32 v21, v16;
	v16 =	vadd.f32 v22, v17;
	v17 =	vld [tilespmem:s25+$0x6560]  }
0x36a: {  	[tilespmem:s25+$0x6500] =	vst v12;
	v12 =	vld [tilespmem:s25+$0x6550]  }
0x36b: {  	[tilespmem:s25+$0x6510] =	vst v13;
	v13 =	vld [tilespmem:s25+$0x6900];
	v18 =	vadd.f32 v27, v18  }
0x36c: {  	[tilespmem:s25+$0x6520] =	vst v16;
	v16 =	vld [tilespmem:s25+$0x6910];
	v14 =	vadd.f32 v23, v14  }
0x36d: {  	v4 =	vld [tilespmem:s25+$0xA560];
	v15 =	vadd.f32 v24, v15;
	[tilespmem:s25+$0x6570] =	vst v18  }
0x36e: {  	[tilespmem:s25+$0x6530] =	vst v14;
	v14 =	vld [tilespmem:s25+$0x6920];
	v17 =	vadd.f32 v26, v17  }
0x36f: {  	v12 =	vadd.f32 v25, v12;
	[tilespmem:s25+$0x6540] =	vst v15;
	v15 =	vld [tilespmem:s25+$0x6930]  }
0x370: {  	v18 =	vld [tilespmem:s25+$0x6970];
	[tilespmem:s25+$0x6560] =	vst v17;
	v13 =	vadd.f32 v28, v13  }
0x371: {  	v16 =	vadd.f32 v29, v16;
	[tilespmem:s25+$0x6550] =	vst v12;
	v12 =	vld [tilespmem:s25+$0x6940]  }
0x372: {  	v17 =	vld [tilespmem:s25+$0x6950];
	[tilespmem:s25+$0x6900] =	vst v13  }
0x373: {  	[tilespmem:s25+$0x6910] =	vst v16;
	v16 =	vld [tilespmem:s25+$0x6960];
	v13 =	vadd.f32 v30, v14  }
0x374: {  	v14 =	vld [tilespmem:s25+$0x6D00];
	v15 =	vadd.f32 v31, v15  }
0x375: {  	[tilespmem:s25+$0x6920] =	vst v13;
	v13 =	vld [tilespmem:s25+$0x6D10]  }
0x376: {  	v12 =	vadd.f32 v32, v12;
	[tilespmem:s25+$0x6930] =	vst v15;
	v15 =	vld [tilespmem:s25+$0x6D20]  }
0x377: {  	v3 =	vld [tilespmem:s25+$0xA570];
	v17 =	vadd.f32 v33, v17  }
0x378: {  	v16 =	vadd.f32 v34, v16;
	[tilespmem:s25+$0x6940] =	vst v12;
	v12 =	vld [tilespmem:s25+$0x6D30]  }
0x379: {  	[tilespmem:s25+$0x6950] =	vst v17;
	v17 =	vld [tilespmem:s25+$0x6D40];
	v14 =	vadd.f32 v36, v14  }
0x37a: {  	v18 =	vadd.f32 v35, v18;
	[tilespmem:s25+$0x6960] =	vst v16;
	v16 =	vld [tilespmem:s25+$0x6D50]  }
0x37b: {  	v13 =	vadd.f32 v37, v13;
	[tilespmem:s25+$0x6D00] =	vst v14;
	v14 =	vadd.f32 v38, v15;
	v15 =	vld [tilespmem:s25+$0x6D60]  }
0x37c: {  	[tilespmem:s25+$0x6970] =	vst v18;
	v18 =	vld [tilespmem:s25+$0x6D70]  }
0x37d: {  	[tilespmem:s25+$0x6D10] =	vst v13;
	v13 =	vld [tilespmem:s25+$0x7100];
	v12 =	vadd.f32 v39, v12  }
0x37e: {  	v17 =	vadd.f32 v40, v17;
	[tilespmem:s25+$0x6D20] =	vst v14;
	v14 =	vld [tilespmem:s25+$0x7110]  }
0x37f: {  	v16 =	vadd.f32 v41, v16;
	[tilespmem:s25+$0x6D30] =	vst v12;
	v12 =	vld [tilespmem:s25+$0x7120]  }
0x380: {  	[tilespmem:s25+$0x6D40] =	vst v17;
	v17 =	vld [tilespmem:s25+$0x7130];
	v15 =	vadd.f32 v42, v15  }
0x381: {  	v19 =	vld [tilespmem:s25+$0x7140];
	[tilespmem:s25+$0x6D50] =	vst v16;
	v16 =	vadd.f32 v43, v18  }
0x382: {  	v18 =	vld [tilespmem:s25+$0x7150];
	v13 =	vadd.f32 v44, v13;
	[tilespmem:s25+$0x6D60] =	vst v15  }
0x383: {  	v20 =	vld [tilespmem:s25+$0x7160];
	[tilespmem:s25+$0x6D70] =	vst v16;
	v14 =	vadd.f32 v45, v14  }
0x384: {  	v16 =	vld [tilespmem:s25+$0x7170];
	[tilespmem:s25+$0x7100] =	vst v13;
	v12 =	vadd.f32 v46, v12  }
0x385: {  	v15 =	vld [tilespmem:s25+$0x7500];
	v13 =	vadd.f32 v47, v17;
	[tilespmem:s25+$0x7110] =	vst v14  }
0x386: {  	v14 =	vld [tilespmem:s25+$0x7510];
	[tilespmem:s25+$0x7120] =	vst v12;
	v12 =	vadd.f32 v48, v19  }
0x387: {  	[tilespmem:s25+$0x7130] =	vst v13;
	v13 =	vld [tilespmem:s25+$0x7520];
	v18 =	vadd.f32 v49, v18  }
0x388: {  	s30 =	simm.s32 $0x1;
	v17 =	vadd.f32 v50, v20;
	[tilespmem:s25+$0x7140] =	vst v12;
	v12 =	vld [tilespmem:s25+$0x7530]  }
.LBB2_8:
0x389: {  	s0 =	sshrl.u32 s30, $0x3;
	p0 =	sne.s32 s30, $0xF;
	[tilespmem:s25+$0x7150] =	vst v18;
	v11 =	vadd.f32 v11, v16;
	v16 =	vld [tilespmem:s25+$0x7540]  }
0x38a: {  	s26 =	sadd.s32 $0x80, s26;
	s0 =	smul.u32 $0x1800, s0;
	[tilespmem:s25+$0x7160] =	vst v17;
	v10 =	vadd.f32 v10, v15;
	v15 =	vld [tilespmem:s25+$0x7550]  }
0x38b: {  	s31 =	sand.u32 $0x380, s26;
	[tilespmem:s25+$0x7170] =	vst v11;
	v9 =	vadd.f32 v9, v14;
	v11 =	vld [tilespmem:s25+$0x7560]  }
0x38c: {  	s0 =	sor.u32 s31, s0;
	[tilespmem:s25+$0x7500] =	vst v10;
	v8 =	vadd.f32 v8, v13;
	v10 =	vld [tilespmem:s25+$0x7570]  }
0x38d: {  	v39 =	vld [tilespmem:s0+$0x9100];
	[tilespmem:s25+$0x7510] =	vst v9;
	v7 =	vadd.f32 v7, v12  }
0x38e: {  	v40 =	vld [tilespmem:s0+$0x9110];
	[tilespmem:s25+$0x7520] =	vst v8;
	v6 =	vadd.f32 v6, v16  }
0x38f: {  	v41 =	vld [tilespmem:s0+$0x9120];
	[tilespmem:s25+$0x7530] =	vst v7;
	v5 =	vadd.f32 v5, v15  }
0x390: {  	v42 =	vld [tilespmem:s0+$0x9130];
	[tilespmem:s25+$0x7540] =	vst v6;
	v4 =	vadd.f32 v4, v11  }
0x391: {  	v43 =	vld [tilespmem:s0+$0x9140];
	[tilespmem:s25+$0x7550] =	vst v5;
	v3 =	vadd.f32 v3, v10  }
0x392: {  	v44 =	vld [tilespmem:s0+$0x9150];
	[tilespmem:s25+$0x7560] =	vst v4  }
0x393: {  	v45 =	vld [tilespmem:s0+$0x9160];
	[tilespmem:s25+$0x7570] =	vst v3;
	s25 =	smov.u32 s0  }
0x394: {  	v46 =	vld [tilespmem:s25+$0x9170]  }
0x395: {  	v47 =	vld [tilespmem:s25+$0x9500]  }
0x396: {  	v48 =	vld [tilespmem:s25+$0x9510]  }
0x397: {  	v49 =	vld [tilespmem:s25+$0x9520]  }
0x398: {  	v50 =	vld [tilespmem:s25+$0x9530]  }
0x399: {  	v38 =	vld [tilespmem:s25+$0x9540]  }
0x39a: {  	v37 =	vld [tilespmem:s25+$0x9550]  }
0x39b: {  	v36 =	vld [tilespmem:s25+$0x9560]  }
0x39c: {  	v35 =	vld [tilespmem:s25+$0x9570]  }
0x39d: {  	v34 =	vld [tilespmem:s25+$0x9900]  }
0x39e: {  	v33 =	vld [tilespmem:s25+$0x9910]  }
0x39f: {  	v32 =	vld [tilespmem:s25+$0x9920]  }
0x3a0: {  	v31 =	vld [tilespmem:s25+$0x9930]  }
0x3a1: {  	v30 =	vld [tilespmem:s25+$0x9940]  }
0x3a2: {  	v29 =	vld [tilespmem:s25+$0x9950]  }
0x3a3: {  	v28 =	vld [tilespmem:s25+$0x9960]  }
0x3a4: {  	v27 =	vld [tilespmem:s25+$0x9970]  }
0x3a5: {  	v26 =	vld [tilespmem:s25+$0x9D00]  }
0x3a6: {  	v25 =	vld [tilespmem:s25+$0x9D10]  }
0x3a7: {  	v24 =	vld [tilespmem:s25+$0x9D20]  }
0x3a8: {  	v23 =	vld [tilespmem:s25+$0x9D30]  }
0x3a9: {  	v22 =	vld [tilespmem:s25+$0x9D40]  }
0x3aa: {  	v21 =	vld [tilespmem:s25+$0x9D50]  }
0x3ab: {  	v20 =	vld [tilespmem:s25+$0x9D60]  }
0x3ac: {  	v19 =	vld [tilespmem:s25+$0x9D70]  }
0x3ad: {  	v18 =	vld [tilespmem:s25+$0xA100]  }
0x3ae: {  	v17 =	vld [tilespmem:s25+$0xA110]  }
0x3af: {  	v16 =	vld [tilespmem:s25+$0xA120]  }
0x3b0: {  	v15 =	vld [tilespmem:s25+$0xA130]  }
0x3b1: {  	v14 =	vld [tilespmem:s25+$0xA140]  }
0x3b2: {  	v13 =	vld [tilespmem:s25+$0xA150]  }
0x3b3: {  	v12 =	vld [tilespmem:s25+$0xA160]  }
0x3b4: {  	v11 =	vld [tilespmem:s25+$0xA170]  }
0x3b5: {  	v10 =	vld [tilespmem:s25+$0xA500]  }
0x3b6: {  	v9 =	vld [tilespmem:s25+$0xA510]  }
0x3b7: {  	v8 =	vld [tilespmem:s25+$0xA520]  }
0x3b8: {  	v7 =	vld [tilespmem:s25+$0xA530]  }
0x3b9: {  	v6 =	vld [tilespmem:s25+$0xA540]  }
0x3ba: {  	v5 =	vld [tilespmem:s25+$0xA550]  }
0x3bb: {  	v4 =	vld [tilespmem:s25+$0xA560]  }
0x3bc: {  	v3 =	vld [tilespmem:s25+$0xA570]  }
0x3bd: {  	v51 =	vld [tilespmem:s25+$0x6100]  }
0x3be: {  	v52 =	vld [tilespmem:s25+$0x6110]  }
0x3bf: {  	v53 =	vld [tilespmem:s25+$0x6120]  }
0x3c0: {  	v54 =	vld [tilespmem:s25+$0x6130]  }
0x3c1: {  	v55 =	vld [tilespmem:s25+$0x6140]  }
0x3c2: {  	v39 =	vadd.f32 v39, v51;
	v51 =	vld [tilespmem:s25+$0x6150]  }
0x3c3: {  	v40 =	vadd.f32 v40, v52;
	v52 =	vld [tilespmem:s25+$0x6160]  }
0x3c4: {  	[tilespmem:s25+$0x6100] =	vst v39;
	v39 =	vadd.f32 v41, v53;
	v41 =	vld [tilespmem:s25+$0x6170]  }
0x3c5: {  	[tilespmem:s25+$0x6110] =	vst v40;
	v40 =	vadd.f32 v42, v54;
	v42 =	vld [tilespmem:s25+$0x6500]  }
0x3c6: {  	[tilespmem:s25+$0x6120] =	vst v39;
	v39 =	vadd.f32 v43, v55;
	v43 =	vld [tilespmem:s25+$0x6510]  }
0x3c7: {  	[tilespmem:s25+$0x6130] =	vst v40;
	v40 =	vadd.f32 v44, v51;
	v44 =	vld [tilespmem:s25+$0x6520]  }
0x3c8: {  	[tilespmem:s25+$0x6140] =	vst v39;
	v39 =	vadd.f32 v45, v52;
	v45 =	vld [tilespmem:s25+$0x6530]  }
0x3c9: {  	[tilespmem:s25+$0x6150] =	vst v40;
	v40 =	vadd.f32 v46, v41;
	v41 =	vld [tilespmem:s25+$0x6540]  }
0x3ca: {  	[tilespmem:s25+$0x6160] =	vst v39;
	v39 =	vadd.f32 v47, v42;
	v42 =	vld [tilespmem:s25+$0x6550]  }
0x3cb: {  	[tilespmem:s25+$0x6170] =	vst v40;
	v40 =	vadd.f32 v48, v43;
	v43 =	vld [tilespmem:s25+$0x6560]  }
0x3cc: {  	[tilespmem:s25+$0x6500] =	vst v39;
	v39 =	vadd.f32 v49, v44;
	v44 =	vld [tilespmem:s25+$0x6570]  }
0x3cd: {  	[tilespmem:s25+$0x6510] =	vst v40;
	v40 =	vadd.f32 v50, v45;
	v45 =	vld [tilespmem:s25+$0x6900]  }
0x3ce: {  	[tilespmem:s25+$0x6520] =	vst v39;
	v38 =	vadd.f32 v38, v41;
	v39 =	vld [tilespmem:s25+$0x6910]  }
0x3cf: {  	[tilespmem:s25+$0x6530] =	vst v40;
	v37 =	vadd.f32 v37, v42;
	v40 =	vld [tilespmem:s25+$0x6920]  }
0x3d0: {  	[tilespmem:s25+$0x6540] =	vst v38;
	v36 =	vadd.f32 v36, v43;
	v38 =	vld [tilespmem:s25+$0x6930]  }
0x3d1: {  	[tilespmem:s25+$0x6550] =	vst v37;
	v35 =	vadd.f32 v35, v44;
	v37 =	vld [tilespmem:s25+$0x6940]  }
0x3d2: {  	[tilespmem:s25+$0x6560] =	vst v36;
	v34 =	vadd.f32 v34, v45;
	v36 =	vld [tilespmem:s25+$0x6950]  }
0x3d3: {  	[tilespmem:s25+$0x6570] =	vst v35;
	v33 =	vadd.f32 v33, v39;
	v35 =	vld [tilespmem:s25+$0x6960]  }
0x3d4: {  	[tilespmem:s25+$0x6900] =	vst v34;
	v32 =	vadd.f32 v32, v40;
	v34 =	vld [tilespmem:s25+$0x6970]  }
0x3d5: {  	[tilespmem:s25+$0x6910] =	vst v33;
	v31 =	vadd.f32 v31, v38;
	v33 =	vld [tilespmem:s25+$0x6D00]  }
0x3d6: {  	[tilespmem:s25+$0x6920] =	vst v32;
	v30 =	vadd.f32 v30, v37;
	v32 =	vld [tilespmem:s25+$0x6D10]  }
0x3d7: {  	[tilespmem:s25+$0x6930] =	vst v31;
	v29 =	vadd.f32 v29, v36;
	v31 =	vld [tilespmem:s25+$0x6D20]  }
0x3d8: {  	[tilespmem:s25+$0x6940] =	vst v30;
	v28 =	vadd.f32 v28, v35;
	v30 =	vld [tilespmem:s25+$0x6D30]  }
0x3d9: {  	[tilespmem:s25+$0x6950] =	vst v29;
	v27 =	vadd.f32 v27, v34;
	v29 =	vld [tilespmem:s25+$0x6D40]  }
0x3da: {  	[tilespmem:s25+$0x6960] =	vst v28;
	v26 =	vadd.f32 v26, v33;
	v28 =	vld [tilespmem:s25+$0x6D50]  }
0x3db: {  	[tilespmem:s25+$0x6970] =	vst v27;
	v25 =	vadd.f32 v25, v32;
	v27 =	vld [tilespmem:s25+$0x6D60]  }
0x3dc: {  	[tilespmem:s25+$0x6D00] =	vst v26;
	v24 =	vadd.f32 v24, v31;
	v26 =	vld [tilespmem:s25+$0x6D70]  }
0x3dd: {  	[tilespmem:s25+$0x6D10] =	vst v25;
	v23 =	vadd.f32 v23, v30;
	v25 =	vld [tilespmem:s25+$0x7100]  }
0x3de: {  	[tilespmem:s25+$0x6D20] =	vst v24;
	v22 =	vadd.f32 v22, v29;
	v24 =	vld [tilespmem:s25+$0x7110]  }
0x3df: {  	[tilespmem:s25+$0x6D30] =	vst v23;
	v21 =	vadd.f32 v21, v28;
	v23 =	vld [tilespmem:s25+$0x7120]  }
0x3e0: {  	[tilespmem:s25+$0x6D40] =	vst v22;
	v20 =	vadd.f32 v20, v27;
	v22 =	vld [tilespmem:s25+$0x7130]  }
0x3e1: {  	[tilespmem:s25+$0x6D50] =	vst v21;
	v19 =	vadd.f32 v19, v26;
	v21 =	vld [tilespmem:s25+$0x7140]  }
0x3e2: {  	[tilespmem:s25+$0x6D60] =	vst v20;
	v18 =	vadd.f32 v18, v25;
	v20 =	vld [tilespmem:s25+$0x7150]  }
0x3e3: {  	[tilespmem:s25+$0x6D70] =	vst v19;
	v17 =	vadd.f32 v17, v24;
	v19 =	vld [tilespmem:s25+$0x7160]  }
.Ltmp3:
0x3e4: {  	[tilespmem:s25+$0x7100] =	vst v18;
	v18 =	vadd.f32 v16, v23;
	v16 =	vld [tilespmem:s25+$0x7170];
	(pc) =	sbr.rel @p0 .LBB2_8-.Ltmp3, $4  }
0x3e5: {  	[tilespmem:s25+$0x7110] =	vst v17;
	v17 =	vadd.f32 v15, v22;
	v15 =	vld [tilespmem:s25+$0x7500]  }
0x3e6: {  	[tilespmem:s25+$0x7120] =	vst v18;
	v21 =	vadd.f32 v14, v21;
	v14 =	vld [tilespmem:s25+$0x7510]  }
0x3e7: {  	[tilespmem:s25+$0x7130] =	vst v17;
	v18 =	vadd.f32 v13, v20;
	v13 =	vld [tilespmem:s25+$0x7520]  }
0x3e8: {  	s30 =	sadd.s32 $0x1, s30;
	[tilespmem:s25+$0x7140] =	vst v21;
	v17 =	vadd.f32 v12, v19;
	v12 =	vld [tilespmem:s25+$0x7530]  }
0x3e9: {  	[tilespmem:s25+$0x7150] =	vst v18;
	v60 =	vld [tilespmem:s25+$0x7540];
	v11 =	vadd.f32 v11, v16  }
0x3ea: {  	v61 =	vld [tilespmem:s25+$0x7550];
	[tilespmem:s25+$0x7160] =	vst v17;
	v10 =	vadd.f32 v10, v15  }
0x3eb: {  	v62 =	vld [tilespmem:s25+$0x7560];
	[tilespmem:s25+$0x7170] =	vst v11;
	v9 =	vadd.f32 v9, v14  }
0x3ec: {  	v63 =	vld [tilespmem:s25+$0x7570];
	[tilespmem:s25+$0x7500] =	vst v10;
	v8 =	vadd.f32 v8, v13  }
0x3ed: {  	[tilespmem:s25+$0x7510] =	vst v9;
	v7 =	vadd.f32 v7, v12  }
0x3ee: {  	[tilespmem:s25+$0x7520] =	vst v8;
	v6 =	vadd.f32 v6, v60  }
0x3ef: {  	v5 =	vadd.f32 v5, v61;
	[tilespmem:s25+$0x7530] =	vst v7  }
0x3f0: {  	v4 =	vadd.f32 v4, v62;
	[tilespmem:s25+$0x7540] =	vst v6  }
0x3f1: {  	v3 =	vadd.f32 v3, v63;
	[tilespmem:s25+$0x7550] =	vst v5  }
0x3f2: {  	[tilespmem:s25+$0x7560] =	vst v4  }
0x3f3: {  	s24 =	sadd.s32 $0x1, s24;
	[tilespmem:s25+$0x7570] =	vst v3  }
0x3f4: {  	[hbm4b:s11+s2] =	stream.linear.scatter [tilespmem:s29], [sflag:$0x4], $0x3000, $0x38;
	[tilespmem:$0xC100] =	vst v63  }
0x3f5: {  	p0 =	sne.s32 s24, s12;
	_ =	swait.ge [sflag:s23], $0x3000  }
.Ltmp4:
0x3f6: {  	[sflag:s23] =	ssyncset.done $0x0;
	(pc) =	sbr.rel @p0 .LBB2_1-.Ltmp4, $4  }
0x3f7: {  	[sflag:s23] =	ssyncadd.s32 $0xFFFFD000  }
0x3f8: {  	_ =	swait.ge [sflag:s23], $0x3000  }
0x3f9: {  	[sflag:s23] =	ssyncset.done $0x0  }
0x3fa: {  	[sflag:s23] =	ssyncadd.s32 $0xFFFFD000  }
0x3fb: {  	_ =	sfence.sel $0x180000  }
0x3fc: {  	[bflag:$0x0] =	sbarrier.arrive $0xFFFF  }
0x3fd: {  	_ =	strace $0x9000004A  }
0x3fe: {  	s0 =	stileid.u32;
	[bflag:$0x2] =	sbarrier.arrive $0xFFFF  }
0x3ff: {  	p0 =	sne.s32 s0, $0x0;
	s0 =	rddreg [dreg:$0x2]  }
0x400: {  	s0 =	sadd.s32 @!p0 $0x100000, s0  }
0x401: {  	[sflag:s0] =	ssyncadd.tile.s32 @!p0 $0x1;
	_ =	shalt  }
.Lfunc_end2:
_tile_overlayer_lowered:
.L_overlay_start_2:
0x402: {  	(tag) =	ssettag $0x2  }
0x403: {  	s0 =	rddreg [dreg:$0x0];
	s2 =	stileid.u32  }
0x404: {  	s1 =	rddreg [dreg:$0x1];
	p0 =	sne.s32 s2, $0x0  }
0x405: {  	s3 =	rddreg [dreg:$0x2];
	[bflag:$0x3] =	sbarrier.arrive $0xFFFF;
	s2 =	simm.s32 @!p0 $0x1C05  }
0x406: {  	[timem:s3], [sflag:s2] =	dma.local @!p0 [hbm:s0], s1  }
0x407: {  	s0 =	simm.s32 @!p0 $0x5  }
0x408: {  	_ =	swait.ge @!p0 [sflag:s0], s1  }
0x409: {  	s1 =	ssub.s32 @!p0 $0x0, s1;
	[sflag:s0] =	ssyncset.done @!p0 $0x0  }
0x40a: {  	[sflag:s0] =	ssyncadd.s32 @!p0 s1  }
0x40b: {  	[bflag:$0x3] =	sbarrier.arrive $0xFFFF  }
0x40c: {  	_ =	shalt  }

// kernel: kernel.9.cloned.1.call-start
scs
__scs_entry_jumppad:
0x0: {  	(pc) =	sbr.rel $0x88, $3  }
0x1: {  	(tag) =	ssettag $0x0;
	lr =	simm.s32 $0x1  }
0x2: {  	[smem:$0x3F92] =	sst lr;
	_ =	strace $0xD0000000  }
0x3: {  	_ = 	snop  }
0x4: {  	_ = 	snop  }
0x5: {  	_ = 	snop  }
0x6: {  	_ = 	snop  }
0x7: {  	_ = 	snop  }
__scs_overlays_trampoline_lowered:
0x8: {  	[smem:$0x3FA1] =	sst s0  }
0x9: {  	[smem:$0x3FA2] =	sst s1  }
0xa: {  	[smem:$0x3FA3] =	sst s2  }
0xb: {  	[smem:$0x3FA4] =	sst s3  }
0xc: {  	[smem:$0x3FA5] =	sst s4  }
0xd: {  	[smem:$0x3FA6] =	sst s5  }
0xe: {  	[smem:$0x3FA7] =	sst s6  }
0xf: {  	[smem:$0x3FA8] =	sst s7  }
0x10: {  	[smem:$0x3FA9] =	sst s8  }
0x11: {  	[smem:$0x3FAA] =	sst s9;
	s0 =	simm.s32 @!p0 $0x0  }
0x12: {  	s1 =	sld [smem:$0x3F90];
	s0 =	simm.s32 @p0 $0x1  }
0x13: {  	[smem:$0x3FAB] =	sst s0;
	s0 =	simm.s32 @!p1 $0x0  }
0x14: {  	s2 =	sld [smem:$0x3F8F];
	s0 =	simm.s32 @p1 $0x1  }
0x15: {  	[smem:$0x3FAC] =	sst s0;
	s0 =	simm.s32 @!p2 $0x0  }
0x16: {  	s3 =	sld [smem:$0x3FDB];
	s0 =	simm.s32 @p2 $0x1  }
0x17: {  	s4 =	simm.s32 $0x1BF5;
	[smem:$0x3FAE] =	sst s0  }
0x18: {  	s0 =	sld [smem:$0x3F91];
	_ =	swait.ge [sflag:s4], $0x0  }
0x19: {  	s7 =	sld [smem:$0x3F92]  }
0x1a: {  	s8 =	sadd.s32 $0xFFFFE003, lr  }
0x1b: {  	s9 =	sadd.s32 $0xFFFFFEF7, lr;
	s5 =	simm.s32 $0xFFFFFFFF;
	p2 =	slt.u32 s8, $0xFFFFF086  }
0x1c: {  	p1 =	slt.u32 s9, $0xF7A;
	s5 =	simm.s32 @!p2 $0x0  }
0x1d: {  	s5 =	simm.s32 @p1 $0x1;
	p0 =	seq.s32 s7, s2  }
0x1e: {  	s7 =	smul.u32 @!p0 $0xF7A, s2;
	p2 =	seq.s32 @!p0 s5, $0x0  }
0x1f: {  	s9 =	smul.u32 $0xF7A, s1;
	s8 =	simm.s32 @!p0 $0x1BF5;
	p2 =	por !p2, p0  }
0x20: {  	[sflag:s8] =	ssyncset.s32 @!p0 $0xFFFFF086;
	s6 =	sadd.s32 @!p0 s3, s7;
	s7 =	simm.s32 @!p0 $0x108  }
0x21: {  	s3 =	sadd.s32 s3, s9;
	s6 =	sadd.s32 @!p0 $0x88, s6;
	s7 =	simm.s32 @p2 $0x1082  }
0x22: {  	[simem:s7], [sflag:s8] =	dma.local @!p0 [hbm:s6], $0xF7A  }
0x23: {  	s9 =	sor.u32 $0xD0000000, s2;
	s6 =	simm.s32 $0x108;
	_ =	swait.ge @!p0 [sflag:s8], $0x0  }
0x24: {  	s3 =	sadd.s32 $0x88, s3;
	s6 =	simm.s32 @!p1 $0x1082;
	[sflag:s4] =	ssyncset.s32 $0xFFFFF086  }
0x25: {  	[simem:s6], [sflag:s4] =	dma.local [hbm:s3], $0xF7A  }
0x26: {  	[smem:$0x3F92] =	sst s1;
	(tag) =	ssettag s2;
	_ =	strace s9  }
0x27: {  	s1 =	sld [smem:$0x3FA2]  }
0x28: {  	s2 =	sld [smem:$0x3FA3]  }
0x29: {  	s4 =	sld [smem:$0x3FA5]  }
0x2a: {  	p0 =	seq.s32 s5, $0x0;
	s5 =	sld [smem:$0x3FA6]  }
0x2b: {  	s6 =	sld [smem:$0x3FA7]  }
0x2c: {  	s7 =	sld [smem:$0x3FA8]  }
0x2d: {  	s3 =	simm.s32 $0x108;
	s8 =	sld [smem:$0x3FA9]  }
0x2e: {  	s3 =	simm.s32 @!p0 $0x1082;
	s9 =	sld [smem:$0x3FAA]  }
0x2f: {  	lr =	sadd.s32 s0, s3;
	s0 =	sld [smem:$0x3FA1]  }
0x30: {  	s3 =	sld [smem:$0x3FA4]  }
0x31: {  	[smem:$0x3FAD] =	sst s10  }
0x32: {  	s10 =	sld [smem:$0x3FAB];
	_ =	sdelay $0x3  }
0x33: {  	p0 =	seq.s32 s10, $0x1;
	s10 =	sld [smem:$0x3FAD];
	_ =	sdelay $0x3  }
0x34: {  	[smem:$0x3FAD] =	sst s10  }
0x35: {  	s10 =	sld [smem:$0x3FAC];
	_ =	sdelay $0x3  }
0x36: {  	p1 =	seq.s32 s10, $0x1;
	s10 =	sld [smem:$0x3FAD];
	_ =	sdelay $0x3  }
0x37: {  	[smem:$0x3FAD] =	sst s10  }
0x38: {  	s10 =	sld [smem:$0x3FAE]  }
0x39: {  	_ = 	snop;
	(pc) =	sbr.ind lr, $3  }
0x3a: {  	_ = 	snop  }
0x3b: {  	_ = 	snop  }
0x3c: {  	p2 =	seq.s32 s10, $0x1;
	s10 =	sld [smem:$0x3FAD]  }
0x3d: {  	_ =	shalt  }
0x3e: {  	_ =	shalt  }
0x3f: {  	_ =	shalt  }
0x40: {  	_ =	shalt  }
0x41: {  	_ =	shalt  }
0x42: {  	_ =	shalt  }
0x43: {  	_ =	shalt  }
0x44: {  	_ =	shalt  }
0x45: {  	_ =	shalt  }
0x46: {  	_ =	shalt  }
0x47: {  	_ =	shalt  }
0x48: {  	_ =	shalt  }
0x49: {  	_ =	shalt  }
0x4a: {  	_ =	shalt  }
0x4b: {  	_ =	shalt  }
0x4c: {  	_ =	shalt  }
0x4d: {  	_ =	shalt  }
0x4e: {  	_ =	shalt  }
0x4f: {  	_ =	shalt  }
0x50: {  	_ =	shalt  }
0x51: {  	_ =	shalt  }
0x52: {  	_ =	shalt  }
0x53: {  	_ =	shalt  }
0x54: {  	_ =	shalt  }
0x55: {  	_ =	shalt  }
0x56: {  	_ =	shalt  }
0x57: {  	_ =	shalt  }
0x58: {  	_ =	shalt  }
0x59: {  	_ =	shalt  }
0x5a: {  	_ =	shalt  }
0x5b: {  	_ =	shalt  }
0x5c: {  	_ =	shalt  }
0x5d: {  	_ =	shalt  }
0x5e: {  	_ =	shalt  }
0x5f: {  	_ =	shalt  }
0x60: {  	_ =	shalt  }
0x61: {  	_ =	shalt  }
0x62: {  	_ =	shalt  }
0x63: {  	_ =	shalt  }
0x64: {  	_ =	shalt  }
0x65: {  	_ =	shalt  }
0x66: {  	_ =	shalt  }
0x67: {  	_ =	shalt  }
0x68: {  	_ =	shalt  }
0x69: {  	_ =	shalt  }
0x6a: {  	_ =	shalt  }
0x6b: {  	_ =	shalt  }
0x6c: {  	_ =	shalt  }
0x6d: {  	_ =	shalt  }
0x6e: {  	_ =	shalt  }
0x6f: {  	_ =	shalt  }
0x70: {  	_ =	shalt  }
0x71: {  	_ =	shalt  }
0x72: {  	_ =	shalt  }
0x73: {  	_ =	shalt  }
0x74: {  	_ =	shalt  }
0x75: {  	_ =	shalt  }
0x76: {  	_ =	shalt  }
0x77: {  	_ =	shalt  }
0x78: {  	_ =	shalt  }
0x79: {  	_ =	shalt  }
0x7a: {  	_ =	shalt  }
0x7b: {  	_ =	shalt  }
0x7c: {  	_ =	shalt  }
0x7d: {  	_ =	shalt  }
0x7e: {  	_ =	shalt  }
0x7f: {  	_ =	shalt  }
0x80: {  	_ =	shalt  }
0x81: {  	_ =	shalt  }
0x82: {  	_ =	shalt  }
0x83: {  	_ =	shalt  }
0x84: {  	_ =	shalt  }
0x85: {  	_ =	shalt  }
0x86: {  	_ =	shalt  }
0x87: {  	_ =	shalt  }
.Lfunc_end0:
.L_simem_size_0:
called_computation_lowered:
.L_overlay_start_0:
0x88: {  	s2 =	sld [smem:$0x3FD9]  }
0x89: {  	s3 =	sld [smem:$0x3FFE];
	_ =	sdelay $0x1  }
0x8a: {  	s1 =	srdreg.scid  }
0x8b: {  	s0 =	sand.u32 $0x1, s1  }
0x8c: {  	s16 =	sshll.u32 s0, $0xA;
	s2 =	sadd.s32 s3, s2  }
0x8d: {  	s2 =	sadd.s32 s2, s16  }
0x8e: {  	[smem:$0x3FB9] =	sst s2  }
0x8f: {  	_ = 	snop  }
0x90: {  	(tm) =	ssettm $0x1  }
0x91: {  	s17 =	sld [smem:$0x3FFB];
	_ =	sdelay $0x3  }
0x92: {  	_ =	strace s17  }
0x93: {  	s2 =	sld [smem:$0x3FFC];
	_ =	sdelay $0x3  }
0x94: {  	_ =	strace s2  }
0x95: {  	s2 =	sld [smem:$0x3FFD];
	_ =	sdelay $0x3  }
0x96: {  	_ =	strace s2  }
0x97: {  	_ =	strace $0x8FFFFFFF  }
0x98: {  	s18 =	sld [smem:$0x3FDB];
	_ =	sdelay $0x1  }
0x99: {  	s19 =	simm.s32 $_scs_section_size  }
0x9a: {  	s4 =	simm.s32 $_size__tile_overlayer_lowered;
	s5 =	simm.s32 $_tile_overlayer_lowered  }
0x9b: {  	s22 =	simm.s32 $0x1BFF;
	s21 =	sshll.u32 s5, $0x1;
	s2 =	sadd.s32 s19, s18  }
0x9c: {  	s6 =	simm.s32 $0x0;
	s20 =	sshll.u32 s4, $0x1;
	s4 =	sadd.s32 s21, s2  }
0x9d: {  	[timem:s6], [sflag:s22] =	dma.local [hbm:s4], s20  }
0x9e: {  	_ =	swait.ge [sflag:s22], s20  }
0x9f: {  	s3 =	ssub.s32 $0x0, s20;
	[sflag:s22] =	ssyncset.done $0x0  }
0xa0: {  	[sflag:s22] =	ssyncadd.s32 s3;
	_ =	sdelay $0x1  }
0xa1: {  	s23 =	simm.s32 $0x1B8B  }
0xa2: {  	_ =	swait.ge [sflag:s23], $0x1  }
0xa3: {  	[sflag:s23] =	ssyncset.done $0x0  }
0xa4: {  	s25 =	simm.s32 $0x1B8E;
	s24 =	sld [smem:$0x3FFE];
	[sflag:s23] =	ssyncadd.s32 $0xFFFFFFFF  }
0xa5: {  	s26 =	simm.s32 $execute0_lowered;
	[smem:$0x3FD2] =	sst s25  }
0xa6: {  	s4 =	sshll.u32 s26, $0x1;
	_ =	strace $0x80000046;
	[dreg:$0x1] =	wrdreg $0xFFFFFFFF  }
0xa7: {  	s28 =	simm.s32 $_size_execute0_lowered;
	s2 =	sadd.s32 s2, s4;
	[dreg:$0x0] =	wrdreg $0x0  }
0xa8: {  	s4 =	sshll.u32 s28, $0x1;
	[dreg:$0x2] =	wrdreg s2  }
0xa9: {  	[dreg:$0x3] =	wrdreg s4  }
0xaa: {  	[dreg:$0x4] =	wrdreg $0xC0  }
0xab: {  	_ =	task [dreg:s6], $0x5FFFF  }
0xac: {  	[dreg:$0x1] =	wrdreg $0xFFFFFFFF  }
0xad: {  	[dreg:$0x0] =	wrdreg $0x60  }
0xae: {  	[dreg:$0x2] =	wrdreg s24  }
0xaf: {  	[dreg:$0x3] =	wrdreg $0x9  }
0xb0: {  	_ =	task.clear_ibuf [dreg:s6], $0x4FFFF;
	_ =	strace $0x90000046  }
0xb1: {  	s29 =	simm.s32 $0x9;
	_ =	strace $0x80000048  }
0xb2: {  	_ =	swait.ge [sflag:s29], $0x1  }
0xb3: {  	[sflag:s29] =	ssyncadd.s32 $0xFFFFFFFF  }
0xb4: {  	_ =	strace $0x90000048  }
0xb5: {  	_ =	sfence  }
0xb6: {  	s30 =	sld [smem:$0x0];
	_ =	sdelay $0x2  }
0xb7: {  	s31 =	sshll.u32 s1, $0xD;
	s1 =	sshrl.u32 s1, $0x2  }
0xb8: {  	s3 =	sand.u32 $0x4000, s31;
	s1 =	sadd.s32 s1, s30  }
0xb9: {  	s0 =	sor.u32 s3, s0;
	s1 =	sshll.u32 s1, $0x11  }
0xba: {  	s0 =	sor.u32 s1, s0  }
0xbb: {  	s0 =	sadd.s32 $0x8F2B, s0  }
0xbc: {  	[sflag:s0] =	ssyncadd.remote.s32 $0x1  }
0xbd: {  	_ =	sfence.sel $0xFFFF  }
0xbe: {  	[dreg:$0x0] =	wrdreg $0xFFFFFFFF;
	(pc) =	sbr.abs _section_cstart, $3  }
0xbf: {  	[dreg:$0x1] =	wrdreg $0xFFFFFFFF  }
0xc0: {  	_ =	task.clear_ibuf [dreg:s6], $0x2FFFF;
	_ =	strace $0x9FFFFFFF  }
0xc1: {  	(tm) =	ssettm $0x7FFFFFFF  }
tec
execute0_lowered:
.L_overlay_start_1:
0x0: {  	(tag) =	ssettag $0x1  }
0x1: {  	s0 =	srdreg.scid  }
0x2: {  	s1 =	stileid.u32;
	s6 =	rddreg [dreg:$0x0];
	s2 =	simm.s32 $0x0  }
0x3: {  	s28 =	simm.s32 $0x80;
	s9 =	simm.s32 $0x1;
	s10 =	simm.s32 $0x2  }
0x4: {  	s30 =	simm.s32 $0x8900;
	s31 =	simm.s32 $0x8D00;
	s11 =	simm.s32 $0xA500  }
0x5: {  	s12 =	simm.s32 $0xA900;
	s13 =	simm.s32 $0xB100;
	s14 =	simm.s32 $0xB900  }
0x6: {  	s15 =	simm.s32 $0xC100;
	s16 =	simm.s32 $0xC500;
	s17 =	simm.s32 $0xCD00  }
0x7: {  	s18 =	simm.s32 $0xD500;
	s19 =	simm.s32 $0xDD00;
	s20 =	simm.s32 $0x3  }
0x8: {  	s29 =	simm.s32 $0x6D00;
	s0 =	sand.u32 $0x1, s0;
	s1 =	sshll.u32 s1, $0x7  }
0x9: {  	[smem:$0x7FF] =	sst s2;
	s5 =	sadd.s32 $0x3B200, s6;
	s3 =	sshll.u32 s0, $0x6  }
0xa: {  	_ =	strace $0x80000047;
	s0 =	ssub.s32 $0x2, s0;
	s1 =	sor.u32 s3, s1  }
0xb: {  	s8 =	sshrl.u32 s0, $0x1;
	s4 =	sshrl.u32 s1, $0x3;
	s1 =	sshll.u32 s1, $0x1  }
0xc: {  	[dreg:$0x5] =	wrdreg s28;
	s0 =	ssub.s32 s0, s8;
	s7 =	sand.u32 $0xF00, s1  }
0xd: {  	s8 =	simm.s32 $0x100;
	s1 =	sor.u32 s3, s1;
	s7 =	sor.u32 s3, s7  }
0xe: {  	s4 =	smul.u32 $0x380, s4;
	s1 =	sshrl.u32 s1, $0x3;
	s7 =	sshrl.u32 s7, $0x3  }
0xf: {  	s3 =	sadd.s32 $0x3B400, s6;
	s1 =	sor.u32 $0x10, s1;
	s7 =	sadd.s32 s5, s7  }
0x10: {  	s4 =	sadd.s32 s4, s6;
	s1 =	sadd.s32 s5, s1;
	[dreg:$0x2] =	wrdreg s7  }
0x11: {  	v2 =	vlaneseq.u32;
	s26 =	sadd.s32 $0x3200, s4;
	s4 =	sadd.s32 $0x3B500, s6;
	[dreg:$0x3] =	wrdreg s1  }
0x12: {  	vm0 =	vmmov $0xffff;
	vm1 =	vmmov $0xff;
	v1 =	vshrl.u32 v2, $0x3;
	s5 =	sadd.s32 $0x3B600, s6;
	s6 =	sadd.s32 $0x3B700, s6;
	[dreg:$0x4] =	wrdreg s26  }
0x13: {  	v0 =	vand.u32 $0x7, v2;
	v2 =	vor.u32 $0x8, v2;
	v1 =	vmul.u32 $0x8, v1;
	s7 =	smax.u32 s0, $0x1;
	s1 =	simm.s32 $0x9500;
	s0 =	simm.s32 $0x9D00  }
.LBB2_1:
0x14: {  	s21 =	rddreg [dreg:$0x2]  }
0x15: {  	s22 =	rddreg [dreg:$0x3]  }
0x16: {  	[tilespmem:s2], [sflag:$0x1] =	stream.linear.gather [hbm4b:s21+s2], $0x40, $0x38;
	[tilespmem:$0xE100] =	vst v63  }
0x17: {  	s23 =	rddreg [dreg:$0x5]  }
0x18: {  	[tilespmem:s23], [sflag:$0x1] =	stream.linear.gather [hbm4b:s22+s2], $0x40, $0x38;
	[tilespmem:$0xE100] =	vst v63  }
0x19: {  	s24 =	rddreg [dreg:$0x4]  }
0x1a: {  	[tilespmem:s8], [sflag:$0x2] =	stream.linear.gather [hbm4b:s24+s2], $0xE000, $0x38;
	[tilespmem:$0xE100] =	vst v63  }
0x1b: {  	_ =	swait.ge [sflag:s9], $0x40  }
0x1c: {  	[sflag:s9] =	ssyncset.done $0x0  }
0x1d: {  	[sflag:s9] =	ssyncadd.s32 $0xFFFFFFC0  }
0x1e: {  	_ =	swait.ge [sflag:s9], $0x40  }
0x1f: {  	[sflag:s9] =	ssyncset.done $0x0  }
0x20: {  	[sflag:s9] =	ssyncadd.s32 $0xFFFFFFC0  }
0x21: {  	_ =	swait.ge [sflag:s10], $0xE000  }
0x22: {  	[sflag:s10] =	ssyncset.done $0x0  }
0x23: {  	[sflag:s10] =	ssyncadd.s32 $0xFFFF2000  }
0x24: {  	v3 =	vld [tilespmem:$0x0];
	_ =	sdelay $0x4  }
0x25: {  	v4 =	vshrl.u32 v3, $0x3  }
0x26: {  	v4 =	vmul.u32 $0x38, v4  }
0x27: {  	v3 =	vand.u32 $0x7, v3  }
0x28: {  	v3 =	vor.u32 v3, v4  }
0x29: {  	v4 =	vperm.xlane v3, v0;
	_ =	sdelay $0x1  }
0x2a: {  	v4 =	vadd.s32 v1, v4;
	_ =	sdelay $0x4  }
0x2b: {  	[hbm4b:s3+s2] =	stream.indirect_vreg.scatter [tilespmem:s8], [sflag:$0x3], $0x80, v4, vm0, $0xb8;
	[tilespmem:$0xE100] =	vst v63  }
0x2c: {  	s21 =	simm.s32 $0x900;
	v3 =	vperm.xlane v3, v2  }
0x2d: {  	[hbm4b:s4+s2] =	stream.indirect_vreg.scatter [tilespmem:s21], [sflag:$0x3], $0x80, v4, vm0, $0xb8;
	[tilespmem:$0xE100] =	vst v63  }
0x2e: {  	s22 =	simm.s32 $0x1100;
	v3 =	vadd.s32 v1, v3  }
0x2f: {  	[hbm4b:s5+s2] =	stream.indirect_vreg.scatter [tilespmem:s22], [sflag:$0x3], $0x80, v4, vm0, $0xb8;
	[tilespmem:$0xE100] =	vst v63  }
0x30: {  	s23 =	simm.s32 $0x1900  }
0x31: {  	[hbm4b:s6+s2] =	stream.indirect_vreg.scatter [tilespmem:s23], [sflag:$0x3], $0x80, v4, vm1, $0xb8;
	[tilespmem:$0xE100] =	vst v63  }
0x32: {  	s24 =	simm.s32 $0x1D00  }
0x33: {  	[hbm4b:s3+s2] =	stream.indirect_vreg.scatter [tilespmem:s24], [sflag:$0x3], $0x80, v3, vm0, $0xb8;
	[tilespmem:$0xE100] =	vst v63  }
0x34: {  	s25 =	simm.s32 $0x2500  }
0x35: {  	[hbm4b:s4+s2] =	stream.indirect_vreg.scatter [tilespmem:s25], [sflag:$0x3], $0x80, v3, vm0, $0xb8;
	[tilespmem:$0xE100] =	vst v63  }
0x36: {  	s26 =	simm.s32 $0x2D00  }
0x37: {  	[hbm4b:s5+s2] =	stream.indirect_vreg.scatter [tilespmem:s26], [sflag:$0x3], $0x80, v3, vm0, $0xb8;
	[tilespmem:$0xE100] =	vst v63  }
0x38: {  	s28 =	simm.s32 $0x3500  }
0x39: {  	[hbm4b:s6+s2] =	stream.indirect_vreg.scatter [tilespmem:s28], [sflag:$0x3], $0x80, v3, vm1, $0xb8;
	[tilespmem:$0xE100] =	vst v63  }
0x3a: {  	v3 =	vld [tilespmem:$0x80];
	_ =	sdelay $0x4  }
0x3b: {  	v57 =	vshrl.u32 v3, $0x3  }
0x3c: {  	v4 =	vmul.u32 $0x38, v57  }
0x3d: {  	v3 =	vand.u32 $0x7, v3  }
0x3e: {  	v3 =	vor.u32 v3, v4  }
0x3f: {  	v4 =	vperm.xlane v3, v0;
	_ =	sdelay $0x1  }
0x40: {  	v4 =	vadd.s32 v1, v4;
	_ =	sdelay $0x4  }
0x41: {  	[hbm4b:s3+s2] =	stream.indirect_vreg.scatter [tilespmem:s8], [sflag:$0x3], $0x80, v4, vm0, $0xb8;
	[tilespmem:$0xE100] =	vst v63  }
0x42: {  	v3 =	vperm.xlane v3, v2  }
0x43: {  	[hbm4b:s4+s2] =	stream.indirect_vreg.scatter [tilespmem:s21], [sflag:$0x3], $0x80, v4, vm0, $0xb8;
	[tilespmem:$0xE100] =	vst v63  }
0x44: {  	v3 =	vadd.s32 v1, v3  }
0x45: {  	[hbm4b:s5+s2] =	stream.indirect_vreg.scatter [tilespmem:s22], [sflag:$0x3], $0x80, v4, vm0, $0xb8;
	[tilespmem:$0xE100] =	vst v63  }
0x46: {  	_ = 	snop  }
0x47: {  	[hbm4b:s6+s2] =	stream.indirect_vreg.scatter [tilespmem:s23], [sflag:$0x3], $0x80, v4, vm1, $0xb8;
	[tilespmem:$0xE100] =	vst v63  }
0x48: {  	_ = 	snop  }
0x49: {  	[hbm4b:s3+s2] =	stream.indirect_vreg.scatter [tilespmem:s24], [sflag:$0x3], $0x80, v3, vm0, $0xb8;
	[tilespmem:$0xE100] =	vst v63  }
0x4a: {  	_ = 	snop  }
0x4b: {  	[hbm4b:s4+s2] =	stream.indirect_vreg.scatter [tilespmem:s25], [sflag:$0x3], $0x80, v3, vm0, $0xb8;
	[tilespmem:$0xE100] =	vst v63  }
0x4c: {  	_ = 	snop  }
0x4d: {  	[hbm4b:s5+s2] =	stream.indirect_vreg.scatter [tilespmem:s26], [sflag:$0x3], $0x80, v3, vm0, $0xb8;
	[tilespmem:$0xE100] =	vst v63  }
0x4e: {  	_ = 	snop  }
0x4f: {  	[hbm4b:s6+s2] =	stream.indirect_vreg.scatter [tilespmem:s28], [sflag:$0x3], $0x80, v3, vm1, $0xb8;
	[tilespmem:$0xE100] =	vst v63  }
0x50: {  	v3 =	vld [tilespmem:$0x10];
	_ =	sdelay $0x4  }
0x51: {  	v58 =	vshrl.u32 v3, $0x3  }
0x52: {  	v4 =	vmul.u32 $0x38, v58  }
0x53: {  	v3 =	vand.u32 $0x7, v3  }
0x54: {  	v3 =	vor.u32 v3, v4  }
0x55: {  	v4 =	vperm.xlane v3, v0;
	_ =	sdelay $0x1  }
0x56: {  	v4 =	vadd.s32 v1, v4;
	_ =	sdelay $0x3  }
0x57: {  	s21 =	simm.s32 $0x3900  }
0x58: {  	[hbm4b:s3+s2] =	stream.indirect_vreg.scatter [tilespmem:s21], [sflag:$0x3], $0x80, v4, vm0, $0xb8;
	[tilespmem:$0xE100] =	vst v63  }
0x59: {  	s22 =	simm.s32 $0x4100;
	v3 =	vperm.xlane v3, v2  }
0x5a: {  	[hbm4b:s4+s2] =	stream.indirect_vreg.scatter [tilespmem:s22], [sflag:$0x3], $0x80, v4, vm0, $0xb8;
	[tilespmem:$0xE100] =	vst v63  }
0x5b: {  	s23 =	simm.s32 $0x4900;
	v3 =	vadd.s32 v1, v3  }
0x5c: {  	[hbm4b:s5+s2] =	stream.indirect_vreg.scatter [tilespmem:s23], [sflag:$0x3], $0x80, v4, vm0, $0xb8;
	[tilespmem:$0xE100] =	vst v63  }
0x5d: {  	s24 =	simm.s32 $0x5100  }
0x5e: {  	[hbm4b:s6+s2] =	stream.indirect_vreg.scatter [tilespmem:s24], [sflag:$0x3], $0x80, v4, vm1, $0xb8;
	[tilespmem:$0xE100] =	vst v63  }
0x5f: {  	s25 =	simm.s32 $0x5500  }
0x60: {  	[hbm4b:s3+s2] =	stream.indirect_vreg.scatter [tilespmem:s25], [sflag:$0x3], $0x80, v3, vm0, $0xb8;
	[tilespmem:$0xE100] =	vst v63  }
0x61: {  	s26 =	simm.s32 $0x5D00  }
0x62: {  	[hbm4b:s4+s2] =	stream.indirect_vreg.scatter [tilespmem:s26], [sflag:$0x3], $0x80, v3, vm0, $0xb8;
	[tilespmem:$0xE100] =	vst v63  }
0x63: {  	s28 =	simm.s32 $0x6500  }
0x64: {  	[hbm4b:s5+s2] =	stream.indirect_vreg.scatter [tilespmem:s28], [sflag:$0x3], $0x80, v3, vm0, $0xb8;
	[tilespmem:$0xE100] =	vst v63  }
0x65: {  	_ = 	snop  }
0x66: {  	[hbm4b:s6+s2] =	stream.indirect_vreg.scatter [tilespmem:s29], [sflag:$0x3], $0x80, v3, vm1, $0xb8;
	[tilespmem:$0xE100] =	vst v63  }
0x67: {  	v3 =	vld [tilespmem:$0x90];
	_ =	sdelay $0x4  }
0x68: {  	v59 =	vshrl.u32 v3, $0x3  }
0x69: {  	v4 =	vmul.u32 $0x38, v59  }
0x6a: {  	v3 =	vand.u32 $0x7, v3  }
0x6b: {  	v3 =	vor.u32 v3, v4  }
0x6c: {  	v4 =	vperm.xlane v3, v0;
	_ =	sdelay $0x1  }
0x6d: {  	v4 =	vadd.s32 v1, v4;
	_ =	sdelay $0x4  }
0x6e: {  	[hbm4b:s3+s2] =	stream.indirect_vreg.scatter [tilespmem:s21], [sflag:$0x3], $0x80, v4, vm0, $0xb8;
	[tilespmem:$0xE100] =	vst v63  }
0x6f: {  	v3 =	vperm.xlane v3, v2  }
0x70: {  	[hbm4b:s4+s2] =	stream.indirect_vreg.scatter [tilespmem:s22], [sflag:$0x3], $0x80, v4, vm0, $0xb8;
	[tilespmem:$0xE100] =	vst v63  }
0x71: {  	v3 =	vadd.s32 v1, v3  }
0x72: {  	[hbm4b:s5+s2] =	stream.indirect_vreg.scatter [tilespmem:s23], [sflag:$0x3], $0x80, v4, vm0, $0xb8;
	[tilespmem:$0xE100] =	vst v63  }
0x73: {  	_ = 	snop  }
0x74: {  	[hbm4b:s6+s2] =	stream.indirect_vreg.scatter [tilespmem:s24], [sflag:$0x3], $0x80, v4, vm1, $0xb8;
	[tilespmem:$0xE100] =	vst v63  }
0x75: {  	_ = 	snop  }
0x76: {  	[hbm4b:s3+s2] =	stream.indirect_vreg.scatter [tilespmem:s25], [sflag:$0x3], $0x80, v3, vm0, $0xb8;
	[tilespmem:$0xE100] =	vst v63  }
0x77: {  	_ = 	snop  }
0x78: {  	[hbm4b:s4+s2] =	stream.indirect_vreg.scatter [tilespmem:s26], [sflag:$0x3], $0x80, v3, vm0, $0xb8;
	[tilespmem:$0xE100] =	vst v63  }
0x79: {  	_ = 	snop  }
0x7a: {  	[hbm4b:s5+s2] =	stream.indirect_vreg.scatter [tilespmem:s28], [sflag:$0x3], $0x80, v3, vm0, $0xb8;
	[tilespmem:$0xE100] =	vst v63  }
0x7b: {  	_ = 	snop  }
0x7c: {  	[hbm4b:s6+s2] =	stream.indirect_vreg.scatter [tilespmem:s29], [sflag:$0x3], $0x80, v3, vm1, $0xb8;
	[tilespmem:$0xE100] =	vst v63  }
0x7d: {  	v3 =	vld [tilespmem:$0x20];
	_ =	sdelay $0x4  }
0x7e: {  	v60 =	vshrl.u32 v3, $0x3  }
0x7f: {  	v4 =	vmul.u32 $0x38, v60  }
0x80: {  	v3 =	vand.u32 $0x7, v3  }
0x81: {  	v3 =	vor.u32 v3, v4  }
0x82: {  	v4 =	vperm.xlane v3, v0;
	_ =	sdelay $0x1  }
0x83: {  	v4 =	vadd.s32 v1, v4;
	_ =	sdelay $0x3  }
0x84: {  	s25 =	simm.s32 $0x7100  }
0x85: {  	[hbm4b:s3+s2] =	stream.indirect_vreg.scatter [tilespmem:s25], [sflag:$0x3], $0x80, v4, vm0, $0xb8;
	[tilespmem:$0xE100] =	vst v63  }
0x86: {  	s26 =	simm.s32 $0x7900;
	v3 =	vperm.xlane v3, v2  }
0x87: {  	[hbm4b:s4+s2] =	stream.indirect_vreg.scatter [tilespmem:s26], [sflag:$0x3], $0x80, v4, vm0, $0xb8;
	[tilespmem:$0xE100] =	vst v63  }
0x88: {  	s28 =	simm.s32 $0x8100;
	v3 =	vadd.s32 v1, v3  }
0x89: {  	[hbm4b:s5+s2] =	stream.indirect_vreg.scatter [tilespmem:s28], [sflag:$0x3], $0x80, v4, vm0, $0xb8;
	[tilespmem:$0xE100] =	vst v63  }
0x8a: {  	_ = 	snop  }
0x8b: {  	[hbm4b:s6+s2] =	stream.indirect_vreg.scatter [tilespmem:s30], [sflag:$0x3], $0x80, v4, vm1, $0xb8;
	[tilespmem:$0xE100] =	vst v63  }
0x8c: {  	_ = 	snop  }
0x8d: {  	[hbm4b:s3+s2] =	stream.indirect_vreg.scatter [tilespmem:s31], [sflag:$0x3], $0x80, v3, vm0, $0xb8;
	[tilespmem:$0xE100] =	vst v63  }
0x8e: {  	_ = 	snop  }
0x8f: {  	[hbm4b:s4+s2] =	stream.indirect_vreg.scatter [tilespmem:s1], [sflag:$0x3], $0x80, v3, vm0, $0xb8;
	[tilespmem:$0xE100] =	vst v63  }
0x90: {  	_ = 	snop  }
0x91: {  	[hbm4b:s5+s2] =	stream.indirect_vreg.scatter [tilespmem:s0], [sflag:$0x3], $0x80, v3, vm0, $0xb8;
	[tilespmem:$0xE100] =	vst v63  }
0x92: {  	_ = 	snop  }
0x93: {  	[hbm4b:s6+s2] =	stream.indirect_vreg.scatter [tilespmem:s11], [sflag:$0x3], $0x80, v3, vm1, $0xb8;
	[tilespmem:$0xE100] =	vst v63  }
0x94: {  	v3 =	vld [tilespmem:$0xA0];
	_ =	sdelay $0x4  }
0x95: {  	v61 =	vshrl.u32 v3, $0x3  }
0x96: {  	v4 =	vmul.u32 $0x38, v61  }
0x97: {  	v3 =	vand.u32 $0x7, v3  }
0x98: {  	v3 =	vor.u32 v3, v4  }
0x99: {  	v4 =	vperm.xlane v3, v0;
	_ =	sdelay $0x1  }
0x9a: {  	v4 =	vadd.s32 v1, v4;
	_ =	sdelay $0x4  }
0x9b: {  	[hbm4b:s3+s2] =	stream.indirect_vreg.scatter [tilespmem:s25], [sflag:$0x3], $0x80, v4, vm0, $0xb8;
	[tilespmem:$0xE100] =	vst v63  }
0x9c: {  	v3 =	vperm.xlane v3, v2  }
0x9d: {  	[hbm4b:s4+s2] =	stream.indirect_vreg.scatter [tilespmem:s26], [sflag:$0x3], $0x80, v4, vm0, $0xb8;
	[tilespmem:$0xE100] =	vst v63  }
0x9e: {  	v3 =	vadd.s32 v1, v3  }
0x9f: {  	[hbm4b:s5+s2] =	stream.indirect_vreg.scatter [tilespmem:s28], [sflag:$0x3], $0x80, v4, vm0, $0xb8;
	[tilespmem:$0xE100] =	vst v63  }
0xa0: {  	_ = 	snop  }
0xa1: {  	[hbm4b:s6+s2] =	stream.indirect_vreg.scatter [tilespmem:s30], [sflag:$0x3], $0x80, v4, vm1, $0xb8;
	[tilespmem:$0xE100] =	vst v63  }
0xa2: {  	_ = 	snop  }
0xa3: {  	[hbm4b:s3+s2] =	stream.indirect_vreg.scatter [tilespmem:s31], [sflag:$0x3], $0x80, v3, vm0, $0xb8;
	[tilespmem:$0xE100] =	vst v63  }
0xa4: {  	_ = 	snop  }
0xa5: {  	[hbm4b:s4+s2] =	stream.indirect_vreg.scatter [tilespmem:s1], [sflag:$0x3], $0x80, v3, vm0, $0xb8;
	[tilespmem:$0xE100] =	vst v63  }
0xa6: {  	_ = 	snop  }
0xa7: {  	[hbm4b:s5+s2] =	stream.indirect_vreg.scatter [tilespmem:s0], [sflag:$0x3], $0x80, v3, vm0, $0xb8;
	[tilespmem:$0xE100] =	vst v63  }
0xa8: {  	_ = 	snop  }
0xa9: {  	[hbm4b:s6+s2] =	stream.indirect_vreg.scatter [tilespmem:s11], [sflag:$0x3], $0x80, v3, vm1, $0xb8;
	[tilespmem:$0xE100] =	vst v63  }
0xaa: {  	v3 =	vld [tilespmem:$0x30];
	_ =	sdelay $0x4  }
0xab: {  	v62 =	vshrl.u32 v3, $0x3  }
0xac: {  	v4 =	vmul.u32 $0x38, v62  }
0xad: {  	v3 =	vand.u32 $0x7, v3  }
0xae: {  	v3 =	vor.u32 v3, v4  }
0xaf: {  	v4 =	vperm.xlane v3, v0;
	_ =	sdelay $0x1  }
0xb0: {  	v4 =	vadd.s32 v1, v4;
	_ =	sdelay $0x4  }
0xb1: {  	[hbm4b:s3+s2] =	stream.indirect_vreg.scatter [tilespmem:s12], [sflag:$0x3], $0x80, v4, vm0, $0xb8;
	[tilespmem:$0xE100] =	vst v63  }
0xb2: {  	v3 =	vperm.xlane v3, v2  }
0xb3: {  	[hbm4b:s4+s2] =	stream.indirect_vreg.scatter [tilespmem:s13], [sflag:$0x3], $0x80, v4, vm0, $0xb8;
	[tilespmem:$0xE100] =	vst v63  }
0xb4: {  	v3 =	vadd.s32 v1, v3  }
0xb5: {  	[hbm4b:s5+s2] =	stream.indirect_vreg.scatter [tilespmem:s14], [sflag:$0x3], $0x80, v4, vm0, $0xb8;
	[tilespmem:$0xE100] =	vst v63  }
0xb6: {  	_ = 	snop  }
0xb7: {  	[hbm4b:s6+s2] =	stream.indirect_vreg.scatter [tilespmem:s15], [sflag:$0x3], $0x80, v4, vm1, $0xb8;
	[tilespmem:$0xE100] =	vst v63  }
0xb8: {  	_ = 	snop  }
0xb9: {  	[hbm4b:s3+s2] =	stream.indirect_vreg.scatter [tilespmem:s16], [sflag:$0x3], $0x80, v3, vm0, $0xb8;
	[tilespmem:$0xE100] =	vst v63  }
0xba: {  	_ = 	snop  }
0xbb: {  	[hbm4b:s4+s2] =	stream.indirect_vreg.scatter [tilespmem:s17], [sflag:$0x3], $0x80, v3, vm0, $0xb8;
	[tilespmem:$0xE100] =	vst v63  }
0xbc: {  	_ = 	snop  }
0xbd: {  	[hbm4b:s5+s2] =	stream.indirect_vreg.scatter [tilespmem:s18], [sflag:$0x3], $0x80, v3, vm0, $0xb8;
	[tilespmem:$0xE100] =	vst v63  }
0xbe: {  	_ = 	snop  }
0xbf: {  	[hbm4b:s6+s2] =	stream.indirect_vreg.scatter [tilespmem:s19], [sflag:$0x3], $0x80, v3, vm1, $0xb8;
	[tilespmem:$0xE100] =	vst v63  }
0xc0: {  	v3 =	vld [tilespmem:$0xB0];
	_ =	sdelay $0x4  }
0xc1: {  	v63 =	vshrl.u32 v3, $0x3  }
0xc2: {  	v4 =	vmul.u32 $0x38, v63  }
0xc3: {  	v3 =	vand.u32 $0x7, v3  }
0xc4: {  	v3 =	vor.u32 v3, v4  }
0xc5: {  	v4 =	vperm.xlane v3, v0;
	_ =	sdelay $0x1  }
0xc6: {  	v4 =	vadd.s32 v1, v4;
	_ =	sdelay $0x4  }
0xc7: {  	[hbm4b:s3+s2] =	stream.indirect_vreg.scatter [tilespmem:s12], [sflag:$0x3], $0x80, v4, vm0, $0xb8;
	[tilespmem:$0xE100] =	vst v63  }
0xc8: {  	v3 =	vperm.xlane v3, v2  }
0xc9: {  	[hbm4b:s4+s2] =	stream.indirect_vreg.scatter [tilespmem:s13], [sflag:$0x3], $0x80, v4, vm0, $0xb8;
	[tilespmem:$0xE100] =	vst v63  }
0xca: {  	v3 =	vadd.s32 v1, v3  }
0xcb: {  	[hbm4b:s5+s2] =	stream.indirect_vreg.scatter [tilespmem:s14], [sflag:$0x3], $0x80, v4, vm0, $0xb8;
	[tilespmem:$0xE100] =	vst v63  }
0xcc: {  	_ = 	snop  }
0xcd: {  	[hbm4b:s6+s2] =	stream.indirect_vreg.scatter [tilespmem:s15], [sflag:$0x3], $0x80, v4, vm1, $0xb8;
	[tilespmem:$0xE100] =	vst v63  }
0xce: {  	_ = 	snop  }
0xcf: {  	[hbm4b:s3+s2] =	stream.indirect_vreg.scatter [tilespmem:s16], [sflag:$0x3], $0x80, v3, vm0, $0xb8;
	[tilespmem:$0xE100] =	vst v63  }
0xd0: {  	_ = 	snop  }
0xd1: {  	[hbm4b:s4+s2] =	stream.indirect_vreg.scatter [tilespmem:s17], [sflag:$0x3], $0x80, v3, vm0, $0xb8;
	[tilespmem:$0xE100] =	vst v63  }
0xd2: {  	_ = 	snop  }
0xd3: {  	[hbm4b:s5+s2] =	stream.indirect_vreg.scatter [tilespmem:s18], [sflag:$0x3], $0x80, v3, vm0, $0xb8;
	[tilespmem:$0xE100] =	vst v63  }
0xd4: {  	_ = 	snop  }
0xd5: {  	[hbm4b:s6+s2] =	stream.indirect_vreg.scatter [tilespmem:s19], [sflag:$0x3], $0x80, v3, vm1, $0xb8;
	[tilespmem:$0xE100] =	vst v63  }
0xd6: {  	_ =	swait.ge [sflag:s20], $0x3800  }
0xd7: {  	[sflag:s20] =	ssyncset.done $0x0  }
0xd8: {  	[sflag:s20] =	ssyncadd.s32 $0xFFFFC800  }
0xd9: {  	_ =	swait.ge [sflag:s20], $0x3800  }
0xda: {  	[sflag:s20] =	ssyncset.done $0x0  }
0xdb: {  	[sflag:s20] =	ssyncadd.s32 $0xFFFFC800  }
0xdc: {  	_ =	swait.ge [sflag:s20], $0x3800  }
0xdd: {  	[sflag:s20] =	ssyncset.done $0x0  }
0xde: {  	[sflag:s20] =	ssyncadd.s32 $0xFFFFC800  }
0xdf: {  	_ =	swait.ge [sflag:s20], $0x3800  }
0xe0: {  	[sflag:s20] =	ssyncset.done $0x0  }
0xe1: {  	[sflag:s20] =	ssyncadd.s32 $0xFFFFC800  }
0xe2: {  	_ =	swait.ge [sflag:s20], $0x3800  }
0xe3: {  	[sflag:s20] =	ssyncset.done $0x0  }
0xe4: {  	[sflag:s20] =	ssyncadd.s32 $0xFFFFC800  }
0xe5: {  	_ =	swait.ge [sflag:s20], $0x3800  }
0xe6: {  	[sflag:s20] =	ssyncset.done $0x0  }
0xe7: {  	[sflag:s20] =	ssyncadd.s32 $0xFFFFC800  }
0xe8: {  	p0 =	sne.s32 s7, $0x1;
	_ =	swait.ge [sflag:s20], $0x3800  }
.Ltmp0:
0xe9: {  	[sflag:s20] =	ssyncset.done $0x0;
	(pc) =	sbr.rel @p0 .LBB2_1-.Ltmp0, $4  }
0xea: {  	[sflag:s20] =	ssyncadd.s32 $0xFFFFC800  }
0xeb: {  	_ =	swait.ge [sflag:s20], $0x3800  }
0xec: {  	[sflag:s20] =	ssyncset.done $0x0  }
0xed: {  	s7 =	sadd.s32 $0xFFFFFFFF, s7;
	[sflag:s20] =	ssyncadd.s32 $0xFFFFC800  }
0xee: {  	_ =	sfence.sel $0x180000  }
0xef: {  	[bflag:$0x0] =	sbarrier.arrive $0xFFFF  }
0xf0: {  	_ =	strace $0x90000047  }
0xf1: {  	s0 =	stileid.u32;
	[bflag:$0x2] =	sbarrier.arrive $0xFFFF  }
0xf2: {  	p0 =	sne.s32 s0, $0x0;
	s0 =	rddreg [dreg:$0x1]  }
0xf3: {  	s0 =	sadd.s32 @!p0 $0x100000, s0  }
0xf4: {  	[sflag:s0] =	ssyncadd.tile.s32 @!p0 $0x1;
	_ =	shalt  }
.Lfunc_end2:
_tile_overlayer_lowered:
.L_overlay_start_2:
0xf5: {  	(tag) =	ssettag $0x2  }
0xf6: {  	s0 =	rddreg [dreg:$0x0];
	s2 =	stileid.u32  }
0xf7: {  	s1 =	rddreg [dreg:$0x1];
	p0 =	sne.s32 s2, $0x0  }
0xf8: {  	s3 =	rddreg [dreg:$0x2];
	[bflag:$0x3] =	sbarrier.arrive $0xFFFF;
	s2 =	simm.s32 @!p0 $0x1C04  }
0xf9: {  	[timem:s3], [sflag:s2] =	dma.local @!p0 [hbm:s0], s1  }
0xfa: {  	s0 =	simm.s32 @!p0 $0x4  }
0xfb: {  	_ =	swait.ge @!p0 [sflag:s0], s1  }
0xfc: {  	s1 =	ssub.s32 @!p0 $0x0, s1;
	[sflag:s0] =	ssyncset.done @!p0 $0x0  }
0xfd: {  	[sflag:s0] =	ssyncadd.s32 @!p0 s1  }
0xfe: {  	[bflag:$0x3] =	sbarrier.arrive $0xFFFF  }
0xff: {  	_ =	shalt  }

</sc_bundles>
